<compile_context>
chip_gen: v7x
topology: tpu7x:2x2x1
jax: 0.10.2.dev20260603
libtpu: 0.0.44.dev20260713+nightly
codegen_flags: <defaults>
</compile_context>

<pallas_src>
import functools

import jax
import jax.numpy as jnp
from jax import lax
from jax.experimental import pallas as pl
from jax.experimental.pallas import tpu as pltpu
from jax.experimental.pallas import tpu_sc as plsc

_LANES = 16
_NBUF = 4


@functools.cache
def _build_kernel(B, S, D, V):
    info = plsc.get_sparse_core_info()
    NW = info.num_cores * info.num_subcores
    BB = B // NW
    DT = D // 8
    TILE = 8 * 128
    assert BB == 128 and S % _NBUF == 0

    mesh = plsc.VectorSubcoreMesh(core_axis_name="c", subcore_axis_name="s")

    @functools.partial(
        pl.kernel,
        out_type=jax.ShapeDtypeStruct((S, DT, NW, TILE), jnp.float32),
        mesh=mesh,
        scratch_types=(
            [pltpu.VMEM((BB * S,), jnp.int32)]
            + [pltpu.VMEM((S, D), jnp.float32)]
            + [pltpu.VMEM((BB,), jnp.int32) for _ in range(_NBUF)]
            + [pltpu.VMEM((BB, D), jnp.float32) for _ in range(_NBUF)]
            + [pltpu.VMEM((DT * TILE,), jnp.float32) for _ in range(_NBUF)]
            + [pltpu.VMEM((16 * _LANES,), jnp.int32)]
            + [pltpu.VMEM((16 * _LANES,), jnp.int32)]
            + [pltpu.SemaphoreType.DMA for _ in range(2 * _NBUF)]
        ),
        compiler_params=pltpu.CompilerParams(
            use_tc_tiling_on_sc=False, needs_layout_passes=False,
            disable_bounds_checks=True, disable_semaphore_checks=True),
    )
    def embed(idx_hbm, table_hbm, pos_hbm, out_hbm, idx_blk, pos_v, *bufs):
        icol = bufs[:_NBUF]
        rows = bufs[_NBUF:2 * _NBUF]
        outb = bufs[2 * _NBUF:3 * _NBUF]
        btab = bufs[3 * _NBUF]
        otab = bufs[3 * _NBUF + 1]
        gsem = bufs[3 * _NBUF + 2:4 * _NBUF + 2]
        wsem = bufs[4 * _NBUF + 2:]
        wid = lax.axis_index("s") * info.num_cores + lax.axis_index("c")

        pltpu.sync_copy(idx_hbm.at[pl.ds(wid * (BB * S), BB * S)], idx_blk)
        pltpu.sync_copy(pos_hbm, pos_v)

        lane = lax.iota(jnp.int32, _LANES)
        lane_s = lane * S
        oconst = (lane >> 3) * TILE + (lane & 7) * 128

        def tab_body(k, carry):
            t = (lane + k) & 15
            btab[pl.ds(k * _LANES, _LANES)] = t
            otab[pl.ds(k * _LANES, _LANES)] = oconst + t
            return carry

        lax.fori_loop(0, 16, tab_body, 0)

        def stage_gather(s, j):
            for bb in range(BB // _LANES):
                v = plsc.load_gather(
                    idx_blk, [lane_s + (bb * _LANES * S + s)])
                icol[j][pl.ds(bb * _LANES, _LANES)] = v
            pltpu.make_async_copy(
                table_hbm.at[icol[j]], rows[j], gsem[j]).start()

        def write_desc(s, tr, j):
            return pltpu.make_async_copy(
                outb[j].at[pl.ds(tr * TILE, TILE)],
                out_hbm.at[s, tr, wid], wsem[j])

        for j in range(_NBUF - 1):
            stage_gather(j, j)

        def block_body(blk, carry):
            for b in range(_NBUF):
                s = blk * _NBUF + b
                jprev = (b - 1) % _NBUF
                jnext = (b + _NBUF - 1) % _NBUF
                if b == 0:
                    @pl.when(blk >= 1)
                    def _():
                        for tr in range(DT):
                            write_desc(s - 1, tr, jprev).wait()
                else:
                    for tr in range(DT):
                        write_desc(s - 1, tr, jprev).wait()
                @pl.when(s + _NBUF - 1 < S)
                def _():
                    stage_gather(s + _NBUF - 1, jnext)
                pltpu.make_async_copy(
                    table_hbm.at[icol[b]], rows[b], gsem[b]).wait()

                @plsc.parallel_loop(0, 64, unroll=8)
                def _(i):
                    k = i >> 2
                    db = i & 3
                    bt = btab[pl.ds(k * _LANES, _LANES)]
                    ot = otab[pl.ds(k * _LANES, _LANES)]
                    pv = pos_v[s, pl.ds(db * _LANES, _LANES)]
                    dv = lane + db * _LANES
                    for bb in range(BB // _LANES):
                        base_w = db * 2 * TILE + bb * _LANES
                        v = plsc.load_gather(
                            rows[b].at[pl.ds(bb * _LANES, _LANES)],
                            [bt, dv])
                        plsc.store_scatter(
                            outb[b].at[pl.ds(base_w, 1936)], [ot], v + pv)
                for tr in range(DT):
                    write_desc(s, tr, b).start()
            return carry

        lax.fori_loop(0, S // _NBUF, block_body, 0)
        for tr in range(DT):
            write_desc(S - 1, tr, (S - 1) % _NBUF).wait()

    return embed


def kernel(inputs, token_table, position_table):
    B, S = inputs.shape
    V, D = token_table.shape
    NW = 32
    idx_flat = inputs.reshape(B * S).astype(jnp.int32)
    fn = _build_kernel(B, S, D, V)
    out = fn(idx_flat, token_table, position_table)
    out = out.reshape(S, D // 8, NW, 8, 128)
    out = out.transpose(2, 4, 0, 1, 3)
    return out.reshape(B, S, D)

# --- scband reference (transcript-rebuilt; emitter-appended) ---
"""Pipeline reference for scband-positional-embedding-67147518705844 (READ-ONLY COPY).

The authoritative reference and input builder live on the scoring server;
editing this copy changes nothing except your own understanding.
"""

import jax, jax.numpy as jnp
import numpy as np

VOCAB = 1000000
MAX_LEN = 200
EMBED = 64
BATCH = 4096
SEQ = 200

def setup_inputs(seed: int = 0) -> dict:
    key = jax.random.key(seed)
    k_idx, k_tok, k_pos = jax.random.split(key, 3)
    inputs = jax.random.randint(k_idx, (BATCH, SEQ), 0, VOCAB, dtype=jnp.int64 if jax.config.jax_enable_x64 else jnp.int32)
    # he_uniform init: limit = sqrt(6 / fan_in); fan_in = embed_dim for embedding tables (approx)
    lim_tok = np.sqrt(6.0 / VOCAB)
    lim_pos = np.sqrt(6.0 / MAX_LEN)
    token_table = jax.random.uniform(k_tok, (VOCAB, EMBED), minval=-lim_tok, maxval=lim_tok, dtype=jnp.float32)
    position_table = jax.random.uniform(k_pos, (MAX_LEN, EMBED), minval=-lim_pos, maxval=lim_pos, dtype=jnp.float32)
    return {"inputs": inputs, "token_table": token_table, "position_table": position_table}

def reference(inputs, token_table, position_table):
    seq_length = inputs.shape[1]
    positions = jnp.arange(seq_length)
    token_embeddings = jnp.take(token_table, inputs, axis=0)  # [B, S, D]
    position_embeddings = jnp.take(position_table, positions, axis=0)  # [S, D]
    embeddings = token_embeddings + position_embeddings[None, :, :]
    # activation is None in this configuration
    return embeddings

if __name__ == "__main__":
    import jax
    _d = setup_inputs()
    print(jax.jit(kernel)(*tuple(_d.values())))

</pallas_src>

<mosaic_0001>
#map = affine_map<(d0, d1) -> (0)>
#map1 = affine_map<(d0, d1) -> (0, 0)>
#map2 = affine_map<(d0, d1) -> (0, 0, 0, 0)>
module attributes {stable_mosaic.version = 14 : i64} {
  func.func @embed(%arg0: i32, %arg1: i32, %arg2: memref<819200xi32, #tpu.memory_space<hbm>>, %arg3: memref<1000000x64xf32, #tpu.memory_space<hbm>>, %arg4: memref<200x64xf32, #tpu.memory_space<hbm>>, %arg5: memref<200x8x32x1024xf32, #tpu.memory_space<hbm>>, %arg6: memref<25600xi32, #tpu.memory_space<vmem>>, %arg7: memref<200x64xf32, #tpu.memory_space<vmem>>, %arg8: memref<128xi32, #tpu.memory_space<vmem>>, %arg9: memref<128xi32, #tpu.memory_space<vmem>>, %arg10: memref<128xi32, #tpu.memory_space<vmem>>, %arg11: memref<128xi32, #tpu.memory_space<vmem>>, %arg12: memref<128x64xf32, #tpu.memory_space<vmem>>, %arg13: memref<128x64xf32, #tpu.memory_space<vmem>>, %arg14: memref<128x64xf32, #tpu.memory_space<vmem>>, %arg15: memref<128x64xf32, #tpu.memory_space<vmem>>, %arg16: memref<8192xf32, #tpu.memory_space<vmem>>, %arg17: memref<8192xf32, #tpu.memory_space<vmem>>, %arg18: memref<8192xf32, #tpu.memory_space<vmem>>, %arg19: memref<8192xf32, #tpu.memory_space<vmem>>, %arg20: memref<256xi32, #tpu.memory_space<vmem>>, %arg21: memref<256xi32, #tpu.memory_space<vmem>>, %arg22: memref<!tpu.dma_semaphore, #tpu.memory_space<semaphore_mem>>, %arg23: memref<!tpu.dma_semaphore, #tpu.memory_space<semaphore_mem>>, %arg24: memref<!tpu.dma_semaphore, #tpu.memory_space<semaphore_mem>>, %arg25: memref<!tpu.dma_semaphore, #tpu.memory_space<semaphore_mem>>, %arg26: memref<!tpu.dma_semaphore, #tpu.memory_space<semaphore_mem>>, %arg27: memref<!tpu.dma_semaphore, #tpu.memory_space<semaphore_mem>>, %arg28: memref<!tpu.dma_semaphore, #tpu.memory_space<semaphore_mem>>, %arg29: memref<!tpu.dma_semaphore, #tpu.memory_space<semaphore_mem>>) attributes {dimension_semantics = [#tpu.dimension_semantics<core_parallel>, #tpu.dimension_semantics<subcore_parallel>], iteration_bounds = array<i64: 2, 16>, scalar_prefetch = 0 : i64, scratch_operands = 24 : i64, tpu.core_type = #tpu.core_type<sc_vector_subcore>, window_params = [{transform_indices = #map}, {transform_indices = #map1}, {transform_indices = #map1}, {transform_indices = #map2}]} {
    %mul3A = arith.constant 2 : i32
    %mul3A_0 = arith.muli %arg1, %mul3A : i32
    %add3A = arith.addi %mul3A_0, %arg0 : i32
    %mul3A_1 = arith.constant 25600 : i32
    %mul3A_2 = arith.muli %add3A, %mul3A_1 : i32
    "tpu.region"() ({
      %run_scoped3A = tpu.sem_alloc : memref<!tpu.dma_semaphore, #tpu.memory_space<semaphore_mem>>
      %dma_start3A_273 = tpu.memref_slice %arg2[%mul3A_2] : memref<819200xi32, #tpu.memory_space<hbm>> -> memref<25600xi32, #tpu.memory_space<hbm>>
      %dma_start3A_274 = tpu.memref_slice %arg2[%mul3A_2] : memref<819200xi32, #tpu.memory_space<hbm>> -> memref<25600xi32, #tpu.memory_space<hbm>>
      tpu.enqueue_dma source(%dma_start3A_274 : memref<25600xi32, #tpu.memory_space<hbm>>) target(%arg6 : memref<25600xi32, #tpu.memory_space<vmem>>) target_semaphore(%run_scoped3A : memref<!tpu.dma_semaphore, #tpu.memory_space<semaphore_mem>>)
      %dma_wait3A_275 = tpu.memref_slice %arg2[%mul3A_2] : memref<819200xi32, #tpu.memory_space<hbm>> -> memref<25600xi32, #tpu.memory_space<hbm>>
      %dma_wait3A_276 = tpu.memref_slice %arg2[%mul3A_2] : memref<819200xi32, #tpu.memory_space<hbm>> -> memref<25600xi32, #tpu.memory_space<hbm>>
      tpu.wait_dma2 semaphore(%run_scoped3A : memref<!tpu.dma_semaphore, #tpu.memory_space<semaphore_mem>>) src(%dma_wait3A_276 : memref<25600xi32, #tpu.memory_space<hbm>>) dst(%arg6 : memref<25600xi32, #tpu.memory_space<vmem>>)
      tpu.yield
    }) : () -> ()
    "tpu.region"() ({
      %run_scoped3A = tpu.sem_alloc : memref<!tpu.dma_semaphore, #tpu.memory_space<semaphore_mem>>
      tpu.enqueue_dma source(%arg4 : memref<200x64xf32, #tpu.memory_space<hbm>>) target(%arg7 : memref<200x64xf32, #tpu.memory_space<vmem>>) target_semaphore(%run_scoped3A : memref<!tpu.dma_semaphore, #tpu.memory_space<semaphore_mem>>)
      tpu.wait_dma2 semaphore(%run_scoped3A : memref<!tpu.dma_semaphore, #tpu.memory_space<semaphore_mem>>) src(%arg4 : memref<200x64xf32, #tpu.memory_space<hbm>>) dst(%arg7 : memref<200x64xf32, #tpu.memory_space<vmem>>)
      tpu.yield
    }) : () -> ()
    %iota3A = tpu.iota {dimensions = array<i32: 0>} : vector<16xi32>
    %mul3A_3 = arith.constant 200 : i32
    %mul3A_4 = vector.broadcast %mul3A_3 : i32 to vector<16xi32>
    %mul3A_5 = arith.muli %iota3A, %mul3A_4 : vector<16xi32>
    %shift_right_arithmetic3A = arith.constant 3 : i32
    %shift_right_arithmetic3A_6 = vector.broadcast %shift_right_arithmetic3A : i32 to vector<16xi32>
    %shift_right_arithmetic3A_7 = arith.shrsi %iota3A, %shift_right_arithmetic3A_6 : vector<16xi32>
    %mul3A_8 = arith.constant 1024 : i32
    %mul3A_9 = vector.broadcast %mul3A_8 : i32 to vector<16xi32>
    %mul3A_10 = arith.muli %shift_right_arithmetic3A_7, %mul3A_9 : vector<16xi32>
    %and3A = arith.constant 7 : i32
    %and3A_11 = vector.broadcast %and3A : i32 to vector<16xi32>
    %and3A_12 = arith.andi %iota3A, %and3A_11 : vector<16xi32>
    %mul3A_13 = arith.constant 128 : i32
    %mul3A_14 = vector.broadcast %mul3A_13 : i32 to vector<16xi32>
    %mul3A_15 = arith.muli %and3A_12, %mul3A_14 : vector<16xi32>
    %add3A_16 = arith.addi %mul3A_10, %mul3A_15 : vector<16xi32>
    %scan3A = arith.constant 0 : i32
    %scan3A_17 = arith.constant 0 : i32
    %scan3A_18 = arith.constant 16 : i32
    %scan3A_19 = arith.addi %scan3A_17, %scan3A_18 : i32
    %scan3A_20 = arith.constant 1 : i32
    scf.for %scan3A_273 = %scan3A_17 to %scan3A_19 step %scan3A_20  : i32 {
      %add3A_274 = vector.broadcast %scan3A_273 : i32 to vector<16xi32>
      %add3A_275 = arith.addi %iota3A, %add3A_274 : vector<16xi32>
      %and3A_276 = arith.constant 15 : i32
      %and3A_277 = vector.broadcast %and3A_276 : i32 to vector<16xi32>
      %and3A_278 = arith.andi %add3A_275, %and3A_277 : vector<16xi32>
      %mul3A_279 = arith.constant 16 : i32
      %mul3A_280 = arith.muli %scan3A_273, %mul3A_279 : i32
      %swap3A_281 = arith.index_cast %mul3A_280 : i32 to index
      %swap3A_282 = tpu.vector_load %arg20[%swap3A_281] {strides = array<i32>} : memref<256xi32, #tpu.memory_space<vmem>>, vector<16xi32>,
      tpu.vector_store %arg20[%swap3A_281], %and3A_278 {strides = array<i32>} : memref<256xi32, #tpu.memory_space<vmem>>, vector<16xi32>,
      %add3A_283 = arith.addi %add3A_16, %and3A_278 : vector<16xi32>
      %mul3A_284 = arith.constant 16 : i32
      %mul3A_285 = arith.muli %scan3A_273, %mul3A_284 : i32
      %swap3A_286 = arith.index_cast %mul3A_285 : i32 to index
      %swap3A_287 = tpu.vector_load %arg21[%swap3A_286] {strides = array<i32>} : memref<256xi32, #tpu.memory_space<vmem>>, vector<16xi32>,
      tpu.vector_store %arg21[%swap3A_286], %add3A_283 {strides = array<i32>} : memref<256xi32, #tpu.memory_space<vmem>>, vector<16xi32>,
    }
    %scan3A_21 = arith.constant 16 : i32
    %add3A_22 = arith.constant 0 : i32
    %add3A_23 = vector.broadcast %add3A_22 : i32 to vector<16xi32>
    %add3A_24 = arith.addi %mul3A_5, %add3A_23 : vector<16xi32>
    %gather3A = tpu.vector_load_idx %arg6[%add3A_24] : memref<25600xi32, #tpu.memory_space<vmem>>[vector<16xi32>], vector<16xi32>,
    %swap3A = arith.constant 0 : index
    %swap3A_25 = tpu.vector_load %arg8[%swap3A] {strides = array<i32>} : memref<128xi32, #tpu.memory_space<vmem>>, vector<16xi32>,
    tpu.vector_store %arg8[%swap3A], %gather3A {strides = array<i32>} : memref<128xi32, #tpu.memory_space<vmem>>, vector<16xi32>,
    %add3A_26 = arith.constant 3200 : i32
    %add3A_27 = vector.broadcast %add3A_26 : i32 to vector<16xi32>
    %add3A_28 = arith.addi %mul3A_5, %add3A_27 : vector<16xi32>
    %gather3A_29 = tpu.vector_load_idx %arg6[%add3A_28] : memref<25600xi32, #tpu.memory_space<vmem>>[vector<16xi32>], vector<16xi32>,
    %swap3A_30 = arith.constant 16 : index
    %swap3A_31 = tpu.vector_load %arg8[%swap3A_30] {strides = array<i32>} : memref<128xi32, #tpu.memory_space<vmem>>, vector<16xi32>,
    tpu.vector_store %arg8[%swap3A_30], %gather3A_29 {strides = array<i32>} : memref<128xi32, #tpu.memory_space<vmem>>, vector<16xi32>,
    %add3A_32 = arith.constant 6400 : i32
    %add3A_33 = vector.broadcast %add3A_32 : i32 to vector<16xi32>
    %add3A_34 = arith.addi %mul3A_5, %add3A_33 : vector<16xi32>
    %gather3A_35 = tpu.vector_load_idx %arg6[%add3A_34] : memref<25600xi32, #tpu.memory_space<vmem>>[vector<16xi32>], vector<16xi32>,
    %swap3A_36 = arith.constant 32 : index
    %swap3A_37 = tpu.vector_load %arg8[%swap3A_36] {strides = array<i32>} : memref<128xi32, #tpu.memory_space<vmem>>, vector<16xi32>,
    tpu.vector_store %arg8[%swap3A_36], %gather3A_35 {strides = array<i32>} : memref<128xi32, #tpu.memory_space<vmem>>, vector<16xi32>,
    %add3A_38 = arith.constant 9600 : i32
    %add3A_39 = vector.broadcast %add3A_38 : i32 to vector<16xi32>
    %add3A_40 = arith.addi %mul3A_5, %add3A_39 : vector<16xi32>
    %gather3A_41 = tpu.vector_load_idx %arg6[%add3A_40] : memref<25600xi32, #tpu.memory_space<vmem>>[vector<16xi32>], vector<16xi32>,
    %swap3A_42 = arith.constant 48 : index
    %swap3A_43 = tpu.vector_load %arg8[%swap3A_42] {strides = array<i32>} : memref<128xi32, #tpu.memory_space<vmem>>, vector<16xi32>,
    tpu.vector_store %arg8[%swap3A_42], %gather3A_41 {strides = array<i32>} : memref<128xi32, #tpu.memory_space<vmem>>, vector<16xi32>,
    %add3A_44 = arith.constant 12800 : i32
    %add3A_45 = vector.broadcast %add3A_44 : i32 to vector<16xi32>
    %add3A_46 = arith.addi %mul3A_5, %add3A_45 : vector<16xi32>
    %gather3A_47 = tpu.vector_load_idx %arg6[%add3A_46] : memref<25600xi32, #tpu.memory_space<vmem>>[vector<16xi32>], vector<16xi32>,
    %swap3A_48 = arith.constant 64 : index
    %swap3A_49 = tpu.vector_load %arg8[%swap3A_48] {strides = array<i32>} : memref<128xi32, #tpu.memory_space<vmem>>, vector<16xi32>,
    tpu.vector_store %arg8[%swap3A_48], %gather3A_47 {strides = array<i32>} : memref<128xi32, #tpu.memory_space<vmem>>, vector<16xi32>,
    %add3A_50 = arith.constant 16000 : i32
    %add3A_51 = vector.broadcast %add3A_50 : i32 to vector<16xi32>
    %add3A_52 = arith.addi %mul3A_5, %add3A_51 : vector<16xi32>
    %gather3A_53 = tpu.vector_load_idx %arg6[%add3A_52] : memref<25600xi32, #tpu.memory_space<vmem>>[vector<16xi32>], vector<16xi32>,
    %swap3A_54 = arith.constant 80 : index
    %swap3A_55 = tpu.vector_load %arg8[%swap3A_54] {strides = array<i32>} : memref<128xi32, #tpu.memory_space<vmem>>, vector<16xi32>,
    tpu.vector_store %arg8[%swap3A_54], %gather3A_53 {strides = array<i32>} : memref<128xi32, #tpu.memory_space<vmem>>, vector<16xi32>,
    %add3A_56 = arith.constant 19200 : i32
    %add3A_57 = vector.broadcast %add3A_56 : i32 to vector<16xi32>
    %add3A_58 = arith.addi %mul3A_5, %add3A_57 : vector<16xi32>
    %gather3A_59 = tpu.vector_load_idx %arg6[%add3A_58] : memref<25600xi32, #tpu.memory_space<vmem>>[vector<16xi32>], vector<16xi32>,
    %swap3A_60 = arith.constant 96 : index
    %swap3A_61 = tpu.vector_load %arg8[%swap3A_60] {strides = array<i32>} : memref<128xi32, #tpu.memory_space<vmem>>, vector<16xi32>,
    tpu.vector_store %arg8[%swap3A_60], %gather3A_59 {strides = array<i32>} : memref<128xi32, #tpu.memory_space<vmem>>, vector<16xi32>,
    %add3A_62 = arith.constant 22400 : i32
    %add3A_63 = vector.broadcast %add3A_62 : i32 to vector<16xi32>
    %add3A_64 = arith.addi %mul3A_5, %add3A_63 : vector<16xi32>
    %gather3A_65 = tpu.vector_load_idx %arg6[%add3A_64] : memref<25600xi32, #tpu.memory_space<vmem>>[vector<16xi32>], vector<16xi32>,
    %swap3A_66 = arith.constant 112 : index
    %swap3A_67 = tpu.vector_load %arg8[%swap3A_66] {strides = array<i32>} : memref<128xi32, #tpu.memory_space<vmem>>, vector<16xi32>,
    tpu.vector_store %arg8[%swap3A_66], %gather3A_65 {strides = array<i32>} : memref<128xi32, #tpu.memory_space<vmem>>, vector<16xi32>,
    %dma_start3A = arith.constant 0 : i32
    %dma_start3A_68 = arith.constant 0 : i32
    %dma_start3A_69 = tpu.memref_slice %arg3[%dma_start3A, %dma_start3A_68] : memref<1000000x64xf32, #tpu.memory_space<hbm>> -> memref<1000000x64xf32, #tpu.memory_space<hbm>>
    tpu.enqueue_indirect_dma source(%dma_start3A_69 : memref<1000000x64xf32, #tpu.memory_space<hbm>>) target(%arg12 : memref<128x64xf32, #tpu.memory_space<vmem>>) offsets(%arg8 : memref<128xi32, #tpu.memory_space<vmem>>) semaphore(%arg22 : memref<!tpu.dma_semaphore, #tpu.memory_space<semaphore_mem>>)
    %add3A_70 = arith.constant 1 : i32
    %add3A_71 = vector.broadcast %add3A_70 : i32 to vector<16xi32>
    %add3A_72 = arith.addi %mul3A_5, %add3A_71 : vector<16xi32>
    %gather3A_73 = tpu.vector_load_idx %arg6[%add3A_72] : memref<25600xi32, #tpu.memory_space<vmem>>[vector<16xi32>], vector<16xi32>,
    %swap3A_74 = arith.constant 0 : index
    %swap3A_75 = tpu.vector_load %arg9[%swap3A_74] {strides = array<i32>} : memref<128xi32, #tpu.memory_space<vmem>>, vector<16xi32>,
    tpu.vector_store %arg9[%swap3A_74], %gather3A_73 {strides = array<i32>} : memref<128xi32, #tpu.memory_space<vmem>>, vector<16xi32>,
    %add3A_76 = arith.constant 3201 : i32
    %add3A_77 = vector.broadcast %add3A_76 : i32 to vector<16xi32>
    %add3A_78 = arith.addi %mul3A_5, %add3A_77 : vector<16xi32>
    %gather3A_79 = tpu.vector_load_idx %arg6[%add3A_78] : memref<25600xi32, #tpu.memory_space<vmem>>[vector<16xi32>], vector<16xi32>,
    %swap3A_80 = arith.constant 16 : index
    %swap3A_81 = tpu.vector_load %arg9[%swap3A_80] {strides = array<i32>} : memref<128xi32, #tpu.memory_space<vmem>>, vector<16xi32>,
    tpu.vector_store %arg9[%swap3A_80], %gather3A_79 {strides = array<i32>} : memref<128xi32, #tpu.memory_space<vmem>>, vector<16xi32>,
    %add3A_82 = arith.constant 6401 : i32
    %add3A_83 = vector.broadcast %add3A_82 : i32 to vector<16xi32>
    %add3A_84 = arith.addi %mul3A_5, %add3A_83 : vector<16xi32>
    %gather3A_85 = tpu.vector_load_idx %arg6[%add3A_84] : memref<25600xi32, #tpu.memory_space<vmem>>[vector<16xi32>], vector<16xi32>,
    %swap3A_86 = arith.constant 32 : index
    %swap3A_87 = tpu.vector_load %arg9[%swap3A_86] {strides = array<i32>} : memref<128xi32, #tpu.memory_space<vmem>>, vector<16xi32>,
    tpu.vector_store %arg9[%swap3A_86], %gather3A_85 {strides = array<i32>} : memref<128xi32, #tpu.memory_space<vmem>>, vector<16xi32>,
    %add3A_88 = arith.constant 9601 : i32
    %add3A_89 = vector.broadcast %add3A_88 : i32 to vector<16xi32>
    %add3A_90 = arith.addi %mul3A_5, %add3A_89 : vector<16xi32>
    %gather3A_91 = tpu.vector_load_idx %arg6[%add3A_90] : memref<25600xi32, #tpu.memory_space<vmem>>[vector<16xi32>], vector<16xi32>,
    %swap3A_92 = arith.constant 48 : index
    %swap3A_93 = tpu.vector_load %arg9[%swap3A_92] {strides = array<i32>} : memref<128xi32, #tpu.memory_space<vmem>>, vector<16xi32>,
    tpu.vector_store %arg9[%swap3A_92], %gather3A_91 {strides = array<i32>} : memref<128xi32, #tpu.memory_space<vmem>>, vector<16xi32>,
    %add3A_94 = arith.constant 12801 : i32
    %add3A_95 = vector.broadcast %add3A_94 : i32 to vector<16xi32>
    %add3A_96 = arith.addi %mul3A_5, %add3A_95 : vector<16xi32>
    %gather3A_97 = tpu.vector_load_idx %arg6[%add3A_96] : memref<25600xi32, #tpu.memory_space<vmem>>[vector<16xi32>], vector<16xi32>,
    %swap3A_98 = arith.constant 64 : index
    %swap3A_99 = tpu.vector_load %arg9[%swap3A_98] {strides = array<i32>} : memref<128xi32, #tpu.memory_space<vmem>>, vector<16xi32>,
    tpu.vector_store %arg9[%swap3A_98], %gather3A_97 {strides = array<i32>} : memref<128xi32, #tpu.memory_space<vmem>>, vector<16xi32>,
    %add3A_100 = arith.constant 16001 : i32
    %add3A_101 = vector.broadcast %add3A_100 : i32 to vector<16xi32>
    %add3A_102 = arith.addi %mul3A_5, %add3A_101 : vector<16xi32>
    %gather3A_103 = tpu.vector_load_idx %arg6[%add3A_102] : memref<25600xi32, #tpu.memory_space<vmem>>[vector<16xi32>], vector<16xi32>,
    %swap3A_104 = arith.constant 80 : index
    %swap3A_105 = tpu.vector_load %arg9[%swap3A_104] {strides = array<i32>} : memref<128xi32, #tpu.memory_space<vmem>>, vector<16xi32>,
    tpu.vector_store %arg9[%swap3A_104], %gather3A_103 {strides = array<i32>} : memref<128xi32, #tpu.memory_space<vmem>>, vector<16xi32>,
    %add3A_106 = arith.constant 19201 : i32
    %add3A_107 = vector.broadcast %add3A_106 : i32 to vector<16xi32>
    %add3A_108 = arith.addi %mul3A_5, %add3A_107 : vector<16xi32>
    %gather3A_109 = tpu.vector_load_idx %arg6[%add3A_108] : memref<25600xi32, #tpu.memory_space<vmem>>[vector<16xi32>], vector<16xi32>,
    %swap3A_110 = arith.constant 96 : index
    %swap3A_111 = tpu.vector_load %arg9[%swap3A_110] {strides = array<i32>} : memref<128xi32, #tpu.memory_space<vmem>>, vector<16xi32>,
    tpu.vector_store %arg9[%swap3A_110], %gather3A_109 {strides = array<i32>} : memref<128xi32, #tpu.memory_space<vmem>>, vector<16xi32>,
    %add3A_112 = arith.constant 22401 : i32
    %add3A_113 = vector.broadcast %add3A_112 : i32 to vector<16xi32>
    %add3A_114 = arith.addi %mul3A_5, %add3A_113 : vector<16xi32>
    %gather3A_115 = tpu.vector_load_idx %arg6[%add3A_114] : memref<25600xi32, #tpu.memory_space<vmem>>[vector<16xi32>], vector<16xi32>,
    %swap3A_116 = arith.constant 112 : index
    %swap3A_117 = tpu.vector_load %arg9[%swap3A_116] {strides = array<i32>} : memref<128xi32, #tpu.memory_space<vmem>>, vector<16xi32>,
    tpu.vector_store %arg9[%swap3A_116], %gather3A_115 {strides = array<i32>} : memref<128xi32, #tpu.memory_space<vmem>>, vector<16xi32>,
    %dma_start3A_118 = arith.constant 0 : i32
    %dma_start3A_119 = arith.constant 0 : i32
    %dma_start3A_120 = tpu.memref_slice %arg3[%dma_start3A_118, %dma_start3A_119] : memref<1000000x64xf32, #tpu.memory_space<hbm>> -> memref<1000000x64xf32, #tpu.memory_space<hbm>>
    tpu.enqueue_indirect_dma source(%dma_start3A_120 : memref<1000000x64xf32, #tpu.memory_space<hbm>>) target(%arg13 : memref<128x64xf32, #tpu.memory_space<vmem>>) offsets(%arg9 : memref<128xi32, #tpu.memory_space<vmem>>) semaphore(%arg23 : memref<!tpu.dma_semaphore, #tpu.memory_space<semaphore_mem>>)
    %add3A_121 = arith.constant 2 : i32
    %add3A_122 = vector.broadcast %add3A_121 : i32 to vector<16xi32>
    %add3A_123 = arith.addi %mul3A_5, %add3A_122 : vector<16xi32>
    %gather3A_124 = tpu.vector_load_idx %arg6[%add3A_123] : memref<25600xi32, #tpu.memory_space<vmem>>[vector<16xi32>], vector<16xi32>,
    %swap3A_125 = arith.constant 0 : index
    %swap3A_126 = tpu.vector_load %arg10[%swap3A_125] {strides = array<i32>} : memref<128xi32, #tpu.memory_space<vmem>>, vector<16xi32>,
    tpu.vector_store %arg10[%swap3A_125], %gather3A_124 {strides = array<i32>} : memref<128xi32, #tpu.memory_space<vmem>>, vector<16xi32>,
    %add3A_127 = arith.constant 3202 : i32
    %add3A_128 = vector.broadcast %add3A_127 : i32 to vector<16xi32>
    %add3A_129 = arith.addi %mul3A_5, %add3A_128 : vector<16xi32>
    %gather3A_130 = tpu.vector_load_idx %arg6[%add3A_129] : memref<25600xi32, #tpu.memory_space<vmem>>[vector<16xi32>], vector<16xi32>,
    %swap3A_131 = arith.constant 16 : index
    %swap3A_132 = tpu.vector_load %arg10[%swap3A_131] {strides = array<i32>} : memref<128xi32, #tpu.memory_space<vmem>>, vector<16xi32>,
    tpu.vector_store %arg10[%swap3A_131], %gather3A_130 {strides = array<i32>} : memref<128xi32, #tpu.memory_space<vmem>>, vector<16xi32>,
    %add3A_133 = arith.constant 6402 : i32
    %add3A_134 = vector.broadcast %add3A_133 : i32 to vector<16xi32>
    %add3A_135 = arith.addi %mul3A_5, %add3A_134 : vector<16xi32>
    %gather3A_136 = tpu.vector_load_idx %arg6[%add3A_135] : memref<25600xi32, #tpu.memory_space<vmem>>[vector<16xi32>], vector<16xi32>,
    %swap3A_137 = arith.constant 32 : index
    %swap3A_138 = tpu.vector_load %arg10[%swap3A_137] {strides = array<i32>} : memref<128xi32, #tpu.memory_space<vmem>>, vector<16xi32>,
    tpu.vector_store %arg10[%swap3A_137], %gather3A_136 {strides = array<i32>} : memref<128xi32, #tpu.memory_space<vmem>>, vector<16xi32>,
    %add3A_139 = arith.constant 9602 : i32
    %add3A_140 = vector.broadcast %add3A_139 : i32 to vector<16xi32>
    %add3A_141 = arith.addi %mul3A_5, %add3A_140 : vector<16xi32>
    %gather3A_142 = tpu.vector_load_idx %arg6[%add3A_141] : memref<25600xi32, #tpu.memory_space<vmem>>[vector<16xi32>], vector<16xi32>,
    %swap3A_143 = arith.constant 48 : index
    %swap3A_144 = tpu.vector_load %arg10[%swap3A_143] {strides = array<i32>} : memref<128xi32, #tpu.memory_space<vmem>>, vector<16xi32>,
    tpu.vector_store %arg10[%swap3A_143], %gather3A_142 {strides = array<i32>} : memref<128xi32, #tpu.memory_space<vmem>>, vector<16xi32>,
    %add3A_145 = arith.constant 12802 : i32
    %add3A_146 = vector.broadcast %add3A_145 : i32 to vector<16xi32>
    %add3A_147 = arith.addi %mul3A_5, %add3A_146 : vector<16xi32>
    %gather3A_148 = tpu.vector_load_idx %arg6[%add3A_147] : memref<25600xi32, #tpu.memory_space<vmem>>[vector<16xi32>], vector<16xi32>,
    %swap3A_149 = arith.constant 64 : index
    %swap3A_150 = tpu.vector_load %arg10[%swap3A_149] {strides = array<i32>} : memref<128xi32, #tpu.memory_space<vmem>>, vector<16xi32>,
    tpu.vector_store %arg10[%swap3A_149], %gather3A_148 {strides = array<i32>} : memref<128xi32, #tpu.memory_space<vmem>>, vector<16xi32>,
    %add3A_151 = arith.constant 16002 : i32
    %add3A_152 = vector.broadcast %add3A_151 : i32 to vector<16xi32>
    %add3A_153 = arith.addi %mul3A_5, %add3A_152 : vector<16xi32>
    %gather3A_154 = tpu.vector_load_idx %arg6[%add3A_153] : memref<25600xi32, #tpu.memory_space<vmem>>[vector<16xi32>], vector<16xi32>,
    %swap3A_155 = arith.constant 80 : index
    %swap3A_156 = tpu.vector_load %arg10[%swap3A_155] {strides = array<i32>} : memref<128xi32, #tpu.memory_space<vmem>>, vector<16xi32>,
    tpu.vector_store %arg10[%swap3A_155], %gather3A_154 {strides = array<i32>} : memref<128xi32, #tpu.memory_space<vmem>>, vector<16xi32>,
    %add3A_157 = arith.constant 19202 : i32
    %add3A_158 = vector.broadcast %add3A_157 : i32 to vector<16xi32>
    %add3A_159 = arith.addi %mul3A_5, %add3A_158 : vector<16xi32>
    %gather3A_160 = tpu.vector_load_idx %arg6[%add3A_159] : memref<25600xi32, #tpu.memory_space<vmem>>[vector<16xi32>], vector<16xi32>,
    %swap3A_161 = arith.constant 96 : index
    %swap3A_162 = tpu.vector_load %arg10[%swap3A_161] {strides = array<i32>} : memref<128xi32, #tpu.memory_space<vmem>>, vector<16xi32>,
    tpu.vector_store %arg10[%swap3A_161], %gather3A_160 {strides = array<i32>} : memref<128xi32, #tpu.memory_space<vmem>>, vector<16xi32>,
    %add3A_163 = arith.constant 22402 : i32
    %add3A_164 = vector.broadcast %add3A_163 : i32 to vector<16xi32>
    %add3A_165 = arith.addi %mul3A_5, %add3A_164 : vector<16xi32>
    %gather3A_166 = tpu.vector_load_idx %arg6[%add3A_165] : memref<25600xi32, #tpu.memory_space<vmem>>[vector<16xi32>], vector<16xi32>,
    %swap3A_167 = arith.constant 112 : index
    %swap3A_168 = tpu.vector_load %arg10[%swap3A_167] {strides = array<i32>} : memref<128xi32, #tpu.memory_space<vmem>>, vector<16xi32>,
    tpu.vector_store %arg10[%swap3A_167], %gather3A_166 {strides = array<i32>} : memref<128xi32, #tpu.memory_space<vmem>>, vector<16xi32>,
    %dma_start3A_169 = arith.constant 0 : i32
    %dma_start3A_170 = arith.constant 0 : i32
    %dma_start3A_171 = tpu.memref_slice %arg3[%dma_start3A_169, %dma_start3A_170] : memref<1000000x64xf32, #tpu.memory_space<hbm>> -> memref<1000000x64xf32, #tpu.memory_space<hbm>>
    tpu.enqueue_indirect_dma source(%dma_start3A_171 : memref<1000000x64xf32, #tpu.memory_space<hbm>>) target(%arg14 : memref<128x64xf32, #tpu.memory_space<vmem>>) offsets(%arg10 : memref<128xi32, #tpu.memory_space<vmem>>) semaphore(%arg24 : memref<!tpu.dma_semaphore, #tpu.memory_space<semaphore_mem>>)
    %scan3A_172 = arith.constant 0 : i32
    %scan3A_173 = arith.constant 0 : i32
    %scan3A_174 = arith.constant 50 : i32
    %scan3A_175 = arith.addi %scan3A_173, %scan3A_174 : i32
    %scan3A_176 = arith.constant 1 : i32
    scf.for %scan3A_273 = %scan3A_173 to %scan3A_175 step %scan3A_176  : i32 {
      %mul3A_274 = arith.constant 4 : i32
      %mul3A_275 = arith.muli %scan3A_273, %mul3A_274 : i32
      %add3A_276 = arith.constant 0 : i32
      %add3A_277 = arith.addi %mul3A_275, %add3A_276 : i32
      %ge3A = arith.constant 1 : i32
      %ge3A_278 = arith.cmpi sge, %scan3A_273, %ge3A : i32
      %convert_element_type3A = arith.extui %ge3A_278 : i1 to i32
      %cond3A = arith.constant 0 : i32
      %cond3A_279 = arith.cmpi ne, %convert_element_type3A, %cond3A : i32
      scf.if %cond3A_279 {
        %sub3A_1013 = arith.constant 1 : i32
        %sub3A_1014 = arith.subi %add3A_277, %sub3A_1013 : i32
        %dma_wait3A_1015 = arith.constant 0 : i32
        %dma_wait3A_1016 = arith.constant 0 : i32
        %dma_wait3A_1017 = tpu.memref_slice %arg19[%dma_wait3A_1016] : memref<8192xf32, #tpu.memory_space<vmem>> -> memref<1024xf32, #tpu.memory_space<vmem>>
        %dma_wait3A_1018 = arith.constant 0 : i32
        %dma_wait3A_1019 = tpu.memref_slice %arg5[%sub3A_1014, %dma_wait3A_1015, %add3A, %dma_wait3A_1018] : memref<200x8x32x1024xf32, #tpu.memory_space<hbm>> -> memref<1x1x1x1024xf32, #tpu.memory_space<hbm>>
        %dma_wait3A_1020 = tpu.memref_squeeze %dma_wait3A_1019 : memref<1x1x1x1024xf32, #tpu.memory_space<hbm>> -> memref<1024xf32, #tpu.memory_space<hbm>>
        %dma_wait3A_1021 = arith.constant 0 : i32
        %dma_wait3A_1022 = tpu.memref_slice %arg5[%sub3A_1014, %dma_wait3A_1015, %add3A, %dma_wait3A_1021] : memref<200x8x32x1024xf32, #tpu.memory_space<hbm>> -> memref<1x1x1x1024xf32, #tpu.memory_space<hbm>>
        %dma_wait3A_1023 = tpu.memref_squeeze %dma_wait3A_1022 : memref<1x1x1x1024xf32, #tpu.memory_space<hbm>> -> memref<1024xf32, #tpu.memory_space<hbm>>
        %dma_wait3A_1024 = arith.constant 0 : i32
        %dma_wait3A_1025 = tpu.memref_slice %arg19[%dma_wait3A_1024] : memref<8192xf32, #tpu.memory_space<vmem>> -> memref<1024xf32, #tpu.memory_space<vmem>>
        tpu.wait_dma2 semaphore(%arg29 : memref<!tpu.dma_semaphore, #tpu.memory_space<semaphore_mem>>) src(%dma_wait3A_1025 : memref<1024xf32, #tpu.memory_space<vmem>>) dst(%dma_wait3A_1023 : memref<1024xf32, #tpu.memory_space<hbm>>)
        %sub3A_1026 = arith.constant 1 : i32
        %sub3A_1027 = arith.subi %add3A_277, %sub3A_1026 : i32
        %dma_wait3A_1028 = arith.constant 1 : i32
        %dma_wait3A_1029 = arith.constant 1024 : i32
        %dma_wait3A_1030 = tpu.memref_slice %arg19[%dma_wait3A_1029] : memref<8192xf32, #tpu.memory_space<vmem>> -> memref<1024xf32, #tpu.memory_space<vmem>>
        %dma_wait3A_1031 = arith.constant 0 : i32
        %dma_wait3A_1032 = tpu.memref_slice %arg5[%sub3A_1027, %dma_wait3A_1028, %add3A, %dma_wait3A_1031] : memref<200x8x32x1024xf32, #tpu.memory_space<hbm>> -> memref<1x1x1x1024xf32, #tpu.memory_space<hbm>>
        %dma_wait3A_1033 = tpu.memref_squeeze %dma_wait3A_1032 : memref<1x1x1x1024xf32, #tpu.memory_space<hbm>> -> memref<1024xf32, #tpu.memory_space<hbm>>
        %dma_wait3A_1034 = arith.constant 0 : i32
        %dma_wait3A_1035 = tpu.memref_slice %arg5[%sub3A_1027, %dma_wait3A_1028, %add3A, %dma_wait3A_1034] : memref<200x8x32x1024xf32, #tpu.memory_space<hbm>> -> memref<1x1x1x1024xf32, #tpu.memory_space<hbm>>
        %dma_wait3A_1036 = tpu.memref_squeeze %dma_wait3A_1035 : memref<1x1x1x1024xf32, #tpu.memory_space<hbm>> -> memref<1024xf32, #tpu.memory_space<hbm>>
        %dma_wait3A_1037 = arith.constant 1024 : i32
        %dma_wait3A_1038 = tpu.memref_slice %arg19[%dma_wait3A_1037] : memref<8192xf32, #tpu.memory_space<vmem>> -> memref<1024xf32, #tpu.memory_space<vmem>>
        tpu.wait_dma2 semaphore(%arg29 : memref<!tpu.dma_semaphore, #tpu.memory_space<semaphore_mem>>) src(%dma_wait3A_1038 : memref<1024xf32, #tpu.memory_space<vmem>>) dst(%dma_wait3A_1036 : memref<1024xf32, #tpu.memory_space<hbm>>)
        %sub3A_1039 = arith.constant 1 : i32
        %sub3A_1040 = arith.subi %add3A_277, %sub3A_1039 : i32
        %dma_wait3A_1041 = arith.constant 2 : i32
        %dma_wait3A_1042 = arith.constant 2048 : i32
        %dma_wait3A_1043 = tpu.memref_slice %arg19[%dma_wait3A_1042] : memref<8192xf32, #tpu.memory_space<vmem>> -> memref<1024xf32, #tpu.memory_space<vmem>>
        %dma_wait3A_1044 = arith.constant 0 : i32
        %dma_wait3A_1045 = tpu.memref_slice %arg5[%sub3A_1040, %dma_wait3A_1041, %add3A, %dma_wait3A_1044] : memref<200x8x32x1024xf32, #tpu.memory_space<hbm>> -> memref<1x1x1x1024xf32, #tpu.memory_space<hbm>>
        %dma_wait3A_1046 = tpu.memref_squeeze %dma_wait3A_1045 : memref<1x1x1x1024xf32, #tpu.memory_space<hbm>> -> memref<1024xf32, #tpu.memory_space<hbm>>
        %dma_wait3A_1047 = arith.constant 0 : i32
        %dma_wait3A_1048 = tpu.memref_slice %arg5[%sub3A_1040, %dma_wait3A_1041, %add3A, %dma_wait3A_1047] : memref<200x8x32x1024xf32, #tpu.memory_space<hbm>> -> memref<1x1x1x1024xf32, #tpu.memory_space<hbm>>
        %dma_wait3A_1049 = tpu.memref_squeeze %dma_wait3A_1048 : memref<1x1x1x1024xf32, #tpu.memory_space<hbm>> -> memref<1024xf32, #tpu.memory_space<hbm>>
        %dma_wait3A_1050 = arith.constant 2048 : i32
        %dma_wait3A_1051 = tpu.memref_slice %arg19[%dma_wait3A_1050] : memref<8192xf32, #tpu.memory_space<vmem>> -> memref<1024xf32, #tpu.memory_space<vmem>>
        tpu.wait_dma2 semaphore(%arg29 : memref<!tpu.dma_semaphore, #tpu.memory_space<semaphore_mem>>) src(%dma_wait3A_1051 : memref<1024xf32, #tpu.memory_space<vmem>>) dst(%dma_wait3A_1049 : memref<1024xf32, #tpu.memory_space<hbm>>)
        %sub3A_1052 = arith.constant 1 : i32
        %sub3A_1053 = arith.subi %add3A_277, %sub3A_1052 : i32
        %dma_wait3A_1054 = arith.constant 3 : i32
        %dma_wait3A_1055 = arith.constant 3072 : i32
        %dma_wait3A_1056 = tpu.memref_slice %arg19[%dma_wait3A_1055] : memref<8192xf32, #tpu.memory_space<vmem>> -> memref<1024xf32, #tpu.memory_space<vmem>>
        %dma_wait3A_1057 = arith.constant 0 : i32
        %dma_wait3A_1058 = tpu.memref_slice %arg5[%sub3A_1053, %dma_wait3A_1054, %add3A, %dma_wait3A_1057] : memref<200x8x32x1024xf32, #tpu.memory_space<hbm>> -> memref<1x1x1x1024xf32, #tpu.memory_space<hbm>>
        %dma_wait3A_1059 = tpu.memref_squeeze %dma_wait3A_1058 : memref<1x1x1x1024xf32, #tpu.memory_space<hbm>> -> memref<1024xf32, #tpu.memory_space<hbm>>
        %dma_wait3A_1060 = arith.constant 0 : i32
        %dma_wait3A_1061 = tpu.memref_slice %arg5[%sub3A_1053, %dma_wait3A_1054, %add3A, %dma_wait3A_1060] : memref<200x8x32x1024xf32, #tpu.memory_space<hbm>> -> memref<1x1x1x1024xf32, #tpu.memory_space<hbm>>
        %dma_wait3A_1062 = tpu.memref_squeeze %dma_wait3A_1061 : memref<1x1x1x1024xf32, #tpu.memory_space<hbm>> -> memref<1024xf32, #tpu.memory_space<hbm>>
        %dma_wait3A_1063 = arith.constant 3072 : i32
        %dma_wait3A_1064 = tpu.memref_slice %arg19[%dma_wait3A_1063] : memref<8192xf32, #tpu.memory_space<vmem>> -> memref<1024xf32, #tpu.memory_space<vmem>>
        tpu.wait_dma2 semaphore(%arg29 : memref<!tpu.dma_semaphore, #tpu.memory_space<semaphore_mem>>) src(%dma_wait3A_1064 : memref<1024xf32, #tpu.memory_space<vmem>>) dst(%dma_wait3A_1062 : memref<1024xf32, #tpu.memory_space<hbm>>)
        %sub3A_1065 = arith.constant 1 : i32
        %sub3A_1066 = arith.subi %add3A_277, %sub3A_1065 : i32
        %dma_wait3A_1067 = arith.constant 4 : i32
        %dma_wait3A_1068 = arith.constant 4096 : i32
        %dma_wait3A_1069 = tpu.memref_slice %arg19[%dma_wait3A_1068] : memref<8192xf32, #tpu.memory_space<vmem>> -> memref<1024xf32, #tpu.memory_space<vmem>>
        %dma_wait3A_1070 = arith.constant 0 : i32
        %dma_wait3A_1071 = tpu.memref_slice %arg5[%sub3A_1066, %dma_wait3A_1067, %add3A, %dma_wait3A_1070] : memref<200x8x32x1024xf32, #tpu.memory_space<hbm>> -> memref<1x1x1x1024xf32, #tpu.memory_space<hbm>>
        %dma_wait3A_1072 = tpu.memref_squeeze %dma_wait3A_1071 : memref<1x1x1x1024xf32, #tpu.memory_space<hbm>> -> memref<1024xf32, #tpu.memory_space<hbm>>
        %dma_wait3A_1073 = arith.constant 0 : i32
        %dma_wait3A_1074 = tpu.memref_slice %arg5[%sub3A_1066, %dma_wait3A_1067, %add3A, %dma_wait3A_1073] : memref<200x8x32x1024xf32, #tpu.memory_space<hbm>> -> memref<1x1x1x1024xf32, #tpu.memory_space<hbm>>
        %dma_wait3A_1075 = tpu.memref_squeeze %dma_wait3A_1074 : memref<1x1x1x1024xf32, #tpu.memory_space<hbm>> -> memref<1024xf32, #tpu.memory_space<hbm>>
        %dma_wait3A_1076 = arith.constant 4096 : i32
        %dma_wait3A_1077 = tpu.memref_slice %arg19[%dma_wait3A_1076] : memref<8192xf32, #tpu.memory_space<vmem>> -> memref<1024xf32, #tpu.memory_space<vmem>>
        tpu.wait_dma2 semaphore(%arg29 : memref<!tpu.dma_semaphore, #tpu.memory_space<semaphore_mem>>) src(%dma_wait3A_1077 : memref<1024xf32, #tpu.memory_space<vmem>>) dst(%dma_wait3A_1075 : memref<1024xf32, #tpu.memory_space<hbm>>)
        %sub3A_1078 = arith.constant 1 : i32
        %sub3A_1079 = arith.subi %add3A_277, %sub3A_1078 : i32
        %dma_wait3A_1080 = arith.constant 5 : i32
        %dma_wait3A_1081 = arith.constant 5120 : i32
        %dma_wait3A_1082 = tpu.memref_slice %arg19[%dma_wait3A_1081] : memref<8192xf32, #tpu.memory_space<vmem>> -> memref<1024xf32, #tpu.memory_space<vmem>>
        %dma_wait3A_1083 = arith.constant 0 : i32
        %dma_wait3A_1084 = tpu.memref_slice %arg5[%sub3A_1079, %dma_wait3A_1080, %add3A, %dma_wait3A_1083] : memref<200x8x32x1024xf32, #tpu.memory_space<hbm>> -> memref<1x1x1x1024xf32, #tpu.memory_space<hbm>>
        %dma_wait3A_1085 = tpu.memref_squeeze %dma_wait3A_1084 : memref<1x1x1x1024xf32, #tpu.memory_space<hbm>> -> memref<1024xf32, #tpu.memory_space<hbm>>
        %dma_wait3A_1086 = arith.constant 0 : i32
        %dma_wait3A_1087 = tpu.memref_slice %arg5[%sub3A_1079, %dma_wait3A_1080, %add3A, %dma_wait3A_1086] : memref<200x8x32x1024xf32, #tpu.memory_space<hbm>> -> memref<1x1x1x1024xf32, #tpu.memory_space<hbm>>
        %dma_wait3A_1088 = tpu.memref_squeeze %dma_wait3A_1087 : memref<1x1x1x1024xf32, #tpu.memory_space<hbm>> -> memref<1024xf32, #tpu.memory_space<hbm>>
        %dma_wait3A_1089 = arith.constant 5120 : i32
        %dma_wait3A_1090 = tpu.memref_slice %arg19[%dma_wait3A_1089] : memref<8192xf32, #tpu.memory_space<vmem>> -> memref<1024xf32, #tpu.memory_space<vmem>>
        tpu.wait_dma2 semaphore(%arg29 : memref<!tpu.dma_semaphore, #tpu.memory_space<semaphore_mem>>) src(%dma_wait3A_1090 : memref<1024xf32, #tpu.memory_space<vmem>>) dst(%dma_wait3A_1088 : memref<1024xf32, #tpu.memory_space<hbm>>)
        %sub3A_1091 = arith.constant 1 : i32
        %sub3A_1092 = arith.subi %add3A_277, %sub3A_1091 : i32
        %dma_wait3A_1093 = arith.constant 6 : i32
        %dma_wait3A_1094 = arith.constant 6144 : i32
        %dma_wait3A_1095 = tpu.memref_slice %arg19[%dma_wait3A_1094] : memref<8192xf32, #tpu.memory_space<vmem>> -> memref<1024xf32, #tpu.memory_space<vmem>>
        %dma_wait3A_1096 = arith.constant 0 : i32
        %dma_wait3A_1097 = tpu.memref_slice %arg5[%sub3A_1092, %dma_wait3A_1093, %add3A, %dma_wait3A_1096] : memref<200x8x32x1024xf32, #tpu.memory_space<hbm>> -> memref<1x1x1x1024xf32, #tpu.memory_space<hbm>>
        %dma_wait3A_1098 = tpu.memref_squeeze %dma_wait3A_1097 : memref<1x1x1x1024xf32, #tpu.memory_space<hbm>> -> memref<1024xf32, #tpu.memory_space<hbm>>
        %dma_wait3A_1099 = arith.constant 0 : i32
        %dma_wait3A_1100 = tpu.memref_slice %arg5[%sub3A_1092, %dma_wait3A_1093, %add3A, %dma_wait3A_1099] : memref<200x8x32x1024xf32, #tpu.memory_space<hbm>> -> memref<1x1x1x1024xf32, #tpu.memory_space<hbm>>
        %dma_wait3A_1101 = tpu.memref_squeeze %dma_wait3A_1100 : memref<1x1x1x1024xf32, #tpu.memory_space<hbm>> -> memref<1024xf32, #tpu.memory_space<hbm>>
        %dma_wait3A_1102 = arith.constant 6144 : i32
        %dma_wait3A_1103 = tpu.memref_slice %arg19[%dma_wait3A_1102] : memref<8192xf32, #tpu.memory_space<vmem>> -> memref<1024xf32, #tpu.memory_space<vmem>>
        tpu.wait_dma2 semaphore(%arg29 : memref<!tpu.dma_semaphore, #tpu.memory_space<semaphore_mem>>) src(%dma_wait3A_1103 : memref<1024xf32, #tpu.memory_space<vmem>>) dst(%dma_wait3A_1101 : memref<1024xf32, #tpu.memory_space<hbm>>)
        %sub3A_1104 = arith.constant 1 : i32
        %sub3A_1105 = arith.subi %add3A_277, %sub3A_1104 : i32
        %dma_wait3A_1106 = arith.constant 7 : i32
        %dma_wait3A_1107 = arith.constant 7168 : i32
        %dma_wait3A_1108 = tpu.memref_slice %arg19[%dma_wait3A_1107] : memref<8192xf32, #tpu.memory_space<vmem>> -> memref<1024xf32, #tpu.memory_space<vmem>>
        %dma_wait3A_1109 = arith.constant 0 : i32
        %dma_wait3A_1110 = tpu.memref_slice %arg5[%sub3A_1105, %dma_wait3A_1106, %add3A, %dma_wait3A_1109] : memref<200x8x32x1024xf32, #tpu.memory_space<hbm>> -> memref<1x1x1x1024xf32, #tpu.memory_space<hbm>>
        %dma_wait3A_1111 = tpu.memref_squeeze %dma_wait3A_1110 : memref<1x1x1x1024xf32, #tpu.memory_space<hbm>> -> memref<1024xf32, #tpu.memory_space<hbm>>
        %dma_wait3A_1112 = arith.constant 0 : i32
        %dma_wait3A_1113 = tpu.memref_slice %arg5[%sub3A_1105, %dma_wait3A_1106, %add3A, %dma_wait3A_1112] : memref<200x8x32x1024xf32, #tpu.memory_space<hbm>> -> memref<1x1x1x1024xf32, #tpu.memory_space<hbm>>
        %dma_wait3A_1114 = tpu.memref_squeeze %dma_wait3A_1113 : memref<1x1x1x1024xf32, #tpu.memory_space<hbm>> -> memref<1024xf32, #tpu.memory_space<hbm>>
        %dma_wait3A_1115 = arith.constant 7168 : i32
        %dma_wait3A_1116 = tpu.memref_slice %arg19[%dma_wait3A_1115] : memref<8192xf32, #tpu.memory_space<vmem>> -> memref<1024xf32, #tpu.memory_space<vmem>>
        tpu.wait_dma2 semaphore(%arg29 : memref<!tpu.dma_semaphore, #tpu.memory_space<semaphore_mem>>) src(%dma_wait3A_1116 : memref<1024xf32, #tpu.memory_space<vmem>>) dst(%dma_wait3A_1114 : memref<1024xf32, #tpu.memory_space<hbm>>)
      } else {
      }
      %add3A_280 = arith.constant 4 : i32
      %add3A_281 = arith.addi %add3A_277, %add3A_280 : i32
      %sub3A = arith.constant 1 : i32
      %sub3A_282 = arith.subi %add3A_281, %sub3A : i32
      %lt3A = arith.constant 200 : i32
      %lt3A_283 = arith.cmpi slt, %sub3A_282, %lt3A : i32
      %convert_element_type3A_284 = arith.extui %lt3A_283 : i1 to i32
      %cond3A_285 = arith.constant 0 : i32
      %cond3A_286 = arith.cmpi ne, %convert_element_type3A_284, %cond3A_285 : i32
      scf.if %cond3A_286 {
        %add3A_1013 = arith.constant 4 : i32
        %add3A_1014 = arith.addi %add3A_277, %add3A_1013 : i32
        %sub3A_1015 = arith.constant 1 : i32
        %sub3A_1016 = arith.subi %add3A_1014, %sub3A_1015 : i32
        %add3A_1017 = arith.constant 0 : i32
        %add3A_1018 = arith.addi %add3A_1017, %sub3A_1016 : i32
        %add3A_1019 = vector.broadcast %add3A_1018 : i32 to vector<16xi32>
        %add3A_1020 = arith.addi %mul3A_5, %add3A_1019 : vector<16xi32>
        %gather3A_1021 = tpu.vector_load_idx %arg6[%add3A_1020] : memref<25600xi32, #tpu.memory_space<vmem>>[vector<16xi32>], vector<16xi32>,
        %swap3A_1022 = arith.constant 0 : index
        %swap3A_1023 = tpu.vector_load %arg11[%swap3A_1022] {strides = array<i32>} : memref<128xi32, #tpu.memory_space<vmem>>, vector<16xi32>,
        tpu.vector_store %arg11[%swap3A_1022], %gather3A_1021 {strides = array<i32>} : memref<128xi32, #tpu.memory_space<vmem>>, vector<16xi32>,
        %add3A_1024 = arith.constant 3200 : i32
        %add3A_1025 = arith.addi %add3A_1024, %sub3A_1016 : i32
        %add3A_1026 = vector.broadcast %add3A_1025 : i32 to vector<16xi32>
        %add3A_1027 = arith.addi %mul3A_5, %add3A_1026 : vector<16xi32>
        %gather3A_1028 = tpu.vector_load_idx %arg6[%add3A_1027] : memref<25600xi32, #tpu.memory_space<vmem>>[vector<16xi32>], vector<16xi32>,
        %swap3A_1029 = arith.constant 16 : index
        %swap3A_1030 = tpu.vector_load %arg11[%swap3A_1029] {strides = array<i32>} : memref<128xi32, #tpu.memory_space<vmem>>, vector<16xi32>,
        tpu.vector_store %arg11[%swap3A_1029], %gather3A_1028 {strides = array<i32>} : memref<128xi32, #tpu.memory_space<vmem>>, vector<16xi32>,
        %add3A_1031 = arith.constant 6400 : i32
        %add3A_1032 = arith.addi %add3A_1031, %sub3A_1016 : i32
        %add3A_1033 = vector.broadcast %add3A_1032 : i32 to vector<16xi32>
        %add3A_1034 = arith.addi %mul3A_5, %add3A_1033 : vector<16xi32>
        %gather3A_1035 = tpu.vector_load_idx %arg6[%add3A_1034] : memref<25600xi32, #tpu.memory_space<vmem>>[vector<16xi32>], vector<16xi32>,
        %swap3A_1036 = arith.constant 32 : index
        %swap3A_1037 = tpu.vector_load %arg11[%swap3A_1036] {strides = array<i32>} : memref<128xi32, #tpu.memory_space<vmem>>, vector<16xi32>,
        tpu.vector_store %arg11[%swap3A_1036], %gather3A_1035 {strides = array<i32>} : memref<128xi32, #tpu.memory_space<vmem>>, vector<16xi32>,
        %add3A_1038 = arith.constant 9600 : i32
        %add3A_1039 = arith.addi %add3A_1038, %sub3A_1016 : i32
        %add3A_1040 = vector.broadcast %add3A_1039 : i32 to vector<16xi32>
        %add3A_1041 = arith.addi %mul3A_5, %add3A_1040 : vector<16xi32>
        %gather3A_1042 = tpu.vector_load_idx %arg6[%add3A_1041] : memref<25600xi32, #tpu.memory_space<vmem>>[vector<16xi32>], vector<16xi32>,
        %swap3A_1043 = arith.constant 48 : index
        %swap3A_1044 = tpu.vector_load %arg11[%swap3A_1043] {strides = array<i32>} : memref<128xi32, #tpu.memory_space<vmem>>, vector<16xi32>,
        tpu.vector_store %arg11[%swap3A_1043], %gather3A_1042 {strides = array<i32>} : memref<128xi32, #tpu.memory_space<vmem>>, vector<16xi32>,
        %add3A_1045 = arith.constant 12800 : i32
        %add3A_1046 = arith.addi %add3A_1045, %sub3A_1016 : i32
        %add3A_1047 = vector.broadcast %add3A_1046 : i32 to vector<16xi32>
        %add3A_1048 = arith.addi %mul3A_5, %add3A_1047 : vector<16xi32>
        %gather3A_1049 = tpu.vector_load_idx %arg6[%add3A_1048] : memref<25600xi32, #tpu.memory_space<vmem>>[vector<16xi32>], vector<16xi32>,
        %swap3A_1050 = arith.constant 64 : index
        %swap3A_1051 = tpu.vector_load %arg11[%swap3A_1050] {strides = array<i32>} : memref<128xi32, #tpu.memory_space<vmem>>, vector<16xi32>,
        tpu.vector_store %arg11[%swap3A_1050], %gather3A_1049 {strides = array<i32>} : memref<128xi32, #tpu.memory_space<vmem>>, vector<16xi32>,
        %add3A_1052 = arith.constant 16000 : i32
        %add3A_1053 = arith.addi %add3A_1052, %sub3A_1016 : i32
        %add3A_1054 = vector.broadcast %add3A_1053 : i32 to vector<16xi32>
        %add3A_1055 = arith.addi %mul3A_5, %add3A_1054 : vector<16xi32>
        %gather3A_1056 = tpu.vector_load_idx %arg6[%add3A_1055] : memref<25600xi32, #tpu.memory_space<vmem>>[vector<16xi32>], vector<16xi32>,
        %swap3A_1057 = arith.constant 80 : index
        %swap3A_1058 = tpu.vector_load %arg11[%swap3A_1057] {strides = array<i32>} : memref<128xi32, #tpu.memory_space<vmem>>, vector<16xi32>,
        tpu.vector_store %arg11[%swap3A_1057], %gather3A_1056 {strides = array<i32>} : memref<128xi32, #tpu.memory_space<vmem>>, vector<16xi32>,
        %add3A_1059 = arith.constant 19200 : i32
        %add3A_1060 = arith.addi %add3A_1059, %sub3A_1016 : i32
        %add3A_1061 = vector.broadcast %add3A_1060 : i32 to vector<16xi32>
        %add3A_1062 = arith.addi %mul3A_5, %add3A_1061 : vector<16xi32>
        %gather3A_1063 = tpu.vector_load_idx %arg6[%add3A_1062] : memref<25600xi32, #tpu.memory_space<vmem>>[vector<16xi32>], vector<16xi32>,
        %swap3A_1064 = arith.constant 96 : index
        %swap3A_1065 = tpu.vector_load %arg11[%swap3A_1064] {strides = array<i32>} : memref<128xi32, #tpu.memory_space<vmem>>, vector<16xi32>,
        tpu.vector_store %arg11[%swap3A_1064], %gather3A_1063 {strides = array<i32>} : memref<128xi32, #tpu.memory_space<vmem>>, vector<16xi32>,
        %add3A_1066 = arith.constant 22400 : i32
        %add3A_1067 = arith.addi %add3A_1066, %sub3A_1016 : i32
        %add3A_1068 = vector.broadcast %add3A_1067 : i32 to vector<16xi32>
        %add3A_1069 = arith.addi %mul3A_5, %add3A_1068 : vector<16xi32>
        %gather3A_1070 = tpu.vector_load_idx %arg6[%add3A_1069] : memref<25600xi32, #tpu.memory_space<vmem>>[vector<16xi32>], vector<16xi32>,
        %swap3A_1071 = arith.constant 112 : index
        %swap3A_1072 = tpu.vector_load %arg11[%swap3A_1071] {strides = array<i32>} : memref<128xi32, #tpu.memory_space<vmem>>, vector<16xi32>,
        tpu.vector_store %arg11[%swap3A_1071], %gather3A_1070 {strides = array<i32>} : memref<128xi32, #tpu.memory_space<vmem>>, vector<16xi32>,
        %dma_start3A_1073 = arith.constant 0 : i32
        %dma_start3A_1074 = arith.constant 0 : i32
        %dma_start3A_1075 = tpu.memref_slice %arg3[%dma_start3A_1073, %dma_start3A_1074] : memref<1000000x64xf32, #tpu.memory_space<hbm>> -> memref<1000000x64xf32, #tpu.memory_space<hbm>>
        tpu.enqueue_indirect_dma source(%dma_start3A_1075 : memref<1000000x64xf32, #tpu.memory_space<hbm>>) target(%arg15 : memref<128x64xf32, #tpu.memory_space<vmem>>) offsets(%arg11 : memref<128xi32, #tpu.memory_space<vmem>>) semaphore(%arg25 : memref<!tpu.dma_semaphore, #tpu.memory_space<semaphore_mem>>)
      } else {
      }
      %dma_wait3A_287 = arith.constant 0 : i32
      %dma_wait3A_288 = arith.constant 0 : i32
      %dma_wait3A_289 = tpu.memref_slice %arg3[%dma_wait3A_287, %dma_wait3A_288] : memref<1000000x64xf32, #tpu.memory_space<hbm>> -> memref<1000000x64xf32, #tpu.memory_space<hbm>>
      tpu.wait_indirect_dma semaphore(%arg22 : memref<!tpu.dma_semaphore, #tpu.memory_space<semaphore_mem>>) src(%dma_wait3A_289 : memref<1000000x64xf32, #tpu.memory_space<hbm>>) dst(%arg12 : memref<128x64xf32, #tpu.memory_space<vmem>>)
      %parallel_loop3A = arith.constant 0 : i32
      %parallel_loop3A_290 = arith.constant 64 : i32
      %parallel_loop3A_291 = arith.constant 1 : i32
      scf.for %parallel_loop3A_1013 = %parallel_loop3A to %parallel_loop3A_290 step %parallel_loop3A_291  : i32 {
        %parallel_loop3A_1014 = arith.constant 2 : i32
        %parallel_loop3A_1015 = arith.shrsi %parallel_loop3A_1013, %parallel_loop3A_1014 : i32
        %parallel_loop3A_1016 = arith.constant 3 : i32
        %parallel_loop3A_1017 = arith.andi %parallel_loop3A_1013, %parallel_loop3A_1016 : i32
        %parallel_loop3A_1018 = arith.constant 16 : i32
        %parallel_loop3A_1019 = arith.muli %parallel_loop3A_1015, %parallel_loop3A_1018 : i32
        %parallel_loop3A_1020 = arith.index_cast %parallel_loop3A_1019 : i32 to index
        %parallel_loop3A_1021 = tpu.vector_load %arg20[%parallel_loop3A_1020] {strides = array<i32>} : memref<256xi32, #tpu.memory_space<vmem>>, vector<16xi32>,
        %parallel_loop3A_1022 = arith.constant 16 : i32
        %parallel_loop3A_1023 = arith.muli %parallel_loop3A_1015, %parallel_loop3A_1022 : i32
        %parallel_loop3A_1024 = arith.index_cast %parallel_loop3A_1023 : i32 to index
        %parallel_loop3A_1025 = tpu.vector_load %arg21[%parallel_loop3A_1024] {strides = array<i32>} : memref<256xi32, #tpu.memory_space<vmem>>, vector<16xi32>,
        %parallel_loop3A_1026 = arith.constant 16 : i32
        %parallel_loop3A_1027 = arith.muli %parallel_loop3A_1017, %parallel_loop3A_1026 : i32
        %parallel_loop3A_1028 = arith.index_cast %add3A_277 : i32 to index
        %parallel_loop3A_1029 = arith.index_cast %parallel_loop3A_1027 : i32 to index
        %parallel_loop3A_1030 = tpu.vector_load %arg7[%parallel_loop3A_1028, %parallel_loop3A_1029] {strides = array<i32>} : memref<200x64xf32, #tpu.memory_space<vmem>>, vector<16xf32>,
        %parallel_loop3A_1031 = arith.constant 16 : i32
        %parallel_loop3A_1032 = arith.muli %parallel_loop3A_1017, %parallel_loop3A_1031 : i32
        %parallel_loop3A_1033 = vector.broadcast %parallel_loop3A_1032 : i32 to vector<16xi32>
        %parallel_loop3A_1034 = arith.addi %iota3A, %parallel_loop3A_1033 : vector<16xi32>
        %parallel_loop3A_1035 = arith.constant 2 : i32
        %parallel_loop3A_1036 = arith.muli %parallel_loop3A_1017, %parallel_loop3A_1035 : i32
        %parallel_loop3A_1037 = arith.constant 1024 : i32
        %parallel_loop3A_1038 = arith.muli %parallel_loop3A_1036, %parallel_loop3A_1037 : i32
        %parallel_loop3A_1039 = arith.constant 0 : i32
        %parallel_loop3A_1040 = arith.addi %parallel_loop3A_1038, %parallel_loop3A_1039 : i32
        %parallel_loop3A_1041 = arith.constant 0 : i32
        %parallel_loop3A_1042 = arith.constant 0 : i32
        %parallel_loop3A_1043 = tpu.memref_slice %arg12[%parallel_loop3A_1041, %parallel_loop3A_1042] : memref<128x64xf32, #tpu.memory_space<vmem>> -> memref<16x64xf32, #tpu.memory_space<vmem>>
        %parallel_loop3A_1044 = tpu.vector_load_idx %parallel_loop3A_1043[%parallel_loop3A_1021, %parallel_loop3A_1034] : memref<16x64xf32, #tpu.memory_space<vmem>>[vector<16xi32>, vector<16xi32>], vector<16xf32>,
        %parallel_loop3A_1045 = arith.addf %parallel_loop3A_1044, %parallel_loop3A_1030 : vector<16xf32>
        %parallel_loop3A_1046 = tpu.memref_slice %arg16[%parallel_loop3A_1040] : memref<8192xf32, #tpu.memory_space<vmem>> -> memref<1936xf32, #tpu.memory_space<vmem>>
        tpu.vector_store_idx %parallel_loop3A_1046[%parallel_loop3A_1025], %parallel_loop3A_1045 : memref<1936xf32, #tpu.memory_space<vmem>>[vector<16xi32>], vector<16xf32>,
        %parallel_loop3A_1047 = arith.constant 2 : i32
        %parallel_loop3A_1048 = arith.muli %parallel_loop3A_1017, %parallel_loop3A_1047 : i32
        %parallel_loop3A_1049 = arith.constant 1024 : i32
        %parallel_loop3A_1050 = arith.muli %parallel_loop3A_1048, %parallel_loop3A_1049 : i32
        %parallel_loop3A_1051 = arith.constant 16 : i32
        %parallel_loop3A_1052 = arith.addi %parallel_loop3A_1050, %parallel_loop3A_1051 : i32
        %parallel_loop3A_1053 = arith.constant 16 : i32
        %parallel_loop3A_1054 = arith.constant 0 : i32
        %parallel_loop3A_1055 = tpu.memref_slice %arg12[%parallel_loop3A_1053, %parallel_loop3A_1054] : memref<128x64xf32, #tpu.memory_space<vmem>> -> memref<16x64xf32, #tpu.memory_space<vmem>>
        %parallel_loop3A_1056 = tpu.vector_load_idx %parallel_loop3A_1055[%parallel_loop3A_1021, %parallel_loop3A_1034] : memref<16x64xf32, #tpu.memory_space<vmem>>[vector<16xi32>, vector<16xi32>], vector<16xf32>,
        %parallel_loop3A_1057 = arith.addf %parallel_loop3A_1056, %parallel_loop3A_1030 : vector<16xf32>
        %parallel_loop3A_1058 = tpu.memref_slice %arg16[%parallel_loop3A_1052] : memref<8192xf32, #tpu.memory_space<vmem>> -> memref<1936xf32, #tpu.memory_space<vmem>>
        tpu.vector_store_idx %parallel_loop3A_1058[%parallel_loop3A_1025], %parallel_loop3A_1057 : memref<1936xf32, #tpu.memory_space<vmem>>[vector<16xi32>], vector<16xf32>,
        %parallel_loop3A_1059 = arith.constant 2 : i32
        %parallel_loop3A_1060 = arith.muli %parallel_loop3A_1017, %parallel_loop3A_1059 : i32
        %parallel_loop3A_1061 = arith.constant 1024 : i32
        %parallel_loop3A_1062 = arith.muli %parallel_loop3A_1060, %parallel_loop3A_1061 : i32
        %parallel_loop3A_1063 = arith.constant 32 : i32
        %parallel_loop3A_1064 = arith.addi %parallel_loop3A_1062, %parallel_loop3A_1063 : i32
        %parallel_loop3A_1065 = arith.constant 32 : i32
        %parallel_loop3A_1066 = arith.constant 0 : i32
        %parallel_loop3A_1067 = tpu.memref_slice %arg12[%parallel_loop3A_1065, %parallel_loop3A_1066] : memref<128x64xf32, #tpu.memory_space<vmem>> -> memref<16x64xf32, #tpu.memory_space<vmem>>
        %parallel_loop3A_1068 = tpu.vector_load_idx %parallel_loop3A_1067[%parallel_loop3A_1021, %parallel_loop3A_1034] : memref<16x64xf32, #tpu.memory_space<vmem>>[vector<16xi32>, vector<16xi32>], vector<16xf32>,
        %parallel_loop3A_1069 = arith.addf %parallel_loop3A_1068, %parallel_loop3A_1030 : vector<16xf32>
        %parallel_loop3A_1070 = tpu.memref_slice %arg16[%parallel_loop3A_1064] : memref<8192xf32, #tpu.memory_space<vmem>> -> memref<1936xf32, #tpu.memory_space<vmem>>
        tpu.vector_store_idx %parallel_loop3A_1070[%parallel_loop3A_1025], %parallel_loop3A_1069 : memref<1936xf32, #tpu.memory_space<vmem>>[vector<16xi32>], vector<16xf32>,
        %parallel_loop3A_1071 = arith.constant 2 : i32
        %parallel_loop3A_1072 = arith.muli %parallel_loop3A_1017, %parallel_loop3A_1071 : i32
        %parallel_loop3A_1073 = arith.constant 1024 : i32
        %parallel_loop3A_1074 = arith.muli %parallel_loop3A_1072, %parallel_loop3A_1073 : i32
        %parallel_loop3A_1075 = arith.constant 48 : i32
        %parallel_loop3A_1076 = arith.addi %parallel_loop3A_1074, %parallel_loop3A_1075 : i32
        %parallel_loop3A_1077 = arith.constant 48 : i32
        %parallel_loop3A_1078 = arith.constant 0 : i32
        %parallel_loop3A_1079 = tpu.memref_slice %arg12[%parallel_loop3A_1077, %parallel_loop3A_1078] : memref<128x64xf32, #tpu.memory_space<vmem>> -> memref<16x64xf32, #tpu.memory_space<vmem>>
        %parallel_loop3A_1080 = tpu.vector_load_idx %parallel_loop3A_1079[%parallel_loop3A_1021, %parallel_loop3A_1034] : memref<16x64xf32, #tpu.memory_space<vmem>>[vector<16xi32>, vector<16xi32>], vector<16xf32>,
        %parallel_loop3A_1081 = arith.addf %parallel_loop3A_1080, %parallel_loop3A_1030 : vector<16xf32>
        %parallel_loop3A_1082 = tpu.memref_slice %arg16[%parallel_loop3A_1076] : memref<8192xf32, #tpu.memory_space<vmem>> -> memref<1936xf32, #tpu.memory_space<vmem>>
        tpu.vector_store_idx %parallel_loop3A_1082[%parallel_loop3A_1025], %parallel_loop3A_1081 : memref<1936xf32, #tpu.memory_space<vmem>>[vector<16xi32>], vector<16xf32>,
        %parallel_loop3A_1083 = arith.constant 2 : i32
        %parallel_loop3A_1084 = arith.muli %parallel_loop3A_1017, %parallel_loop3A_1083 : i32
        %parallel_loop3A_1085 = arith.constant 1024 : i32
        %parallel_loop3A_1086 = arith.muli %parallel_loop3A_1084, %parallel_loop3A_1085 : i32
        %parallel_loop3A_1087 = arith.constant 64 : i32
        %parallel_loop3A_1088 = arith.addi %parallel_loop3A_1086, %parallel_loop3A_1087 : i32
        %parallel_loop3A_1089 = arith.constant 64 : i32
        %parallel_loop3A_1090 = arith.constant 0 : i32
        %parallel_loop3A_1091 = tpu.memref_slice %arg12[%parallel_loop3A_1089, %parallel_loop3A_1090] : memref<128x64xf32, #tpu.memory_space<vmem>> -> memref<16x64xf32, #tpu.memory_space<vmem>>
        %parallel_loop3A_1092 = tpu.vector_load_idx %parallel_loop3A_1091[%parallel_loop3A_1021, %parallel_loop3A_1034] : memref<16x64xf32, #tpu.memory_space<vmem>>[vector<16xi32>, vector<16xi32>], vector<16xf32>,
        %parallel_loop3A_1093 = arith.addf %parallel_loop3A_1092, %parallel_loop3A_1030 : vector<16xf32>
        %parallel_loop3A_1094 = tpu.memref_slice %arg16[%parallel_loop3A_1088] : memref<8192xf32, #tpu.memory_space<vmem>> -> memref<1936xf32, #tpu.memory_space<vmem>>
        tpu.vector_store_idx %parallel_loop3A_1094[%parallel_loop3A_1025], %parallel_loop3A_1093 : memref<1936xf32, #tpu.memory_space<vmem>>[vector<16xi32>], vector<16xf32>,
        %parallel_loop3A_1095 = arith.constant 2 : i32
        %parallel_loop3A_1096 = arith.muli %parallel_loop3A_1017, %parallel_loop3A_1095 : i32
        %parallel_loop3A_1097 = arith.constant 1024 : i32
        %parallel_loop3A_1098 = arith.muli %parallel_loop3A_1096, %parallel_loop3A_1097 : i32
        %parallel_loop3A_1099 = arith.constant 80 : i32
        %parallel_loop3A_1100 = arith.addi %parallel_loop3A_1098, %parallel_loop3A_1099 : i32
        %parallel_loop3A_1101 = arith.constant 80 : i32
        %parallel_loop3A_1102 = arith.constant 0 : i32
        %parallel_loop3A_1103 = tpu.memref_slice %arg12[%parallel_loop3A_1101, %parallel_loop3A_1102] : memref<128x64xf32, #tpu.memory_space<vmem>> -> memref<16x64xf32, #tpu.memory_space<vmem>>
        %parallel_loop3A_1104 = tpu.vector_load_idx %parallel_loop3A_1103[%parallel_loop3A_1021, %parallel_loop3A_1034] : memref<16x64xf32, #tpu.memory_space<vmem>>[vector<16xi32>, vector<16xi32>], vector<16xf32>,
        %parallel_loop3A_1105 = arith.addf %parallel_loop3A_1104, %parallel_loop3A_1030 : vector<16xf32>
        %parallel_loop3A_1106 = tpu.memref_slice %arg16[%parallel_loop3A_1100] : memref<8192xf32, #tpu.memory_space<vmem>> -> memref<1936xf32, #tpu.memory_space<vmem>>
        tpu.vector_store_idx %parallel_loop3A_1106[%parallel_loop3A_1025], %parallel_loop3A_1105 : memref<1936xf32, #tpu.memory_space<vmem>>[vector<16xi32>], vector<16xf32>,
        %parallel_loop3A_1107 = arith.constant 2 : i32
        %parallel_loop3A_1108 = arith.muli %parallel_loop3A_1017, %parallel_loop3A_1107 : i32
        %parallel_loop3A_1109 = arith.constant 1024 : i32
        %parallel_loop3A_1110 = arith.muli %parallel_loop3A_1108, %parallel_loop3A_1109 : i32
        %parallel_loop3A_1111 = arith.constant 96 : i32
        %parallel_loop3A_1112 = arith.addi %parallel_loop3A_1110, %parallel_loop3A_1111 : i32
        %parallel_loop3A_1113 = arith.constant 96 : i32
        %parallel_loop3A_1114 = arith.constant 0 : i32
        %parallel_loop3A_1115 = tpu.memref_slice %arg12[%parallel_loop3A_1113, %parallel_loop3A_1114] : memref<128x64xf32, #tpu.memory_space<vmem>> -> memref<16x64xf32, #tpu.memory_space<vmem>>
        %parallel_loop3A_1116 = tpu.vector_load_idx %parallel_loop3A_1115[%parallel_loop3A_1021, %parallel_loop3A_1034] : memref<16x64xf32, #tpu.memory_space<vmem>>[vector<16xi32>, vector<16xi32>], vector<16xf32>,
        %parallel_loop3A_1117 = arith.addf %parallel_loop3A_1116, %parallel_loop3A_1030 : vector<16xf32>
        %parallel_loop3A_1118 = tpu.memref_slice %arg16[%parallel_loop3A_1112] : memref<8192xf32, #tpu.memory_space<vmem>> -> memref<1936xf32, #tpu.memory_space<vmem>>
        tpu.vector_store_idx %parallel_loop3A_1118[%parallel_loop3A_1025], %parallel_loop3A_1117 : memref<1936xf32, #tpu.memory_space<vmem>>[vector<16xi32>], vector<16xf32>,
        %parallel_loop3A_1119 = arith.constant 2 : i32
        %parallel_loop3A_1120 = arith.muli %parallel_loop3A_1017, %parallel_loop3A_1119 : i32
        %parallel_loop3A_1121 = arith.constant 1024 : i32
        %parallel_loop3A_1122 = arith.muli %parallel_loop3A_1120, %parallel_loop3A_1121 : i32
        %parallel_loop3A_1123 = arith.constant 112 : i32
        %parallel_loop3A_1124 = arith.addi %parallel_loop3A_1122, %parallel_loop3A_1123 : i32
        %parallel_loop3A_1125 = arith.constant 112 : i32
        %parallel_loop3A_1126 = arith.constant 0 : i32
        %parallel_loop3A_1127 = tpu.memref_slice %arg12[%parallel_loop3A_1125, %parallel_loop3A_1126] : memref<128x64xf32, #tpu.memory_space<vmem>> -> memref<16x64xf32, #tpu.memory_space<vmem>>
        %parallel_loop3A_1128 = tpu.vector_load_idx %parallel_loop3A_1127[%parallel_loop3A_1021, %parallel_loop3A_1034] : memref<16x64xf32, #tpu.memory_space<vmem>>[vector<16xi32>, vector<16xi32>], vector<16xf32>,
        %parallel_loop3A_1129 = arith.addf %parallel_loop3A_1128, %parallel_loop3A_1030 : vector<16xf32>
        %parallel_loop3A_1130 = tpu.memref_slice %arg16[%parallel_loop3A_1124] : memref<8192xf32, #tpu.memory_space<vmem>> -> memref<1936xf32, #tpu.memory_space<vmem>>
        tpu.vector_store_idx %parallel_loop3A_1130[%parallel_loop3A_1025], %parallel_loop3A_1129 : memref<1936xf32, #tpu.memory_space<vmem>>[vector<16xi32>], vector<16xf32>,
      } {sc.loop_unroll_factor = 8 : i64, sc.parallel_access}
      %dma_start3A_292 = arith.constant 0 : i32
      %dma_start3A_293 = arith.constant 0 : i32
      %dma_start3A_294 = tpu.memref_slice %arg16[%dma_start3A_293] : memref<8192xf32, #tpu.memory_space<vmem>> -> memref<1024xf32, #tpu.memory_space<vmem>>
      %dma_start3A_295 = arith.constant 0 : i32
      %dma_start3A_296 = tpu.memref_slice %arg5[%add3A_277, %dma_start3A_292, %add3A, %dma_start3A_295] : memref<200x8x32x1024xf32, #tpu.memory_space<hbm>> -> memref<1x1x1x1024xf32, #tpu.memory_space<hbm>>
      %dma_start3A_297 = tpu.memref_squeeze %dma_start3A_296 : memref<1x1x1x1024xf32, #tpu.memory_space<hbm>> -> memref<1024xf32, #tpu.memory_space<hbm>>
      %dma_start3A_298 = arith.constant 0 : i32
      %dma_start3A_299 = tpu.memref_slice %arg5[%add3A_277, %dma_start3A_292, %add3A, %dma_start3A_298] : memref<200x8x32x1024xf32, #tpu.memory_space<hbm>> -> memref<1x1x1x1024xf32, #tpu.memory_space<hbm>>
      %dma_start3A_300 = tpu.memref_squeeze %dma_start3A_299 : memref<1x1x1x1024xf32, #tpu.memory_space<hbm>> -> memref<1024xf32, #tpu.memory_space<hbm>>
      %dma_start3A_301 = arith.constant 0 : i32
      %dma_start3A_302 = tpu.memref_slice %arg16[%dma_start3A_301] : memref<8192xf32, #tpu.memory_space<vmem>> -> memref<1024xf32, #tpu.memory_space<vmem>>
      tpu.enqueue_dma source(%dma_start3A_302 : memref<1024xf32, #tpu.memory_space<vmem>>) target(%dma_start3A_300 : memref<1024xf32, #tpu.memory_space<hbm>>) target_semaphore(%arg26 : memref<!tpu.dma_semaphore, #tpu.memory_space<semaphore_mem>>)
      %dma_start3A_303 = arith.constant 1 : i32
      %dma_start3A_304 = arith.constant 1024 : i32
      %dma_start3A_305 = tpu.memref_slice %arg16[%dma_start3A_304] : memref<8192xf32, #tpu.memory_space<vmem>> -> memref<1024xf32, #tpu.memory_space<vmem>>
      %dma_start3A_306 = arith.constant 0 : i32
      %dma_start3A_307 = tpu.memref_slice %arg5[%add3A_277, %dma_start3A_303, %add3A, %dma_start3A_306] : memref<200x8x32x1024xf32, #tpu.memory_space<hbm>> -> memref<1x1x1x1024xf32, #tpu.memory_space<hbm>>
      %dma_start3A_308 = tpu.memref_squeeze %dma_start3A_307 : memref<1x1x1x1024xf32, #tpu.memory_space<hbm>> -> memref<1024xf32, #tpu.memory_space<hbm>>
      %dma_start3A_309 = arith.constant 0 : i32
      %dma_start3A_310 = tpu.memref_slice %arg5[%add3A_277, %dma_start3A_303, %add3A, %dma_start3A_309] : memref<200x8x32x1024xf32, #tpu.memory_space<hbm>> -> memref<1x1x1x1024xf32, #tpu.memory_space<hbm>>
      %dma_start3A_311 = tpu.memref_squeeze %dma_start3A_310 : memref<1x1x1x1024xf32, #tpu.memory_space<hbm>> -> memref<1024xf32, #tpu.memory_space<hbm>>
      %dma_start3A_312 = arith.constant 1024 : i32
      %dma_start3A_313 = tpu.memref_slice %arg16[%dma_start3A_312] : memref<8192xf32, #tpu.memory_space<vmem>> -> memref<1024xf32, #tpu.memory_space<vmem>>
      tpu.enqueue_dma source(%dma_start3A_313 : memref<1024xf32, #tpu.memory_space<vmem>>) target(%dma_start3A_311 : memref<1024xf32, #tpu.memory_space<hbm>>) target_semaphore(%arg26 : memref<!tpu.dma_semaphore, #tpu.memory_space<semaphore_mem>>)
      %dma_start3A_314 = arith.constant 2 : i32
      %dma_start3A_315 = arith.constant 2048 : i32
      %dma_start3A_316 = tpu.memref_slice %arg16[%dma_start3A_315] : memref<8192xf32, #tpu.memory_space<vmem>> -> memref<1024xf32, #tpu.memory_space<vmem>>
      %dma_start3A_317 = arith.constant 0 : i32
      %dma_start3A_318 = tpu.memref_slice %arg5[%add3A_277, %dma_start3A_314, %add3A, %dma_start3A_317] : memref<200x8x32x1024xf32, #tpu.memory_space<hbm>> -> memref<1x1x1x1024xf32, #tpu.memory_space<hbm>>
      %dma_start3A_319 = tpu.memref_squeeze %dma_start3A_318 : memref<1x1x1x1024xf32, #tpu.memory_space<hbm>> -> memref<1024xf32, #tpu.memory_space<hbm>>
      %dma_start3A_320 = arith.constant 0 : i32
      %dma_start3A_321 = tpu.memref_slice %arg5[%add3A_277, %dma_start3A_314, %add3A, %dma_start3A_320] : memref<200x8x32x1024xf32, #tpu.memory_space<hbm>> -> memref<1x1x1x1024xf32, #tpu.memory_space<hbm>>
      %dma_start3A_322 = tpu.memref_squeeze %dma_start3A_321 : memref<1x1x1x1024xf32, #tpu.memory_space<hbm>> -> memref<1024xf32, #tpu.memory_space<hbm>>
      %dma_start3A_323 = arith.constant 2048 : i32
      %dma_start3A_324 = tpu.memref_slice %arg16[%dma_start3A_323] : memref<8192xf32, #tpu.memory_space<vmem>> -> memref<1024xf32, #tpu.memory_space<vmem>>
      tpu.enqueue_dma source(%dma_start3A_324 : memref<1024xf32, #tpu.memory_space<vmem>>) target(%dma_start3A_322 : memref<1024xf32, #tpu.memory_space<hbm>>) target_semaphore(%arg26 : memref<!tpu.dma_semaphore, #tpu.memory_space<semaphore_mem>>)
      %dma_start3A_325 = arith.constant 3 : i32
      %dma_start3A_326 = arith.constant 3072 : i32
      %dma_start3A_327 = tpu.memref_slice %arg16[%dma_start3A_326] : memref<8192xf32, #tpu.memory_space<vmem>> -> memref<1024xf32, #tpu.memory_space<vmem>>
      %dma_start3A_328 = arith.constant 0 : i32
      %dma_start3A_329 = tpu.memref_slice %arg5[%add3A_277, %dma_start3A_325, %add3A, %dma_start3A_328] : memref<200x8x32x1024xf32, #tpu.memory_space<hbm>> -> memref<1x1x1x1024xf32, #tpu.memory_space<hbm>>
      %dma_start3A_330 = tpu.memref_squeeze %dma_start3A_329 : memref<1x1x1x1024xf32, #tpu.memory_space<hbm>> -> memref<1024xf32, #tpu.memory_space<hbm>>
      %dma_start3A_331 = arith.constant 0 : i32
      %dma_start3A_332 = tpu.memref_slice %arg5[%add3A_277, %dma_start3A_325, %add3A, %dma_start3A_331] : memref<200x8x32x1024xf32, #tpu.memory_space<hbm>> -> memref<1x1x1x1024xf32, #tpu.memory_space<hbm>>
      %dma_start3A_333 = tpu.memref_squeeze %dma_start3A_332 : memref<1x1x1x1024xf32, #tpu.memory_space<hbm>> -> memref<1024xf32, #tpu.memory_space<hbm>>
      %dma_start3A_334 = arith.constant 3072 : i32
      %dma_start3A_335 = tpu.memref_slice %arg16[%dma_start3A_334] : memref<8192xf32, #tpu.memory_space<vmem>> -> memref<1024xf32, #tpu.memory_space<vmem>>
      tpu.enqueue_dma source(%dma_start3A_335 : memref<1024xf32, #tpu.memory_space<vmem>>) target(%dma_start3A_333 : memref<1024xf32, #tpu.memory_space<hbm>>) target_semaphore(%arg26 : memref<!tpu.dma_semaphore, #tpu.memory_space<semaphore_mem>>)
      %dma_start3A_336 = arith.constant 4 : i32
      %dma_start3A_337 = arith.constant 4096 : i32
      %dma_start3A_338 = tpu.memref_slice %arg16[%dma_start3A_337] : memref<8192xf32, #tpu.memory_space<vmem>> -> memref<1024xf32, #tpu.memory_space<vmem>>
      %dma_start3A_339 = arith.constant 0 : i32
      %dma_start3A_340 = tpu.memref_slice %arg5[%add3A_277, %dma_start3A_336, %add3A, %dma_start3A_339] : memref<200x8x32x1024xf32, #tpu.memory_space<hbm>> -> memref<1x1x1x1024xf32, #tpu.memory_space<hbm>>
      %dma_start3A_341 = tpu.memref_squeeze %dma_start3A_340 : memref<1x1x1x1024xf32, #tpu.memory_space<hbm>> -> memref<1024xf32, #tpu.memory_space<hbm>>
      %dma_start3A_342 = arith.constant 0 : i32
      %dma_start3A_343 = tpu.memref_slice %arg5[%add3A_277, %dma_start3A_336, %add3A, %dma_start3A_342] : memref<200x8x32x1024xf32, #tpu.memory_space<hbm>> -> memref<1x1x1x1024xf32, #tpu.memory_space<hbm>>
      %dma_start3A_344 = tpu.memref_squeeze %dma_start3A_343 : memref<1x1x1x1024xf32, #tpu.memory_space<hbm>> -> memref<1024xf32, #tpu.memory_space<hbm>>
      %dma_start3A_345 = arith.constant 4096 : i32
      %dma_start3A_346 = tpu.memref_slice %arg16[%dma_start3A_345] : memref<8192xf32, #tpu.memory_space<vmem>> -> memref<1024xf32, #tpu.memory_space<vmem>>
      tpu.enqueue_dma source(%dma_start3A_346 : memref<1024xf32, #tpu.memory_space<vmem>>) target(%dma_start3A_344 : memref<1024xf32, #tpu.memory_space<hbm>>) target_semaphore(%arg26 : memref<!tpu.dma_semaphore, #tpu.memory_space<semaphore_mem>>)
      %dma_start3A_347 = arith.constant 5 : i32
      %dma_start3A_348 = arith.constant 5120 : i32
      %dma_start3A_349 = tpu.memref_slice %arg16[%dma_start3A_348] : memref<8192xf32, #tpu.memory_space<vmem>> -> memref<1024xf32, #tpu.memory_space<vmem>>
      %dma_start3A_350 = arith.constant 0 : i32
      %dma_start3A_351 = tpu.memref_slice %arg5[%add3A_277, %dma_start3A_347, %add3A, %dma_start3A_350] : memref<200x8x32x1024xf32, #tpu.memory_space<hbm>> -> memref<1x1x1x1024xf32, #tpu.memory_space<hbm>>
      %dma_start3A_352 = tpu.memref_squeeze %dma_start3A_351 : memref<1x1x1x1024xf32, #tpu.memory_space<hbm>> -> memref<1024xf32, #tpu.memory_space<hbm>>
      %dma_start3A_353 = arith.constant 0 : i32
      %dma_start3A_354 = tpu.memref_slice %arg5[%add3A_277, %dma_start3A_347, %add3A, %dma_start3A_353] : memref<200x8x32x1024xf32, #tpu.memory_space<hbm>> -> memref<1x1x1x1024xf32, #tpu.memory_space<hbm>>
      %dma_start3A_355 = tpu.memref_squeeze %dma_start3A_354 : memref<1x1x1x1024xf32, #tpu.memory_space<hbm>> -> memref<1024xf32, #tpu.memory_space<hbm>>
      %dma_start3A_356 = arith.constant 5120 : i32
      %dma_start3A_357 = tpu.memref_slice %arg16[%dma_start3A_356] : memref<8192xf32, #tpu.memory_space<vmem>> -> memref<1024xf32, #tpu.memory_space<vmem>>
      tpu.enqueue_dma source(%dma_start3A_357 : memref<1024xf32, #tpu.memory_space<vmem>>) target(%dma_start3A_355 : memref<1024xf32, #tpu.memory_space<hbm>>) target_semaphore(%arg26 : memref<!tpu.dma_semaphore, #tpu.memory_space<semaphore_mem>>)
      %dma_start3A_358 = arith.constant 6 : i32
      %dma_start3A_359 = arith.constant 6144 : i32
      %dma_start3A_360 = tpu.memref_slice %arg16[%dma_start3A_359] : memref<8192xf32, #tpu.memory_space<vmem>> -> memref<1024xf32, #tpu.memory_space<vmem>>
      %dma_start3A_361 = arith.constant 0 : i32
      %dma_start3A_362 = tpu.memref_slice %arg5[%add3A_277, %dma_start3A_358, %add3A, %dma_start3A_361] : memref<200x8x32x1024xf32, #tpu.memory_space<hbm>> -> memref<1x1x1x1024xf32, #tpu.memory_space<hbm>>
      %dma_start3A_363 = tpu.memref_squeeze %dma_start3A_362 : memref<1x1x1x1024xf32, #tpu.memory_space<hbm>> -> memref<1024xf32, #tpu.memory_space<hbm>>
      %dma_start3A_364 = arith.constant 0 : i32
      %dma_start3A_365 = tpu.memref_slice %arg5[%add3A_277, %dma_start3A_358, %add3A, %dma_start3A_364] : memref<200x8x32x1024xf32, #tpu.memory_space<hbm>> -> memref<1x1x1x1024xf32, #tpu.memory_space<hbm>>
      %dma_start3A_366 = tpu.memref_squeeze %dma_start3A_365 : memref<1x1x1x1024xf32, #tpu.memory_space<hbm>> -> memref<1024xf32, #tpu.memory_space<hbm>>
      %dma_start3A_367 = arith.constant 6144 : i32
      %dma_start3A_368 = tpu.memref_slice %arg16[%dma_start3A_367] : memref<8192xf32, #tpu.memory_space<vmem>> -> memref<1024xf32, #tpu.memory_space<vmem>>
      tpu.enqueue_dma source(%dma_start3A_368 : memref<1024xf32, #tpu.memory_space<vmem>>) target(%dma_start3A_366 : memref<1024xf32, #tpu.memory_space<hbm>>) target_semaphore(%arg26 : memref<!tpu.dma_semaphore, #tpu.memory_space<semaphore_mem>>)
      %dma_start3A_369 = arith.constant 7 : i32
      %dma_start3A_370 = arith.constant 7168 : i32
      %dma_start3A_371 = tpu.memref_slice %arg16[%dma_start3A_370] : memref<8192xf32, #tpu.memory_space<vmem>> -> memref<1024xf32, #tpu.memory_space<vmem>>
      %dma_start3A_372 = arith.constant 0 : i32
      %dma_start3A_373 = tpu.memref_slice %arg5[%add3A_277, %dma_start3A_369, %add3A, %dma_start3A_372] : memref<200x8x32x1024xf32, #tpu.memory_space<hbm>> -> memref<1x1x1x1024xf32, #tpu.memory_space<hbm>>
      %dma_start3A_374 = tpu.memref_squeeze %dma_start3A_373 : memref<1x1x1x1024xf32, #tpu.memory_space<hbm>> -> memref<1024xf32, #tpu.memory_space<hbm>>
      %dma_start3A_375 = arith.constant 0 : i32
      %dma_start3A_376 = tpu.memref_slice %arg5[%add3A_277, %dma_start3A_369, %add3A, %dma_start3A_375] : memref<200x8x32x1024xf32, #tpu.memory_space<hbm>> -> memref<1x1x1x1024xf32, #tpu.memory_space<hbm>>
      %dma_start3A_377 = tpu.memref_squeeze %dma_start3A_376 : memref<1x1x1x1024xf32, #tpu.memory_space<hbm>> -> memref<1024xf32, #tpu.memory_space<hbm>>
      %dma_start3A_378 = arith.constant 7168 : i32
      %dma_start3A_379 = tpu.memref_slice %arg16[%dma_start3A_378] : memref<8192xf32, #tpu.memory_space<vmem>> -> memref<1024xf32, #tpu.memory_space<vmem>>
      tpu.enqueue_dma source(%dma_start3A_379 : memref<1024xf32, #tpu.memory_space<vmem>>) target(%dma_start3A_377 : memref<1024xf32, #tpu.memory_space<hbm>>) target_semaphore(%arg26 : memref<!tpu.dma_semaphore, #tpu.memory_space<semaphore_mem>>)
      %mul3A_380 = arith.constant 4 : i32
      %mul3A_381 = arith.muli %scan3A_273, %mul3A_380 : i32
      %add3A_382 = arith.constant 1 : i32
      %add3A_383 = arith.addi %mul3A_381, %add3A_382 : i32
      %sub3A_384 = arith.constant 1 : i32
      %sub3A_385 = arith.subi %add3A_383, %sub3A_384 : i32
      %dma_wait3A_386 = arith.constant 0 : i32
      %dma_wait3A_387 = arith.constant 0 : i32
      %dma_wait3A_388 = tpu.memref_slice %arg16[%dma_wait3A_387] : memref<8192xf32, #tpu.memory_space<vmem>> -> memref<1024xf32, #tpu.memory_space<vmem>>
      %dma_wait3A_389 = arith.constant 0 : i32
      %dma_wait3A_390 = tpu.memref_slice %arg5[%sub3A_385, %dma_wait3A_386, %add3A, %dma_wait3A_389] : memref<200x8x32x1024xf32, #tpu.memory_space<hbm>> -> memref<1x1x1x1024xf32, #tpu.memory_space<hbm>>
      %dma_wait3A_391 = tpu.memref_squeeze %dma_wait3A_390 : memref<1x1x1x1024xf32, #tpu.memory_space<hbm>> -> memref<1024xf32, #tpu.memory_space<hbm>>
      %dma_wait3A_392 = arith.constant 0 : i32
      %dma_wait3A_393 = tpu.memref_slice %arg5[%sub3A_385, %dma_wait3A_386, %add3A, %dma_wait3A_392] : memref<200x8x32x1024xf32, #tpu.memory_space<hbm>> -> memref<1x1x1x1024xf32, #tpu.memory_space<hbm>>
      %dma_wait3A_394 = tpu.memref_squeeze %dma_wait3A_393 : memref<1x1x1x1024xf32, #tpu.memory_space<hbm>> -> memref<1024xf32, #tpu.memory_space<hbm>>
      %dma_wait3A_395 = arith.constant 0 : i32
      %dma_wait3A_396 = tpu.memref_slice %arg16[%dma_wait3A_395] : memref<8192xf32, #tpu.memory_space<vmem>> -> memref<1024xf32, #tpu.memory_space<vmem>>
      tpu.wait_dma2 semaphore(%arg26 : memref<!tpu.dma_semaphore, #tpu.memory_space<semaphore_mem>>) src(%dma_wait3A_396 : memref<1024xf32, #tpu.memory_space<vmem>>) dst(%dma_wait3A_394 : memref<1024xf32, #tpu.memory_space<hbm>>)
      %sub3A_397 = arith.constant 1 : i32
      %sub3A_398 = arith.subi %add3A_383, %sub3A_397 : i32
      %dma_wait3A_399 = arith.constant 1 : i32
      %dma_wait3A_400 = arith.constant 1024 : i32
      %dma_wait3A_401 = tpu.memref_slice %arg16[%dma_wait3A_400] : memref<8192xf32, #tpu.memory_space<vmem>> -> memref<1024xf32, #tpu.memory_space<vmem>>
      %dma_wait3A_402 = arith.constant 0 : i32
      %dma_wait3A_403 = tpu.memref_slice %arg5[%sub3A_398, %dma_wait3A_399, %add3A, %dma_wait3A_402] : memref<200x8x32x1024xf32, #tpu.memory_space<hbm>> -> memref<1x1x1x1024xf32, #tpu.memory_space<hbm>>
      %dma_wait3A_404 = tpu.memref_squeeze %dma_wait3A_403 : memref<1x1x1x1024xf32, #tpu.memory_space<hbm>> -> memref<1024xf32, #tpu.memory_space<hbm>>
      %dma_wait3A_405 = arith.constant 0 : i32
      %dma_wait3A_406 = tpu.memref_slice %arg5[%sub3A_398, %dma_wait3A_399, %add3A, %dma_wait3A_405] : memref<200x8x32x1024xf32, #tpu.memory_space<hbm>> -> memref<1x1x1x1024xf32, #tpu.memory_space<hbm>>
      %dma_wait3A_407 = tpu.memref_squeeze %dma_wait3A_406 : memref<1x1x1x1024xf32, #tpu.memory_space<hbm>> -> memref<1024xf32, #tpu.memory_space<hbm>>
      %dma_wait3A_408 = arith.constant 1024 : i32
      %dma_wait3A_409 = tpu.memref_slice %arg16[%dma_wait3A_408] : memref<8192xf32, #tpu.memory_space<vmem>> -> memref<1024xf32, #tpu.memory_space<vmem>>
      tpu.wait_dma2 semaphore(%arg26 : memref<!tpu.dma_semaphore, #tpu.memory_space<semaphore_mem>>) src(%dma_wait3A_409 : memref<1024xf32, #tpu.memory_space<vmem>>) dst(%dma_wait3A_407 : memref<1024xf32, #tpu.memory_space<hbm>>)
      %sub3A_410 = arith.constant 1 : i32
      %sub3A_411 = arith.subi %add3A_383, %sub3A_410 : i32
      %dma_wait3A_412 = arith.constant 2 : i32
      %dma_wait3A_413 = arith.constant 2048 : i32
      %dma_wait3A_414 = tpu.memref_slice %arg16[%dma_wait3A_413] : memref<8192xf32, #tpu.memory_space<vmem>> -> memref<1024xf32, #tpu.memory_space<vmem>>
      %dma_wait3A_415 = arith.constant 0 : i32
      %dma_wait3A_416 = tpu.memref_slice %arg5[%sub3A_411, %dma_wait3A_412, %add3A, %dma_wait3A_415] : memref<200x8x32x1024xf32, #tpu.memory_space<hbm>> -> memref<1x1x1x1024xf32, #tpu.memory_space<hbm>>
      %dma_wait3A_417 = tpu.memref_squeeze %dma_wait3A_416 : memref<1x1x1x1024xf32, #tpu.memory_space<hbm>> -> memref<1024xf32, #tpu.memory_space<hbm>>
      %dma_wait3A_418 = arith.constant 0 : i32
      %dma_wait3A_419 = tpu.memref_slice %arg5[%sub3A_411, %dma_wait3A_412, %add3A, %dma_wait3A_418] : memref<200x8x32x1024xf32, #tpu.memory_space<hbm>> -> memref<1x1x1x1024xf32, #tpu.memory_space<hbm>>
      %dma_wait3A_420 = tpu.memref_squeeze %dma_wait3A_419 : memref<1x1x1x1024xf32, #tpu.memory_space<hbm>> -> memref<1024xf32, #tpu.memory_space<hbm>>
      %dma_wait3A_421 = arith.constant 2048 : i32
      %dma_wait3A_422 = tpu.memref_slice %arg16[%dma_wait3A_421] : memref<8192xf32, #tpu.memory_space<vmem>> -> memref<1024xf32, #tpu.memory_space<vmem>>
      tpu.wait_dma2 semaphore(%arg26 : memref<!tpu.dma_semaphore, #tpu.memory_space<semaphore_mem>>) src(%dma_wait3A_422 : memref<1024xf32, #tpu.memory_space<vmem>>) dst(%dma_wait3A_420 : memref<1024xf32, #tpu.memory_space<hbm>>)
      %sub3A_423 = arith.constant 1 : i32
      %sub3A_424 = arith.subi %add3A_383, %sub3A_423 : i32
      %dma_wait3A_425 = arith.constant 3 : i32
      %dma_wait3A_426 = arith.constant 3072 : i32
      %dma_wait3A_427 = tpu.memref_slice %arg16[%dma_wait3A_426] : memref<8192xf32, #tpu.memory_space<vmem>> -> memref<1024xf32, #tpu.memory_space<vmem>>
      %dma_wait3A_428 = arith.constant 0 : i32
      %dma_wait3A_429 = tpu.memref_slice %arg5[%sub3A_424, %dma_wait3A_425, %add3A, %dma_wait3A_428] : memref<200x8x32x1024xf32, #tpu.memory_space<hbm>> -> memref<1x1x1x1024xf32, #tpu.memory_space<hbm>>
      %dma_wait3A_430 = tpu.memref_squeeze %dma_wait3A_429 : memref<1x1x1x1024xf32, #tpu.memory_space<hbm>> -> memref<1024xf32, #tpu.memory_space<hbm>>
      %dma_wait3A_431 = arith.constant 0 : i32
      %dma_wait3A_432 = tpu.memref_slice %arg5[%sub3A_424, %dma_wait3A_425, %add3A, %dma_wait3A_431] : memref<200x8x32x1024xf32, #tpu.memory_space<hbm>> -> memref<1x1x1x1024xf32, #tpu.memory_space<hbm>>
      %dma_wait3A_433 = tpu.memref_squeeze %dma_wait3A_432 : memref<1x1x1x1024xf32, #tpu.memory_space<hbm>> -> memref<1024xf32, #tpu.memory_space<hbm>>
      %dma_wait3A_434 = arith.constant 3072 : i32
      %dma_wait3A_435 = tpu.memref_slice %arg16[%dma_wait3A_434] : memref<8192xf32, #tpu.memory_space<vmem>> -> memref<1024xf32, #tpu.memory_space<vmem>>
      tpu.wait_dma2 semaphore(%arg26 : memref<!tpu.dma_semaphore, #tpu.memory_space<semaphore_mem>>) src(%dma_wait3A_435 : memref<1024xf32, #tpu.memory_space<vmem>>) dst(%dma_wait3A_433 : memref<1024xf32, #tpu.memory_space<hbm>>)
      %sub3A_436 = arith.constant 1 : i32
      %sub3A_437 = arith.subi %add3A_383, %sub3A_436 : i32
      %dma_wait3A_438 = arith.constant 4 : i32
      %dma_wait3A_439 = arith.constant 4096 : i32
      %dma_wait3A_440 = tpu.memref_slice %arg16[%dma_wait3A_439] : memref<8192xf32, #tpu.memory_space<vmem>> -> memref<1024xf32, #tpu.memory_space<vmem>>
      %dma_wait3A_441 = arith.constant 0 : i32
      %dma_wait3A_442 = tpu.memref_slice %arg5[%sub3A_437, %dma_wait3A_438, %add3A, %dma_wait3A_441] : memref<200x8x32x1024xf32, #tpu.memory_space<hbm>> -> memref<1x1x1x1024xf32, #tpu.memory_space<hbm>>
      %dma_wait3A_443 = tpu.memref_squeeze %dma_wait3A_442 : memref<1x1x1x1024xf32, #tpu.memory_space<hbm>> -> memref<1024xf32, #tpu.memory_space<hbm>>
      %dma_wait3A_444 = arith.constant 0 : i32
      %dma_wait3A_445 = tpu.memref_slice %arg5[%sub3A_437, %dma_wait3A_438, %add3A, %dma_wait3A_444] : memref<200x8x32x1024xf32, #tpu.memory_space<hbm>> -> memref<1x1x1x1024xf32, #tpu.memory_space<hbm>>
      %dma_wait3A_446 = tpu.memref_squeeze %dma_wait3A_445 : memref<1x1x1x1024xf32, #tpu.memory_space<hbm>> -> memref<1024xf32, #tpu.memory_space<hbm>>
      %dma_wait3A_447 = arith.constant 4096 : i32
      %dma_wait3A_448 = tpu.memref_slice %arg16[%dma_wait3A_447] : memref<8192xf32, #tpu.memory_space<vmem>> -> memref<1024xf32, #tpu.memory_space<vmem>>
      tpu.wait_dma2 semaphore(%arg26 : memref<!tpu.dma_semaphore, #tpu.memory_space<semaphore_mem>>) src(%dma_wait3A_448 : memref<1024xf32, #tpu.memory_space<vmem>>) dst(%dma_wait3A_446 : memref<1024xf32, #tpu.memory_space<hbm>>)
      %sub3A_449 = arith.constant 1 : i32
      %sub3A_450 = arith.subi %add3A_383, %sub3A_449 : i32
      %dma_wait3A_451 = arith.constant 5 : i32
      %dma_wait3A_452 = arith.constant 5120 : i32
      %dma_wait3A_453 = tpu.memref_slice %arg16[%dma_wait3A_452] : memref<8192xf32, #tpu.memory_space<vmem>> -> memref<1024xf32, #tpu.memory_space<vmem>>
      %dma_wait3A_454 = arith.constant 0 : i32
      %dma_wait3A_455 = tpu.memref_slice %arg5[%sub3A_450, %dma_wait3A_451, %add3A, %dma_wait3A_454] : memref<200x8x32x1024xf32, #tpu.memory_space<hbm>> -> memref<1x1x1x1024xf32, #tpu.memory_space<hbm>>
      %dma_wait3A_456 = tpu.memref_squeeze %dma_wait3A_455 : memref<1x1x1x1024xf32, #tpu.memory_space<hbm>> -> memref<1024xf32, #tpu.memory_space<hbm>>
      %dma_wait3A_457 = arith.constant 0 : i32
      %dma_wait3A_458 = tpu.memref_slice %arg5[%sub3A_450, %dma_wait3A_451, %add3A, %dma_wait3A_457] : memref<200x8x32x1024xf32, #tpu.memory_space<hbm>> -> memref<1x1x1x1024xf32, #tpu.memory_space<hbm>>
      %dma_wait3A_459 = tpu.memref_squeeze %dma_wait3A_458 : memref<1x1x1x1024xf32, #tpu.memory_space<hbm>> -> memref<1024xf32, #tpu.memory_space<hbm>>
      %dma_wait3A_460 = arith.constant 5120 : i32
      %dma_wait3A_461 = tpu.memref_slice %arg16[%dma_wait3A_460] : memref<8192xf32, #tpu.memory_space<vmem>> -> memref<1024xf32, #tpu.memory_space<vmem>>
      tpu.wait_dma2 semaphore(%arg26 : memref<!tpu.dma_semaphore, #tpu.memory_space<semaphore_mem>>) src(%dma_wait3A_461 : memref<1024xf32, #tpu.memory_space<vmem>>) dst(%dma_wait3A_459 : memref<1024xf32, #tpu.memory_space<hbm>>)
      %sub3A_462 = arith.constant 1 : i32
      %sub3A_463 = arith.subi %add3A_383, %sub3A_462 : i32
      %dma_wait3A_464 = arith.constant 6 : i32
      %dma_wait3A_465 = arith.constant 6144 : i32
      %dma_wait3A_466 = tpu.memref_slice %arg16[%dma_wait3A_465] : memref<8192xf32, #tpu.memory_space<vmem>> -> memref<1024xf32, #tpu.memory_space<vmem>>
      %dma_wait3A_467 = arith.constant 0 : i32
      %dma_wait3A_468 = tpu.memref_slice %arg5[%sub3A_463, %dma_wait3A_464, %add3A, %dma_wait3A_467] : memref<200x8x32x1024xf32, #tpu.memory_space<hbm>> -> memref<1x1x1x1024xf32, #tpu.memory_space<hbm>>
      %dma_wait3A_469 = tpu.memref_squeeze %dma_wait3A_468 : memref<1x1x1x1024xf32, #tpu.memory_space<hbm>> -> memref<1024xf32, #tpu.memory_space<hbm>>
      %dma_wait3A_470 = arith.constant 0 : i32
      %dma_wait3A_471 = tpu.memref_slice %arg5[%sub3A_463, %dma_wait3A_464, %add3A, %dma_wait3A_470] : memref<200x8x32x1024xf32, #tpu.memory_space<hbm>> -> memref<1x1x1x1024xf32, #tpu.memory_space<hbm>>
      %dma_wait3A_472 = tpu.memref_squeeze %dma_wait3A_471 : memref<1x1x1x1024xf32, #tpu.memory_space<hbm>> -> memref<1024xf32, #tpu.memory_space<hbm>>
      %dma_wait3A_473 = arith.constant 6144 : i32
      %dma_wait3A_474 = tpu.memref_slice %arg16[%dma_wait3A_473] : memref<8192xf32, #tpu.memory_space<vmem>> -> memref<1024xf32, #tpu.memory_space<vmem>>
      tpu.wait_dma2 semaphore(%arg26 : memref<!tpu.dma_semaphore, #tpu.memory_space<semaphore_mem>>) src(%dma_wait3A_474 : memref<1024xf32, #tpu.memory_space<vmem>>) dst(%dma_wait3A_472 : memref<1024xf32, #tpu.memory_space<hbm>>)
      %sub3A_475 = arith.constant 1 : i32
      %sub3A_476 = arith.subi %add3A_383, %sub3A_475 : i32
      %dma_wait3A_477 = arith.constant 7 : i32
      %dma_wait3A_478 = arith.constant 7168 : i32
      %dma_wait3A_479 = tpu.memref_slice %arg16[%dma_wait3A_478] : memref<8192xf32, #tpu.memory_space<vmem>> -> memref<1024xf32, #tpu.memory_space<vmem>>
      %dma_wait3A_480 = arith.constant 0 : i32
      %dma_wait3A_481 = tpu.memref_slice %arg5[%sub3A_476, %dma_wait3A_477, %add3A, %dma_wait3A_480] : memref<200x8x32x1024xf32, #tpu.memory_space<hbm>> -> memref<1x1x1x1024xf32, #tpu.memory_space<hbm>>
      %dma_wait3A_482 = tpu.memref_squeeze %dma_wait3A_481 : memref<1x1x1x1024xf32, #tpu.memory_space<hbm>> -> memref<1024xf32, #tpu.memory_space<hbm>>
      %dma_wait3A_483 = arith.constant 0 : i32
      %dma_wait3A_484 = tpu.memref_slice %arg5[%sub3A_476, %dma_wait3A_477, %add3A, %dma_wait3A_483] : memref<200x8x32x1024xf32, #tpu.memory_space<hbm>> -> memref<1x1x1x1024xf32, #tpu.memory_space<hbm>>
      %dma_wait3A_485 = tpu.memref_squeeze %dma_wait3A_484 : memref<1x1x1x1024xf32, #tpu.memory_space<hbm>> -> memref<1024xf32, #tpu.memory_space<hbm>>
      %dma_wait3A_486 = arith.constant 7168 : i32
      %dma_wait3A_487 = tpu.memref_slice %arg16[%dma_wait3A_486] : memref<8192xf32, #tpu.memory_space<vmem>> -> memref<1024xf32, #tpu.memory_space<vmem>>
      tpu.wait_dma2 semaphore(%arg26 : memref<!tpu.dma_semaphore, #tpu.memory_space<semaphore_mem>>) src(%dma_wait3A_487 : memref<1024xf32, #tpu.memory_space<vmem>>) dst(%dma_wait3A_485 : memref<1024xf32, #tpu.memory_space<hbm>>)
      %add3A_488 = arith.constant 4 : i32
      %add3A_489 = arith.addi %add3A_383, %add3A_488 : i32
      %sub3A_490 = arith.constant 1 : i32
      %sub3A_491 = arith.subi %add3A_489, %sub3A_490 : i32
      %lt3A_492 = arith.constant 200 : i32
      %lt3A_493 = arith.cmpi slt, %sub3A_491, %lt3A_492 : i32
      %convert_element_type3A_494 = arith.extui %lt3A_493 : i1 to i32
      %cond3A_495 = arith.constant 0 : i32
      %cond3A_496 = arith.cmpi ne, %convert_element_type3A_494, %cond3A_495 : i32
      scf.if %cond3A_496 {
        %add3A_1013 = arith.constant 4 : i32
        %add3A_1014 = arith.addi %add3A_383, %add3A_1013 : i32
        %sub3A_1015 = arith.constant 1 : i32
        %sub3A_1016 = arith.subi %add3A_1014, %sub3A_1015 : i32
        %add3A_1017 = arith.constant 0 : i32
        %add3A_1018 = arith.addi %add3A_1017, %sub3A_1016 : i32
        %add3A_1019 = vector.broadcast %add3A_1018 : i32 to vector<16xi32>
        %add3A_1020 = arith.addi %mul3A_5, %add3A_1019 : vector<16xi32>
        %gather3A_1021 = tpu.vector_load_idx %arg6[%add3A_1020] : memref<25600xi32, #tpu.memory_space<vmem>>[vector<16xi32>], vector<16xi32>,
        %swap3A_1022 = arith.constant 0 : index
        %swap3A_1023 = tpu.vector_load %arg8[%swap3A_1022] {strides = array<i32>} : memref<128xi32, #tpu.memory_space<vmem>>, vector<16xi32>,
        tpu.vector_store %arg8[%swap3A_1022], %gather3A_1021 {strides = array<i32>} : memref<128xi32, #tpu.memory_space<vmem>>, vector<16xi32>,
        %add3A_1024 = arith.constant 3200 : i32
        %add3A_1025 = arith.addi %add3A_1024, %sub3A_1016 : i32
        %add3A_1026 = vector.broadcast %add3A_1025 : i32 to vector<16xi32>
        %add3A_1027 = arith.addi %mul3A_5, %add3A_1026 : vector<16xi32>
        %gather3A_1028 = tpu.vector_load_idx %arg6[%add3A_1027] : memref<25600xi32, #tpu.memory_space<vmem>>[vector<16xi32>], vector<16xi32>,
        %swap3A_1029 = arith.constant 16 : index
        %swap3A_1030 = tpu.vector_load %arg8[%swap3A_1029] {strides = array<i32>} : memref<128xi32, #tpu.memory_space<vmem>>, vector<16xi32>,
        tpu.vector_store %arg8[%swap3A_1029], %gather3A_1028 {strides = array<i32>} : memref<128xi32, #tpu.memory_space<vmem>>, vector<16xi32>,
        %add3A_1031 = arith.constant 6400 : i32
        %add3A_1032 = arith.addi %add3A_1031, %sub3A_1016 : i32
        %add3A_1033 = vector.broadcast %add3A_1032 : i32 to vector<16xi32>
        %add3A_1034 = arith.addi %mul3A_5, %add3A_1033 : vector<16xi32>
        %gather3A_1035 = tpu.vector_load_idx %arg6[%add3A_1034] : memref<25600xi32, #tpu.memory_space<vmem>>[vector<16xi32>], vector<16xi32>,
        %swap3A_1036 = arith.constant 32 : index
        %swap3A_1037 = tpu.vector_load %arg8[%swap3A_1036] {strides = array<i32>} : memref<128xi32, #tpu.memory_space<vmem>>, vector<16xi32>,
        tpu.vector_store %arg8[%swap3A_1036], %gather3A_1035 {strides = array<i32>} : memref<128xi32, #tpu.memory_space<vmem>>, vector<16xi32>,
        %add3A_1038 = arith.constant 9600 : i32
        %add3A_1039 = arith.addi %add3A_1038, %sub3A_1016 : i32
        %add3A_1040 = vector.broadcast %add3A_1039 : i32 to vector<16xi32>
        %add3A_1041 = arith.addi %mul3A_5, %add3A_1040 : vector<16xi32>
        %gather3A_1042 = tpu.vector_load_idx %arg6[%add3A_1041] : memref<25600xi32, #tpu.memory_space<vmem>>[vector<16xi32>], vector<16xi32>,
        %swap3A_1043 = arith.constant 48 : index
        %swap3A_1044 = tpu.vector_load %arg8[%swap3A_1043] {strides = array<i32>} : memref<128xi32, #tpu.memory_space<vmem>>, vector<16xi32>,
        tpu.vector_store %arg8[%swap3A_1043], %gather3A_1042 {strides = array<i32>} : memref<128xi32, #tpu.memory_space<vmem>>, vector<16xi32>,
        %add3A_1045 = arith.constant 12800 : i32
        %add3A_1046 = arith.addi %add3A_1045, %sub3A_1016 : i32
        %add3A_1047 = vector.broadcast %add3A_1046 : i32 to vector<16xi32>
        %add3A_1048 = arith.addi %mul3A_5, %add3A_1047 : vector<16xi32>
        %gather3A_1049 = tpu.vector_load_idx %arg6[%add3A_1048] : memref<25600xi32, #tpu.memory_space<vmem>>[vector<16xi32>], vector<16xi32>,
        %swap3A_1050 = arith.constant 64 : index
        %swap3A_1051 = tpu.vector_load %arg8[%swap3A_1050] {strides = array<i32>} : memref<128xi32, #tpu.memory_space<vmem>>, vector<16xi32>,
        tpu.vector_store %arg8[%swap3A_1050], %gather3A_1049 {strides = array<i32>} : memref<128xi32, #tpu.memory_space<vmem>>, vector<16xi32>,
        %add3A_1052 = arith.constant 16000 : i32
        %add3A_1053 = arith.addi %add3A_1052, %sub3A_1016 : i32
        %add3A_1054 = vector.broadcast %add3A_1053 : i32 to vector<16xi32>
        %add3A_1055 = arith.addi %mul3A_5, %add3A_1054 : vector<16xi32>
        %gather3A_1056 = tpu.vector_load_idx %arg6[%add3A_1055] : memref<25600xi32, #tpu.memory_space<vmem>>[vector<16xi32>], vector<16xi32>,
        %swap3A_1057 = arith.constant 80 : index
        %swap3A_1058 = tpu.vector_load %arg8[%swap3A_1057] {strides = array<i32>} : memref<128xi32, #tpu.memory_space<vmem>>, vector<16xi32>,
        tpu.vector_store %arg8[%swap3A_1057], %gather3A_1056 {strides = array<i32>} : memref<128xi32, #tpu.memory_space<vmem>>, vector<16xi32>,
        %add3A_1059 = arith.constant 19200 : i32
        %add3A_1060 = arith.addi %add3A_1059, %sub3A_1016 : i32
        %add3A_1061 = vector.broadcast %add3A_1060 : i32 to vector<16xi32>
        %add3A_1062 = arith.addi %mul3A_5, %add3A_1061 : vector<16xi32>
        %gather3A_1063 = tpu.vector_load_idx %arg6[%add3A_1062] : memref<25600xi32, #tpu.memory_space<vmem>>[vector<16xi32>], vector<16xi32>,
        %swap3A_1064 = arith.constant 96 : index
        %swap3A_1065 = tpu.vector_load %arg8[%swap3A_1064] {strides = array<i32>} : memref<128xi32, #tpu.memory_space<vmem>>, vector<16xi32>,
        tpu.vector_store %arg8[%swap3A_1064], %gather3A_1063 {strides = array<i32>} : memref<128xi32, #tpu.memory_space<vmem>>, vector<16xi32>,
        %add3A_1066 = arith.constant 22400 : i32
        %add3A_1067 = arith.addi %add3A_1066, %sub3A_1016 : i32
        %add3A_1068 = vector.broadcast %add3A_1067 : i32 to vector<16xi32>
        %add3A_1069 = arith.addi %mul3A_5, %add3A_1068 : vector<16xi32>
        %gather3A_1070 = tpu.vector_load_idx %arg6[%add3A_1069] : memref<25600xi32, #tpu.memory_space<vmem>>[vector<16xi32>], vector<16xi32>,
        %swap3A_1071 = arith.constant 112 : index
        %swap3A_1072 = tpu.vector_load %arg8[%swap3A_1071] {strides = array<i32>} : memref<128xi32, #tpu.memory_space<vmem>>, vector<16xi32>,
        tpu.vector_store %arg8[%swap3A_1071], %gather3A_1070 {strides = array<i32>} : memref<128xi32, #tpu.memory_space<vmem>>, vector<16xi32>,
        %dma_start3A_1073 = arith.constant 0 : i32
        %dma_start3A_1074 = arith.constant 0 : i32
        %dma_start3A_1075 = tpu.memref_slice %arg3[%dma_start3A_1073, %dma_start3A_1074] : memref<1000000x64xf32, #tpu.memory_space<hbm>> -> memref<1000000x64xf32, #tpu.memory_space<hbm>>
        tpu.enqueue_indirect_dma source(%dma_start3A_1075 : memref<1000000x64xf32, #tpu.memory_space<hbm>>) target(%arg12 : memref<128x64xf32, #tpu.memory_space<vmem>>) offsets(%arg8 : memref<128xi32, #tpu.memory_space<vmem>>) semaphore(%arg22 : memref<!tpu.dma_semaphore, #tpu.memory_space<semaphore_mem>>)
      } else {
      }
      %dma_wait3A_497 = arith.constant 0 : i32
      %dma_wait3A_498 = arith.constant 0 : i32
      %dma_wait3A_499 = tpu.memref_slice %arg3[%dma_wait3A_497, %dma_wait3A_498] : memref<1000000x64xf32, #tpu.memory_space<hbm>> -> memref<1000000x64xf32, #tpu.memory_space<hbm>>
      tpu.wait_indirect_dma semaphore(%arg23 : memref<!tpu.dma_semaphore, #tpu.memory_space<semaphore_mem>>) src(%dma_wait3A_499 : memref<1000000x64xf32, #tpu.memory_space<hbm>>) dst(%arg13 : memref<128x64xf32, #tpu.memory_space<vmem>>)
      %parallel_loop3A_500 = arith.constant 0 : i32
      %parallel_loop3A_501 = arith.constant 64 : i32
      %parallel_loop3A_502 = arith.constant 1 : i32
      scf.for %parallel_loop3A_1013 = %parallel_loop3A_500 to %parallel_loop3A_501 step %parallel_loop3A_502  : i32 {
        %parallel_loop3A_1014 = arith.constant 2 : i32
        %parallel_loop3A_1015 = arith.shrsi %parallel_loop3A_1013, %parallel_loop3A_1014 : i32
        %parallel_loop3A_1016 = arith.constant 3 : i32
        %parallel_loop3A_1017 = arith.andi %parallel_loop3A_1013, %parallel_loop3A_1016 : i32
        %parallel_loop3A_1018 = arith.constant 16 : i32
        %parallel_loop3A_1019 = arith.muli %parallel_loop3A_1015, %parallel_loop3A_1018 : i32
        %parallel_loop3A_1020 = arith.index_cast %parallel_loop3A_1019 : i32 to index
        %parallel_loop3A_1021 = tpu.vector_load %arg20[%parallel_loop3A_1020] {strides = array<i32>} : memref<256xi32, #tpu.memory_space<vmem>>, vector<16xi32>,
        %parallel_loop3A_1022 = arith.constant 16 : i32
        %parallel_loop3A_1023 = arith.muli %parallel_loop3A_1015, %parallel_loop3A_1022 : i32
        %parallel_loop3A_1024 = arith.index_cast %parallel_loop3A_1023 : i32 to index
        %parallel_loop3A_1025 = tpu.vector_load %arg21[%parallel_loop3A_1024] {strides = array<i32>} : memref<256xi32, #tpu.memory_space<vmem>>, vector<16xi32>,
        %parallel_loop3A_1026 = arith.constant 16 : i32
        %parallel_loop3A_1027 = arith.muli %parallel_loop3A_1017, %parallel_loop3A_1026 : i32
        %parallel_loop3A_1028 = arith.index_cast %add3A_383 : i32 to index
        %parallel_loop3A_1029 = arith.index_cast %parallel_loop3A_1027 : i32 to index
        %parallel_loop3A_1030 = tpu.vector_load %arg7[%parallel_loop3A_1028, %parallel_loop3A_1029] {strides = array<i32>} : memref<200x64xf32, #tpu.memory_space<vmem>>, vector<16xf32>,
        %parallel_loop3A_1031 = arith.constant 16 : i32
        %parallel_loop3A_1032 = arith.muli %parallel_loop3A_1017, %parallel_loop3A_1031 : i32
        %parallel_loop3A_1033 = vector.broadcast %parallel_loop3A_1032 : i32 to vector<16xi32>
        %parallel_loop3A_1034 = arith.addi %iota3A, %parallel_loop3A_1033 : vector<16xi32>
        %parallel_loop3A_1035 = arith.constant 2 : i32
        %parallel_loop3A_1036 = arith.muli %parallel_loop3A_1017, %parallel_loop3A_1035 : i32
        %parallel_loop3A_1037 = arith.constant 1024 : i32
        %parallel_loop3A_1038 = arith.muli %parallel_loop3A_1036, %parallel_loop3A_1037 : i32
        %parallel_loop3A_1039 = arith.constant 0 : i32
        %parallel_loop3A_1040 = arith.addi %parallel_loop3A_1038, %parallel_loop3A_1039 : i32
        %parallel_loop3A_1041 = arith.constant 0 : i32
        %parallel_loop3A_1042 = arith.constant 0 : i32
        %parallel_loop3A_1043 = tpu.memref_slice %arg13[%parallel_loop3A_1041, %parallel_loop3A_1042] : memref<128x64xf32, #tpu.memory_space<vmem>> -> memref<16x64xf32, #tpu.memory_space<vmem>>
        %parallel_loop3A_1044 = tpu.vector_load_idx %parallel_loop3A_1043[%parallel_loop3A_1021, %parallel_loop3A_1034] : memref<16x64xf32, #tpu.memory_space<vmem>>[vector<16xi32>, vector<16xi32>], vector<16xf32>,
        %parallel_loop3A_1045 = arith.addf %parallel_loop3A_1044, %parallel_loop3A_1030 : vector<16xf32>
        %parallel_loop3A_1046 = tpu.memref_slice %arg17[%parallel_loop3A_1040] : memref<8192xf32, #tpu.memory_space<vmem>> -> memref<1936xf32, #tpu.memory_space<vmem>>
        tpu.vector_store_idx %parallel_loop3A_1046[%parallel_loop3A_1025], %parallel_loop3A_1045 : memref<1936xf32, #tpu.memory_space<vmem>>[vector<16xi32>], vector<16xf32>,
        %parallel_loop3A_1047 = arith.constant 2 : i32
        %parallel_loop3A_1048 = arith.muli %parallel_loop3A_1017, %parallel_loop3A_1047 : i32
        %parallel_loop3A_1049 = arith.constant 1024 : i32
        %parallel_loop3A_1050 = arith.muli %parallel_loop3A_1048, %parallel_loop3A_1049 : i32
        %parallel_loop3A_1051 = arith.constant 16 : i32
        %parallel_loop3A_1052 = arith.addi %parallel_loop3A_1050, %parallel_loop3A_1051 : i32
        %parallel_loop3A_1053 = arith.constant 16 : i32
        %parallel_loop3A_1054 = arith.constant 0 : i32
        %parallel_loop3A_1055 = tpu.memref_slice %arg13[%parallel_loop3A_1053, %parallel_loop3A_1054] : memref<128x64xf32, #tpu.memory_space<vmem>> -> memref<16x64xf32, #tpu.memory_space<vmem>>
        %parallel_loop3A_1056 = tpu.vector_load_idx %parallel_loop3A_1055[%parallel_loop3A_1021, %parallel_loop3A_1034] : memref<16x64xf32, #tpu.memory_space<vmem>>[vector<16xi32>, vector<16xi32>], vector<16xf32>,
        %parallel_loop3A_1057 = arith.addf %parallel_loop3A_1056, %parallel_loop3A_1030 : vector<16xf32>
        %parallel_loop3A_1058 = tpu.memref_slice %arg17[%parallel_loop3A_1052] : memref<8192xf32, #tpu.memory_space<vmem>> -> memref<1936xf32, #tpu.memory_space<vmem>>
        tpu.vector_store_idx %parallel_loop3A_1058[%parallel_loop3A_1025], %parallel_loop3A_1057 : memref<1936xf32, #tpu.memory_space<vmem>>[vector<16xi32>], vector<16xf32>,
        %parallel_loop3A_1059 = arith.constant 2 : i32
        %parallel_loop3A_1060 = arith.muli %parallel_loop3A_1017, %parallel_loop3A_1059 : i32
        %parallel_loop3A_1061 = arith.constant 1024 : i32
        %parallel_loop3A_1062 = arith.muli %parallel_loop3A_1060, %parallel_loop3A_1061 : i32
        %parallel_loop3A_1063 = arith.constant 32 : i32
        %parallel_loop3A_1064 = arith.addi %parallel_loop3A_1062, %parallel_loop3A_1063 : i32
        %parallel_loop3A_1065 = arith.constant 32 : i32
        %parallel_loop3A_1066 = arith.constant 0 : i32
        %parallel_loop3A_1067 = tpu.memref_slice %arg13[%parallel_loop3A_1065, %parallel_loop3A_1066] : memref<128x64xf32, #tpu.memory_space<vmem>> -> memref<16x64xf32, #tpu.memory_space<vmem>>
        %parallel_loop3A_1068 = tpu.vector_load_idx %parallel_loop3A_1067[%parallel_loop3A_1021, %parallel_loop3A_1034] : memref<16x64xf32, #tpu.memory_space<vmem>>[vector<16xi32>, vector<16xi32>], vector<16xf32>,
        %parallel_loop3A_1069 = arith.addf %parallel_loop3A_1068, %parallel_loop3A_1030 : vector<16xf32>
        %parallel_loop3A_1070 = tpu.memref_slice %arg17[%parallel_loop3A_1064] : memref<8192xf32, #tpu.memory_space<vmem>> -> memref<1936xf32, #tpu.memory_space<vmem>>
        tpu.vector_store_idx %parallel_loop3A_1070[%parallel_loop3A_1025], %parallel_loop3A_1069 : memref<1936xf32, #tpu.memory_space<vmem>>[vector<16xi32>], vector<16xf32>,
        %parallel_loop3A_1071 = arith.constant 2 : i32
        %parallel_loop3A_1072 = arith.muli %parallel_loop3A_1017, %parallel_loop3A_1071 : i32
        %parallel_loop3A_1073 = arith.constant 1024 : i32
        %parallel_loop3A_1074 = arith.muli %parallel_loop3A_1072, %parallel_loop3A_1073 : i32
        %parallel_loop3A_1075 = arith.constant 48 : i32
        %parallel_loop3A_1076 = arith.addi %parallel_loop3A_1074, %parallel_loop3A_1075 : i32
        %parallel_loop3A_1077 = arith.constant 48 : i32
        %parallel_loop3A_1078 = arith.constant 0 : i32
        %parallel_loop3A_1079 = tpu.memref_slice %arg13[%parallel_loop3A_1077, %parallel_loop3A_1078] : memref<128x64xf32, #tpu.memory_space<vmem>> -> memref<16x64xf32, #tpu.memory_space<vmem>>
        %parallel_loop3A_1080 = tpu.vector_load_idx %parallel_loop3A_1079[%parallel_loop3A_1021, %parallel_loop3A_1034] : memref<16x64xf32, #tpu.memory_space<vmem>>[vector<16xi32>, vector<16xi32>], vector<16xf32>,
        %parallel_loop3A_1081 = arith.addf %parallel_loop3A_1080, %parallel_loop3A_1030 : vector<16xf32>
        %parallel_loop3A_1082 = tpu.memref_slice %arg17[%parallel_loop3A_1076] : memref<8192xf32, #tpu.memory_space<vmem>> -> memref<1936xf32, #tpu.memory_space<vmem>>
        tpu.vector_store_idx %parallel_loop3A_1082[%parallel_loop3A_1025], %parallel_loop3A_1081 : memref<1936xf32, #tpu.memory_space<vmem>>[vector<16xi32>], vector<16xf32>,
        %parallel_loop3A_1083 = arith.constant 2 : i32
        %parallel_loop3A_1084 = arith.muli %parallel_loop3A_1017, %parallel_loop3A_1083 : i32
        %parallel_loop3A_1085 = arith.constant 1024 : i32
        %parallel_loop3A_1086 = arith.muli %parallel_loop3A_1084, %parallel_loop3A_1085 : i32
        %parallel_loop3A_1087 = arith.constant 64 : i32
        %parallel_loop3A_1088 = arith.addi %parallel_loop3A_1086, %parallel_loop3A_1087 : i32
        %parallel_loop3A_1089 = arith.constant 64 : i32
        %parallel_loop3A_1090 = arith.constant 0 : i32
        %parallel_loop3A_1091 = tpu.memref_slice %arg13[%parallel_loop3A_1089, %parallel_loop3A_1090] : memref<128x64xf32, #tpu.memory_space<vmem>> -> memref<16x64xf32, #tpu.memory_space<vmem>>
        %parallel_loop3A_1092 = tpu.vector_load_idx %parallel_loop3A_1091[%parallel_loop3A_1021, %parallel_loop3A_1034] : memref<16x64xf32, #tpu.memory_space<vmem>>[vector<16xi32>, vector<16xi32>], vector<16xf32>,
        %parallel_loop3A_1093 = arith.addf %parallel_loop3A_1092, %parallel_loop3A_1030 : vector<16xf32>
        %parallel_loop3A_1094 = tpu.memref_slice %arg17[%parallel_loop3A_1088] : memref<8192xf32, #tpu.memory_space<vmem>> -> memref<1936xf32, #tpu.memory_space<vmem>>
        tpu.vector_store_idx %parallel_loop3A_1094[%parallel_loop3A_1025], %parallel_loop3A_1093 : memref<1936xf32, #tpu.memory_space<vmem>>[vector<16xi32>], vector<16xf32>,
        %parallel_loop3A_1095 = arith.constant 2 : i32
        %parallel_loop3A_1096 = arith.muli %parallel_loop3A_1017, %parallel_loop3A_1095 : i32
        %parallel_loop3A_1097 = arith.constant 1024 : i32
        %parallel_loop3A_1098 = arith.muli %parallel_loop3A_1096, %parallel_loop3A_1097 : i32
        %parallel_loop3A_1099 = arith.constant 80 : i32
        %parallel_loop3A_1100 = arith.addi %parallel_loop3A_1098, %parallel_loop3A_1099 : i32
        %parallel_loop3A_1101 = arith.constant 80 : i32
        %parallel_loop3A_1102 = arith.constant 0 : i32
        %parallel_loop3A_1103 = tpu.memref_slice %arg13[%parallel_loop3A_1101, %parallel_loop3A_1102] : memref<128x64xf32, #tpu.memory_space<vmem>> -> memref<16x64xf32, #tpu.memory_space<vmem>>
        %parallel_loop3A_1104 = tpu.vector_load_idx %parallel_loop3A_1103[%parallel_loop3A_1021, %parallel_loop3A_1034] : memref<16x64xf32, #tpu.memory_space<vmem>>[vector<16xi32>, vector<16xi32>], vector<16xf32>,
        %parallel_loop3A_1105 = arith.addf %parallel_loop3A_1104, %parallel_loop3A_1030 : vector<16xf32>
        %parallel_loop3A_1106 = tpu.memref_slice %arg17[%parallel_loop3A_1100] : memref<8192xf32, #tpu.memory_space<vmem>> -> memref<1936xf32, #tpu.memory_space<vmem>>
        tpu.vector_store_idx %parallel_loop3A_1106[%parallel_loop3A_1025], %parallel_loop3A_1105 : memref<1936xf32, #tpu.memory_space<vmem>>[vector<16xi32>], vector<16xf32>,
        %parallel_loop3A_1107 = arith.constant 2 : i32
        %parallel_loop3A_1108 = arith.muli %parallel_loop3A_1017, %parallel_loop3A_1107 : i32
        %parallel_loop3A_1109 = arith.constant 1024 : i32
        %parallel_loop3A_1110 = arith.muli %parallel_loop3A_1108, %parallel_loop3A_1109 : i32
        %parallel_loop3A_1111 = arith.constant 96 : i32
        %parallel_loop3A_1112 = arith.addi %parallel_loop3A_1110, %parallel_loop3A_1111 : i32
        %parallel_loop3A_1113 = arith.constant 96 : i32
        %parallel_loop3A_1114 = arith.constant 0 : i32
        %parallel_loop3A_1115 = tpu.memref_slice %arg13[%parallel_loop3A_1113, %parallel_loop3A_1114] : memref<128x64xf32, #tpu.memory_space<vmem>> -> memref<16x64xf32, #tpu.memory_space<vmem>>
        %parallel_loop3A_1116 = tpu.vector_load_idx %parallel_loop3A_1115[%parallel_loop3A_1021, %parallel_loop3A_1034] : memref<16x64xf32, #tpu.memory_space<vmem>>[vector<16xi32>, vector<16xi32>], vector<16xf32>,
        %parallel_loop3A_1117 = arith.addf %parallel_loop3A_1116, %parallel_loop3A_1030 : vector<16xf32>
        %parallel_loop3A_1118 = tpu.memref_slice %arg17[%parallel_loop3A_1112] : memref<8192xf32, #tpu.memory_space<vmem>> -> memref<1936xf32, #tpu.memory_space<vmem>>
        tpu.vector_store_idx %parallel_loop3A_1118[%parallel_loop3A_1025], %parallel_loop3A_1117 : memref<1936xf32, #tpu.memory_space<vmem>>[vector<16xi32>], vector<16xf32>,
        %parallel_loop3A_1119 = arith.constant 2 : i32
        %parallel_loop3A_1120 = arith.muli %parallel_loop3A_1017, %parallel_loop3A_1119 : i32
        %parallel_loop3A_1121 = arith.constant 1024 : i32
        %parallel_loop3A_1122 = arith.muli %parallel_loop3A_1120, %parallel_loop3A_1121 : i32
        %parallel_loop3A_1123 = arith.constant 112 : i32
        %parallel_loop3A_1124 = arith.addi %parallel_loop3A_1122, %parallel_loop3A_1123 : i32
        %parallel_loop3A_1125 = arith.constant 112 : i32
        %parallel_loop3A_1126 = arith.constant 0 : i32
        %parallel_loop3A_1127 = tpu.memref_slice %arg13[%parallel_loop3A_1125, %parallel_loop3A_1126] : memref<128x64xf32, #tpu.memory_space<vmem>> -> memref<16x64xf32, #tpu.memory_space<vmem>>
        %parallel_loop3A_1128 = tpu.vector_load_idx %parallel_loop3A_1127[%parallel_loop3A_1021, %parallel_loop3A_1034] : memref<16x64xf32, #tpu.memory_space<vmem>>[vector<16xi32>, vector<16xi32>], vector<16xf32>,
        %parallel_loop3A_1129 = arith.addf %parallel_loop3A_1128, %parallel_loop3A_1030 : vector<16xf32>
        %parallel_loop3A_1130 = tpu.memref_slice %arg17[%parallel_loop3A_1124] : memref<8192xf32, #tpu.memory_space<vmem>> -> memref<1936xf32, #tpu.memory_space<vmem>>
        tpu.vector_store_idx %parallel_loop3A_1130[%parallel_loop3A_1025], %parallel_loop3A_1129 : memref<1936xf32, #tpu.memory_space<vmem>>[vector<16xi32>], vector<16xf32>,
      } {sc.loop_unroll_factor = 8 : i64, sc.parallel_access}
      %dma_start3A_503 = arith.constant 0 : i32
      %dma_start3A_504 = arith.constant 0 : i32
      %dma_start3A_505 = tpu.memref_slice %arg17[%dma_start3A_504] : memref<8192xf32, #tpu.memory_space<vmem>> -> memref<1024xf32, #tpu.memory_space<vmem>>
      %dma_start3A_506 = arith.constant 0 : i32
      %dma_start3A_507 = tpu.memref_slice %arg5[%add3A_383, %dma_start3A_503, %add3A, %dma_start3A_506] : memref<200x8x32x1024xf32, #tpu.memory_space<hbm>> -> memref<1x1x1x1024xf32, #tpu.memory_space<hbm>>
      %dma_start3A_508 = tpu.memref_squeeze %dma_start3A_507 : memref<1x1x1x1024xf32, #tpu.memory_space<hbm>> -> memref<1024xf32, #tpu.memory_space<hbm>>
      %dma_start3A_509 = arith.constant 0 : i32
      %dma_start3A_510 = tpu.memref_slice %arg5[%add3A_383, %dma_start3A_503, %add3A, %dma_start3A_509] : memref<200x8x32x1024xf32, #tpu.memory_space<hbm>> -> memref<1x1x1x1024xf32, #tpu.memory_space<hbm>>
      %dma_start3A_511 = tpu.memref_squeeze %dma_start3A_510 : memref<1x1x1x1024xf32, #tpu.memory_space<hbm>> -> memref<1024xf32, #tpu.memory_space<hbm>>
      %dma_start3A_512 = arith.constant 0 : i32
      %dma_start3A_513 = tpu.memref_slice %arg17[%dma_start3A_512] : memref<8192xf32, #tpu.memory_space<vmem>> -> memref<1024xf32, #tpu.memory_space<vmem>>
      tpu.enqueue_dma source(%dma_start3A_513 : memref<1024xf32, #tpu.memory_space<vmem>>) target(%dma_start3A_511 : memref<1024xf32, #tpu.memory_space<hbm>>) target_semaphore(%arg27 : memref<!tpu.dma_semaphore, #tpu.memory_space<semaphore_mem>>)
      %dma_start3A_514 = arith.constant 1 : i32
      %dma_start3A_515 = arith.constant 1024 : i32
      %dma_start3A_516 = tpu.memref_slice %arg17[%dma_start3A_515] : memref<8192xf32, #tpu.memory_space<vmem>> -> memref<1024xf32, #tpu.memory_space<vmem>>
      %dma_start3A_517 = arith.constant 0 : i32
      %dma_start3A_518 = tpu.memref_slice %arg5[%add3A_383, %dma_start3A_514, %add3A, %dma_start3A_517] : memref<200x8x32x1024xf32, #tpu.memory_space<hbm>> -> memref<1x1x1x1024xf32, #tpu.memory_space<hbm>>
      %dma_start3A_519 = tpu.memref_squeeze %dma_start3A_518 : memref<1x1x1x1024xf32, #tpu.memory_space<hbm>> -> memref<1024xf32, #tpu.memory_space<hbm>>
      %dma_start3A_520 = arith.constant 0 : i32
      %dma_start3A_521 = tpu.memref_slice %arg5[%add3A_383, %dma_start3A_514, %add3A, %dma_start3A_520] : memref<200x8x32x1024xf32, #tpu.memory_space<hbm>> -> memref<1x1x1x1024xf32, #tpu.memory_space<hbm>>
      %dma_start3A_522 = tpu.memref_squeeze %dma_start3A_521 : memref<1x1x1x1024xf32, #tpu.memory_space<hbm>> -> memref<1024xf32, #tpu.memory_space<hbm>>
      %dma_start3A_523 = arith.constant 1024 : i32
      %dma_start3A_524 = tpu.memref_slice %arg17[%dma_start3A_523] : memref<8192xf32, #tpu.memory_space<vmem>> -> memref<1024xf32, #tpu.memory_space<vmem>>
      tpu.enqueue_dma source(%dma_start3A_524 : memref<1024xf32, #tpu.memory_space<vmem>>) target(%dma_start3A_522 : memref<1024xf32, #tpu.memory_space<hbm>>) target_semaphore(%arg27 : memref<!tpu.dma_semaphore, #tpu.memory_space<semaphore_mem>>)
      %dma_start3A_525 = arith.constant 2 : i32
      %dma_start3A_526 = arith.constant 2048 : i32
      %dma_start3A_527 = tpu.memref_slice %arg17[%dma_start3A_526] : memref<8192xf32, #tpu.memory_space<vmem>> -> memref<1024xf32, #tpu.memory_space<vmem>>
      %dma_start3A_528 = arith.constant 0 : i32
      %dma_start3A_529 = tpu.memref_slice %arg5[%add3A_383, %dma_start3A_525, %add3A, %dma_start3A_528] : memref<200x8x32x1024xf32, #tpu.memory_space<hbm>> -> memref<1x1x1x1024xf32, #tpu.memory_space<hbm>>
      %dma_start3A_530 = tpu.memref_squeeze %dma_start3A_529 : memref<1x1x1x1024xf32, #tpu.memory_space<hbm>> -> memref<1024xf32, #tpu.memory_space<hbm>>
      %dma_start3A_531 = arith.constant 0 : i32
      %dma_start3A_532 = tpu.memref_slice %arg5[%add3A_383, %dma_start3A_525, %add3A, %dma_start3A_531] : memref<200x8x32x1024xf32, #tpu.memory_space<hbm>> -> memref<1x1x1x1024xf32, #tpu.memory_space<hbm>>
      %dma_start3A_533 = tpu.memref_squeeze %dma_start3A_532 : memref<1x1x1x1024xf32, #tpu.memory_space<hbm>> -> memref<1024xf32, #tpu.memory_space<hbm>>
      %dma_start3A_534 = arith.constant 2048 : i32
      %dma_start3A_535 = tpu.memref_slice %arg17[%dma_start3A_534] : memref<8192xf32, #tpu.memory_space<vmem>> -> memref<1024xf32, #tpu.memory_space<vmem>>
      tpu.enqueue_dma source(%dma_start3A_535 : memref<1024xf32, #tpu.memory_space<vmem>>) target(%dma_start3A_533 : memref<1024xf32, #tpu.memory_space<hbm>>) target_semaphore(%arg27 : memref<!tpu.dma_semaphore, #tpu.memory_space<semaphore_mem>>)
      %dma_start3A_536 = arith.constant 3 : i32
      %dma_start3A_537 = arith.constant 3072 : i32
      %dma_start3A_538 = tpu.memref_slice %arg17[%dma_start3A_537] : memref<8192xf32, #tpu.memory_space<vmem>> -> memref<1024xf32, #tpu.memory_space<vmem>>
      %dma_start3A_539 = arith.constant 0 : i32
      %dma_start3A_540 = tpu.memref_slice %arg5[%add3A_383, %dma_start3A_536, %add3A, %dma_start3A_539] : memref<200x8x32x1024xf32, #tpu.memory_space<hbm>> -> memref<1x1x1x1024xf32, #tpu.memory_space<hbm>>
      %dma_start3A_541 = tpu.memref_squeeze %dma_start3A_540 : memref<1x1x1x1024xf32, #tpu.memory_space<hbm>> -> memref<1024xf32, #tpu.memory_space<hbm>>
      %dma_start3A_542 = arith.constant 0 : i32
      %dma_start3A_543 = tpu.memref_slice %arg5[%add3A_383, %dma_start3A_536, %add3A, %dma_start3A_542] : memref<200x8x32x1024xf32, #tpu.memory_space<hbm>> -> memref<1x1x1x1024xf32, #tpu.memory_space<hbm>>
      %dma_start3A_544 = tpu.memref_squeeze %dma_start3A_543 : memref<1x1x1x1024xf32, #tpu.memory_space<hbm>> -> memref<1024xf32, #tpu.memory_space<hbm>>
      %dma_start3A_545 = arith.constant 3072 : i32
      %dma_start3A_546 = tpu.memref_slice %arg17[%dma_start3A_545] : memref<8192xf32, #tpu.memory_space<vmem>> -> memref<1024xf32, #tpu.memory_space<vmem>>
      tpu.enqueue_dma source(%dma_start3A_546 : memref<1024xf32, #tpu.memory_space<vmem>>) target(%dma_start3A_544 : memref<1024xf32, #tpu.memory_space<hbm>>) target_semaphore(%arg27 : memref<!tpu.dma_semaphore, #tpu.memory_space<semaphore_mem>>)
      %dma_start3A_547 = arith.constant 4 : i32
      %dma_start3A_548 = arith.constant 4096 : i32
      %dma_start3A_549 = tpu.memref_slice %arg17[%dma_start3A_548] : memref<8192xf32, #tpu.memory_space<vmem>> -> memref<1024xf32, #tpu.memory_space<vmem>>
      %dma_start3A_550 = arith.constant 0 : i32
      %dma_start3A_551 = tpu.memref_slice %arg5[%add3A_383, %dma_start3A_547, %add3A, %dma_start3A_550] : memref<200x8x32x1024xf32, #tpu.memory_space<hbm>> -> memref<1x1x1x1024xf32, #tpu.memory_space<hbm>>
      %dma_start3A_552 = tpu.memref_squeeze %dma_start3A_551 : memref<1x1x1x1024xf32, #tpu.memory_space<hbm>> -> memref<1024xf32, #tpu.memory_space<hbm>>
      %dma_start3A_553 = arith.constant 0 : i32
      %dma_start3A_554 = tpu.memref_slice %arg5[%add3A_383, %dma_start3A_547, %add3A, %dma_start3A_553] : memref<200x8x32x1024xf32, #tpu.memory_space<hbm>> -> memref<1x1x1x1024xf32, #tpu.memory_space<hbm>>
      %dma_start3A_555 = tpu.memref_squeeze %dma_start3A_554 : memref<1x1x1x1024xf32, #tpu.memory_space<hbm>> -> memref<1024xf32, #tpu.memory_space<hbm>>
      %dma_start3A_556 = arith.constant 4096 : i32
      %dma_start3A_557 = tpu.memref_slice %arg17[%dma_start3A_556] : memref<8192xf32, #tpu.memory_space<vmem>> -> memref<1024xf32, #tpu.memory_space<vmem>>
      tpu.enqueue_dma source(%dma_start3A_557 : memref<1024xf32, #tpu.memory_space<vmem>>) target(%dma_start3A_555 : memref<1024xf32, #tpu.memory_space<hbm>>) target_semaphore(%arg27 : memref<!tpu.dma_semaphore, #tpu.memory_space<semaphore_mem>>)
      %dma_start3A_558 = arith.constant 5 : i32
      %dma_start3A_559 = arith.constant 5120 : i32
      %dma_start3A_560 = tpu.memref_slice %arg17[%dma_start3A_559] : memref<8192xf32, #tpu.memory_space<vmem>> -> memref<1024xf32, #tpu.memory_space<vmem>>
      %dma_start3A_561 = arith.constant 0 : i32
      %dma_start3A_562 = tpu.memref_slice %arg5[%add3A_383, %dma_start3A_558, %add3A, %dma_start3A_561] : memref<200x8x32x1024xf32, #tpu.memory_space<hbm>> -> memref<1x1x1x1024xf32, #tpu.memory_space<hbm>>
      %dma_start3A_563 = tpu.memref_squeeze %dma_start3A_562 : memref<1x1x1x1024xf32, #tpu.memory_space<hbm>> -> memref<1024xf32, #tpu.memory_space<hbm>>
      %dma_start3A_564 = arith.constant 0 : i32
      %dma_start3A_565 = tpu.memref_slice %arg5[%add3A_383, %dma_start3A_558, %add3A, %dma_start3A_564] : memref<200x8x32x1024xf32, #tpu.memory_space<hbm>> -> memref<1x1x1x1024xf32, #tpu.memory_space<hbm>>
      %dma_start3A_566 = tpu.memref_squeeze %dma_start3A_565 : memref<1x1x1x1024xf32, #tpu.memory_space<hbm>> -> memref<1024xf32, #tpu.memory_space<hbm>>
      %dma_start3A_567 = arith.constant 5120 : i32
      %dma_start3A_568 = tpu.memref_slice %arg17[%dma_start3A_567] : memref<8192xf32, #tpu.memory_space<vmem>> -> memref<1024xf32, #tpu.memory_space<vmem>>
      tpu.enqueue_dma source(%dma_start3A_568 : memref<1024xf32, #tpu.memory_space<vmem>>) target(%dma_start3A_566 : memref<1024xf32, #tpu.memory_space<hbm>>) target_semaphore(%arg27 : memref<!tpu.dma_semaphore, #tpu.memory_space<semaphore_mem>>)
      %dma_start3A_569 = arith.constant 6 : i32
      %dma_start3A_570 = arith.constant 6144 : i32
      %dma_start3A_571 = tpu.memref_slice %arg17[%dma_start3A_570] : memref<8192xf32, #tpu.memory_space<vmem>> -> memref<1024xf32, #tpu.memory_space<vmem>>
      %dma_start3A_572 = arith.constant 0 : i32
      %dma_start3A_573 = tpu.memref_slice %arg5[%add3A_383, %dma_start3A_569, %add3A, %dma_start3A_572] : memref<200x8x32x1024xf32, #tpu.memory_space<hbm>> -> memref<1x1x1x1024xf32, #tpu.memory_space<hbm>>
      %dma_start3A_574 = tpu.memref_squeeze %dma_start3A_573 : memref<1x1x1x1024xf32, #tpu.memory_space<hbm>> -> memref<1024xf32, #tpu.memory_space<hbm>>
      %dma_start3A_575 = arith.constant 0 : i32
      %dma_start3A_576 = tpu.memref_slice %arg5[%add3A_383, %dma_start3A_569, %add3A, %dma_start3A_575] : memref<200x8x32x1024xf32, #tpu.memory_space<hbm>> -> memref<1x1x1x1024xf32, #tpu.memory_space<hbm>>
      %dma_start3A_577 = tpu.memref_squeeze %dma_start3A_576 : memref<1x1x1x1024xf32, #tpu.memory_space<hbm>> -> memref<1024xf32, #tpu.memory_space<hbm>>
      %dma_start3A_578 = arith.constant 6144 : i32
      %dma_start3A_579 = tpu.memref_slice %arg17[%dma_start3A_578] : memref<8192xf32, #tpu.memory_space<vmem>> -> memref<1024xf32, #tpu.memory_space<vmem>>
      tpu.enqueue_dma source(%dma_start3A_579 : memref<1024xf32, #tpu.memory_space<vmem>>) target(%dma_start3A_577 : memref<1024xf32, #tpu.memory_space<hbm>>) target_semaphore(%arg27 : memref<!tpu.dma_semaphore, #tpu.memory_space<semaphore_mem>>)
      %dma_start3A_580 = arith.constant 7 : i32
      %dma_start3A_581 = arith.constant 7168 : i32
      %dma_start3A_582 = tpu.memref_slice %arg17[%dma_start3A_581] : memref<8192xf32, #tpu.memory_space<vmem>> -> memref<1024xf32, #tpu.memory_space<vmem>>
      %dma_start3A_583 = arith.constant 0 : i32
      %dma_start3A_584 = tpu.memref_slice %arg5[%add3A_383, %dma_start3A_580, %add3A, %dma_start3A_583] : memref<200x8x32x1024xf32, #tpu.memory_space<hbm>> -> memref<1x1x1x1024xf32, #tpu.memory_space<hbm>>
      %dma_start3A_585 = tpu.memref_squeeze %dma_start3A_584 : memref<1x1x1x1024xf32, #tpu.memory_space<hbm>> -> memref<1024xf32, #tpu.memory_space<hbm>>
      %dma_start3A_586 = arith.constant 0 : i32
      %dma_start3A_587 = tpu.memref_slice %arg5[%add3A_383, %dma_start3A_580, %add3A, %dma_start3A_586] : memref<200x8x32x1024xf32, #tpu.memory_space<hbm>> -> memref<1x1x1x1024xf32, #tpu.memory_space<hbm>>
      %dma_start3A_588 = tpu.memref_squeeze %dma_start3A_587 : memref<1x1x1x1024xf32, #tpu.memory_space<hbm>> -> memref<1024xf32, #tpu.memory_space<hbm>>
      %dma_start3A_589 = arith.constant 7168 : i32
      %dma_start3A_590 = tpu.memref_slice %arg17[%dma_start3A_589] : memref<8192xf32, #tpu.memory_space<vmem>> -> memref<1024xf32, #tpu.memory_space<vmem>>
      tpu.enqueue_dma source(%dma_start3A_590 : memref<1024xf32, #tpu.memory_space<vmem>>) target(%dma_start3A_588 : memref<1024xf32, #tpu.memory_space<hbm>>) target_semaphore(%arg27 : memref<!tpu.dma_semaphore, #tpu.memory_space<semaphore_mem>>)
      %mul3A_591 = arith.constant 4 : i32
      %mul3A_592 = arith.muli %scan3A_273, %mul3A_591 : i32
      %add3A_593 = arith.constant 2 : i32
      %add3A_594 = arith.addi %mul3A_592, %add3A_593 : i32
      %sub3A_595 = arith.constant 1 : i32
      %sub3A_596 = arith.subi %add3A_594, %sub3A_595 : i32
      %dma_wait3A_597 = arith.constant 0 : i32
      %dma_wait3A_598 = arith.constant 0 : i32
      %dma_wait3A_599 = tpu.memref_slice %arg17[%dma_wait3A_598] : memref<8192xf32, #tpu.memory_space<vmem>> -> memref<1024xf32, #tpu.memory_space<vmem>>
      %dma_wait3A_600 = arith.constant 0 : i32
      %dma_wait3A_601 = tpu.memref_slice %arg5[%sub3A_596, %dma_wait3A_597, %add3A, %dma_wait3A_600] : memref<200x8x32x1024xf32, #tpu.memory_space<hbm>> -> memref<1x1x1x1024xf32, #tpu.memory_space<hbm>>
      %dma_wait3A_602 = tpu.memref_squeeze %dma_wait3A_601 : memref<1x1x1x1024xf32, #tpu.memory_space<hbm>> -> memref<1024xf32, #tpu.memory_space<hbm>>
      %dma_wait3A_603 = arith.constant 0 : i32
      %dma_wait3A_604 = tpu.memref_slice %arg5[%sub3A_596, %dma_wait3A_597, %add3A, %dma_wait3A_603] : memref<200x8x32x1024xf32, #tpu.memory_space<hbm>> -> memref<1x1x1x1024xf32, #tpu.memory_space<hbm>>
      %dma_wait3A_605 = tpu.memref_squeeze %dma_wait3A_604 : memref<1x1x1x1024xf32, #tpu.memory_space<hbm>> -> memref<1024xf32, #tpu.memory_space<hbm>>
      %dma_wait3A_606 = arith.constant 0 : i32
      %dma_wait3A_607 = tpu.memref_slice %arg17[%dma_wait3A_606] : memref<8192xf32, #tpu.memory_space<vmem>> -> memref<1024xf32, #tpu.memory_space<vmem>>
      tpu.wait_dma2 semaphore(%arg27 : memref<!tpu.dma_semaphore, #tpu.memory_space<semaphore_mem>>) src(%dma_wait3A_607 : memref<1024xf32, #tpu.memory_space<vmem>>) dst(%dma_wait3A_605 : memref<1024xf32, #tpu.memory_space<hbm>>)
      %sub3A_608 = arith.constant 1 : i32
      %sub3A_609 = arith.subi %add3A_594, %sub3A_608 : i32
      %dma_wait3A_610 = arith.constant 1 : i32
      %dma_wait3A_611 = arith.constant 1024 : i32
      %dma_wait3A_612 = tpu.memref_slice %arg17[%dma_wait3A_611] : memref<8192xf32, #tpu.memory_space<vmem>> -> memref<1024xf32, #tpu.memory_space<vmem>>
      %dma_wait3A_613 = arith.constant 0 : i32
      %dma_wait3A_614 = tpu.memref_slice %arg5[%sub3A_609, %dma_wait3A_610, %add3A, %dma_wait3A_613] : memref<200x8x32x1024xf32, #tpu.memory_space<hbm>> -> memref<1x1x1x1024xf32, #tpu.memory_space<hbm>>
      %dma_wait3A_615 = tpu.memref_squeeze %dma_wait3A_614 : memref<1x1x1x1024xf32, #tpu.memory_space<hbm>> -> memref<1024xf32, #tpu.memory_space<hbm>>
      %dma_wait3A_616 = arith.constant 0 : i32
      %dma_wait3A_617 = tpu.memref_slice %arg5[%sub3A_609, %dma_wait3A_610, %add3A, %dma_wait3A_616] : memref<200x8x32x1024xf32, #tpu.memory_space<hbm>> -> memref<1x1x1x1024xf32, #tpu.memory_space<hbm>>
      %dma_wait3A_618 = tpu.memref_squeeze %dma_wait3A_617 : memref<1x1x1x1024xf32, #tpu.memory_space<hbm>> -> memref<1024xf32, #tpu.memory_space<hbm>>
      %dma_wait3A_619 = arith.constant 1024 : i32
      %dma_wait3A_620 = tpu.memref_slice %arg17[%dma_wait3A_619] : memref<8192xf32, #tpu.memory_space<vmem>> -> memref<1024xf32, #tpu.memory_space<vmem>>
      tpu.wait_dma2 semaphore(%arg27 : memref<!tpu.dma_semaphore, #tpu.memory_space<semaphore_mem>>) src(%dma_wait3A_620 : memref<1024xf32, #tpu.memory_space<vmem>>) dst(%dma_wait3A_618 : memref<1024xf32, #tpu.memory_space<hbm>>)
      %sub3A_621 = arith.constant 1 : i32
      %sub3A_622 = arith.subi %add3A_594, %sub3A_621 : i32
      %dma_wait3A_623 = arith.constant 2 : i32
      %dma_wait3A_624 = arith.constant 2048 : i32
      %dma_wait3A_625 = tpu.memref_slice %arg17[%dma_wait3A_624] : memref<8192xf32, #tpu.memory_space<vmem>> -> memref<1024xf32, #tpu.memory_space<vmem>>
      %dma_wait3A_626 = arith.constant 0 : i32
      %dma_wait3A_627 = tpu.memref_slice %arg5[%sub3A_622, %dma_wait3A_623, %add3A, %dma_wait3A_626] : memref<200x8x32x1024xf32, #tpu.memory_space<hbm>> -> memref<1x1x1x1024xf32, #tpu.memory_space<hbm>>
      %dma_wait3A_628 = tpu.memref_squeeze %dma_wait3A_627 : memref<1x1x1x1024xf32, #tpu.memory_space<hbm>> -> memref<1024xf32, #tpu.memory_space<hbm>>
      %dma_wait3A_629 = arith.constant 0 : i32
      %dma_wait3A_630 = tpu.memref_slice %arg5[%sub3A_622, %dma_wait3A_623, %add3A, %dma_wait3A_629] : memref<200x8x32x1024xf32, #tpu.memory_space<hbm>> -> memref<1x1x1x1024xf32, #tpu.memory_space<hbm>>
      %dma_wait3A_631 = tpu.memref_squeeze %dma_wait3A_630 : memref<1x1x1x1024xf32, #tpu.memory_space<hbm>> -> memref<1024xf32, #tpu.memory_space<hbm>>
      %dma_wait3A_632 = arith.constant 2048 : i32
      %dma_wait3A_633 = tpu.memref_slice %arg17[%dma_wait3A_632] : memref<8192xf32, #tpu.memory_space<vmem>> -> memref<1024xf32, #tpu.memory_space<vmem>>
      tpu.wait_dma2 semaphore(%arg27 : memref<!tpu.dma_semaphore, #tpu.memory_space<semaphore_mem>>) src(%dma_wait3A_633 : memref<1024xf32, #tpu.memory_space<vmem>>) dst(%dma_wait3A_631 : memref<1024xf32, #tpu.memory_space<hbm>>)
      %sub3A_634 = arith.constant 1 : i32
      %sub3A_635 = arith.subi %add3A_594, %sub3A_634 : i32
      %dma_wait3A_636 = arith.constant 3 : i32
      %dma_wait3A_637 = arith.constant 3072 : i32
      %dma_wait3A_638 = tpu.memref_slice %arg17[%dma_wait3A_637] : memref<8192xf32, #tpu.memory_space<vmem>> -> memref<1024xf32, #tpu.memory_space<vmem>>
      %dma_wait3A_639 = arith.constant 0 : i32
      %dma_wait3A_640 = tpu.memref_slice %arg5[%sub3A_635, %dma_wait3A_636, %add3A, %dma_wait3A_639] : memref<200x8x32x1024xf32, #tpu.memory_space<hbm>> -> memref<1x1x1x1024xf32, #tpu.memory_space<hbm>>
      %dma_wait3A_641 = tpu.memref_squeeze %dma_wait3A_640 : memref<1x1x1x1024xf32, #tpu.memory_space<hbm>> -> memref<1024xf32, #tpu.memory_space<hbm>>
      %dma_wait3A_642 = arith.constant 0 : i32
      %dma_wait3A_643 = tpu.memref_slice %arg5[%sub3A_635, %dma_wait3A_636, %add3A, %dma_wait3A_642] : memref<200x8x32x1024xf32, #tpu.memory_space<hbm>> -> memref<1x1x1x1024xf32, #tpu.memory_space<hbm>>
      %dma_wait3A_644 = tpu.memref_squeeze %dma_wait3A_643 : memref<1x1x1x1024xf32, #tpu.memory_space<hbm>> -> memref<1024xf32, #tpu.memory_space<hbm>>
      %dma_wait3A_645 = arith.constant 3072 : i32
      %dma_wait3A_646 = tpu.memref_slice %arg17[%dma_wait3A_645] : memref<8192xf32, #tpu.memory_space<vmem>> -> memref<1024xf32, #tpu.memory_space<vmem>>
      tpu.wait_dma2 semaphore(%arg27 : memref<!tpu.dma_semaphore, #tpu.memory_space<semaphore_mem>>) src(%dma_wait3A_646 : memref<1024xf32, #tpu.memory_space<vmem>>) dst(%dma_wait3A_644 : memref<1024xf32, #tpu.memory_space<hbm>>)
      %sub3A_647 = arith.constant 1 : i32
      %sub3A_648 = arith.subi %add3A_594, %sub3A_647 : i32
      %dma_wait3A_649 = arith.constant 4 : i32
      %dma_wait3A_650 = arith.constant 4096 : i32
      %dma_wait3A_651 = tpu.memref_slice %arg17[%dma_wait3A_650] : memref<8192xf32, #tpu.memory_space<vmem>> -> memref<1024xf32, #tpu.memory_space<vmem>>
      %dma_wait3A_652 = arith.constant 0 : i32
      %dma_wait3A_653 = tpu.memref_slice %arg5[%sub3A_648, %dma_wait3A_649, %add3A, %dma_wait3A_652] : memref<200x8x32x1024xf32, #tpu.memory_space<hbm>> -> memref<1x1x1x1024xf32, #tpu.memory_space<hbm>>
      %dma_wait3A_654 = tpu.memref_squeeze %dma_wait3A_653 : memref<1x1x1x1024xf32, #tpu.memory_space<hbm>> -> memref<1024xf32, #tpu.memory_space<hbm>>
      %dma_wait3A_655 = arith.constant 0 : i32
      %dma_wait3A_656 = tpu.memref_slice %arg5[%sub3A_648, %dma_wait3A_649, %add3A, %dma_wait3A_655] : memref<200x8x32x1024xf32, #tpu.memory_space<hbm>> -> memref<1x1x1x1024xf32, #tpu.memory_space<hbm>>
      %dma_wait3A_657 = tpu.memref_squeeze %dma_wait3A_656 : memref<1x1x1x1024xf32, #tpu.memory_space<hbm>> -> memref<1024xf32, #tpu.memory_space<hbm>>
      %dma_wait3A_658 = arith.constant 4096 : i32
      %dma_wait3A_659 = tpu.memref_slice %arg17[%dma_wait3A_658] : memref<8192xf32, #tpu.memory_space<vmem>> -> memref<1024xf32, #tpu.memory_space<vmem>>
      tpu.wait_dma2 semaphore(%arg27 : memref<!tpu.dma_semaphore, #tpu.memory_space<semaphore_mem>>) src(%dma_wait3A_659 : memref<1024xf32, #tpu.memory_space<vmem>>) dst(%dma_wait3A_657 : memref<1024xf32, #tpu.memory_space<hbm>>)
      %sub3A_660 = arith.constant 1 : i32
      %sub3A_661 = arith.subi %add3A_594, %sub3A_660 : i32
      %dma_wait3A_662 = arith.constant 5 : i32
      %dma_wait3A_663 = arith.constant 5120 : i32
      %dma_wait3A_664 = tpu.memref_slice %arg17[%dma_wait3A_663] : memref<8192xf32, #tpu.memory_space<vmem>> -> memref<1024xf32, #tpu.memory_space<vmem>>
      %dma_wait3A_665 = arith.constant 0 : i32
      %dma_wait3A_666 = tpu.memref_slice %arg5[%sub3A_661, %dma_wait3A_662, %add3A, %dma_wait3A_665] : memref<200x8x32x1024xf32, #tpu.memory_space<hbm>> -> memref<1x1x1x1024xf32, #tpu.memory_space<hbm>>
      %dma_wait3A_667 = tpu.memref_squeeze %dma_wait3A_666 : memref<1x1x1x1024xf32, #tpu.memory_space<hbm>> -> memref<1024xf32, #tpu.memory_space<hbm>>
      %dma_wait3A_668 = arith.constant 0 : i32
      %dma_wait3A_669 = tpu.memref_slice %arg5[%sub3A_661, %dma_wait3A_662, %add3A, %dma_wait3A_668] : memref<200x8x32x1024xf32, #tpu.memory_space<hbm>> -> memref<1x1x1x1024xf32, #tpu.memory_space<hbm>>
      %dma_wait3A_670 = tpu.memref_squeeze %dma_wait3A_669 : memref<1x1x1x1024xf32, #tpu.memory_space<hbm>> -> memref<1024xf32, #tpu.memory_space<hbm>>
      %dma_wait3A_671 = arith.constant 5120 : i32
      %dma_wait3A_672 = tpu.memref_slice %arg17[%dma_wait3A_671] : memref<8192xf32, #tpu.memory_space<vmem>> -> memref<1024xf32, #tpu.memory_space<vmem>>
      tpu.wait_dma2 semaphore(%arg27 : memref<!tpu.dma_semaphore, #tpu.memory_space<semaphore_mem>>) src(%dma_wait3A_672 : memref<1024xf32, #tpu.memory_space<vmem>>) dst(%dma_wait3A_670 : memref<1024xf32, #tpu.memory_space<hbm>>)
      %sub3A_673 = arith.constant 1 : i32
      %sub3A_674 = arith.subi %add3A_594, %sub3A_673 : i32
      %dma_wait3A_675 = arith.constant 6 : i32
      %dma_wait3A_676 = arith.constant 6144 : i32
      %dma_wait3A_677 = tpu.memref_slice %arg17[%dma_wait3A_676] : memref<8192xf32, #tpu.memory_space<vmem>> -> memref<1024xf32, #tpu.memory_space<vmem>>
      %dma_wait3A_678 = arith.constant 0 : i32
      %dma_wait3A_679 = tpu.memref_slice %arg5[%sub3A_674, %dma_wait3A_675, %add3A, %dma_wait3A_678] : memref<200x8x32x1024xf32, #tpu.memory_space<hbm>> -> memref<1x1x1x1024xf32, #tpu.memory_space<hbm>>
      %dma_wait3A_680 = tpu.memref_squeeze %dma_wait3A_679 : memref<1x1x1x1024xf32, #tpu.memory_space<hbm>> -> memref<1024xf32, #tpu.memory_space<hbm>>
      %dma_wait3A_681 = arith.constant 0 : i32
      %dma_wait3A_682 = tpu.memref_slice %arg5[%sub3A_674, %dma_wait3A_675, %add3A, %dma_wait3A_681] : memref<200x8x32x1024xf32, #tpu.memory_space<hbm>> -> memref<1x1x1x1024xf32, #tpu.memory_space<hbm>>
      %dma_wait3A_683 = tpu.memref_squeeze %dma_wait3A_682 : memref<1x1x1x1024xf32, #tpu.memory_space<hbm>> -> memref<1024xf32, #tpu.memory_space<hbm>>
      %dma_wait3A_684 = arith.constant 6144 : i32
      %dma_wait3A_685 = tpu.memref_slice %arg17[%dma_wait3A_684] : memref<8192xf32, #tpu.memory_space<vmem>> -> memref<1024xf32, #tpu.memory_space<vmem>>
      tpu.wait_dma2 semaphore(%arg27 : memref<!tpu.dma_semaphore, #tpu.memory_space<semaphore_mem>>) src(%dma_wait3A_685 : memref<1024xf32, #tpu.memory_space<vmem>>) dst(%dma_wait3A_683 : memref<1024xf32, #tpu.memory_space<hbm>>)
      %sub3A_686 = arith.constant 1 : i32
      %sub3A_687 = arith.subi %add3A_594, %sub3A_686 : i32
      %dma_wait3A_688 = arith.constant 7 : i32
      %dma_wait3A_689 = arith.constant 7168 : i32
      %dma_wait3A_690 = tpu.memref_slice %arg17[%dma_wait3A_689] : memref<8192xf32, #tpu.memory_space<vmem>> -> memref<1024xf32, #tpu.memory_space<vmem>>
      %dma_wait3A_691 = arith.constant 0 : i32
      %dma_wait3A_692 = tpu.memref_slice %arg5[%sub3A_687, %dma_wait3A_688, %add3A, %dma_wait3A_691] : memref<200x8x32x1024xf32, #tpu.memory_space<hbm>> -> memref<1x1x1x1024xf32, #tpu.memory_space<hbm>>
      %dma_wait3A_693 = tpu.memref_squeeze %dma_wait3A_692 : memref<1x1x1x1024xf32, #tpu.memory_space<hbm>> -> memref<1024xf32, #tpu.memory_space<hbm>>
      %dma_wait3A_694 = arith.constant 0 : i32
      %dma_wait3A_695 = tpu.memref_slice %arg5[%sub3A_687, %dma_wait3A_688, %add3A, %dma_wait3A_694] : memref<200x8x32x1024xf32, #tpu.memory_space<hbm>> -> memref<1x1x1x1024xf32, #tpu.memory_space<hbm>>
      %dma_wait3A_696 = tpu.memref_squeeze %dma_wait3A_695 : memref<1x1x1x1024xf32, #tpu.memory_space<hbm>> -> memref<1024xf32, #tpu.memory_space<hbm>>
      %dma_wait3A_697 = arith.constant 7168 : i32
      %dma_wait3A_698 = tpu.memref_slice %arg17[%dma_wait3A_697] : memref<8192xf32, #tpu.memory_space<vmem>> -> memref<1024xf32, #tpu.memory_space<vmem>>
      tpu.wait_dma2 semaphore(%arg27 : memref<!tpu.dma_semaphore, #tpu.memory_space<semaphore_mem>>) src(%dma_wait3A_698 : memref<1024xf32, #tpu.memory_space<vmem>>) dst(%dma_wait3A_696 : memref<1024xf32, #tpu.memory_space<hbm>>)
      %add3A_699 = arith.constant 4 : i32
      %add3A_700 = arith.addi %add3A_594, %add3A_699 : i32
      %sub3A_701 = arith.constant 1 : i32
      %sub3A_702 = arith.subi %add3A_700, %sub3A_701 : i32
      %lt3A_703 = arith.constant 200 : i32
      %lt3A_704 = arith.cmpi slt, %sub3A_702, %lt3A_703 : i32
      %convert_element_type3A_705 = arith.extui %lt3A_704 : i1 to i32
      %cond3A_706 = arith.constant 0 : i32
      %cond3A_707 = arith.cmpi ne, %convert_element_type3A_705, %cond3A_706 : i32
      scf.if %cond3A_707 {
        %add3A_1013 = arith.constant 4 : i32
        %add3A_1014 = arith.addi %add3A_594, %add3A_1013 : i32
        %sub3A_1015 = arith.constant 1 : i32
        %sub3A_1016 = arith.subi %add3A_1014, %sub3A_1015 : i32
        %add3A_1017 = arith.constant 0 : i32
        %add3A_1018 = arith.addi %add3A_1017, %sub3A_1016 : i32
        %add3A_1019 = vector.broadcast %add3A_1018 : i32 to vector<16xi32>
        %add3A_1020 = arith.addi %mul3A_5, %add3A_1019 : vector<16xi32>
        %gather3A_1021 = tpu.vector_load_idx %arg6[%add3A_1020] : memref<25600xi32, #tpu.memory_space<vmem>>[vector<16xi32>], vector<16xi32>,
        %swap3A_1022 = arith.constant 0 : index
        %swap3A_1023 = tpu.vector_load %arg9[%swap3A_1022] {strides = array<i32>} : memref<128xi32, #tpu.memory_space<vmem>>, vector<16xi32>,
        tpu.vector_store %arg9[%swap3A_1022], %gather3A_1021 {strides = array<i32>} : memref<128xi32, #tpu.memory_space<vmem>>, vector<16xi32>,
        %add3A_1024 = arith.constant 3200 : i32
        %add3A_1025 = arith.addi %add3A_1024, %sub3A_1016 : i32
        %add3A_1026 = vector.broadcast %add3A_1025 : i32 to vector<16xi32>
        %add3A_1027 = arith.addi %mul3A_5, %add3A_1026 : vector<16xi32>
        %gather3A_1028 = tpu.vector_load_idx %arg6[%add3A_1027] : memref<25600xi32, #tpu.memory_space<vmem>>[vector<16xi32>], vector<16xi32>,
        %swap3A_1029 = arith.constant 16 : index
        %swap3A_1030 = tpu.vector_load %arg9[%swap3A_1029] {strides = array<i32>} : memref<128xi32, #tpu.memory_space<vmem>>, vector<16xi32>,
        tpu.vector_store %arg9[%swap3A_1029], %gather3A_1028 {strides = array<i32>} : memref<128xi32, #tpu.memory_space<vmem>>, vector<16xi32>,
        %add3A_1031 = arith.constant 6400 : i32
        %add3A_1032 = arith.addi %add3A_1031, %sub3A_1016 : i32
        %add3A_1033 = vector.broadcast %add3A_1032 : i32 to vector<16xi32>
        %add3A_1034 = arith.addi %mul3A_5, %add3A_1033 : vector<16xi32>
        %gather3A_1035 = tpu.vector_load_idx %arg6[%add3A_1034] : memref<25600xi32, #tpu.memory_space<vmem>>[vector<16xi32>], vector<16xi32>,
        %swap3A_1036 = arith.constant 32 : index
        %swap3A_1037 = tpu.vector_load %arg9[%swap3A_1036] {strides = array<i32>} : memref<128xi32, #tpu.memory_space<vmem>>, vector<16xi32>,
        tpu.vector_store %arg9[%swap3A_1036], %gather3A_1035 {strides = array<i32>} : memref<128xi32, #tpu.memory_space<vmem>>, vector<16xi32>,
        %add3A_1038 = arith.constant 9600 : i32
        %add3A_1039 = arith.addi %add3A_1038, %sub3A_1016 : i32
        %add3A_1040 = vector.broadcast %add3A_1039 : i32 to vector<16xi32>
        %add3A_1041 = arith.addi %mul3A_5, %add3A_1040 : vector<16xi32>
        %gather3A_1042 = tpu.vector_load_idx %arg6[%add3A_1041] : memref<25600xi32, #tpu.memory_space<vmem>>[vector<16xi32>], vector<16xi32>,
        %swap3A_1043 = arith.constant 48 : index
        %swap3A_1044 = tpu.vector_load %arg9[%swap3A_1043] {strides = array<i32>} : memref<128xi32, #tpu.memory_space<vmem>>, vector<16xi32>,
        tpu.vector_store %arg9[%swap3A_1043], %gather3A_1042 {strides = array<i32>} : memref<128xi32, #tpu.memory_space<vmem>>, vector<16xi32>,
        %add3A_1045 = arith.constant 12800 : i32
        %add3A_1046 = arith.addi %add3A_1045, %sub3A_1016 : i32
        %add3A_1047 = vector.broadcast %add3A_1046 : i32 to vector<16xi32>
        %add3A_1048 = arith.addi %mul3A_5, %add3A_1047 : vector<16xi32>
        %gather3A_1049 = tpu.vector_load_idx %arg6[%add3A_1048] : memref<25600xi32, #tpu.memory_space<vmem>>[vector<16xi32>], vector<16xi32>,
        %swap3A_1050 = arith.constant 64 : index
        %swap3A_1051 = tpu.vector_load %arg9[%swap3A_1050] {strides = array<i32>} : memref<128xi32, #tpu.memory_space<vmem>>, vector<16xi32>,
        tpu.vector_store %arg9[%swap3A_1050], %gather3A_1049 {strides = array<i32>} : memref<128xi32, #tpu.memory_space<vmem>>, vector<16xi32>,
        %add3A_1052 = arith.constant 16000 : i32
        %add3A_1053 = arith.addi %add3A_1052, %sub3A_1016 : i32
        %add3A_1054 = vector.broadcast %add3A_1053 : i32 to vector<16xi32>
        %add3A_1055 = arith.addi %mul3A_5, %add3A_1054 : vector<16xi32>
        %gather3A_1056 = tpu.vector_load_idx %arg6[%add3A_1055] : memref<25600xi32, #tpu.memory_space<vmem>>[vector<16xi32>], vector<16xi32>,
        %swap3A_1057 = arith.constant 80 : index
        %swap3A_1058 = tpu.vector_load %arg9[%swap3A_1057] {strides = array<i32>} : memref<128xi32, #tpu.memory_space<vmem>>, vector<16xi32>,
        tpu.vector_store %arg9[%swap3A_1057], %gather3A_1056 {strides = array<i32>} : memref<128xi32, #tpu.memory_space<vmem>>, vector<16xi32>,
        %add3A_1059 = arith.constant 19200 : i32
        %add3A_1060 = arith.addi %add3A_1059, %sub3A_1016 : i32
        %add3A_1061 = vector.broadcast %add3A_1060 : i32 to vector<16xi32>
        %add3A_1062 = arith.addi %mul3A_5, %add3A_1061 : vector<16xi32>
        %gather3A_1063 = tpu.vector_load_idx %arg6[%add3A_1062] : memref<25600xi32, #tpu.memory_space<vmem>>[vector<16xi32>], vector<16xi32>,
        %swap3A_1064 = arith.constant 96 : index
        %swap3A_1065 = tpu.vector_load %arg9[%swap3A_1064] {strides = array<i32>} : memref<128xi32, #tpu.memory_space<vmem>>, vector<16xi32>,
        tpu.vector_store %arg9[%swap3A_1064], %gather3A_1063 {strides = array<i32>} : memref<128xi32, #tpu.memory_space<vmem>>, vector<16xi32>,
        %add3A_1066 = arith.constant 22400 : i32
        %add3A_1067 = arith.addi %add3A_1066, %sub3A_1016 : i32
        %add3A_1068 = vector.broadcast %add3A_1067 : i32 to vector<16xi32>
        %add3A_1069 = arith.addi %mul3A_5, %add3A_1068 : vector<16xi32>
        %gather3A_1070 = tpu.vector_load_idx %arg6[%add3A_1069] : memref<25600xi32, #tpu.memory_space<vmem>>[vector<16xi32>], vector<16xi32>,
        %swap3A_1071 = arith.constant 112 : index
        %swap3A_1072 = tpu.vector_load %arg9[%swap3A_1071] {strides = array<i32>} : memref<128xi32, #tpu.memory_space<vmem>>, vector<16xi32>,
        tpu.vector_store %arg9[%swap3A_1071], %gather3A_1070 {strides = array<i32>} : memref<128xi32, #tpu.memory_space<vmem>>, vector<16xi32>,
        %dma_start3A_1073 = arith.constant 0 : i32
        %dma_start3A_1074 = arith.constant 0 : i32
        %dma_start3A_1075 = tpu.memref_slice %arg3[%dma_start3A_1073, %dma_start3A_1074] : memref<1000000x64xf32, #tpu.memory_space<hbm>> -> memref<1000000x64xf32, #tpu.memory_space<hbm>>
        tpu.enqueue_indirect_dma source(%dma_start3A_1075 : memref<1000000x64xf32, #tpu.memory_space<hbm>>) target(%arg13 : memref<128x64xf32, #tpu.memory_space<vmem>>) offsets(%arg9 : memref<128xi32, #tpu.memory_space<vmem>>) semaphore(%arg23 : memref<!tpu.dma_semaphore, #tpu.memory_space<semaphore_mem>>)
      } else {
      }
      %dma_wait3A_708 = arith.constant 0 : i32
      %dma_wait3A_709 = arith.constant 0 : i32
      %dma_wait3A_710 = tpu.memref_slice %arg3[%dma_wait3A_708, %dma_wait3A_709] : memref<1000000x64xf32, #tpu.memory_space<hbm>> -> memref<1000000x64xf32, #tpu.memory_space<hbm>>
      tpu.wait_indirect_dma semaphore(%arg24 : memref<!tpu.dma_semaphore, #tpu.memory_space<semaphore_mem>>) src(%dma_wait3A_710 : memref<1000000x64xf32, #tpu.memory_space<hbm>>) dst(%arg14 : memref<128x64xf32, #tpu.memory_space<vmem>>)
      %parallel_loop3A_711 = arith.constant 0 : i32
      %parallel_loop3A_712 = arith.constant 64 : i32
      %parallel_loop3A_713 = arith.constant 1 : i32
      scf.for %parallel_loop3A_1013 = %parallel_loop3A_711 to %parallel_loop3A_712 step %parallel_loop3A_713  : i32 {
        %parallel_loop3A_1014 = arith.constant 2 : i32
        %parallel_loop3A_1015 = arith.shrsi %parallel_loop3A_1013, %parallel_loop3A_1014 : i32
        %parallel_loop3A_1016 = arith.constant 3 : i32
        %parallel_loop3A_1017 = arith.andi %parallel_loop3A_1013, %parallel_loop3A_1016 : i32
        %parallel_loop3A_1018 = arith.constant 16 : i32
        %parallel_loop3A_1019 = arith.muli %parallel_loop3A_1015, %parallel_loop3A_1018 : i32
        %parallel_loop3A_1020 = arith.index_cast %parallel_loop3A_1019 : i32 to index
        %parallel_loop3A_1021 = tpu.vector_load %arg20[%parallel_loop3A_1020] {strides = array<i32>} : memref<256xi32, #tpu.memory_space<vmem>>, vector<16xi32>,
        %parallel_loop3A_1022 = arith.constant 16 : i32
        %parallel_loop3A_1023 = arith.muli %parallel_loop3A_1015, %parallel_loop3A_1022 : i32
        %parallel_loop3A_1024 = arith.index_cast %parallel_loop3A_1023 : i32 to index
        %parallel_loop3A_1025 = tpu.vector_load %arg21[%parallel_loop3A_1024] {strides = array<i32>} : memref<256xi32, #tpu.memory_space<vmem>>, vector<16xi32>,
        %parallel_loop3A_1026 = arith.constant 16 : i32
        %parallel_loop3A_1027 = arith.muli %parallel_loop3A_1017, %parallel_loop3A_1026 : i32
        %parallel_loop3A_1028 = arith.index_cast %add3A_594 : i32 to index
        %parallel_loop3A_1029 = arith.index_cast %parallel_loop3A_1027 : i32 to index
        %parallel_loop3A_1030 = tpu.vector_load %arg7[%parallel_loop3A_1028, %parallel_loop3A_1029] {strides = array<i32>} : memref<200x64xf32, #tpu.memory_space<vmem>>, vector<16xf32>,
        %parallel_loop3A_1031 = arith.constant 16 : i32
        %parallel_loop3A_1032 = arith.muli %parallel_loop3A_1017, %parallel_loop3A_1031 : i32
        %parallel_loop3A_1033 = vector.broadcast %parallel_loop3A_1032 : i32 to vector<16xi32>
        %parallel_loop3A_1034 = arith.addi %iota3A, %parallel_loop3A_1033 : vector<16xi32>
        %parallel_loop3A_1035 = arith.constant 2 : i32
        %parallel_loop3A_1036 = arith.muli %parallel_loop3A_1017, %parallel_loop3A_1035 : i32
        %parallel_loop3A_1037 = arith.constant 1024 : i32
        %parallel_loop3A_1038 = arith.muli %parallel_loop3A_1036, %parallel_loop3A_1037 : i32
        %parallel_loop3A_1039 = arith.constant 0 : i32
        %parallel_loop3A_1040 = arith.addi %parallel_loop3A_1038, %parallel_loop3A_1039 : i32
        %parallel_loop3A_1041 = arith.constant 0 : i32
        %parallel_loop3A_1042 = arith.constant 0 : i32
        %parallel_loop3A_1043 = tpu.memref_slice %arg14[%parallel_loop3A_1041, %parallel_loop3A_1042] : memref<128x64xf32, #tpu.memory_space<vmem>> -> memref<16x64xf32, #tpu.memory_space<vmem>>
        %parallel_loop3A_1044 = tpu.vector_load_idx %parallel_loop3A_1043[%parallel_loop3A_1021, %parallel_loop3A_1034] : memref<16x64xf32, #tpu.memory_space<vmem>>[vector<16xi32>, vector<16xi32>], vector<16xf32>,
        %parallel_loop3A_1045 = arith.addf %parallel_loop3A_1044, %parallel_loop3A_1030 : vector<16xf32>
        %parallel_loop3A_1046 = tpu.memref_slice %arg18[%parallel_loop3A_1040] : memref<8192xf32, #tpu.memory_space<vmem>> -> memref<1936xf32, #tpu.memory_space<vmem>>
        tpu.vector_store_idx %parallel_loop3A_1046[%parallel_loop3A_1025], %parallel_loop3A_1045 : memref<1936xf32, #tpu.memory_space<vmem>>[vector<16xi32>], vector<16xf32>,
        %parallel_loop3A_1047 = arith.constant 2 : i32
        %parallel_loop3A_1048 = arith.muli %parallel_loop3A_1017, %parallel_loop3A_1047 : i32
        %parallel_loop3A_1049 = arith.constant 1024 : i32
        %parallel_loop3A_1050 = arith.muli %parallel_loop3A_1048, %parallel_loop3A_1049 : i32
        %parallel_loop3A_1051 = arith.constant 16 : i32
        %parallel_loop3A_1052 = arith.addi %parallel_loop3A_1050, %parallel_loop3A_1051 : i32
        %parallel_loop3A_1053 = arith.constant 16 : i32
        %parallel_loop3A_1054 = arith.constant 0 : i32
        %parallel_loop3A_1055 = tpu.memref_slice %arg14[%parallel_loop3A_1053, %parallel_loop3A_1054] : memref<128x64xf32, #tpu.memory_space<vmem>> -> memref<16x64xf32, #tpu.memory_space<vmem>>
        %parallel_loop3A_1056 = tpu.vector_load_idx %parallel_loop3A_1055[%parallel_loop3A_1021, %parallel_loop3A_1034] : memref<16x64xf32, #tpu.memory_space<vmem>>[vector<16xi32>, vector<16xi32>], vector<16xf32>,
        %parallel_loop3A_1057 = arith.addf %parallel_loop3A_1056, %parallel_loop3A_1030 : vector<16xf32>
        %parallel_loop3A_1058 = tpu.memref_slice %arg18[%parallel_loop3A_1052] : memref<8192xf32, #tpu.memory_space<vmem>> -> memref<1936xf32, #tpu.memory_space<vmem>>
        tpu.vector_store_idx %parallel_loop3A_1058[%parallel_loop3A_1025], %parallel_loop3A_1057 : memref<1936xf32, #tpu.memory_space<vmem>>[vector<16xi32>], vector<16xf32>,
        %parallel_loop3A_1059 = arith.constant 2 : i32
        %parallel_loop3A_1060 = arith.muli %parallel_loop3A_1017, %parallel_loop3A_1059 : i32
        %parallel_loop3A_1061 = arith.constant 1024 : i32
        %parallel_loop3A_1062 = arith.muli %parallel_loop3A_1060, %parallel_loop3A_1061 : i32
        %parallel_loop3A_1063 = arith.constant 32 : i32
        %parallel_loop3A_1064 = arith.addi %parallel_loop3A_1062, %parallel_loop3A_1063 : i32
        %parallel_loop3A_1065 = arith.constant 32 : i32
        %parallel_loop3A_1066 = arith.constant 0 : i32
        %parallel_loop3A_1067 = tpu.memref_slice %arg14[%parallel_loop3A_1065, %parallel_loop3A_1066] : memref<128x64xf32, #tpu.memory_space<vmem>> -> memref<16x64xf32, #tpu.memory_space<vmem>>
        %parallel_loop3A_1068 = tpu.vector_load_idx %parallel_loop3A_1067[%parallel_loop3A_1021, %parallel_loop3A_1034] : memref<16x64xf32, #tpu.memory_space<vmem>>[vector<16xi32>, vector<16xi32>], vector<16xf32>,
        %parallel_loop3A_1069 = arith.addf %parallel_loop3A_1068, %parallel_loop3A_1030 : vector<16xf32>
        %parallel_loop3A_1070 = tpu.memref_slice %arg18[%parallel_loop3A_1064] : memref<8192xf32, #tpu.memory_space<vmem>> -> memref<1936xf32, #tpu.memory_space<vmem>>
        tpu.vector_store_idx %parallel_loop3A_1070[%parallel_loop3A_1025], %parallel_loop3A_1069 : memref<1936xf32, #tpu.memory_space<vmem>>[vector<16xi32>], vector<16xf32>,
        %parallel_loop3A_1071 = arith.constant 2 : i32
        %parallel_loop3A_1072 = arith.muli %parallel_loop3A_1017, %parallel_loop3A_1071 : i32
        %parallel_loop3A_1073 = arith.constant 1024 : i32
        %parallel_loop3A_1074 = arith.muli %parallel_loop3A_1072, %parallel_loop3A_1073 : i32
        %parallel_loop3A_1075 = arith.constant 48 : i32
        %parallel_loop3A_1076 = arith.addi %parallel_loop3A_1074, %parallel_loop3A_1075 : i32
        %parallel_loop3A_1077 = arith.constant 48 : i32
        %parallel_loop3A_1078 = arith.constant 0 : i32
        %parallel_loop3A_1079 = tpu.memref_slice %arg14[%parallel_loop3A_1077, %parallel_loop3A_1078] : memref<128x64xf32, #tpu.memory_space<vmem>> -> memref<16x64xf32, #tpu.memory_space<vmem>>
        %parallel_loop3A_1080 = tpu.vector_load_idx %parallel_loop3A_1079[%parallel_loop3A_1021, %parallel_loop3A_1034] : memref<16x64xf32, #tpu.memory_space<vmem>>[vector<16xi32>, vector<16xi32>], vector<16xf32>,
        %parallel_loop3A_1081 = arith.addf %parallel_loop3A_1080, %parallel_loop3A_1030 : vector<16xf32>
        %parallel_loop3A_1082 = tpu.memref_slice %arg18[%parallel_loop3A_1076] : memref<8192xf32, #tpu.memory_space<vmem>> -> memref<1936xf32, #tpu.memory_space<vmem>>
        tpu.vector_store_idx %parallel_loop3A_1082[%parallel_loop3A_1025], %parallel_loop3A_1081 : memref<1936xf32, #tpu.memory_space<vmem>>[vector<16xi32>], vector<16xf32>,
        %parallel_loop3A_1083 = arith.constant 2 : i32
        %parallel_loop3A_1084 = arith.muli %parallel_loop3A_1017, %parallel_loop3A_1083 : i32
        %parallel_loop3A_1085 = arith.constant 1024 : i32
        %parallel_loop3A_1086 = arith.muli %parallel_loop3A_1084, %parallel_loop3A_1085 : i32
        %parallel_loop3A_1087 = arith.constant 64 : i32
        %parallel_loop3A_1088 = arith.addi %parallel_loop3A_1086, %parallel_loop3A_1087 : i32
        %parallel_loop3A_1089 = arith.constant 64 : i32
        %parallel_loop3A_1090 = arith.constant 0 : i32
        %parallel_loop3A_1091 = tpu.memref_slice %arg14[%parallel_loop3A_1089, %parallel_loop3A_1090] : memref<128x64xf32, #tpu.memory_space<vmem>> -> memref<16x64xf32, #tpu.memory_space<vmem>>
        %parallel_loop3A_1092 = tpu.vector_load_idx %parallel_loop3A_1091[%parallel_loop3A_1021, %parallel_loop3A_1034] : memref<16x64xf32, #tpu.memory_space<vmem>>[vector<16xi32>, vector<16xi32>], vector<16xf32>,
        %parallel_loop3A_1093 = arith.addf %parallel_loop3A_1092, %parallel_loop3A_1030 : vector<16xf32>
        %parallel_loop3A_1094 = tpu.memref_slice %arg18[%parallel_loop3A_1088] : memref<8192xf32, #tpu.memory_space<vmem>> -> memref<1936xf32, #tpu.memory_space<vmem>>
        tpu.vector_store_idx %parallel_loop3A_1094[%parallel_loop3A_1025], %parallel_loop3A_1093 : memref<1936xf32, #tpu.memory_space<vmem>>[vector<16xi32>], vector<16xf32>,
        %parallel_loop3A_1095 = arith.constant 2 : i32
        %parallel_loop3A_1096 = arith.muli %parallel_loop3A_1017, %parallel_loop3A_1095 : i32
        %parallel_loop3A_1097 = arith.constant 1024 : i32
        %parallel_loop3A_1098 = arith.muli %parallel_loop3A_1096, %parallel_loop3A_1097 : i32
        %parallel_loop3A_1099 = arith.constant 80 : i32
        %parallel_loop3A_1100 = arith.addi %parallel_loop3A_1098, %parallel_loop3A_1099 : i32
        %parallel_loop3A_1101 = arith.constant 80 : i32
        %parallel_loop3A_1102 = arith.constant 0 : i32
        %parallel_loop3A_1103 = tpu.memref_slice %arg14[%parallel_loop3A_1101, %parallel_loop3A_1102] : memref<128x64xf32, #tpu.memory_space<vmem>> -> memref<16x64xf32, #tpu.memory_space<vmem>>
        %parallel_loop3A_1104 = tpu.vector_load_idx %parallel_loop3A_1103[%parallel_loop3A_1021, %parallel_loop3A_1034] : memref<16x64xf32, #tpu.memory_space<vmem>>[vector<16xi32>, vector<16xi32>], vector<16xf32>,
        %parallel_loop3A_1105 = arith.addf %parallel_loop3A_1104, %parallel_loop3A_1030 : vector<16xf32>
        %parallel_loop3A_1106 = tpu.memref_slice %arg18[%parallel_loop3A_1100] : memref<8192xf32, #tpu.memory_space<vmem>> -> memref<1936xf32, #tpu.memory_space<vmem>>
        tpu.vector_store_idx %parallel_loop3A_1106[%parallel_loop3A_1025], %parallel_loop3A_1105 : memref<1936xf32, #tpu.memory_space<vmem>>[vector<16xi32>], vector<16xf32>,
        %parallel_loop3A_1107 = arith.constant 2 : i32
        %parallel_loop3A_1108 = arith.muli %parallel_loop3A_1017, %parallel_loop3A_1107 : i32
        %parallel_loop3A_1109 = arith.constant 1024 : i32
        %parallel_loop3A_1110 = arith.muli %parallel_loop3A_1108, %parallel_loop3A_1109 : i32
        %parallel_loop3A_1111 = arith.constant 96 : i32
        %parallel_loop3A_1112 = arith.addi %parallel_loop3A_1110, %parallel_loop3A_1111 : i32
        %parallel_loop3A_1113 = arith.constant 96 : i32
        %parallel_loop3A_1114 = arith.constant 0 : i32
        %parallel_loop3A_1115 = tpu.memref_slice %arg14[%parallel_loop3A_1113, %parallel_loop3A_1114] : memref<128x64xf32, #tpu.memory_space<vmem>> -> memref<16x64xf32, #tpu.memory_space<vmem>>
        %parallel_loop3A_1116 = tpu.vector_load_idx %parallel_loop3A_1115[%parallel_loop3A_1021, %parallel_loop3A_1034] : memref<16x64xf32, #tpu.memory_space<vmem>>[vector<16xi32>, vector<16xi32>], vector<16xf32>,
        %parallel_loop3A_1117 = arith.addf %parallel_loop3A_1116, %parallel_loop3A_1030 : vector<16xf32>
        %parallel_loop3A_1118 = tpu.memref_slice %arg18[%parallel_loop3A_1112] : memref<8192xf32, #tpu.memory_space<vmem>> -> memref<1936xf32, #tpu.memory_space<vmem>>
        tpu.vector_store_idx %parallel_loop3A_1118[%parallel_loop3A_1025], %parallel_loop3A_1117 : memref<1936xf32, #tpu.memory_space<vmem>>[vector<16xi32>], vector<16xf32>,
        %parallel_loop3A_1119 = arith.constant 2 : i32
        %parallel_loop3A_1120 = arith.muli %parallel_loop3A_1017, %parallel_loop3A_1119 : i32
        %parallel_loop3A_1121 = arith.constant 1024 : i32
        %parallel_loop3A_1122 = arith.muli %parallel_loop3A_1120, %parallel_loop3A_1121 : i32
        %parallel_loop3A_1123 = arith.constant 112 : i32
        %parallel_loop3A_1124 = arith.addi %parallel_loop3A_1122, %parallel_loop3A_1123 : i32
        %parallel_loop3A_1125 = arith.constant 112 : i32
        %parallel_loop3A_1126 = arith.constant 0 : i32
        %parallel_loop3A_1127 = tpu.memref_slice %arg14[%parallel_loop3A_1125, %parallel_loop3A_1126] : memref<128x64xf32, #tpu.memory_space<vmem>> -> memref<16x64xf32, #tpu.memory_space<vmem>>
        %parallel_loop3A_1128 = tpu.vector_load_idx %parallel_loop3A_1127[%parallel_loop3A_1021, %parallel_loop3A_1034] : memref<16x64xf32, #tpu.memory_space<vmem>>[vector<16xi32>, vector<16xi32>], vector<16xf32>,
        %parallel_loop3A_1129 = arith.addf %parallel_loop3A_1128, %parallel_loop3A_1030 : vector<16xf32>
        %parallel_loop3A_1130 = tpu.memref_slice %arg18[%parallel_loop3A_1124] : memref<8192xf32, #tpu.memory_space<vmem>> -> memref<1936xf32, #tpu.memory_space<vmem>>
        tpu.vector_store_idx %parallel_loop3A_1130[%parallel_loop3A_1025], %parallel_loop3A_1129 : memref<1936xf32, #tpu.memory_space<vmem>>[vector<16xi32>], vector<16xf32>,
      } {sc.loop_unroll_factor = 8 : i64, sc.parallel_access}
      %dma_start3A_714 = arith.constant 0 : i32
      %dma_start3A_715 = arith.constant 0 : i32
      %dma_start3A_716 = tpu.memref_slice %arg18[%dma_start3A_715] : memref<8192xf32, #tpu.memory_space<vmem>> -> memref<1024xf32, #tpu.memory_space<vmem>>
      %dma_start3A_717 = arith.constant 0 : i32
      %dma_start3A_718 = tpu.memref_slice %arg5[%add3A_594, %dma_start3A_714, %add3A, %dma_start3A_717] : memref<200x8x32x1024xf32, #tpu.memory_space<hbm>> -> memref<1x1x1x1024xf32, #tpu.memory_space<hbm>>
      %dma_start3A_719 = tpu.memref_squeeze %dma_start3A_718 : memref<1x1x1x1024xf32, #tpu.memory_space<hbm>> -> memref<1024xf32, #tpu.memory_space<hbm>>
      %dma_start3A_720 = arith.constant 0 : i32
      %dma_start3A_721 = tpu.memref_slice %arg5[%add3A_594, %dma_start3A_714, %add3A, %dma_start3A_720] : memref<200x8x32x1024xf32, #tpu.memory_space<hbm>> -> memref<1x1x1x1024xf32, #tpu.memory_space<hbm>>
      %dma_start3A_722 = tpu.memref_squeeze %dma_start3A_721 : memref<1x1x1x1024xf32, #tpu.memory_space<hbm>> -> memref<1024xf32, #tpu.memory_space<hbm>>
      %dma_start3A_723 = arith.constant 0 : i32
      %dma_start3A_724 = tpu.memref_slice %arg18[%dma_start3A_723] : memref<8192xf32, #tpu.memory_space<vmem>> -> memref<1024xf32, #tpu.memory_space<vmem>>
      tpu.enqueue_dma source(%dma_start3A_724 : memref<1024xf32, #tpu.memory_space<vmem>>) target(%dma_start3A_722 : memref<1024xf32, #tpu.memory_space<hbm>>) target_semaphore(%arg28 : memref<!tpu.dma_semaphore, #tpu.memory_space<semaphore_mem>>)
      %dma_start3A_725 = arith.constant 1 : i32
      %dma_start3A_726 = arith.constant 1024 : i32
      %dma_start3A_727 = tpu.memref_slice %arg18[%dma_start3A_726] : memref<8192xf32, #tpu.memory_space<vmem>> -> memref<1024xf32, #tpu.memory_space<vmem>>
      %dma_start3A_728 = arith.constant 0 : i32
      %dma_start3A_729 = tpu.memref_slice %arg5[%add3A_594, %dma_start3A_725, %add3A, %dma_start3A_728] : memref<200x8x32x1024xf32, #tpu.memory_space<hbm>> -> memref<1x1x1x1024xf32, #tpu.memory_space<hbm>>
      %dma_start3A_730 = tpu.memref_squeeze %dma_start3A_729 : memref<1x1x1x1024xf32, #tpu.memory_space<hbm>> -> memref<1024xf32, #tpu.memory_space<hbm>>
      %dma_start3A_731 = arith.constant 0 : i32
      %dma_start3A_732 = tpu.memref_slice %arg5[%add3A_594, %dma_start3A_725, %add3A, %dma_start3A_731] : memref<200x8x32x1024xf32, #tpu.memory_space<hbm>> -> memref<1x1x1x1024xf32, #tpu.memory_space<hbm>>
      %dma_start3A_733 = tpu.memref_squeeze %dma_start3A_732 : memref<1x1x1x1024xf32, #tpu.memory_space<hbm>> -> memref<1024xf32, #tpu.memory_space<hbm>>
      %dma_start3A_734 = arith.constant 1024 : i32
      %dma_start3A_735 = tpu.memref_slice %arg18[%dma_start3A_734] : memref<8192xf32, #tpu.memory_space<vmem>> -> memref<1024xf32, #tpu.memory_space<vmem>>
      tpu.enqueue_dma source(%dma_start3A_735 : memref<1024xf32, #tpu.memory_space<vmem>>) target(%dma_start3A_733 : memref<1024xf32, #tpu.memory_space<hbm>>) target_semaphore(%arg28 : memref<!tpu.dma_semaphore, #tpu.memory_space<semaphore_mem>>)
      %dma_start3A_736 = arith.constant 2 : i32
      %dma_start3A_737 = arith.constant 2048 : i32
      %dma_start3A_738 = tpu.memref_slice %arg18[%dma_start3A_737] : memref<8192xf32, #tpu.memory_space<vmem>> -> memref<1024xf32, #tpu.memory_space<vmem>>
      %dma_start3A_739 = arith.constant 0 : i32
      %dma_start3A_740 = tpu.memref_slice %arg5[%add3A_594, %dma_start3A_736, %add3A, %dma_start3A_739] : memref<200x8x32x1024xf32, #tpu.memory_space<hbm>> -> memref<1x1x1x1024xf32, #tpu.memory_space<hbm>>
      %dma_start3A_741 = tpu.memref_squeeze %dma_start3A_740 : memref<1x1x1x1024xf32, #tpu.memory_space<hbm>> -> memref<1024xf32, #tpu.memory_space<hbm>>
      %dma_start3A_742 = arith.constant 0 : i32
      %dma_start3A_743 = tpu.memref_slice %arg5[%add3A_594, %dma_start3A_736, %add3A, %dma_start3A_742] : memref<200x8x32x1024xf32, #tpu.memory_space<hbm>> -> memref<1x1x1x1024xf32, #tpu.memory_space<hbm>>
      %dma_start3A_744 = tpu.memref_squeeze %dma_start3A_743 : memref<1x1x1x1024xf32, #tpu.memory_space<hbm>> -> memref<1024xf32, #tpu.memory_space<hbm>>
      %dma_start3A_745 = arith.constant 2048 : i32
      %dma_start3A_746 = tpu.memref_slice %arg18[%dma_start3A_745] : memref<8192xf32, #tpu.memory_space<vmem>> -> memref<1024xf32, #tpu.memory_space<vmem>>
      tpu.enqueue_dma source(%dma_start3A_746 : memref<1024xf32, #tpu.memory_space<vmem>>) target(%dma_start3A_744 : memref<1024xf32, #tpu.memory_space<hbm>>) target_semaphore(%arg28 : memref<!tpu.dma_semaphore, #tpu.memory_space<semaphore_mem>>)
      %dma_start3A_747 = arith.constant 3 : i32
      %dma_start3A_748 = arith.constant 3072 : i32
      %dma_start3A_749 = tpu.memref_slice %arg18[%dma_start3A_748] : memref<8192xf32, #tpu.memory_space<vmem>> -> memref<1024xf32, #tpu.memory_space<vmem>>
      %dma_start3A_750 = arith.constant 0 : i32
      %dma_start3A_751 = tpu.memref_slice %arg5[%add3A_594, %dma_start3A_747, %add3A, %dma_start3A_750] : memref<200x8x32x1024xf32, #tpu.memory_space<hbm>> -> memref<1x1x1x1024xf32, #tpu.memory_space<hbm>>
      %dma_start3A_752 = tpu.memref_squeeze %dma_start3A_751 : memref<1x1x1x1024xf32, #tpu.memory_space<hbm>> -> memref<1024xf32, #tpu.memory_space<hbm>>
      %dma_start3A_753 = arith.constant 0 : i32
      %dma_start3A_754 = tpu.memref_slice %arg5[%add3A_594, %dma_start3A_747, %add3A, %dma_start3A_753] : memref<200x8x32x1024xf32, #tpu.memory_space<hbm>> -> memref<1x1x1x1024xf32, #tpu.memory_space<hbm>>
      %dma_start3A_755 = tpu.memref_squeeze %dma_start3A_754 : memref<1x1x1x1024xf32, #tpu.memory_space<hbm>> -> memref<1024xf32, #tpu.memory_space<hbm>>
      %dma_start3A_756 = arith.constant 3072 : i32
      %dma_start3A_757 = tpu.memref_slice %arg18[%dma_start3A_756] : memref<8192xf32, #tpu.memory_space<vmem>> -> memref<1024xf32, #tpu.memory_space<vmem>>
      tpu.enqueue_dma source(%dma_start3A_757 : memref<1024xf32, #tpu.memory_space<vmem>>) target(%dma_start3A_755 : memref<1024xf32, #tpu.memory_space<hbm>>) target_semaphore(%arg28 : memref<!tpu.dma_semaphore, #tpu.memory_space<semaphore_mem>>)
      %dma_start3A_758 = arith.constant 4 : i32
      %dma_start3A_759 = arith.constant 4096 : i32
      %dma_start3A_760 = tpu.memref_slice %arg18[%dma_start3A_759] : memref<8192xf32, #tpu.memory_space<vmem>> -> memref<1024xf32, #tpu.memory_space<vmem>>
      %dma_start3A_761 = arith.constant 0 : i32
      %dma_start3A_762 = tpu.memref_slice %arg5[%add3A_594, %dma_start3A_758, %add3A, %dma_start3A_761] : memref<200x8x32x1024xf32, #tpu.memory_space<hbm>> -> memref<1x1x1x1024xf32, #tpu.memory_space<hbm>>
      %dma_start3A_763 = tpu.memref_squeeze %dma_start3A_762 : memref<1x1x1x1024xf32, #tpu.memory_space<hbm>> -> memref<1024xf32, #tpu.memory_space<hbm>>
      %dma_start3A_764 = arith.constant 0 : i32
      %dma_start3A_765 = tpu.memref_slice %arg5[%add3A_594, %dma_start3A_758, %add3A, %dma_start3A_764] : memref<200x8x32x1024xf32, #tpu.memory_space<hbm>> -> memref<1x1x1x1024xf32, #tpu.memory_space<hbm>>
      %dma_start3A_766 = tpu.memref_squeeze %dma_start3A_765 : memref<1x1x1x1024xf32, #tpu.memory_space<hbm>> -> memref<1024xf32, #tpu.memory_space<hbm>>
      %dma_start3A_767 = arith.constant 4096 : i32
      %dma_start3A_768 = tpu.memref_slice %arg18[%dma_start3A_767] : memref<8192xf32, #tpu.memory_space<vmem>> -> memref<1024xf32, #tpu.memory_space<vmem>>
      tpu.enqueue_dma source(%dma_start3A_768 : memref<1024xf32, #tpu.memory_space<vmem>>) target(%dma_start3A_766 : memref<1024xf32, #tpu.memory_space<hbm>>) target_semaphore(%arg28 : memref<!tpu.dma_semaphore, #tpu.memory_space<semaphore_mem>>)
      %dma_start3A_769 = arith.constant 5 : i32
      %dma_start3A_770 = arith.constant 5120 : i32
      %dma_start3A_771 = tpu.memref_slice %arg18[%dma_start3A_770] : memref<8192xf32, #tpu.memory_space<vmem>> -> memref<1024xf32, #tpu.memory_space<vmem>>
      %dma_start3A_772 = arith.constant 0 : i32
      %dma_start3A_773 = tpu.memref_slice %arg5[%add3A_594, %dma_start3A_769, %add3A, %dma_start3A_772] : memref<200x8x32x1024xf32, #tpu.memory_space<hbm>> -> memref<1x1x1x1024xf32, #tpu.memory_space<hbm>>
      %dma_start3A_774 = tpu.memref_squeeze %dma_start3A_773 : memref<1x1x1x1024xf32, #tpu.memory_space<hbm>> -> memref<1024xf32, #tpu.memory_space<hbm>>
      %dma_start3A_775 = arith.constant 0 : i32
      %dma_start3A_776 = tpu.memref_slice %arg5[%add3A_594, %dma_start3A_769, %add3A, %dma_start3A_775] : memref<200x8x32x1024xf32, #tpu.memory_space<hbm>> -> memref<1x1x1x1024xf32, #tpu.memory_space<hbm>>
      %dma_start3A_777 = tpu.memref_squeeze %dma_start3A_776 : memref<1x1x1x1024xf32, #tpu.memory_space<hbm>> -> memref<1024xf32, #tpu.memory_space<hbm>>
      %dma_start3A_778 = arith.constant 5120 : i32
      %dma_start3A_779 = tpu.memref_slice %arg18[%dma_start3A_778] : memref<8192xf32, #tpu.memory_space<vmem>> -> memref<1024xf32, #tpu.memory_space<vmem>>
      tpu.enqueue_dma source(%dma_start3A_779 : memref<1024xf32, #tpu.memory_space<vmem>>) target(%dma_start3A_777 : memref<1024xf32, #tpu.memory_space<hbm>>) target_semaphore(%arg28 : memref<!tpu.dma_semaphore, #tpu.memory_space<semaphore_mem>>)
      %dma_start3A_780 = arith.constant 6 : i32
      %dma_start3A_781 = arith.constant 6144 : i32
      %dma_start3A_782 = tpu.memref_slice %arg18[%dma_start3A_781] : memref<8192xf32, #tpu.memory_space<vmem>> -> memref<1024xf32, #tpu.memory_space<vmem>>
      %dma_start3A_783 = arith.constant 0 : i32
      %dma_start3A_784 = tpu.memref_slice %arg5[%add3A_594, %dma_start3A_780, %add3A, %dma_start3A_783] : memref<200x8x32x1024xf32, #tpu.memory_space<hbm>> -> memref<1x1x1x1024xf32, #tpu.memory_space<hbm>>
      %dma_start3A_785 = tpu.memref_squeeze %dma_start3A_784 : memref<1x1x1x1024xf32, #tpu.memory_space<hbm>> -> memref<1024xf32, #tpu.memory_space<hbm>>
      %dma_start3A_786 = arith.constant 0 : i32
      %dma_start3A_787 = tpu.memref_slice %arg5[%add3A_594, %dma_start3A_780, %add3A, %dma_start3A_786] : memref<200x8x32x1024xf32, #tpu.memory_space<hbm>> -> memref<1x1x1x1024xf32, #tpu.memory_space<hbm>>
      %dma_start3A_788 = tpu.memref_squeeze %dma_start3A_787 : memref<1x1x1x1024xf32, #tpu.memory_space<hbm>> -> memref<1024xf32, #tpu.memory_space<hbm>>
      %dma_start3A_789 = arith.constant 6144 : i32
      %dma_start3A_790 = tpu.memref_slice %arg18[%dma_start3A_789] : memref<8192xf32, #tpu.memory_space<vmem>> -> memref<1024xf32, #tpu.memory_space<vmem>>
      tpu.enqueue_dma source(%dma_start3A_790 : memref<1024xf32, #tpu.memory_space<vmem>>) target(%dma_start3A_788 : memref<1024xf32, #tpu.memory_space<hbm>>) target_semaphore(%arg28 : memref<!tpu.dma_semaphore, #tpu.memory_space<semaphore_mem>>)
      %dma_start3A_791 = arith.constant 7 : i32
      %dma_start3A_792 = arith.constant 7168 : i32
      %dma_start3A_793 = tpu.memref_slice %arg18[%dma_start3A_792] : memref<8192xf32, #tpu.memory_space<vmem>> -> memref<1024xf32, #tpu.memory_space<vmem>>
      %dma_start3A_794 = arith.constant 0 : i32
      %dma_start3A_795 = tpu.memref_slice %arg5[%add3A_594, %dma_start3A_791, %add3A, %dma_start3A_794] : memref<200x8x32x1024xf32, #tpu.memory_space<hbm>> -> memref<1x1x1x1024xf32, #tpu.memory_space<hbm>>
      %dma_start3A_796 = tpu.memref_squeeze %dma_start3A_795 : memref<1x1x1x1024xf32, #tpu.memory_space<hbm>> -> memref<1024xf32, #tpu.memory_space<hbm>>
      %dma_start3A_797 = arith.constant 0 : i32
      %dma_start3A_798 = tpu.memref_slice %arg5[%add3A_594, %dma_start3A_791, %add3A, %dma_start3A_797] : memref<200x8x32x1024xf32, #tpu.memory_space<hbm>> -> memref<1x1x1x1024xf32, #tpu.memory_space<hbm>>
      %dma_start3A_799 = tpu.memref_squeeze %dma_start3A_798 : memref<1x1x1x1024xf32, #tpu.memory_space<hbm>> -> memref<1024xf32, #tpu.memory_space<hbm>>
      %dma_start3A_800 = arith.constant 7168 : i32
      %dma_start3A_801 = tpu.memref_slice %arg18[%dma_start3A_800] : memref<8192xf32, #tpu.memory_space<vmem>> -> memref<1024xf32, #tpu.memory_space<vmem>>
      tpu.enqueue_dma source(%dma_start3A_801 : memref<1024xf32, #tpu.memory_space<vmem>>) target(%dma_start3A_799 : memref<1024xf32, #tpu.memory_space<hbm>>) target_semaphore(%arg28 : memref<!tpu.dma_semaphore, #tpu.memory_space<semaphore_mem>>)
      %mul3A_802 = arith.constant 4 : i32
      %mul3A_803 = arith.muli %scan3A_273, %mul3A_802 : i32
      %add3A_804 = arith.constant 3 : i32
      %add3A_805 = arith.addi %mul3A_803, %add3A_804 : i32
      %sub3A_806 = arith.constant 1 : i32
      %sub3A_807 = arith.subi %add3A_805, %sub3A_806 : i32
      %dma_wait3A_808 = arith.constant 0 : i32
      %dma_wait3A_809 = arith.constant 0 : i32
      %dma_wait3A_810 = tpu.memref_slice %arg18[%dma_wait3A_809] : memref<8192xf32, #tpu.memory_space<vmem>> -> memref<1024xf32, #tpu.memory_space<vmem>>
      %dma_wait3A_811 = arith.constant 0 : i32
      %dma_wait3A_812 = tpu.memref_slice %arg5[%sub3A_807, %dma_wait3A_808, %add3A, %dma_wait3A_811] : memref<200x8x32x1024xf32, #tpu.memory_space<hbm>> -> memref<1x1x1x1024xf32, #tpu.memory_space<hbm>>
      %dma_wait3A_813 = tpu.memref_squeeze %dma_wait3A_812 : memref<1x1x1x1024xf32, #tpu.memory_space<hbm>> -> memref<1024xf32, #tpu.memory_space<hbm>>
      %dma_wait3A_814 = arith.constant 0 : i32
      %dma_wait3A_815 = tpu.memref_slice %arg5[%sub3A_807, %dma_wait3A_808, %add3A, %dma_wait3A_814] : memref<200x8x32x1024xf32, #tpu.memory_space<hbm>> -> memref<1x1x1x1024xf32, #tpu.memory_space<hbm>>
      %dma_wait3A_816 = tpu.memref_squeeze %dma_wait3A_815 : memref<1x1x1x1024xf32, #tpu.memory_space<hbm>> -> memref<1024xf32, #tpu.memory_space<hbm>>
      %dma_wait3A_817 = arith.constant 0 : i32
      %dma_wait3A_818 = tpu.memref_slice %arg18[%dma_wait3A_817] : memref<8192xf32, #tpu.memory_space<vmem>> -> memref<1024xf32, #tpu.memory_space<vmem>>
      tpu.wait_dma2 semaphore(%arg28 : memref<!tpu.dma_semaphore, #tpu.memory_space<semaphore_mem>>) src(%dma_wait3A_818 : memref<1024xf32, #tpu.memory_space<vmem>>) dst(%dma_wait3A_816 : memref<1024xf32, #tpu.memory_space<hbm>>)
      %sub3A_819 = arith.constant 1 : i32
      %sub3A_820 = arith.subi %add3A_805, %sub3A_819 : i32
      %dma_wait3A_821 = arith.constant 1 : i32
      %dma_wait3A_822 = arith.constant 1024 : i32
      %dma_wait3A_823 = tpu.memref_slice %arg18[%dma_wait3A_822] : memref<8192xf32, #tpu.memory_space<vmem>> -> memref<1024xf32, #tpu.memory_space<vmem>>
      %dma_wait3A_824 = arith.constant 0 : i32
      %dma_wait3A_825 = tpu.memref_slice %arg5[%sub3A_820, %dma_wait3A_821, %add3A, %dma_wait3A_824] : memref<200x8x32x1024xf32, #tpu.memory_space<hbm>> -> memref<1x1x1x1024xf32, #tpu.memory_space<hbm>>
      %dma_wait3A_826 = tpu.memref_squeeze %dma_wait3A_825 : memref<1x1x1x1024xf32, #tpu.memory_space<hbm>> -> memref<1024xf32, #tpu.memory_space<hbm>>
      %dma_wait3A_827 = arith.constant 0 : i32
      %dma_wait3A_828 = tpu.memref_slice %arg5[%sub3A_820, %dma_wait3A_821, %add3A, %dma_wait3A_827] : memref<200x8x32x1024xf32, #tpu.memory_space<hbm>> -> memref<1x1x1x1024xf32, #tpu.memory_space<hbm>>
      %dma_wait3A_829 = tpu.memref_squeeze %dma_wait3A_828 : memref<1x1x1x1024xf32, #tpu.memory_space<hbm>> -> memref<1024xf32, #tpu.memory_space<hbm>>
      %dma_wait3A_830 = arith.constant 1024 : i32
      %dma_wait3A_831 = tpu.memref_slice %arg18[%dma_wait3A_830] : memref<8192xf32, #tpu.memory_space<vmem>> -> memref<1024xf32, #tpu.memory_space<vmem>>
      tpu.wait_dma2 semaphore(%arg28 : memref<!tpu.dma_semaphore, #tpu.memory_space<semaphore_mem>>) src(%dma_wait3A_831 : memref<1024xf32, #tpu.memory_space<vmem>>) dst(%dma_wait3A_829 : memref<1024xf32, #tpu.memory_space<hbm>>)
      %sub3A_832 = arith.constant 1 : i32
      %sub3A_833 = arith.subi %add3A_805, %sub3A_832 : i32
      %dma_wait3A_834 = arith.constant 2 : i32
      %dma_wait3A_835 = arith.constant 2048 : i32
      %dma_wait3A_836 = tpu.memref_slice %arg18[%dma_wait3A_835] : memref<8192xf32, #tpu.memory_space<vmem>> -> memref<1024xf32, #tpu.memory_space<vmem>>
      %dma_wait3A_837 = arith.constant 0 : i32
      %dma_wait3A_838 = tpu.memref_slice %arg5[%sub3A_833, %dma_wait3A_834, %add3A, %dma_wait3A_837] : memref<200x8x32x1024xf32, #tpu.memory_space<hbm>> -> memref<1x1x1x1024xf32, #tpu.memory_space<hbm>>
      %dma_wait3A_839 = tpu.memref_squeeze %dma_wait3A_838 : memref<1x1x1x1024xf32, #tpu.memory_space<hbm>> -> memref<1024xf32, #tpu.memory_space<hbm>>
      %dma_wait3A_840 = arith.constant 0 : i32
      %dma_wait3A_841 = tpu.memref_slice %arg5[%sub3A_833, %dma_wait3A_834, %add3A, %dma_wait3A_840] : memref<200x8x32x1024xf32, #tpu.memory_space<hbm>> -> memref<1x1x1x1024xf32, #tpu.memory_space<hbm>>
      %dma_wait3A_842 = tpu.memref_squeeze %dma_wait3A_841 : memref<1x1x1x1024xf32, #tpu.memory_space<hbm>> -> memref<1024xf32, #tpu.memory_space<hbm>>
      %dma_wait3A_843 = arith.constant 2048 : i32
      %dma_wait3A_844 = tpu.memref_slice %arg18[%dma_wait3A_843] : memref<8192xf32, #tpu.memory_space<vmem>> -> memref<1024xf32, #tpu.memory_space<vmem>>
      tpu.wait_dma2 semaphore(%arg28 : memref<!tpu.dma_semaphore, #tpu.memory_space<semaphore_mem>>) src(%dma_wait3A_844 : memref<1024xf32, #tpu.memory_space<vmem>>) dst(%dma_wait3A_842 : memref<1024xf32, #tpu.memory_space<hbm>>)
      %sub3A_845 = arith.constant 1 : i32
      %sub3A_846 = arith.subi %add3A_805, %sub3A_845 : i32
      %dma_wait3A_847 = arith.constant 3 : i32
      %dma_wait3A_848 = arith.constant 3072 : i32
      %dma_wait3A_849 = tpu.memref_slice %arg18[%dma_wait3A_848] : memref<8192xf32, #tpu.memory_space<vmem>> -> memref<1024xf32, #tpu.memory_space<vmem>>
      %dma_wait3A_850 = arith.constant 0 : i32
      %dma_wait3A_851 = tpu.memref_slice %arg5[%sub3A_846, %dma_wait3A_847, %add3A, %dma_wait3A_850] : memref<200x8x32x1024xf32, #tpu.memory_space<hbm>> -> memref<1x1x1x1024xf32, #tpu.memory_space<hbm>>
      %dma_wait3A_852 = tpu.memref_squeeze %dma_wait3A_851 : memref<1x1x1x1024xf32, #tpu.memory_space<hbm>> -> memref<1024xf32, #tpu.memory_space<hbm>>
      %dma_wait3A_853 = arith.constant 0 : i32
      %dma_wait3A_854 = tpu.memref_slice %arg5[%sub3A_846, %dma_wait3A_847, %add3A, %dma_wait3A_853] : memref<200x8x32x1024xf32, #tpu.memory_space<hbm>> -> memref<1x1x1x1024xf32, #tpu.memory_space<hbm>>
      %dma_wait3A_855 = tpu.memref_squeeze %dma_wait3A_854 : memref<1x1x1x1024xf32, #tpu.memory_space<hbm>> -> memref<1024xf32, #tpu.memory_space<hbm>>
      %dma_wait3A_856 = arith.constant 3072 : i32
      %dma_wait3A_857 = tpu.memref_slice %arg18[%dma_wait3A_856] : memref<8192xf32, #tpu.memory_space<vmem>> -> memref<1024xf32, #tpu.memory_space<vmem>>
      tpu.wait_dma2 semaphore(%arg28 : memref<!tpu.dma_semaphore, #tpu.memory_space<semaphore_mem>>) src(%dma_wait3A_857 : memref<1024xf32, #tpu.memory_space<vmem>>) dst(%dma_wait3A_855 : memref<1024xf32, #tpu.memory_space<hbm>>)
      %sub3A_858 = arith.constant 1 : i32
      %sub3A_859 = arith.subi %add3A_805, %sub3A_858 : i32
      %dma_wait3A_860 = arith.constant 4 : i32
      %dma_wait3A_861 = arith.constant 4096 : i32
      %dma_wait3A_862 = tpu.memref_slice %arg18[%dma_wait3A_861] : memref<8192xf32, #tpu.memory_space<vmem>> -> memref<1024xf32, #tpu.memory_space<vmem>>
      %dma_wait3A_863 = arith.constant 0 : i32
      %dma_wait3A_864 = tpu.memref_slice %arg5[%sub3A_859, %dma_wait3A_860, %add3A, %dma_wait3A_863] : memref<200x8x32x1024xf32, #tpu.memory_space<hbm>> -> memref<1x1x1x1024xf32, #tpu.memory_space<hbm>>
      %dma_wait3A_865 = tpu.memref_squeeze %dma_wait3A_864 : memref<1x1x1x1024xf32, #tpu.memory_space<hbm>> -> memref<1024xf32, #tpu.memory_space<hbm>>
      %dma_wait3A_866 = arith.constant 0 : i32
      %dma_wait3A_867 = tpu.memref_slice %arg5[%sub3A_859, %dma_wait3A_860, %add3A, %dma_wait3A_866] : memref<200x8x32x1024xf32, #tpu.memory_space<hbm>> -> memref<1x1x1x1024xf32, #tpu.memory_space<hbm>>
      %dma_wait3A_868 = tpu.memref_squeeze %dma_wait3A_867 : memref<1x1x1x1024xf32, #tpu.memory_space<hbm>> -> memref<1024xf32, #tpu.memory_space<hbm>>
      %dma_wait3A_869 = arith.constant 4096 : i32
      %dma_wait3A_870 = tpu.memref_slice %arg18[%dma_wait3A_869] : memref<8192xf32, #tpu.memory_space<vmem>> -> memref<1024xf32, #tpu.memory_space<vmem>>
      tpu.wait_dma2 semaphore(%arg28 : memref<!tpu.dma_semaphore, #tpu.memory_space<semaphore_mem>>) src(%dma_wait3A_870 : memref<1024xf32, #tpu.memory_space<vmem>>) dst(%dma_wait3A_868 : memref<1024xf32, #tpu.memory_space<hbm>>)
      %sub3A_871 = arith.constant 1 : i32
      %sub3A_872 = arith.subi %add3A_805, %sub3A_871 : i32
      %dma_wait3A_873 = arith.constant 5 : i32
      %dma_wait3A_874 = arith.constant 5120 : i32
      %dma_wait3A_875 = tpu.memref_slice %arg18[%dma_wait3A_874] : memref<8192xf32, #tpu.memory_space<vmem>> -> memref<1024xf32, #tpu.memory_space<vmem>>
      %dma_wait3A_876 = arith.constant 0 : i32
      %dma_wait3A_877 = tpu.memref_slice %arg5[%sub3A_872, %dma_wait3A_873, %add3A, %dma_wait3A_876] : memref<200x8x32x1024xf32, #tpu.memory_space<hbm>> -> memref<1x1x1x1024xf32, #tpu.memory_space<hbm>>
      %dma_wait3A_878 = tpu.memref_squeeze %dma_wait3A_877 : memref<1x1x1x1024xf32, #tpu.memory_space<hbm>> -> memref<1024xf32, #tpu.memory_space<hbm>>
      %dma_wait3A_879 = arith.constant 0 : i32
      %dma_wait3A_880 = tpu.memref_slice %arg5[%sub3A_872, %dma_wait3A_873, %add3A, %dma_wait3A_879] : memref<200x8x32x1024xf32, #tpu.memory_space<hbm>> -> memref<1x1x1x1024xf32, #tpu.memory_space<hbm>>
      %dma_wait3A_881 = tpu.memref_squeeze %dma_wait3A_880 : memref<1x1x1x1024xf32, #tpu.memory_space<hbm>> -> memref<1024xf32, #tpu.memory_space<hbm>>
      %dma_wait3A_882 = arith.constant 5120 : i32
      %dma_wait3A_883 = tpu.memref_slice %arg18[%dma_wait3A_882] : memref<8192xf32, #tpu.memory_space<vmem>> -> memref<1024xf32, #tpu.memory_space<vmem>>
      tpu.wait_dma2 semaphore(%arg28 : memref<!tpu.dma_semaphore, #tpu.memory_space<semaphore_mem>>) src(%dma_wait3A_883 : memref<1024xf32, #tpu.memory_space<vmem>>) dst(%dma_wait3A_881 : memref<1024xf32, #tpu.memory_space<hbm>>)
      %sub3A_884 = arith.constant 1 : i32
      %sub3A_885 = arith.subi %add3A_805, %sub3A_884 : i32
      %dma_wait3A_886 = arith.constant 6 : i32
      %dma_wait3A_887 = arith.constant 6144 : i32
      %dma_wait3A_888 = tpu.memref_slice %arg18[%dma_wait3A_887] : memref<8192xf32, #tpu.memory_space<vmem>> -> memref<1024xf32, #tpu.memory_space<vmem>>
      %dma_wait3A_889 = arith.constant 0 : i32
      %dma_wait3A_890 = tpu.memref_slice %arg5[%sub3A_885, %dma_wait3A_886, %add3A, %dma_wait3A_889] : memref<200x8x32x1024xf32, #tpu.memory_space<hbm>> -> memref<1x1x1x1024xf32, #tpu.memory_space<hbm>>
      %dma_wait3A_891 = tpu.memref_squeeze %dma_wait3A_890 : memref<1x1x1x1024xf32, #tpu.memory_space<hbm>> -> memref<1024xf32, #tpu.memory_space<hbm>>
      %dma_wait3A_892 = arith.constant 0 : i32
      %dma_wait3A_893 = tpu.memref_slice %arg5[%sub3A_885, %dma_wait3A_886, %add3A, %dma_wait3A_892] : memref<200x8x32x1024xf32, #tpu.memory_space<hbm>> -> memref<1x1x1x1024xf32, #tpu.memory_space<hbm>>
      %dma_wait3A_894 = tpu.memref_squeeze %dma_wait3A_893 : memref<1x1x1x1024xf32, #tpu.memory_space<hbm>> -> memref<1024xf32, #tpu.memory_space<hbm>>
      %dma_wait3A_895 = arith.constant 6144 : i32
      %dma_wait3A_896 = tpu.memref_slice %arg18[%dma_wait3A_895] : memref<8192xf32, #tpu.memory_space<vmem>> -> memref<1024xf32, #tpu.memory_space<vmem>>
      tpu.wait_dma2 semaphore(%arg28 : memref<!tpu.dma_semaphore, #tpu.memory_space<semaphore_mem>>) src(%dma_wait3A_896 : memref<1024xf32, #tpu.memory_space<vmem>>) dst(%dma_wait3A_894 : memref<1024xf32, #tpu.memory_space<hbm>>)
      %sub3A_897 = arith.constant 1 : i32
      %sub3A_898 = arith.subi %add3A_805, %sub3A_897 : i32
      %dma_wait3A_899 = arith.constant 7 : i32
      %dma_wait3A_900 = arith.constant 7168 : i32
      %dma_wait3A_901 = tpu.memref_slice %arg18[%dma_wait3A_900] : memref<8192xf32, #tpu.memory_space<vmem>> -> memref<1024xf32, #tpu.memory_space<vmem>>
      %dma_wait3A_902 = arith.constant 0 : i32
      %dma_wait3A_903 = tpu.memref_slice %arg5[%sub3A_898, %dma_wait3A_899, %add3A, %dma_wait3A_902] : memref<200x8x32x1024xf32, #tpu.memory_space<hbm>> -> memref<1x1x1x1024xf32, #tpu.memory_space<hbm>>
      %dma_wait3A_904 = tpu.memref_squeeze %dma_wait3A_903 : memref<1x1x1x1024xf32, #tpu.memory_space<hbm>> -> memref<1024xf32, #tpu.memory_space<hbm>>
      %dma_wait3A_905 = arith.constant 0 : i32
      %dma_wait3A_906 = tpu.memref_slice %arg5[%sub3A_898, %dma_wait3A_899, %add3A, %dma_wait3A_905] : memref<200x8x32x1024xf32, #tpu.memory_space<hbm>> -> memref<1x1x1x1024xf32, #tpu.memory_space<hbm>>
      %dma_wait3A_907 = tpu.memref_squeeze %dma_wait3A_906 : memref<1x1x1x1024xf32, #tpu.memory_space<hbm>> -> memref<1024xf32, #tpu.memory_space<hbm>>
      %dma_wait3A_908 = arith.constant 7168 : i32
      %dma_wait3A_909 = tpu.memref_slice %arg18[%dma_wait3A_908] : memref<8192xf32, #tpu.memory_space<vmem>> -> memref<1024xf32, #tpu.memory_space<vmem>>
      tpu.wait_dma2 semaphore(%arg28 : memref<!tpu.dma_semaphore, #tpu.memory_space<semaphore_mem>>) src(%dma_wait3A_909 : memref<1024xf32, #tpu.memory_space<vmem>>) dst(%dma_wait3A_907 : memref<1024xf32, #tpu.memory_space<hbm>>)
      %add3A_910 = arith.constant 4 : i32
      %add3A_911 = arith.addi %add3A_805, %add3A_910 : i32
      %sub3A_912 = arith.constant 1 : i32
      %sub3A_913 = arith.subi %add3A_911, %sub3A_912 : i32
      %lt3A_914 = arith.constant 200 : i32
      %lt3A_915 = arith.cmpi slt, %sub3A_913, %lt3A_914 : i32
      %convert_element_type3A_916 = arith.extui %lt3A_915 : i1 to i32
      %cond3A_917 = arith.constant 0 : i32
      %cond3A_918 = arith.cmpi ne, %convert_element_type3A_916, %cond3A_917 : i32
      scf.if %cond3A_918 {
        %add3A_1013 = arith.constant 4 : i32
        %add3A_1014 = arith.addi %add3A_805, %add3A_1013 : i32
        %sub3A_1015 = arith.constant 1 : i32
        %sub3A_1016 = arith.subi %add3A_1014, %sub3A_1015 : i32
        %add3A_1017 = arith.constant 0 : i32
        %add3A_1018 = arith.addi %add3A_1017, %sub3A_1016 : i32
        %add3A_1019 = vector.broadcast %add3A_1018 : i32 to vector<16xi32>
        %add3A_1020 = arith.addi %mul3A_5, %add3A_1019 : vector<16xi32>
        %gather3A_1021 = tpu.vector_load_idx %arg6[%add3A_1020] : memref<25600xi32, #tpu.memory_space<vmem>>[vector<16xi32>], vector<16xi32>,
        %swap3A_1022 = arith.constant 0 : index
        %swap3A_1023 = tpu.vector_load %arg10[%swap3A_1022] {strides = array<i32>} : memref<128xi32, #tpu.memory_space<vmem>>, vector<16xi32>,
        tpu.vector_store %arg10[%swap3A_1022], %gather3A_1021 {strides = array<i32>} : memref<128xi32, #tpu.memory_space<vmem>>, vector<16xi32>,
        %add3A_1024 = arith.constant 3200 : i32
        %add3A_1025 = arith.addi %add3A_1024, %sub3A_1016 : i32
        %add3A_1026 = vector.broadcast %add3A_1025 : i32 to vector<16xi32>
        %add3A_1027 = arith.addi %mul3A_5, %add3A_1026 : vector<16xi32>
        %gather3A_1028 = tpu.vector_load_idx %arg6[%add3A_1027] : memref<25600xi32, #tpu.memory_space<vmem>>[vector<16xi32>], vector<16xi32>,
        %swap3A_1029 = arith.constant 16 : index
        %swap3A_1030 = tpu.vector_load %arg10[%swap3A_1029] {strides = array<i32>} : memref<128xi32, #tpu.memory_space<vmem>>, vector<16xi32>,
        tpu.vector_store %arg10[%swap3A_1029], %gather3A_1028 {strides = array<i32>} : memref<128xi32, #tpu.memory_space<vmem>>, vector<16xi32>,
        %add3A_1031 = arith.constant 6400 : i32
        %add3A_1032 = arith.addi %add3A_1031, %sub3A_1016 : i32
        %add3A_1033 = vector.broadcast %add3A_1032 : i32 to vector<16xi32>
        %add3A_1034 = arith.addi %mul3A_5, %add3A_1033 : vector<16xi32>
        %gather3A_1035 = tpu.vector_load_idx %arg6[%add3A_1034] : memref<25600xi32, #tpu.memory_space<vmem>>[vector<16xi32>], vector<16xi32>,
        %swap3A_1036 = arith.constant 32 : index
        %swap3A_1037 = tpu.vector_load %arg10[%swap3A_1036] {strides = array<i32>} : memref<128xi32, #tpu.memory_space<vmem>>, vector<16xi32>,
        tpu.vector_store %arg10[%swap3A_1036], %gather3A_1035 {strides = array<i32>} : memref<128xi32, #tpu.memory_space<vmem>>, vector<16xi32>,
        %add3A_1038 = arith.constant 9600 : i32
        %add3A_1039 = arith.addi %add3A_1038, %sub3A_1016 : i32
        %add3A_1040 = vector.broadcast %add3A_1039 : i32 to vector<16xi32>
        %add3A_1041 = arith.addi %mul3A_5, %add3A_1040 : vector<16xi32>
        %gather3A_1042 = tpu.vector_load_idx %arg6[%add3A_1041] : memref<25600xi32, #tpu.memory_space<vmem>>[vector<16xi32>], vector<16xi32>,
        %swap3A_1043 = arith.constant 48 : index
        %swap3A_1044 = tpu.vector_load %arg10[%swap3A_1043] {strides = array<i32>} : memref<128xi32, #tpu.memory_space<vmem>>, vector<16xi32>,
        tpu.vector_store %arg10[%swap3A_1043], %gather3A_1042 {strides = array<i32>} : memref<128xi32, #tpu.memory_space<vmem>>, vector<16xi32>,
        %add3A_1045 = arith.constant 12800 : i32
        %add3A_1046 = arith.addi %add3A_1045, %sub3A_1016 : i32
        %add3A_1047 = vector.broadcast %add3A_1046 : i32 to vector<16xi32>
        %add3A_1048 = arith.addi %mul3A_5, %add3A_1047 : vector<16xi32>
        %gather3A_1049 = tpu.vector_load_idx %arg6[%add3A_1048] : memref<25600xi32, #tpu.memory_space<vmem>>[vector<16xi32>], vector<16xi32>,
        %swap3A_1050 = arith.constant 64 : index
        %swap3A_1051 = tpu.vector_load %arg10[%swap3A_1050] {strides = array<i32>} : memref<128xi32, #tpu.memory_space<vmem>>, vector<16xi32>,
        tpu.vector_store %arg10[%swap3A_1050], %gather3A_1049 {strides = array<i32>} : memref<128xi32, #tpu.memory_space<vmem>>, vector<16xi32>,
        %add3A_1052 = arith.constant 16000 : i32
        %add3A_1053 = arith.addi %add3A_1052, %sub3A_1016 : i32
        %add3A_1054 = vector.broadcast %add3A_1053 : i32 to vector<16xi32>
        %add3A_1055 = arith.addi %mul3A_5, %add3A_1054 : vector<16xi32>
        %gather3A_1056 = tpu.vector_load_idx %arg6[%add3A_1055] : memref<25600xi32, #tpu.memory_space<vmem>>[vector<16xi32>], vector<16xi32>,
        %swap3A_1057 = arith.constant 80 : index
        %swap3A_1058 = tpu.vector_load %arg10[%swap3A_1057] {strides = array<i32>} : memref<128xi32, #tpu.memory_space<vmem>>, vector<16xi32>,
        tpu.vector_store %arg10[%swap3A_1057], %gather3A_1056 {strides = array<i32>} : memref<128xi32, #tpu.memory_space<vmem>>, vector<16xi32>,
        %add3A_1059 = arith.constant 19200 : i32
        %add3A_1060 = arith.addi %add3A_1059, %sub3A_1016 : i32
        %add3A_1061 = vector.broadcast %add3A_1060 : i32 to vector<16xi32>
        %add3A_1062 = arith.addi %mul3A_5, %add3A_1061 : vector<16xi32>
        %gather3A_1063 = tpu.vector_load_idx %arg6[%add3A_1062] : memref<25600xi32, #tpu.memory_space<vmem>>[vector<16xi32>], vector<16xi32>,
        %swap3A_1064 = arith.constant 96 : index
        %swap3A_1065 = tpu.vector_load %arg10[%swap3A_1064] {strides = array<i32>} : memref<128xi32, #tpu.memory_space<vmem>>, vector<16xi32>,
        tpu.vector_store %arg10[%swap3A_1064], %gather3A_1063 {strides = array<i32>} : memref<128xi32, #tpu.memory_space<vmem>>, vector<16xi32>,
        %add3A_1066 = arith.constant 22400 : i32
        %add3A_1067 = arith.addi %add3A_1066, %sub3A_1016 : i32
        %add3A_1068 = vector.broadcast %add3A_1067 : i32 to vector<16xi32>
        %add3A_1069 = arith.addi %mul3A_5, %add3A_1068 : vector<16xi32>
        %gather3A_1070 = tpu.vector_load_idx %arg6[%add3A_1069] : memref<25600xi32, #tpu.memory_space<vmem>>[vector<16xi32>], vector<16xi32>,
        %swap3A_1071 = arith.constant 112 : index
        %swap3A_1072 = tpu.vector_load %arg10[%swap3A_1071] {strides = array<i32>} : memref<128xi32, #tpu.memory_space<vmem>>, vector<16xi32>,
        tpu.vector_store %arg10[%swap3A_1071], %gather3A_1070 {strides = array<i32>} : memref<128xi32, #tpu.memory_space<vmem>>, vector<16xi32>,
        %dma_start3A_1073 = arith.constant 0 : i32
        %dma_start3A_1074 = arith.constant 0 : i32
        %dma_start3A_1075 = tpu.memref_slice %arg3[%dma_start3A_1073, %dma_start3A_1074] : memref<1000000x64xf32, #tpu.memory_space<hbm>> -> memref<1000000x64xf32, #tpu.memory_space<hbm>>
        tpu.enqueue_indirect_dma source(%dma_start3A_1075 : memref<1000000x64xf32, #tpu.memory_space<hbm>>) target(%arg14 : memref<128x64xf32, #tpu.memory_space<vmem>>) offsets(%arg10 : memref<128xi32, #tpu.memory_space<vmem>>) semaphore(%arg24 : memref<!tpu.dma_semaphore, #tpu.memory_space<semaphore_mem>>)
      } else {
      }
      %dma_wait3A_919 = arith.constant 0 : i32
      %dma_wait3A_920 = arith.constant 0 : i32
      %dma_wait3A_921 = tpu.memref_slice %arg3[%dma_wait3A_919, %dma_wait3A_920] : memref<1000000x64xf32, #tpu.memory_space<hbm>> -> memref<1000000x64xf32, #tpu.memory_space<hbm>>
      tpu.wait_indirect_dma semaphore(%arg25 : memref<!tpu.dma_semaphore, #tpu.memory_space<semaphore_mem>>) src(%dma_wait3A_921 : memref<1000000x64xf32, #tpu.memory_space<hbm>>) dst(%arg15 : memref<128x64xf32, #tpu.memory_space<vmem>>)
      %parallel_loop3A_922 = arith.constant 0 : i32
      %parallel_loop3A_923 = arith.constant 64 : i32
      %parallel_loop3A_924 = arith.constant 1 : i32
      scf.for %parallel_loop3A_1013 = %parallel_loop3A_922 to %parallel_loop3A_923 step %parallel_loop3A_924  : i32 {
        %parallel_loop3A_1014 = arith.constant 2 : i32
        %parallel_loop3A_1015 = arith.shrsi %parallel_loop3A_1013, %parallel_loop3A_1014 : i32
        %parallel_loop3A_1016 = arith.constant 3 : i32
        %parallel_loop3A_1017 = arith.andi %parallel_loop3A_1013, %parallel_loop3A_1016 : i32
        %parallel_loop3A_1018 = arith.constant 16 : i32
        %parallel_loop3A_1019 = arith.muli %parallel_loop3A_1015, %parallel_loop3A_1018 : i32
        %parallel_loop3A_1020 = arith.index_cast %parallel_loop3A_1019 : i32 to index
        %parallel_loop3A_1021 = tpu.vector_load %arg20[%parallel_loop3A_1020] {strides = array<i32>} : memref<256xi32, #tpu.memory_space<vmem>>, vector<16xi32>,
        %parallel_loop3A_1022 = arith.constant 16 : i32
        %parallel_loop3A_1023 = arith.muli %parallel_loop3A_1015, %parallel_loop3A_1022 : i32
        %parallel_loop3A_1024 = arith.index_cast %parallel_loop3A_1023 : i32 to index
        %parallel_loop3A_1025 = tpu.vector_load %arg21[%parallel_loop3A_1024] {strides = array<i32>} : memref<256xi32, #tpu.memory_space<vmem>>, vector<16xi32>,
        %parallel_loop3A_1026 = arith.constant 16 : i32
        %parallel_loop3A_1027 = arith.muli %parallel_loop3A_1017, %parallel_loop3A_1026 : i32
        %parallel_loop3A_1028 = arith.index_cast %add3A_805 : i32 to index
        %parallel_loop3A_1029 = arith.index_cast %parallel_loop3A_1027 : i32 to index
        %parallel_loop3A_1030 = tpu.vector_load %arg7[%parallel_loop3A_1028, %parallel_loop3A_1029] {strides = array<i32>} : memref<200x64xf32, #tpu.memory_space<vmem>>, vector<16xf32>,
        %parallel_loop3A_1031 = arith.constant 16 : i32
        %parallel_loop3A_1032 = arith.muli %parallel_loop3A_1017, %parallel_loop3A_1031 : i32
        %parallel_loop3A_1033 = vector.broadcast %parallel_loop3A_1032 : i32 to vector<16xi32>
        %parallel_loop3A_1034 = arith.addi %iota3A, %parallel_loop3A_1033 : vector<16xi32>
        %parallel_loop3A_1035 = arith.constant 2 : i32
        %parallel_loop3A_1036 = arith.muli %parallel_loop3A_1017, %parallel_loop3A_1035 : i32
        %parallel_loop3A_1037 = arith.constant 1024 : i32
        %parallel_loop3A_1038 = arith.muli %parallel_loop3A_1036, %parallel_loop3A_1037 : i32
        %parallel_loop3A_1039 = arith.constant 0 : i32
        %parallel_loop3A_1040 = arith.addi %parallel_loop3A_1038, %parallel_loop3A_1039 : i32
        %parallel_loop3A_1041 = arith.constant 0 : i32
        %parallel_loop3A_1042 = arith.constant 0 : i32
        %parallel_loop3A_1043 = tpu.memref_slice %arg15[%parallel_loop3A_1041, %parallel_loop3A_1042] : memref<128x64xf32, #tpu.memory_space<vmem>> -> memref<16x64xf32, #tpu.memory_space<vmem>>
        %parallel_loop3A_1044 = tpu.vector_load_idx %parallel_loop3A_1043[%parallel_loop3A_1021, %parallel_loop3A_1034] : memref<16x64xf32, #tpu.memory_space<vmem>>[vector<16xi32>, vector<16xi32>], vector<16xf32>,
        %parallel_loop3A_1045 = arith.addf %parallel_loop3A_1044, %parallel_loop3A_1030 : vector<16xf32>
        %parallel_loop3A_1046 = tpu.memref_slice %arg19[%parallel_loop3A_1040] : memref<8192xf32, #tpu.memory_space<vmem>> -> memref<1936xf32, #tpu.memory_space<vmem>>
        tpu.vector_store_idx %parallel_loop3A_1046[%parallel_loop3A_1025], %parallel_loop3A_1045 : memref<1936xf32, #tpu.memory_space<vmem>>[vector<16xi32>], vector<16xf32>,
        %parallel_loop3A_1047 = arith.constant 2 : i32
        %parallel_loop3A_1048 = arith.muli %parallel_loop3A_1017, %parallel_loop3A_1047 : i32
        %parallel_loop3A_1049 = arith.constant 1024 : i32
        %parallel_loop3A_1050 = arith.muli %parallel_loop3A_1048, %parallel_loop3A_1049 : i32
        %parallel_loop3A_1051 = arith.constant 16 : i32
        %parallel_loop3A_1052 = arith.addi %parallel_loop3A_1050, %parallel_loop3A_1051 : i32
        %parallel_loop3A_1053 = arith.constant 16 : i32
        %parallel_loop3A_1054 = arith.constant 0 : i32
        %parallel_loop3A_1055 = tpu.memref_slice %arg15[%parallel_loop3A_1053, %parallel_loop3A_1054] : memref<128x64xf32, #tpu.memory_space<vmem>> -> memref<16x64xf32, #tpu.memory_space<vmem>>
        %parallel_loop3A_1056 = tpu.vector_load_idx %parallel_loop3A_1055[%parallel_loop3A_1021, %parallel_loop3A_1034] : memref<16x64xf32, #tpu.memory_space<vmem>>[vector<16xi32>, vector<16xi32>], vector<16xf32>,
        %parallel_loop3A_1057 = arith.addf %parallel_loop3A_1056, %parallel_loop3A_1030 : vector<16xf32>
        %parallel_loop3A_1058 = tpu.memref_slice %arg19[%parallel_loop3A_1052] : memref<8192xf32, #tpu.memory_space<vmem>> -> memref<1936xf32, #tpu.memory_space<vmem>>
        tpu.vector_store_idx %parallel_loop3A_1058[%parallel_loop3A_1025], %parallel_loop3A_1057 : memref<1936xf32, #tpu.memory_space<vmem>>[vector<16xi32>], vector<16xf32>,
        %parallel_loop3A_1059 = arith.constant 2 : i32
        %parallel_loop3A_1060 = arith.muli %parallel_loop3A_1017, %parallel_loop3A_1059 : i32
        %parallel_loop3A_1061 = arith.constant 1024 : i32
        %parallel_loop3A_1062 = arith.muli %parallel_loop3A_1060, %parallel_loop3A_1061 : i32
        %parallel_loop3A_1063 = arith.constant 32 : i32
        %parallel_loop3A_1064 = arith.addi %parallel_loop3A_1062, %parallel_loop3A_1063 : i32
        %parallel_loop3A_1065 = arith.constant 32 : i32
        %parallel_loop3A_1066 = arith.constant 0 : i32
        %parallel_loop3A_1067 = tpu.memref_slice %arg15[%parallel_loop3A_1065, %parallel_loop3A_1066] : memref<128x64xf32, #tpu.memory_space<vmem>> -> memref<16x64xf32, #tpu.memory_space<vmem>>
        %parallel_loop3A_1068 = tpu.vector_load_idx %parallel_loop3A_1067[%parallel_loop3A_1021, %parallel_loop3A_1034] : memref<16x64xf32, #tpu.memory_space<vmem>>[vector<16xi32>, vector<16xi32>], vector<16xf32>,
        %parallel_loop3A_1069 = arith.addf %parallel_loop3A_1068, %parallel_loop3A_1030 : vector<16xf32>
        %parallel_loop3A_1070 = tpu.memref_slice %arg19[%parallel_loop3A_1064] : memref<8192xf32, #tpu.memory_space<vmem>> -> memref<1936xf32, #tpu.memory_space<vmem>>
        tpu.vector_store_idx %parallel_loop3A_1070[%parallel_loop3A_1025], %parallel_loop3A_1069 : memref<1936xf32, #tpu.memory_space<vmem>>[vector<16xi32>], vector<16xf32>,
        %parallel_loop3A_1071 = arith.constant 2 : i32
        %parallel_loop3A_1072 = arith.muli %parallel_loop3A_1017, %parallel_loop3A_1071 : i32
        %parallel_loop3A_1073 = arith.constant 1024 : i32
        %parallel_loop3A_1074 = arith.muli %parallel_loop3A_1072, %parallel_loop3A_1073 : i32
        %parallel_loop3A_1075 = arith.constant 48 : i32
        %parallel_loop3A_1076 = arith.addi %parallel_loop3A_1074, %parallel_loop3A_1075 : i32
        %parallel_loop3A_1077 = arith.constant 48 : i32
        %parallel_loop3A_1078 = arith.constant 0 : i32
        %parallel_loop3A_1079 = tpu.memref_slice %arg15[%parallel_loop3A_1077, %parallel_loop3A_1078] : memref<128x64xf32, #tpu.memory_space<vmem>> -> memref<16x64xf32, #tpu.memory_space<vmem>>
        %parallel_loop3A_1080 = tpu.vector_load_idx %parallel_loop3A_1079[%parallel_loop3A_1021, %parallel_loop3A_1034] : memref<16x64xf32, #tpu.memory_space<vmem>>[vector<16xi32>, vector<16xi32>], vector<16xf32>,
        %parallel_loop3A_1081 = arith.addf %parallel_loop3A_1080, %parallel_loop3A_1030 : vector<16xf32>
        %parallel_loop3A_1082 = tpu.memref_slice %arg19[%parallel_loop3A_1076] : memref<8192xf32, #tpu.memory_space<vmem>> -> memref<1936xf32, #tpu.memory_space<vmem>>
        tpu.vector_store_idx %parallel_loop3A_1082[%parallel_loop3A_1025], %parallel_loop3A_1081 : memref<1936xf32, #tpu.memory_space<vmem>>[vector<16xi32>], vector<16xf32>,
        %parallel_loop3A_1083 = arith.constant 2 : i32
        %parallel_loop3A_1084 = arith.muli %parallel_loop3A_1017, %parallel_loop3A_1083 : i32
        %parallel_loop3A_1085 = arith.constant 1024 : i32
        %parallel_loop3A_1086 = arith.muli %parallel_loop3A_1084, %parallel_loop3A_1085 : i32
        %parallel_loop3A_1087 = arith.constant 64 : i32
        %parallel_loop3A_1088 = arith.addi %parallel_loop3A_1086, %parallel_loop3A_1087 : i32
        %parallel_loop3A_1089 = arith.constant 64 : i32
        %parallel_loop3A_1090 = arith.constant 0 : i32
        %parallel_loop3A_1091 = tpu.memref_slice %arg15[%parallel_loop3A_1089, %parallel_loop3A_1090] : memref<128x64xf32, #tpu.memory_space<vmem>> -> memref<16x64xf32, #tpu.memory_space<vmem>>
        %parallel_loop3A_1092 = tpu.vector_load_idx %parallel_loop3A_1091[%parallel_loop3A_1021, %parallel_loop3A_1034] : memref<16x64xf32, #tpu.memory_space<vmem>>[vector<16xi32>, vector<16xi32>], vector<16xf32>,
        %parallel_loop3A_1093 = arith.addf %parallel_loop3A_1092, %parallel_loop3A_1030 : vector<16xf32>
        %parallel_loop3A_1094 = tpu.memref_slice %arg19[%parallel_loop3A_1088] : memref<8192xf32, #tpu.memory_space<vmem>> -> memref<1936xf32, #tpu.memory_space<vmem>>
        tpu.vector_store_idx %parallel_loop3A_1094[%parallel_loop3A_1025], %parallel_loop3A_1093 : memref<1936xf32, #tpu.memory_space<vmem>>[vector<16xi32>], vector<16xf32>,
        %parallel_loop3A_1095 = arith.constant 2 : i32
        %parallel_loop3A_1096 = arith.muli %parallel_loop3A_1017, %parallel_loop3A_1095 : i32
        %parallel_loop3A_1097 = arith.constant 1024 : i32
        %parallel_loop3A_1098 = arith.muli %parallel_loop3A_1096, %parallel_loop3A_1097 : i32
        %parallel_loop3A_1099 = arith.constant 80 : i32
        %parallel_loop3A_1100 = arith.addi %parallel_loop3A_1098, %parallel_loop3A_1099 : i32
        %parallel_loop3A_1101 = arith.constant 80 : i32
        %parallel_loop3A_1102 = arith.constant 0 : i32
        %parallel_loop3A_1103 = tpu.memref_slice %arg15[%parallel_loop3A_1101, %parallel_loop3A_1102] : memref<128x64xf32, #tpu.memory_space<vmem>> -> memref<16x64xf32, #tpu.memory_space<vmem>>
        %parallel_loop3A_1104 = tpu.vector_load_idx %parallel_loop3A_1103[%parallel_loop3A_1021, %parallel_loop3A_1034] : memref<16x64xf32, #tpu.memory_space<vmem>>[vector<16xi32>, vector<16xi32>], vector<16xf32>,
        %parallel_loop3A_1105 = arith.addf %parallel_loop3A_1104, %parallel_loop3A_1030 : vector<16xf32>
        %parallel_loop3A_1106 = tpu.memref_slice %arg19[%parallel_loop3A_1100] : memref<8192xf32, #tpu.memory_space<vmem>> -> memref<1936xf32, #tpu.memory_space<vmem>>
        tpu.vector_store_idx %parallel_loop3A_1106[%parallel_loop3A_1025], %parallel_loop3A_1105 : memref<1936xf32, #tpu.memory_space<vmem>>[vector<16xi32>], vector<16xf32>,
        %parallel_loop3A_1107 = arith.constant 2 : i32
        %parallel_loop3A_1108 = arith.muli %parallel_loop3A_1017, %parallel_loop3A_1107 : i32
        %parallel_loop3A_1109 = arith.constant 1024 : i32
        %parallel_loop3A_1110 = arith.muli %parallel_loop3A_1108, %parallel_loop3A_1109 : i32
        %parallel_loop3A_1111 = arith.constant 96 : i32
        %parallel_loop3A_1112 = arith.addi %parallel_loop3A_1110, %parallel_loop3A_1111 : i32
        %parallel_loop3A_1113 = arith.constant 96 : i32
        %parallel_loop3A_1114 = arith.constant 0 : i32
        %parallel_loop3A_1115 = tpu.memref_slice %arg15[%parallel_loop3A_1113, %parallel_loop3A_1114] : memref<128x64xf32, #tpu.memory_space<vmem>> -> memref<16x64xf32, #tpu.memory_space<vmem>>
        %parallel_loop3A_1116 = tpu.vector_load_idx %parallel_loop3A_1115[%parallel_loop3A_1021, %parallel_loop3A_1034] : memref<16x64xf32, #tpu.memory_space<vmem>>[vector<16xi32>, vector<16xi32>], vector<16xf32>,
        %parallel_loop3A_1117 = arith.addf %parallel_loop3A_1116, %parallel_loop3A_1030 : vector<16xf32>
        %parallel_loop3A_1118 = tpu.memref_slice %arg19[%parallel_loop3A_1112] : memref<8192xf32, #tpu.memory_space<vmem>> -> memref<1936xf32, #tpu.memory_space<vmem>>
        tpu.vector_store_idx %parallel_loop3A_1118[%parallel_loop3A_1025], %parallel_loop3A_1117 : memref<1936xf32, #tpu.memory_space<vmem>>[vector<16xi32>], vector<16xf32>,
        %parallel_loop3A_1119 = arith.constant 2 : i32
        %parallel_loop3A_1120 = arith.muli %parallel_loop3A_1017, %parallel_loop3A_1119 : i32
        %parallel_loop3A_1121 = arith.constant 1024 : i32
        %parallel_loop3A_1122 = arith.muli %parallel_loop3A_1120, %parallel_loop3A_1121 : i32
        %parallel_loop3A_1123 = arith.constant 112 : i32
        %parallel_loop3A_1124 = arith.addi %parallel_loop3A_1122, %parallel_loop3A_1123 : i32
        %parallel_loop3A_1125 = arith.constant 112 : i32
        %parallel_loop3A_1126 = arith.constant 0 : i32
        %parallel_loop3A_1127 = tpu.memref_slice %arg15[%parallel_loop3A_1125, %parallel_loop3A_1126] : memref<128x64xf32, #tpu.memory_space<vmem>> -> memref<16x64xf32, #tpu.memory_space<vmem>>
        %parallel_loop3A_1128 = tpu.vector_load_idx %parallel_loop3A_1127[%parallel_loop3A_1021, %parallel_loop3A_1034] : memref<16x64xf32, #tpu.memory_space<vmem>>[vector<16xi32>, vector<16xi32>], vector<16xf32>,
        %parallel_loop3A_1129 = arith.addf %parallel_loop3A_1128, %parallel_loop3A_1030 : vector<16xf32>
        %parallel_loop3A_1130 = tpu.memref_slice %arg19[%parallel_loop3A_1124] : memref<8192xf32, #tpu.memory_space<vmem>> -> memref<1936xf32, #tpu.memory_space<vmem>>
        tpu.vector_store_idx %parallel_loop3A_1130[%parallel_loop3A_1025], %parallel_loop3A_1129 : memref<1936xf32, #tpu.memory_space<vmem>>[vector<16xi32>], vector<16xf32>,
      } {sc.loop_unroll_factor = 8 : i64, sc.parallel_access}
      %dma_start3A_925 = arith.constant 0 : i32
      %dma_start3A_926 = arith.constant 0 : i32
      %dma_start3A_927 = tpu.memref_slice %arg19[%dma_start3A_926] : memref<8192xf32, #tpu.memory_space<vmem>> -> memref<1024xf32, #tpu.memory_space<vmem>>
      %dma_start3A_928 = arith.constant 0 : i32
      %dma_start3A_929 = tpu.memref_slice %arg5[%add3A_805, %dma_start3A_925, %add3A, %dma_start3A_928] : memref<200x8x32x1024xf32, #tpu.memory_space<hbm>> -> memref<1x1x1x1024xf32, #tpu.memory_space<hbm>>
      %dma_start3A_930 = tpu.memref_squeeze %dma_start3A_929 : memref<1x1x1x1024xf32, #tpu.memory_space<hbm>> -> memref<1024xf32, #tpu.memory_space<hbm>>
      %dma_start3A_931 = arith.constant 0 : i32
      %dma_start3A_932 = tpu.memref_slice %arg5[%add3A_805, %dma_start3A_925, %add3A, %dma_start3A_931] : memref<200x8x32x1024xf32, #tpu.memory_space<hbm>> -> memref<1x1x1x1024xf32, #tpu.memory_space<hbm>>
      %dma_start3A_933 = tpu.memref_squeeze %dma_start3A_932 : memref<1x1x1x1024xf32, #tpu.memory_space<hbm>> -> memref<1024xf32, #tpu.memory_space<hbm>>
      %dma_start3A_934 = arith.constant 0 : i32
      %dma_start3A_935 = tpu.memref_slice %arg19[%dma_start3A_934] : memref<8192xf32, #tpu.memory_space<vmem>> -> memref<1024xf32, #tpu.memory_space<vmem>>
      tpu.enqueue_dma source(%dma_start3A_935 : memref<1024xf32, #tpu.memory_space<vmem>>) target(%dma_start3A_933 : memref<1024xf32, #tpu.memory_space<hbm>>) target_semaphore(%arg29 : memref<!tpu.dma_semaphore, #tpu.memory_space<semaphore_mem>>)
      %dma_start3A_936 = arith.constant 1 : i32
      %dma_start3A_937 = arith.constant 1024 : i32
      %dma_start3A_938 = tpu.memref_slice %arg19[%dma_start3A_937] : memref<8192xf32, #tpu.memory_space<vmem>> -> memref<1024xf32, #tpu.memory_space<vmem>>
      %dma_start3A_939 = arith.constant 0 : i32
      %dma_start3A_940 = tpu.memref_slice %arg5[%add3A_805, %dma_start3A_936, %add3A, %dma_start3A_939] : memref<200x8x32x1024xf32, #tpu.memory_space<hbm>> -> memref<1x1x1x1024xf32, #tpu.memory_space<hbm>>
      %dma_start3A_941 = tpu.memref_squeeze %dma_start3A_940 : memref<1x1x1x1024xf32, #tpu.memory_space<hbm>> -> memref<1024xf32, #tpu.memory_space<hbm>>
      %dma_start3A_942 = arith.constant 0 : i32
      %dma_start3A_943 = tpu.memref_slice %arg5[%add3A_805, %dma_start3A_936, %add3A, %dma_start3A_942] : memref<200x8x32x1024xf32, #tpu.memory_space<hbm>> -> memref<1x1x1x1024xf32, #tpu.memory_space<hbm>>
      %dma_start3A_944 = tpu.memref_squeeze %dma_start3A_943 : memref<1x1x1x1024xf32, #tpu.memory_space<hbm>> -> memref<1024xf32, #tpu.memory_space<hbm>>
      %dma_start3A_945 = arith.constant 1024 : i32
      %dma_start3A_946 = tpu.memref_slice %arg19[%dma_start3A_945] : memref<8192xf32, #tpu.memory_space<vmem>> -> memref<1024xf32, #tpu.memory_space<vmem>>
      tpu.enqueue_dma source(%dma_start3A_946 : memref<1024xf32, #tpu.memory_space<vmem>>) target(%dma_start3A_944 : memref<1024xf32, #tpu.memory_space<hbm>>) target_semaphore(%arg29 : memref<!tpu.dma_semaphore, #tpu.memory_space<semaphore_mem>>)
      %dma_start3A_947 = arith.constant 2 : i32
      %dma_start3A_948 = arith.constant 2048 : i32
      %dma_start3A_949 = tpu.memref_slice %arg19[%dma_start3A_948] : memref<8192xf32, #tpu.memory_space<vmem>> -> memref<1024xf32, #tpu.memory_space<vmem>>
      %dma_start3A_950 = arith.constant 0 : i32
      %dma_start3A_951 = tpu.memref_slice %arg5[%add3A_805, %dma_start3A_947, %add3A, %dma_start3A_950] : memref<200x8x32x1024xf32, #tpu.memory_space<hbm>> -> memref<1x1x1x1024xf32, #tpu.memory_space<hbm>>
      %dma_start3A_952 = tpu.memref_squeeze %dma_start3A_951 : memref<1x1x1x1024xf32, #tpu.memory_space<hbm>> -> memref<1024xf32, #tpu.memory_space<hbm>>
      %dma_start3A_953 = arith.constant 0 : i32
      %dma_start3A_954 = tpu.memref_slice %arg5[%add3A_805, %dma_start3A_947, %add3A, %dma_start3A_953] : memref<200x8x32x1024xf32, #tpu.memory_space<hbm>> -> memref<1x1x1x1024xf32, #tpu.memory_space<hbm>>
      %dma_start3A_955 = tpu.memref_squeeze %dma_start3A_954 : memref<1x1x1x1024xf32, #tpu.memory_space<hbm>> -> memref<1024xf32, #tpu.memory_space<hbm>>
      %dma_start3A_956 = arith.constant 2048 : i32
      %dma_start3A_957 = tpu.memref_slice %arg19[%dma_start3A_956] : memref<8192xf32, #tpu.memory_space<vmem>> -> memref<1024xf32, #tpu.memory_space<vmem>>
      tpu.enqueue_dma source(%dma_start3A_957 : memref<1024xf32, #tpu.memory_space<vmem>>) target(%dma_start3A_955 : memref<1024xf32, #tpu.memory_space<hbm>>) target_semaphore(%arg29 : memref<!tpu.dma_semaphore, #tpu.memory_space<semaphore_mem>>)
      %dma_start3A_958 = arith.constant 3 : i32
      %dma_start3A_959 = arith.constant 3072 : i32
      %dma_start3A_960 = tpu.memref_slice %arg19[%dma_start3A_959] : memref<8192xf32, #tpu.memory_space<vmem>> -> memref<1024xf32, #tpu.memory_space<vmem>>
      %dma_start3A_961 = arith.constant 0 : i32
      %dma_start3A_962 = tpu.memref_slice %arg5[%add3A_805, %dma_start3A_958, %add3A, %dma_start3A_961] : memref<200x8x32x1024xf32, #tpu.memory_space<hbm>> -> memref<1x1x1x1024xf32, #tpu.memory_space<hbm>>
      %dma_start3A_963 = tpu.memref_squeeze %dma_start3A_962 : memref<1x1x1x1024xf32, #tpu.memory_space<hbm>> -> memref<1024xf32, #tpu.memory_space<hbm>>
      %dma_start3A_964 = arith.constant 0 : i32
      %dma_start3A_965 = tpu.memref_slice %arg5[%add3A_805, %dma_start3A_958, %add3A, %dma_start3A_964] : memref<200x8x32x1024xf32, #tpu.memory_space<hbm>> -> memref<1x1x1x1024xf32, #tpu.memory_space<hbm>>
      %dma_start3A_966 = tpu.memref_squeeze %dma_start3A_965 : memref<1x1x1x1024xf32, #tpu.memory_space<hbm>> -> memref<1024xf32, #tpu.memory_space<hbm>>
      %dma_start3A_967 = arith.constant 3072 : i32
      %dma_start3A_968 = tpu.memref_slice %arg19[%dma_start3A_967] : memref<8192xf32, #tpu.memory_space<vmem>> -> memref<1024xf32, #tpu.memory_space<vmem>>
      tpu.enqueue_dma source(%dma_start3A_968 : memref<1024xf32, #tpu.memory_space<vmem>>) target(%dma_start3A_966 : memref<1024xf32, #tpu.memory_space<hbm>>) target_semaphore(%arg29 : memref<!tpu.dma_semaphore, #tpu.memory_space<semaphore_mem>>)
      %dma_start3A_969 = arith.constant 4 : i32
      %dma_start3A_970 = arith.constant 4096 : i32
      %dma_start3A_971 = tpu.memref_slice %arg19[%dma_start3A_970] : memref<8192xf32, #tpu.memory_space<vmem>> -> memref<1024xf32, #tpu.memory_space<vmem>>
      %dma_start3A_972 = arith.constant 0 : i32
      %dma_start3A_973 = tpu.memref_slice %arg5[%add3A_805, %dma_start3A_969, %add3A, %dma_start3A_972] : memref<200x8x32x1024xf32, #tpu.memory_space<hbm>> -> memref<1x1x1x1024xf32, #tpu.memory_space<hbm>>
      %dma_start3A_974 = tpu.memref_squeeze %dma_start3A_973 : memref<1x1x1x1024xf32, #tpu.memory_space<hbm>> -> memref<1024xf32, #tpu.memory_space<hbm>>
      %dma_start3A_975 = arith.constant 0 : i32
      %dma_start3A_976 = tpu.memref_slice %arg5[%add3A_805, %dma_start3A_969, %add3A, %dma_start3A_975] : memref<200x8x32x1024xf32, #tpu.memory_space<hbm>> -> memref<1x1x1x1024xf32, #tpu.memory_space<hbm>>
      %dma_start3A_977 = tpu.memref_squeeze %dma_start3A_976 : memref<1x1x1x1024xf32, #tpu.memory_space<hbm>> -> memref<1024xf32, #tpu.memory_space<hbm>>
      %dma_start3A_978 = arith.constant 4096 : i32
      %dma_start3A_979 = tpu.memref_slice %arg19[%dma_start3A_978] : memref<8192xf32, #tpu.memory_space<vmem>> -> memref<1024xf32, #tpu.memory_space<vmem>>
      tpu.enqueue_dma source(%dma_start3A_979 : memref<1024xf32, #tpu.memory_space<vmem>>) target(%dma_start3A_977 : memref<1024xf32, #tpu.memory_space<hbm>>) target_semaphore(%arg29 : memref<!tpu.dma_semaphore, #tpu.memory_space<semaphore_mem>>)
      %dma_start3A_980 = arith.constant 5 : i32
      %dma_start3A_981 = arith.constant 5120 : i32
      %dma_start3A_982 = tpu.memref_slice %arg19[%dma_start3A_981] : memref<8192xf32, #tpu.memory_space<vmem>> -> memref<1024xf32, #tpu.memory_space<vmem>>
      %dma_start3A_983 = arith.constant 0 : i32
      %dma_start3A_984 = tpu.memref_slice %arg5[%add3A_805, %dma_start3A_980, %add3A, %dma_start3A_983] : memref<200x8x32x1024xf32, #tpu.memory_space<hbm>> -> memref<1x1x1x1024xf32, #tpu.memory_space<hbm>>
      %dma_start3A_985 = tpu.memref_squeeze %dma_start3A_984 : memref<1x1x1x1024xf32, #tpu.memory_space<hbm>> -> memref<1024xf32, #tpu.memory_space<hbm>>
      %dma_start3A_986 = arith.constant 0 : i32
      %dma_start3A_987 = tpu.memref_slice %arg5[%add3A_805, %dma_start3A_980, %add3A, %dma_start3A_986] : memref<200x8x32x1024xf32, #tpu.memory_space<hbm>> -> memref<1x1x1x1024xf32, #tpu.memory_space<hbm>>
      %dma_start3A_988 = tpu.memref_squeeze %dma_start3A_987 : memref<1x1x1x1024xf32, #tpu.memory_space<hbm>> -> memref<1024xf32, #tpu.memory_space<hbm>>
      %dma_start3A_989 = arith.constant 5120 : i32
      %dma_start3A_990 = tpu.memref_slice %arg19[%dma_start3A_989] : memref<8192xf32, #tpu.memory_space<vmem>> -> memref<1024xf32, #tpu.memory_space<vmem>>
      tpu.enqueue_dma source(%dma_start3A_990 : memref<1024xf32, #tpu.memory_space<vmem>>) target(%dma_start3A_988 : memref<1024xf32, #tpu.memory_space<hbm>>) target_semaphore(%arg29 : memref<!tpu.dma_semaphore, #tpu.memory_space<semaphore_mem>>)
      %dma_start3A_991 = arith.constant 6 : i32
      %dma_start3A_992 = arith.constant 6144 : i32
      %dma_start3A_993 = tpu.memref_slice %arg19[%dma_start3A_992] : memref<8192xf32, #tpu.memory_space<vmem>> -> memref<1024xf32, #tpu.memory_space<vmem>>
      %dma_start3A_994 = arith.constant 0 : i32
      %dma_start3A_995 = tpu.memref_slice %arg5[%add3A_805, %dma_start3A_991, %add3A, %dma_start3A_994] : memref<200x8x32x1024xf32, #tpu.memory_space<hbm>> -> memref<1x1x1x1024xf32, #tpu.memory_space<hbm>>
      %dma_start3A_996 = tpu.memref_squeeze %dma_start3A_995 : memref<1x1x1x1024xf32, #tpu.memory_space<hbm>> -> memref<1024xf32, #tpu.memory_space<hbm>>
      %dma_start3A_997 = arith.constant 0 : i32
      %dma_start3A_998 = tpu.memref_slice %arg5[%add3A_805, %dma_start3A_991, %add3A, %dma_start3A_997] : memref<200x8x32x1024xf32, #tpu.memory_space<hbm>> -> memref<1x1x1x1024xf32, #tpu.memory_space<hbm>>
      %dma_start3A_999 = tpu.memref_squeeze %dma_start3A_998 : memref<1x1x1x1024xf32, #tpu.memory_space<hbm>> -> memref<1024xf32, #tpu.memory_space<hbm>>
      %dma_start3A_1000 = arith.constant 6144 : i32
      %dma_start3A_1001 = tpu.memref_slice %arg19[%dma_start3A_1000] : memref<8192xf32, #tpu.memory_space<vmem>> -> memref<1024xf32, #tpu.memory_space<vmem>>
      tpu.enqueue_dma source(%dma_start3A_1001 : memref<1024xf32, #tpu.memory_space<vmem>>) target(%dma_start3A_999 : memref<1024xf32, #tpu.memory_space<hbm>>) target_semaphore(%arg29 : memref<!tpu.dma_semaphore, #tpu.memory_space<semaphore_mem>>)
      %dma_start3A_1002 = arith.constant 7 : i32
      %dma_start3A_1003 = arith.constant 7168 : i32
      %dma_start3A_1004 = tpu.memref_slice %arg19[%dma_start3A_1003] : memref<8192xf32, #tpu.memory_space<vmem>> -> memref<1024xf32, #tpu.memory_space<vmem>>
      %dma_start3A_1005 = arith.constant 0 : i32
      %dma_start3A_1006 = tpu.memref_slice %arg5[%add3A_805, %dma_start3A_1002, %add3A, %dma_start3A_1005] : memref<200x8x32x1024xf32, #tpu.memory_space<hbm>> -> memref<1x1x1x1024xf32, #tpu.memory_space<hbm>>
      %dma_start3A_1007 = tpu.memref_squeeze %dma_start3A_1006 : memref<1x1x1x1024xf32, #tpu.memory_space<hbm>> -> memref<1024xf32, #tpu.memory_space<hbm>>
      %dma_start3A_1008 = arith.constant 0 : i32
      %dma_start3A_1009 = tpu.memref_slice %arg5[%add3A_805, %dma_start3A_1002, %add3A, %dma_start3A_1008] : memref<200x8x32x1024xf32, #tpu.memory_space<hbm>> -> memref<1x1x1x1024xf32, #tpu.memory_space<hbm>>
      %dma_start3A_1010 = tpu.memref_squeeze %dma_start3A_1009 : memref<1x1x1x1024xf32, #tpu.memory_space<hbm>> -> memref<1024xf32, #tpu.memory_space<hbm>>
      %dma_start3A_1011 = arith.constant 7168 : i32
      %dma_start3A_1012 = tpu.memref_slice %arg19[%dma_start3A_1011] : memref<8192xf32, #tpu.memory_space<vmem>> -> memref<1024xf32, #tpu.memory_space<vmem>>
      tpu.enqueue_dma source(%dma_start3A_1012 : memref<1024xf32, #tpu.memory_space<vmem>>) target(%dma_start3A_1010 : memref<1024xf32, #tpu.memory_space<hbm>>) target_semaphore(%arg29 : memref<!tpu.dma_semaphore, #tpu.memory_space<semaphore_mem>>)
    }
    %scan3A_177 = arith.constant 50 : i32
    %dma_wait3A = arith.constant 199 : i32
    %dma_wait3A_178 = arith.constant 0 : i32
    %dma_wait3A_179 = arith.constant 0 : i32
    %dma_wait3A_180 = tpu.memref_slice %arg19[%dma_wait3A_179] : memref<8192xf32, #tpu.memory_space<vmem>> -> memref<1024xf32, #tpu.memory_space<vmem>>
    %dma_wait3A_181 = arith.constant 0 : i32
    %dma_wait3A_182 = tpu.memref_slice %arg5[%dma_wait3A, %dma_wait3A_178, %add3A, %dma_wait3A_181] : memref<200x8x32x1024xf32, #tpu.memory_space<hbm>> -> memref<1x1x1x1024xf32, #tpu.memory_space<hbm>>
    %dma_wait3A_183 = tpu.memref_squeeze %dma_wait3A_182 : memref<1x1x1x1024xf32, #tpu.memory_space<hbm>> -> memref<1024xf32, #tpu.memory_space<hbm>>
    %dma_wait3A_184 = arith.constant 0 : i32
    %dma_wait3A_185 = tpu.memref_slice %arg5[%dma_wait3A, %dma_wait3A_178, %add3A, %dma_wait3A_184] : memref<200x8x32x1024xf32, #tpu.memory_space<hbm>> -> memref<1x1x1x1024xf32, #tpu.memory_space<hbm>>
    %dma_wait3A_186 = tpu.memref_squeeze %dma_wait3A_185 : memref<1x1x1x1024xf32, #tpu.memory_space<hbm>> -> memref<1024xf32, #tpu.memory_space<hbm>>
    %dma_wait3A_187 = arith.constant 0 : i32
    %dma_wait3A_188 = tpu.memref_slice %arg19[%dma_wait3A_187] : memref<8192xf32, #tpu.memory_space<vmem>> -> memref<1024xf32, #tpu.memory_space<vmem>>
    tpu.wait_dma2 semaphore(%arg29 : memref<!tpu.dma_semaphore, #tpu.memory_space<semaphore_mem>>) src(%dma_wait3A_188 : memref<1024xf32, #tpu.memory_space<vmem>>) dst(%dma_wait3A_186 : memref<1024xf32, #tpu.memory_space<hbm>>)
    %dma_wait3A_189 = arith.constant 199 : i32
    %dma_wait3A_190 = arith.constant 1 : i32
    %dma_wait3A_191 = arith.constant 1024 : i32
    %dma_wait3A_192 = tpu.memref_slice %arg19[%dma_wait3A_191] : memref<8192xf32, #tpu.memory_space<vmem>> -> memref<1024xf32, #tpu.memory_space<vmem>>
    %dma_wait3A_193 = arith.constant 0 : i32
    %dma_wait3A_194 = tpu.memref_slice %arg5[%dma_wait3A_189, %dma_wait3A_190, %add3A, %dma_wait3A_193] : memref<200x8x32x1024xf32, #tpu.memory_space<hbm>> -> memref<1x1x1x1024xf32, #tpu.memory_space<hbm>>
    %dma_wait3A_195 = tpu.memref_squeeze %dma_wait3A_194 : memref<1x1x1x1024xf32, #tpu.memory_space<hbm>> -> memref<1024xf32, #tpu.memory_space<hbm>>
    %dma_wait3A_196 = arith.constant 0 : i32
    %dma_wait3A_197 = tpu.memref_slice %arg5[%dma_wait3A_189, %dma_wait3A_190, %add3A, %dma_wait3A_196] : memref<200x8x32x1024xf32, #tpu.memory_space<hbm>> -> memref<1x1x1x1024xf32, #tpu.memory_space<hbm>>
    %dma_wait3A_198 = tpu.memref_squeeze %dma_wait3A_197 : memref<1x1x1x1024xf32, #tpu.memory_space<hbm>> -> memref<1024xf32, #tpu.memory_space<hbm>>
    %dma_wait3A_199 = arith.constant 1024 : i32
    %dma_wait3A_200 = tpu.memref_slice %arg19[%dma_wait3A_199] : memref<8192xf32, #tpu.memory_space<vmem>> -> memref<1024xf32, #tpu.memory_space<vmem>>
    tpu.wait_dma2 semaphore(%arg29 : memref<!tpu.dma_semaphore, #tpu.memory_space<semaphore_mem>>) src(%dma_wait3A_200 : memref<1024xf32, #tpu.memory_space<vmem>>) dst(%dma_wait3A_198 : memref<1024xf32, #tpu.memory_space<hbm>>)
    %dma_wait3A_201 = arith.constant 199 : i32
    %dma_wait3A_202 = arith.constant 2 : i32
    %dma_wait3A_203 = arith.constant 2048 : i32
    %dma_wait3A_204 = tpu.memref_slice %arg19[%dma_wait3A_203] : memref<8192xf32, #tpu.memory_space<vmem>> -> memref<1024xf32, #tpu.memory_space<vmem>>
    %dma_wait3A_205 = arith.constant 0 : i32
    %dma_wait3A_206 = tpu.memref_slice %arg5[%dma_wait3A_201, %dma_wait3A_202, %add3A, %dma_wait3A_205] : memref<200x8x32x1024xf32, #tpu.memory_space<hbm>> -> memref<1x1x1x1024xf32, #tpu.memory_space<hbm>>
    %dma_wait3A_207 = tpu.memref_squeeze %dma_wait3A_206 : memref<1x1x1x1024xf32, #tpu.memory_space<hbm>> -> memref<1024xf32, #tpu.memory_space<hbm>>
    %dma_wait3A_208 = arith.constant 0 : i32
    %dma_wait3A_209 = tpu.memref_slice %arg5[%dma_wait3A_201, %dma_wait3A_202, %add3A, %dma_wait3A_208] : memref<200x8x32x1024xf32, #tpu.memory_space<hbm>> -> memref<1x1x1x1024xf32, #tpu.memory_space<hbm>>
    %dma_wait3A_210 = tpu.memref_squeeze %dma_wait3A_209 : memref<1x1x1x1024xf32, #tpu.memory_space<hbm>> -> memref<1024xf32, #tpu.memory_space<hbm>>
    %dma_wait3A_211 = arith.constant 2048 : i32
    %dma_wait3A_212 = tpu.memref_slice %arg19[%dma_wait3A_211] : memref<8192xf32, #tpu.memory_space<vmem>> -> memref<1024xf32, #tpu.memory_space<vmem>>
    tpu.wait_dma2 semaphore(%arg29 : memref<!tpu.dma_semaphore, #tpu.memory_space<semaphore_mem>>) src(%dma_wait3A_212 : memref<1024xf32, #tpu.memory_space<vmem>>) dst(%dma_wait3A_210 : memref<1024xf32, #tpu.memory_space<hbm>>)
    %dma_wait3A_213 = arith.constant 199 : i32
    %dma_wait3A_214 = arith.constant 3 : i32
    %dma_wait3A_215 = arith.constant 3072 : i32
    %dma_wait3A_216 = tpu.memref_slice %arg19[%dma_wait3A_215] : memref<8192xf32, #tpu.memory_space<vmem>> -> memref<1024xf32, #tpu.memory_space<vmem>>
    %dma_wait3A_217 = arith.constant 0 : i32
    %dma_wait3A_218 = tpu.memref_slice %arg5[%dma_wait3A_213, %dma_wait3A_214, %add3A, %dma_wait3A_217] : memref<200x8x32x1024xf32, #tpu.memory_space<hbm>> -> memref<1x1x1x1024xf32, #tpu.memory_space<hbm>>
    %dma_wait3A_219 = tpu.memref_squeeze %dma_wait3A_218 : memref<1x1x1x1024xf32, #tpu.memory_space<hbm>> -> memref<1024xf32, #tpu.memory_space<hbm>>
    %dma_wait3A_220 = arith.constant 0 : i32
    %dma_wait3A_221 = tpu.memref_slice %arg5[%dma_wait3A_213, %dma_wait3A_214, %add3A, %dma_wait3A_220] : memref<200x8x32x1024xf32, #tpu.memory_space<hbm>> -> memref<1x1x1x1024xf32, #tpu.memory_space<hbm>>
    %dma_wait3A_222 = tpu.memref_squeeze %dma_wait3A_221 : memref<1x1x1x1024xf32, #tpu.memory_space<hbm>> -> memref<1024xf32, #tpu.memory_space<hbm>>
    %dma_wait3A_223 = arith.constant 3072 : i32
    %dma_wait3A_224 = tpu.memref_slice %arg19[%dma_wait3A_223] : memref<8192xf32, #tpu.memory_space<vmem>> -> memref<1024xf32, #tpu.memory_space<vmem>>
    tpu.wait_dma2 semaphore(%arg29 : memref<!tpu.dma_semaphore, #tpu.memory_space<semaphore_mem>>) src(%dma_wait3A_224 : memref<1024xf32, #tpu.memory_space<vmem>>) dst(%dma_wait3A_222 : memref<1024xf32, #tpu.memory_space<hbm>>)
    %dma_wait3A_225 = arith.constant 199 : i32
    %dma_wait3A_226 = arith.constant 4 : i32
    %dma_wait3A_227 = arith.constant 4096 : i32
    %dma_wait3A_228 = tpu.memref_slice %arg19[%dma_wait3A_227] : memref<8192xf32, #tpu.memory_space<vmem>> -> memref<1024xf32, #tpu.memory_space<vmem>>
    %dma_wait3A_229 = arith.constant 0 : i32
    %dma_wait3A_230 = tpu.memref_slice %arg5[%dma_wait3A_225, %dma_wait3A_226, %add3A, %dma_wait3A_229] : memref<200x8x32x1024xf32, #tpu.memory_space<hbm>> -> memref<1x1x1x1024xf32, #tpu.memory_space<hbm>>
    %dma_wait3A_231 = tpu.memref_squeeze %dma_wait3A_230 : memref<1x1x1x1024xf32, #tpu.memory_space<hbm>> -> memref<1024xf32, #tpu.memory_space<hbm>>
    %dma_wait3A_232 = arith.constant 0 : i32
    %dma_wait3A_233 = tpu.memref_slice %arg5[%dma_wait3A_225, %dma_wait3A_226, %add3A, %dma_wait3A_232] : memref<200x8x32x1024xf32, #tpu.memory_space<hbm>> -> memref<1x1x1x1024xf32, #tpu.memory_space<hbm>>
    %dma_wait3A_234 = tpu.memref_squeeze %dma_wait3A_233 : memref<1x1x1x1024xf32, #tpu.memory_space<hbm>> -> memref<1024xf32, #tpu.memory_space<hbm>>
    %dma_wait3A_235 = arith.constant 4096 : i32
    %dma_wait3A_236 = tpu.memref_slice %arg19[%dma_wait3A_235] : memref<8192xf32, #tpu.memory_space<vmem>> -> memref<1024xf32, #tpu.memory_space<vmem>>
    tpu.wait_dma2 semaphore(%arg29 : memref<!tpu.dma_semaphore, #tpu.memory_space<semaphore_mem>>) src(%dma_wait3A_236 : memref<1024xf32, #tpu.memory_space<vmem>>) dst(%dma_wait3A_234 : memref<1024xf32, #tpu.memory_space<hbm>>)
    %dma_wait3A_237 = arith.constant 199 : i32
    %dma_wait3A_238 = arith.constant 5 : i32
    %dma_wait3A_239 = arith.constant 5120 : i32
    %dma_wait3A_240 = tpu.memref_slice %arg19[%dma_wait3A_239] : memref<8192xf32, #tpu.memory_space<vmem>> -> memref<1024xf32, #tpu.memory_space<vmem>>
    %dma_wait3A_241 = arith.constant 0 : i32
    %dma_wait3A_242 = tpu.memref_slice %arg5[%dma_wait3A_237, %dma_wait3A_238, %add3A, %dma_wait3A_241] : memref<200x8x32x1024xf32, #tpu.memory_space<hbm>> -> memref<1x1x1x1024xf32, #tpu.memory_space<hbm>>
    %dma_wait3A_243 = tpu.memref_squeeze %dma_wait3A_242 : memref<1x1x1x1024xf32, #tpu.memory_space<hbm>> -> memref<1024xf32, #tpu.memory_space<hbm>>
    %dma_wait3A_244 = arith.constant 0 : i32
    %dma_wait3A_245 = tpu.memref_slice %arg5[%dma_wait3A_237, %dma_wait3A_238, %add3A, %dma_wait3A_244] : memref<200x8x32x1024xf32, #tpu.memory_space<hbm>> -> memref<1x1x1x1024xf32, #tpu.memory_space<hbm>>
    %dma_wait3A_246 = tpu.memref_squeeze %dma_wait3A_245 : memref<1x1x1x1024xf32, #tpu.memory_space<hbm>> -> memref<1024xf32, #tpu.memory_space<hbm>>
    %dma_wait3A_247 = arith.constant 5120 : i32
    %dma_wait3A_248 = tpu.memref_slice %arg19[%dma_wait3A_247] : memref<8192xf32, #tpu.memory_space<vmem>> -> memref<1024xf32, #tpu.memory_space<vmem>>
    tpu.wait_dma2 semaphore(%arg29 : memref<!tpu.dma_semaphore, #tpu.memory_space<semaphore_mem>>) src(%dma_wait3A_248 : memref<1024xf32, #tpu.memory_space<vmem>>) dst(%dma_wait3A_246 : memref<1024xf32, #tpu.memory_space<hbm>>)
    %dma_wait3A_249 = arith.constant 199 : i32
    %dma_wait3A_250 = arith.constant 6 : i32
    %dma_wait3A_251 = arith.constant 6144 : i32
    %dma_wait3A_252 = tpu.memref_slice %arg19[%dma_wait3A_251] : memref<8192xf32, #tpu.memory_space<vmem>> -> memref<1024xf32, #tpu.memory_space<vmem>>
    %dma_wait3A_253 = arith.constant 0 : i32
    %dma_wait3A_254 = tpu.memref_slice %arg5[%dma_wait3A_249, %dma_wait3A_250, %add3A, %dma_wait3A_253] : memref<200x8x32x1024xf32, #tpu.memory_space<hbm>> -> memref<1x1x1x1024xf32, #tpu.memory_space<hbm>>
    %dma_wait3A_255 = tpu.memref_squeeze %dma_wait3A_254 : memref<1x1x1x1024xf32, #tpu.memory_space<hbm>> -> memref<1024xf32, #tpu.memory_space<hbm>>
    %dma_wait3A_256 = arith.constant 0 : i32
    %dma_wait3A_257 = tpu.memref_slice %arg5[%dma_wait3A_249, %dma_wait3A_250, %add3A, %dma_wait3A_256] : memref<200x8x32x1024xf32, #tpu.memory_space<hbm>> -> memref<1x1x1x1024xf32, #tpu.memory_space<hbm>>
    %dma_wait3A_258 = tpu.memref_squeeze %dma_wait3A_257 : memref<1x1x1x1024xf32, #tpu.memory_space<hbm>> -> memref<1024xf32, #tpu.memory_space<hbm>>
    %dma_wait3A_259 = arith.constant 6144 : i32
    %dma_wait3A_260 = tpu.memref_slice %arg19[%dma_wait3A_259] : memref<8192xf32, #tpu.memory_space<vmem>> -> memref<1024xf32, #tpu.memory_space<vmem>>
    tpu.wait_dma2 semaphore(%arg29 : memref<!tpu.dma_semaphore, #tpu.memory_space<semaphore_mem>>) src(%dma_wait3A_260 : memref<1024xf32, #tpu.memory_space<vmem>>) dst(%dma_wait3A_258 : memref<1024xf32, #tpu.memory_space<hbm>>)
    %dma_wait3A_261 = arith.constant 199 : i32
    %dma_wait3A_262 = arith.constant 7 : i32
    %dma_wait3A_263 = arith.constant 7168 : i32
    %dma_wait3A_264 = tpu.memref_slice %arg19[%dma_wait3A_263] : memref<8192xf32, #tpu.memory_space<vmem>> -> memref<1024xf32, #tpu.memory_space<vmem>>
    %dma_wait3A_265 = arith.constant 0 : i32
    %dma_wait3A_266 = tpu.memref_slice %arg5[%dma_wait3A_261, %dma_wait3A_262, %add3A, %dma_wait3A_265] : memref<200x8x32x1024xf32, #tpu.memory_space<hbm>> -> memref<1x1x1x1024xf32, #tpu.memory_space<hbm>>
    %dma_wait3A_267 = tpu.memref_squeeze %dma_wait3A_266 : memref<1x1x1x1024xf32, #tpu.memory_space<hbm>> -> memref<1024xf32, #tpu.memory_space<hbm>>
    %dma_wait3A_268 = arith.constant 0 : i32
    %dma_wait3A_269 = tpu.memref_slice %arg5[%dma_wait3A_261, %dma_wait3A_262, %add3A, %dma_wait3A_268] : memref<200x8x32x1024xf32, #tpu.memory_space<hbm>> -> memref<1x1x1x1024xf32, #tpu.memory_space<hbm>>
    %dma_wait3A_270 = tpu.memref_squeeze %dma_wait3A_269 : memref<1x1x1x1024xf32, #tpu.memory_space<hbm>> -> memref<1024xf32, #tpu.memory_space<hbm>>
    %dma_wait3A_271 = arith.constant 7168 : i32
    %dma_wait3A_272 = tpu.memref_slice %arg19[%dma_wait3A_271] : memref<8192xf32, #tpu.memory_space<vmem>> -> memref<1024xf32, #tpu.memory_space<vmem>>
    tpu.wait_dma2 semaphore(%arg29 : memref<!tpu.dma_semaphore, #tpu.memory_space<semaphore_mem>>) src(%dma_wait3A_272 : memref<1024xf32, #tpu.memory_space<vmem>>) dst(%dma_wait3A_270 : memref<1024xf32, #tpu.memory_space<hbm>>)
    return
  }
}

</mosaic_0001>

<sc_bundles>
// kernel: kernel.3.cloned.1.call-start
scs
__scs_entry_jumppad:
0x0: {  	(pc) =	sbr.rel $0x88, $3  }
0x1: {  	(tag) =	ssettag $0x0;
	lr =	simm.s32 $0x1  }
0x2: {  	[smem:$0x3F9E] =	sst lr;
	_ =	strace $0xD0000000  }
0x3: {  	_ = 	snop  }
0x4: {  	_ = 	snop  }
0x5: {  	_ = 	snop  }
0x6: {  	_ = 	snop  }
0x7: {  	_ = 	snop  }
__scs_overlays_trampoline_lowered:
0x8: {  	[smem:$0x3FAD] =	sst s0  }
0x9: {  	[smem:$0x3FAE] =	sst s1  }
0xa: {  	[smem:$0x3FAF] =	sst s2  }
0xb: {  	[smem:$0x3FB0] =	sst s3  }
0xc: {  	[smem:$0x3FB1] =	sst s4  }
0xd: {  	[smem:$0x3FB2] =	sst s5  }
0xe: {  	[smem:$0x3FB3] =	sst s6  }
0xf: {  	[smem:$0x3FB4] =	sst s7  }
0x10: {  	[smem:$0x3FB5] =	sst s8  }
0x11: {  	[smem:$0x3FB6] =	sst s9;
	s0 =	simm.s32 @!p0 $0x0  }
0x12: {  	s1 =	sld [smem:$0x3F9C];
	s0 =	simm.s32 @p0 $0x1  }
0x13: {  	[smem:$0x3FB7] =	sst s0;
	s0 =	simm.s32 @!p1 $0x0  }
0x14: {  	s2 =	sld [smem:$0x3F9B];
	s0 =	simm.s32 @p1 $0x1  }
0x15: {  	[smem:$0x3FB8] =	sst s0;
	s0 =	simm.s32 @!p2 $0x0  }
0x16: {  	s3 =	sld [smem:$0x3FDB];
	s0 =	simm.s32 @p2 $0x1  }
0x17: {  	s4 =	simm.s32 $0x1BF5;
	[smem:$0x3FBA] =	sst s0  }
0x18: {  	s0 =	sld [smem:$0x3F9D];
	_ =	swait.ge [sflag:s4], $0x0  }
0x19: {  	s7 =	sld [smem:$0x3F9E]  }
0x1a: {  	s8 =	sadd.s32 $0xFFFFE003, lr  }
0x1b: {  	s9 =	sadd.s32 $0xFFFFFEF7, lr;
	s5 =	simm.s32 $0xFFFFFFFF;
	p2 =	slt.u32 s8, $0xFFFFF086  }
0x1c: {  	p1 =	slt.u32 s9, $0xF7A;
	s5 =	simm.s32 @!p2 $0x0  }
0x1d: {  	s5 =	simm.s32 @p1 $0x1;
	p0 =	seq.s32 s7, s2  }
0x1e: {  	s7 =	smul.u32 @!p0 $0xF7A, s2;
	p2 =	seq.s32 @!p0 s5, $0x0  }
0x1f: {  	s9 =	smul.u32 $0xF7A, s1;
	s8 =	simm.s32 @!p0 $0x1BF5;
	p2 =	por !p2, p0  }
0x20: {  	[sflag:s8] =	ssyncset.s32 @!p0 $0xFFFFF086;
	s6 =	sadd.s32 @!p0 s3, s7;
	s7 =	simm.s32 @!p0 $0x108  }
0x21: {  	s3 =	sadd.s32 s3, s9;
	s6 =	sadd.s32 @!p0 $0x88, s6;
	s7 =	simm.s32 @p2 $0x1082  }
0x22: {  	[simem:s7], [sflag:s8] =	dma.local @!p0 [hbm:s6], $0xF7A  }
0x23: {  	s9 =	sor.u32 $0xD0000000, s2;
	s6 =	simm.s32 $0x108;
	_ =	swait.ge @!p0 [sflag:s8], $0x0  }
0x24: {  	s3 =	sadd.s32 $0x88, s3;
	s6 =	simm.s32 @!p1 $0x1082;
	[sflag:s4] =	ssyncset.s32 $0xFFFFF086  }
0x25: {  	[simem:s6], [sflag:s4] =	dma.local [hbm:s3], $0xF7A  }
0x26: {  	[smem:$0x3F9E] =	sst s1;
	(tag) =	ssettag s2;
	_ =	strace s9  }
0x27: {  	s1 =	sld [smem:$0x3FAE]  }
0x28: {  	s2 =	sld [smem:$0x3FAF]  }
0x29: {  	s4 =	sld [smem:$0x3FB1]  }
0x2a: {  	p0 =	seq.s32 s5, $0x0;
	s5 =	sld [smem:$0x3FB2]  }
0x2b: {  	s6 =	sld [smem:$0x3FB3]  }
0x2c: {  	s7 =	sld [smem:$0x3FB4]  }
0x2d: {  	s3 =	simm.s32 $0x108;
	s8 =	sld [smem:$0x3FB5]  }
0x2e: {  	s3 =	simm.s32 @!p0 $0x1082;
	s9 =	sld [smem:$0x3FB6]  }
0x2f: {  	lr =	sadd.s32 s0, s3;
	s0 =	sld [smem:$0x3FAD]  }
0x30: {  	s3 =	sld [smem:$0x3FB0]  }
0x31: {  	[smem:$0x3FB9] =	sst s10  }
0x32: {  	s10 =	sld [smem:$0x3FB7];
	_ =	sdelay $0x3  }
0x33: {  	p0 =	seq.s32 s10, $0x1;
	s10 =	sld [smem:$0x3FB9];
	_ =	sdelay $0x3  }
0x34: {  	[smem:$0x3FB9] =	sst s10  }
0x35: {  	s10 =	sld [smem:$0x3FB8];
	_ =	sdelay $0x3  }
0x36: {  	p1 =	seq.s32 s10, $0x1;
	s10 =	sld [smem:$0x3FB9];
	_ =	sdelay $0x3  }
0x37: {  	[smem:$0x3FB9] =	sst s10  }
0x38: {  	s10 =	sld [smem:$0x3FBA]  }
0x39: {  	_ = 	snop;
	(pc) =	sbr.ind lr, $3  }
0x3a: {  	_ = 	snop  }
0x3b: {  	_ = 	snop  }
0x3c: {  	p2 =	seq.s32 s10, $0x1;
	s10 =	sld [smem:$0x3FB9]  }
0x3d: {  	_ =	shalt  }
0x3e: {  	_ =	shalt  }
0x3f: {  	_ =	shalt  }
0x40: {  	_ =	shalt  }
0x41: {  	_ =	shalt  }
0x42: {  	_ =	shalt  }
0x43: {  	_ =	shalt  }
0x44: {  	_ =	shalt  }
0x45: {  	_ =	shalt  }
0x46: {  	_ =	shalt  }
0x47: {  	_ =	shalt  }
0x48: {  	_ =	shalt  }
0x49: {  	_ =	shalt  }
0x4a: {  	_ =	shalt  }
0x4b: {  	_ =	shalt  }
0x4c: {  	_ =	shalt  }
0x4d: {  	_ =	shalt  }
0x4e: {  	_ =	shalt  }
0x4f: {  	_ =	shalt  }
0x50: {  	_ =	shalt  }
0x51: {  	_ =	shalt  }
0x52: {  	_ =	shalt  }
0x53: {  	_ =	shalt  }
0x54: {  	_ =	shalt  }
0x55: {  	_ =	shalt  }
0x56: {  	_ =	shalt  }
0x57: {  	_ =	shalt  }
0x58: {  	_ =	shalt  }
0x59: {  	_ =	shalt  }
0x5a: {  	_ =	shalt  }
0x5b: {  	_ =	shalt  }
0x5c: {  	_ =	shalt  }
0x5d: {  	_ =	shalt  }
0x5e: {  	_ =	shalt  }
0x5f: {  	_ =	shalt  }
0x60: {  	_ =	shalt  }
0x61: {  	_ =	shalt  }
0x62: {  	_ =	shalt  }
0x63: {  	_ =	shalt  }
0x64: {  	_ =	shalt  }
0x65: {  	_ =	shalt  }
0x66: {  	_ =	shalt  }
0x67: {  	_ =	shalt  }
0x68: {  	_ =	shalt  }
0x69: {  	_ =	shalt  }
0x6a: {  	_ =	shalt  }
0x6b: {  	_ =	shalt  }
0x6c: {  	_ =	shalt  }
0x6d: {  	_ =	shalt  }
0x6e: {  	_ =	shalt  }
0x6f: {  	_ =	shalt  }
0x70: {  	_ =	shalt  }
0x71: {  	_ =	shalt  }
0x72: {  	_ =	shalt  }
0x73: {  	_ =	shalt  }
0x74: {  	_ =	shalt  }
0x75: {  	_ =	shalt  }
0x76: {  	_ =	shalt  }
0x77: {  	_ =	shalt  }
0x78: {  	_ =	shalt  }
0x79: {  	_ =	shalt  }
0x7a: {  	_ =	shalt  }
0x7b: {  	_ =	shalt  }
0x7c: {  	_ =	shalt  }
0x7d: {  	_ =	shalt  }
0x7e: {  	_ =	shalt  }
0x7f: {  	_ =	shalt  }
0x80: {  	_ =	shalt  }
0x81: {  	_ =	shalt  }
0x82: {  	_ =	shalt  }
0x83: {  	_ =	shalt  }
0x84: {  	_ =	shalt  }
0x85: {  	_ =	shalt  }
0x86: {  	_ =	shalt  }
0x87: {  	_ =	shalt  }
.Lfunc_end0:
.L_simem_size_0:
called_computation_lowered:
.L_overlay_start_0:
0x88: {  	s2 =	sld [smem:$0x3FD9]  }
0x89: {  	s3 =	sld [smem:$0x3FFE];
	_ =	sdelay $0x1  }
0x8a: {  	s1 =	srdreg.scid  }
0x8b: {  	s0 =	sand.u32 $0x1, s1  }
0x8c: {  	s17 =	sshll.u32 s0, $0xA;
	s2 =	sadd.s32 s3, s2  }
0x8d: {  	s2 =	sadd.s32 s2, s17  }
0x8e: {  	[smem:$0x3FC5] =	sst s2  }
0x8f: {  	_ = 	snop  }
0x90: {  	s2 =	sld [smem:$0x3FD0];
	(tm) =	ssettm $0x1  }
0x91: {  	s18 =	sld [smem:$0x3FFB];
	_ =	sdelay $0x3  }
0x92: {  	_ =	strace s18  }
0x93: {  	s3 =	sld [smem:$0x3FFC];
	_ =	sdelay $0x3  }
0x94: {  	_ =	strace s3  }
0x95: {  	s3 =	sld [smem:$0x3FFD];
	_ =	sdelay $0x3  }
0x96: {  	_ =	strace s3  }
0x97: {  	_ =	strace $0x8FFFFFFF  }
0x98: {  	s19 =	sld [smem:$0x3FDB];
	_ =	sdelay $0x1  }
0x99: {  	s4 =	simm.s32 $_scs_section_size  }
0x9a: {  	s5 =	simm.s32 $_size__tile_overlayer_lowered;
	s6 =	simm.s32 $_tile_overlayer_lowered  }
0x9b: {  	s22 =	simm.s32 $0x1BFF;
	s21 =	sshll.u32 s6, $0x1;
	s3 =	sadd.s32 s4, s19  }
0x9c: {  	s7 =	simm.s32 $0x0;
	s20 =	sshll.u32 s5, $0x1;
	s5 =	sadd.s32 s21, s3  }
0x9d: {  	[timem:s7], [sflag:s22] =	dma.local [hbm:s5], s20  }
0x9e: {  	_ =	swait.ge [sflag:s22], s20  }
0x9f: {  	s4 =	ssub.s32 $0x0, s20;
	[sflag:s22] =	ssyncset.done $0x0  }
0xa0: {  	[sflag:s22] =	ssyncadd.s32 s4;
	_ =	sdelay $0x1  }
0xa1: {  	s23 =	simm.s32 $0x1B8B  }
0xa2: {  	_ =	swait.ge [sflag:s23], $0x1  }
0xa3: {  	[sflag:s23] =	ssyncset.done $0x0  }
0xa4: {  	s25 =	simm.s32 $0x1B8E;
	s24 =	sld [smem:$0x3FFE];
	[sflag:s23] =	ssyncadd.s32 $0xFFFFFFFF  }
0xa5: {  	s26 =	simm.s32 $execute0_lowered;
	[smem:$0x3FD2] =	sst s25  }
0xa6: {  	s5 =	sshll.u32 s26, $0x1;
	_ =	strace $0x80000046;
	[dreg:$0x1] =	wrdreg $0xFFFFFFFF  }
0xa7: {  	s28 =	simm.s32 $_size_execute0_lowered;
	s3 =	sadd.s32 s3, s5;
	[dreg:$0x0] =	wrdreg $0x0  }
0xa8: {  	s5 =	sshll.u32 s28, $0x1;
	[dreg:$0x2] =	wrdreg s3  }
0xa9: {  	[dreg:$0x3] =	wrdreg s5  }
0xaa: {  	[dreg:$0x4] =	wrdreg $0xC0  }
0xab: {  	_ =	task [dreg:s7], $0x5FFFF  }
0xac: {  	[dreg:$0x1] =	wrdreg $0xFFFFFFFF  }
0xad: {  	[dreg:$0x0] =	wrdreg $0x60  }
0xae: {  	[dreg:$0x2] =	wrdreg s24  }
0xaf: {  	[dreg:$0x3] =	wrdreg s2  }
0xb0: {  	[dreg:$0x4] =	wrdreg $0x9  }
0xb1: {  	_ =	task.clear_ibuf [dreg:s7], $0x5FFFF;
	_ =	strace $0x90000046  }
0xb2: {  	s29 =	simm.s32 $0x9;
	_ =	strace $0x80000048  }
0xb3: {  	_ =	swait.ge [sflag:s29], $0x1  }
0xb4: {  	[sflag:s29] =	ssyncadd.s32 $0xFFFFFFFF  }
0xb5: {  	_ =	strace $0x90000048  }
0xb6: {  	_ =	sfence  }
0xb7: {  	s30 =	sld [smem:$0x0];
	_ =	sdelay $0x2  }
0xb8: {  	s31 =	sshll.u32 s1, $0xD;
	s1 =	sshrl.u32 s1, $0x2  }
0xb9: {  	s3 =	sand.u32 $0x4000, s31;
	s1 =	sadd.s32 s1, s30  }
0xba: {  	s0 =	sor.u32 s3, s0;
	s1 =	sshll.u32 s1, $0x11  }
0xbb: {  	s0 =	sor.u32 s1, s0  }
0xbc: {  	s0 =	sadd.s32 $0x8F2B, s0  }
0xbd: {  	[sflag:s0] =	ssyncadd.remote.s32 $0x1  }
0xbe: {  	_ =	sfence.sel $0xFFFF  }
0xbf: {  	[dreg:$0x0] =	wrdreg $0xFFFFFFFF;
	(pc) =	sbr.abs _section_cstart, $3  }
0xc0: {  	[dreg:$0x1] =	wrdreg $0xFFFFFFFF  }
0xc1: {  	_ =	task.clear_ibuf [dreg:s7], $0x2FFFF;
	_ =	strace $0x9FFFFFFF  }
0xc2: {  	(tm) =	ssettm $0x7FFFFFFF  }
0xc3: {  	_ =	shalt  }
tec
execute0_lowered:
.L_overlay_start_1:
0x0: {  	(tag) =	ssettag $0x1  }
0x1: {  	s0 =	rddreg [dreg:$0x0];
	s1 =	srdreg.scid  }
0x2: {  	s2 =	stileid.u32;
	s5 =	rddreg [dreg:$0x1]  }
0x3: {  	s30 =	simm.s32 $0x0;
	s9 =	simm.s32 $0xA400;
	s12 =	simm.s32 $0xA800  }
0x4: {  	s13 =	simm.s32 $0xAC00;
	s8 =	simm.s32 $0xB000;
	s31 =	simm.s32 $0x12010  }
0x5: {  	s11 =	simm.s32 $0x12050;
	s28 =	simm.s32 $0x12820;
	s14 =	simm.s32 $0x12850  }
0x6: {  	s10 =	simm.s32 $0x12860;
	[smem:$0x7FF] =	sst s30;
	s4 =	sadd.s32 $0xF42C00, s0  }
0x7: {  	s20 =	sadd.s32 $0x1000, s5;
	_ =	strace $0x80000047;
	[dreg:$0x3] =	wrdreg s4  }
0x8: {  	s7 =	simm.s32 $0x13000;
	s21 =	sadd.s32 $0x2000, s5;
	[dreg:$0x7] =	wrdreg s20  }
0x9: {  	s29 =	simm.s32 $0x13020;
	s22 =	sadd.s32 $0x3000, s5;
	[dreg:$0x8] =	wrdreg s21  }
0xa: {  	s15 =	simm.s32 $0x13030;
	s23 =	sadd.s32 $0x4000, s5;
	[dreg:$0x9] =	wrdreg s22  }
0xb: {  	v0 =	vlaneseq.u32;
	s1 =	sand.u32 $0x1, s1;
	s24 =	sadd.s32 $0x5000, s5;
	[dreg:$0xa] =	wrdreg s23  }
0xc: {  	s2 =	sshll.u32 s2, $0x1;
	s25 =	sadd.s32 $0x6000, s5;
	v1 =	vmul.u32 $0xC8, v0;
	[dreg:$0xb] =	wrdreg s24  }
0xd: {  	s26 =	sadd.s32 $0x7000, s5;
	v2 =	vmul.u32 $0x80, v0;
	v26 =	vor.u32 $0x10, v0;
	v27 =	vor.u32 $0x20, v0;
	s2 =	sor.u32 s1, s2;
	[dreg:$0xc] =	wrdreg s25  }
0xe: {  	v28 =	vor.u32 $0x30, v0;
	s1 =	ssub.s32 $0x2, s1;
	[dreg:$0xd] =	wrdreg s26;
	s21 =	simm.s32 $0xA000;
	v3 =	vadd.s32 $0xC80, v1;
	v7 =	vadd.s32 $0x3E80, v1  }
0xf: {  	s25 =	simm.s32 $0x12020;
	s4 =	simm.s32 $0x12800;
	s20 =	simm.s32 $0x12810;
	v8 =	vadd.s32 $0x4B00, v1;
	v9 =	vadd.s32 $0x5780, v1;
	v10 =	vor.u32 $0x1, v1  }
0x10: {  	s3 =	smul.u32 $0xC80, s2;
	s16 =	sshrl.u32 s1, $0x1;
	s19 =	sshll.u32 s2, $0xA;
	v11 =	vadd.s32 $0xC81, v1;
	v12 =	vadd.s32 $0x1901, v1;
	v13 =	vadd.s32 $0x2581, v1  }
0x11: {  	v14 =	vadd.s32 $0x3201, v1;
	v15 =	vadd.s32 $0x3E81, v1;
	v16 =	vadd.s32 $0x4B01, v1;
	s17 =	ssub.s32 s1, s16;
	[dreg:$0x6] =	wrdreg s19;
	s16 =	simm.s32 $0x12040  }
0x12: {  	v17 =	vadd.s32 $0x5781, v1;
	v18 =	vor.u32 $0x2, v1;
	s19 =	simm.s32 $0x12830;
	[tilespmem:$0x1FFC0] =	vst v3;
	v3 =	vadd.s32 $0x1900, v1;
	s3 =	sadd.s32 s3, s0;
	s0 =	sadd.s32 $0x19800, s0  }
0x13: {  	v19 =	vadd.s32 $0xC82, v1;
	v20 =	vadd.s32 $0x1902, v1;
	s1 =	simm.s32 $0x0;
	[tilespmem:$0x1FFD0] =	vst v3;
	v3 =	vadd.s32 $0x2580, v1;
	[dreg:$0x4] =	wrdreg s0;
	s18 =	sadd.s32 $0x800, s3  }
0x14: {  	v21 =	vadd.s32 $0x2582, v1;
	v22 =	vadd.s32 $0x3202, v1;
	s0 =	smax.u32 s17, $0x1;
	s3 =	simm.s32 $0x12000;
	[tilespmem:$0x1FFE0] =	vst v3;
	v3 =	vadd.s32 $0x3200, v1;
	[dreg:$0x5] =	wrdreg s18  }
0x15: {  	v23 =	vadd.s32 $0x3E82, v1;
	v24 =	vadd.s32 $0x4B02, v1;
	v25 =	vadd.s32 $0x5782, v1;
	s17 =	simm.s32 $0x12840;
	[dreg:$0xe] =	wrdreg s0;
	s18 =	simm.s32 $0x12030;
	[tilespmem:$0x1FFF0] =	vst v3  }
.LBB2_1:
0x16: {  	[dreg:$0xf] =	wrdreg s1  }
0x17: {  	s22 =	rddreg [dreg:$0x5];
	s24 =	simm.s32 $0x9  }
0x18: {  	[tilespmem:s30], [sflag:$0x9] =	stream.linear.gather [hbm4b:s22+s30], $0x6400, $0x38;
	[tilespmem:$0x19A00] =	vst v63  }
0x19: {  	_ =	swait.ge [sflag:s24], $0x6400  }
0x1a: {  	[sflag:s24] =	ssyncset.done $0x0  }
0x1b: {  	s26 =	simm.s32 $0x6400;
	s23 =	rddreg [dreg:$0x4];
	[sflag:s24] =	ssyncadd.s32 $0xFFFF9C00  }
0x1c: {  	[tilespmem:s26], [sflag:$0x9] =	stream.linear.gather [hbm4b:s23+s30], $0x3200, $0x38;
	[tilespmem:$0x19A00] =	vst v63  }
0x1d: {  	_ =	swait.ge [sflag:s24], $0x3200  }
0x1e: {  	v29 =	vadd.s32 s30, v0;
	[sflag:s24] =	ssyncset.done $0x0  }
0x1f: {  	s22 =	simm.s32 $0x19800;
	v29 =	vand.u32 $0xF, v29;
	[sflag:s24] =	ssyncadd.s32 $0xFFFFCE00  }
0x20: {  	s24 =	simm.s32 $0x19900;
	[tilespmem:s22+$0x0] =	vst v29;
	v29 =	vor.u32 v2, v29  }
0x21: {  	s26 =	simm.s32 $0x1;
	[tilespmem:s24+$0x0] =	vst v29  }
.LBB2_2:
0x22: {  	p0 =	sne.s32 s26, $0xF  }
.Ltmp0:
0x23: {  	_ = 	snop;
	(pc) =	sbr.rel @p0 .LBB2_2-.Ltmp0, $4  }
0x24: {  	v29 =	vadd.s32 s26, v0  }
0x25: {  	s22 =	sadd.s32 $0x10, s22;
	v29 =	vand.u32 $0xF, v29  }
0x26: {  	s24 =	sadd.s32 $0x10, s24;
	[tilespmem:s22+$0x0] =	vst v29;
	v29 =	vor.u32 v2, v29  }
0x27: {  	s26 =	sadd.s32 $0x1, s26;
	[tilespmem:s24+$0x0] =	vst v29  }
0x28: {  	_ =	sdelay $0x1  }
0x29: {  	v3 =	vld [tilespmem:$0x1FFC0]  }
0x2a: {  	s0 =	simm.s32 $0x0  }
0x2b: {  	v29 =	vld.idx.msk [tilespmem:v1+s0+$0x0], $0xffff;
	_ =	sdelay $0x4  }
0x2c: {  	[tilespmem:$0x9600] =	vst v29  }
0x2d: {  	v29 =	vld.idx.msk [tilespmem:v3+s0+$0x0], $0xffff  }
0x2e: {  	v3 =	vld [tilespmem:$0x1FFD0];
	_ =	sdelay $0x6  }
0x2f: {  	[tilespmem:$0x9610] =	vst v29  }
0x30: {  	v29 =	vld.idx.msk [tilespmem:v3+s0+$0x0], $0xffff  }
0x31: {  	v3 =	vld [tilespmem:$0x1FFE0];
	_ =	sdelay $0x6  }
0x32: {  	[tilespmem:$0x9620] =	vst v29  }
0x33: {  	v29 =	vld.idx.msk [tilespmem:v3+s0+$0x0], $0xffff  }
0x34: {  	v3 =	vld [tilespmem:$0x1FFF0];
	_ =	sdelay $0x6  }
0x35: {  	[tilespmem:$0x9630] =	vst v29  }
0x36: {  	v29 =	vld.idx.msk [tilespmem:v3+s0+$0x0], $0xffff;
	_ =	sdelay $0x4  }
0x37: {  	[tilespmem:$0x9640] =	vst v29  }
0x38: {  	v29 =	vld.idx.msk [tilespmem:v7+s0+$0x0], $0xffff;
	_ =	sdelay $0x4  }
0x39: {  	[tilespmem:$0x9650] =	vst v29  }
0x3a: {  	v29 =	vld.idx.msk [tilespmem:v8+s0+$0x0], $0xffff;
	_ =	sdelay $0x4  }
0x3b: {  	[tilespmem:$0x9660] =	vst v29  }
0x3c: {  	v29 =	vld.idx.msk [tilespmem:v9+s0+$0x0], $0xffff;
	_ =	sdelay $0x3  }
0x3d: {  	s22 =	rddreg [dreg:$0x3]  }
0x3e: {  	s2 =	simm.s32 $0x80;
	s26 =	simm.s32 $0x9600;
	s1 =	simm.s32 $0x9800;
	[tilespmem:$0x9670] =	vst v29  }
0x3f: {  	[tilespmem:s1], [sflag:$0x1] =	stream.indirect.gather [hbm4b:s22+s2], $0x40, s26, s2, $0xb8;
	[tilespmem:$0x19A00] =	vst v63  }
0x40: {  	v29 =	vld.idx.msk [tilespmem:v10+s0+$0x0], $0xffff;
	_ =	sdelay $0x4  }
0x41: {  	[tilespmem:$0x9680] =	vst v29  }
0x42: {  	v29 =	vld.idx.msk [tilespmem:v11+s0+$0x0], $0xffff;
	_ =	sdelay $0x4  }
0x43: {  	[tilespmem:$0x9690] =	vst v29  }
0x44: {  	v29 =	vld.idx.msk [tilespmem:v12+s0+$0x0], $0xffff;
	_ =	sdelay $0x4  }
0x45: {  	[tilespmem:$0x96A0] =	vst v29  }
0x46: {  	v29 =	vld.idx.msk [tilespmem:v13+s0+$0x0], $0xffff;
	_ =	sdelay $0x4  }
0x47: {  	[tilespmem:$0x96B0] =	vst v29  }
0x48: {  	v29 =	vld.idx.msk [tilespmem:v14+s0+$0x0], $0xffff;
	_ =	sdelay $0x4  }
0x49: {  	[tilespmem:$0x96C0] =	vst v29  }
0x4a: {  	v29 =	vld.idx.msk [tilespmem:v15+s0+$0x0], $0xffff;
	_ =	sdelay $0x4  }
0x4b: {  	[tilespmem:$0x96D0] =	vst v29  }
0x4c: {  	v29 =	vld.idx.msk [tilespmem:v16+s0+$0x0], $0xffff;
	_ =	sdelay $0x4  }
0x4d: {  	[tilespmem:$0x96E0] =	vst v29  }
0x4e: {  	v29 =	vld.idx.msk [tilespmem:v17+s0+$0x0], $0xffff;
	_ =	sdelay $0x4  }
0x4f: {  	s5 =	simm.s32 $0x9680;
	s24 =	simm.s32 $0xB800;
	[tilespmem:$0x96F0] =	vst v29  }
0x50: {  	[tilespmem:s24], [sflag:$0x2] =	stream.indirect.gather [hbm4b:s22+s2], $0x40, s5, s2, $0xb8;
	[tilespmem:$0x19A00] =	vst v63  }
0x51: {  	v29 =	vld.idx.msk [tilespmem:v18+s0+$0x0], $0xffff;
	_ =	sdelay $0x4  }
0x52: {  	[tilespmem:$0x9700] =	vst v29  }
0x53: {  	v29 =	vld.idx.msk [tilespmem:v19+s0+$0x0], $0xffff;
	_ =	sdelay $0x4  }
0x54: {  	[tilespmem:$0x9710] =	vst v29  }
0x55: {  	v29 =	vld.idx.msk [tilespmem:v20+s0+$0x0], $0xffff;
	_ =	sdelay $0x4  }
0x56: {  	[tilespmem:$0x9720] =	vst v29  }
0x57: {  	v29 =	vld.idx.msk [tilespmem:v21+s0+$0x0], $0xffff;
	_ =	sdelay $0x4  }
0x58: {  	[tilespmem:$0x9730] =	vst v29  }
0x59: {  	v29 =	vld.idx.msk [tilespmem:v22+s0+$0x0], $0xffff;
	_ =	sdelay $0x4  }
0x5a: {  	[tilespmem:$0x9740] =	vst v29  }
0x5b: {  	v29 =	vld.idx.msk [tilespmem:v23+s0+$0x0], $0xffff;
	_ =	sdelay $0x4  }
0x5c: {  	[tilespmem:$0x9750] =	vst v29  }
0x5d: {  	v29 =	vld.idx.msk [tilespmem:v24+s0+$0x0], $0xffff;
	_ =	sdelay $0x4  }
0x5e: {  	[tilespmem:$0x9760] =	vst v29  }
0x5f: {  	v29 =	vld.idx.msk [tilespmem:v25+s0+$0x0], $0xffff;
	_ =	sdelay $0x4  }
0x60: {  	s6 =	simm.s32 $0x9700;
	s23 =	simm.s32 $0xD800;
	s1 =	simm.s32 $0x9800;
	[tilespmem:$0x9770] =	vst v29  }
0x61: {  	[tilespmem:s23], [sflag:$0x3] =	stream.indirect.gather [hbm4b:s22+s2], $0x40, s6, s2, $0xb8;
	[tilespmem:$0x19A00] =	vst v63  }
.LBB2_4:
0x62: {  	p0 =	seq.s32 s0, $0x0  }
0x63: {  	s22 =	simm.s32 @!p0 $0x8  }
0x64: {  	_ =	swait.ge @!p0 [sflag:s22], $0x400  }
0x65: {  	[sflag:s22] =	ssyncset.done @!p0 $0x0  }
0x66: {  	[sflag:s22] =	ssyncadd.s32 @!p0 $0xFFFFFC00  }
0x67: {  	_ =	swait.ge @!p0 [sflag:s22], $0x400  }
0x68: {  	[sflag:s22] =	ssyncset.done @!p0 $0x0  }
0x69: {  	[sflag:s22] =	ssyncadd.s32 @!p0 $0xFFFFFC00  }
0x6a: {  	_ =	swait.ge @!p0 [sflag:s22], $0x400  }
0x6b: {  	[sflag:s22] =	ssyncset.done @!p0 $0x0  }
0x6c: {  	[sflag:s22] =	ssyncadd.s32 @!p0 $0xFFFFFC00  }
0x6d: {  	_ =	swait.ge @!p0 [sflag:s22], $0x400  }
0x6e: {  	[sflag:s22] =	ssyncset.done @!p0 $0x0  }
0x6f: {  	[sflag:s22] =	ssyncadd.s32 @!p0 $0xFFFFFC00  }
0x70: {  	_ =	swait.ge @!p0 [sflag:s22], $0x400  }
0x71: {  	[sflag:s22] =	ssyncset.done @!p0 $0x0  }
0x72: {  	[sflag:s22] =	ssyncadd.s32 @!p0 $0xFFFFFC00  }
0x73: {  	_ =	swait.ge @!p0 [sflag:s22], $0x400  }
0x74: {  	[sflag:s22] =	ssyncset.done @!p0 $0x0  }
0x75: {  	s6 =	sshll.u32 s0, $0x2;
	[sflag:s22] =	ssyncadd.s32 @!p0 $0xFFFFFC00  }
0x76: {  	s2 =	sor.u32 $0x3, s6;
	_ =	swait.ge @!p0 [sflag:s22], $0x400  }
0x77: {  	v29 =	vadd.s32 s2, v1;
	[sflag:s22] =	ssyncset.done @!p0 $0x0  }
0x78: {  	[dreg:$0x11] =	wrdreg s2;
	[sflag:s22] =	ssyncadd.s32 @!p0 $0xFFFFFC00  }
0x79: {  	_ =	swait.ge @!p0 [sflag:s22], $0x400  }
0x7a: {  	[sflag:s22] =	ssyncset.done @!p0 $0x0  }
0x7b: {  	[sflag:s22] =	ssyncadd.s32 @!p0 $0xFFFFFC00  }
0x7c: {  	s5 =	sadd.s32 $0xC83, s6;
	v29 =	vld.idx.msk [tilespmem:v29+s30+$0x0], $0xffff  }
0x7d: {  	v30 =	vadd.s32 s5, v1;
	_ =	sdelay $0x3  }
0x7e: {  	[tilespmem:$0x9780] =	vst v29  }
0x7f: {  	s23 =	sor.u32 $0x1903, s6;
	v29 =	vld.idx.msk [tilespmem:v30+s30+$0x0], $0xffff  }
0x80: {  	v30 =	vadd.s32 s23, v1;
	_ =	sdelay $0x3  }
0x81: {  	[tilespmem:$0x9790] =	vst v29  }
0x82: {  	s24 =	sadd.s32 $0x2583, s6;
	v29 =	vld.idx.msk [tilespmem:v30+s30+$0x0], $0xffff  }
0x83: {  	v30 =	vadd.s32 s24, v1;
	_ =	sdelay $0x3  }
0x84: {  	[tilespmem:$0x97A0] =	vst v29  }
0x85: {  	s26 =	sor.u32 $0x3203, s6;
	v29 =	vld.idx.msk [tilespmem:v30+s30+$0x0], $0xffff  }
0x86: {  	v30 =	vadd.s32 s26, v1;
	_ =	sdelay $0x3  }
0x87: {  	[tilespmem:$0x97B0] =	vst v29  }
0x88: {  	s2 =	sadd.s32 $0x3E83, s6;
	v29 =	vld.idx.msk [tilespmem:v30+s30+$0x0], $0xffff  }
0x89: {  	v30 =	vadd.s32 s2, v1;
	_ =	sdelay $0x3  }
0x8a: {  	[tilespmem:$0x97C0] =	vst v29  }
0x8b: {  	s5 =	sor.u32 $0x4B03, s6;
	v29 =	vld.idx.msk [tilespmem:v30+s30+$0x0], $0xffff  }
0x8c: {  	v30 =	vadd.s32 s5, v1;
	_ =	sdelay $0x3  }
0x8d: {  	[tilespmem:$0x97D0] =	vst v29  }
0x8e: {  	[dreg:$0x12] =	wrdreg s6;
	s6 =	sadd.s32 $0x5783, s6;
	v29 =	vld.idx.msk [tilespmem:v30+s30+$0x0], $0xffff  }
0x8f: {  	v30 =	vadd.s32 s6, v1;
	_ =	sdelay $0x3  }
0x90: {  	[tilespmem:$0x97E0] =	vst v29  }
0x91: {  	v29 =	vld.idx.msk [tilespmem:v30+s30+$0x0], $0xffff;
	_ =	sdelay $0x3  }
0x92: {  	s23 =	rddreg [dreg:$0x3]  }
0x93: {  	s24 =	simm.s32 $0x80;
	s26 =	simm.s32 $0x9780;
	s30 =	simm.s32 $0xF800;
	[tilespmem:$0x97F0] =	vst v29  }
0x94: {  	[tilespmem:s30], [sflag:$0x4] =	stream.indirect.gather [hbm4b:s23+s24], $0x40, s26, s24, $0xb8;
	[tilespmem:$0x19A00] =	vst v63  }
0x95: {  	s26 =	simm.s32 $0x1  }
0x96: {  	_ =	swait.ge [sflag:s26], $0x2000  }
0x97: {  	[sflag:s26] =	ssyncset.done $0x0  }
0x98: {  	s2 =	simm.s32 $0x19810;
	[sflag:s26] =	ssyncadd.s32 $0xFFFFE000  }
0x99: {  	v29 =	vld [tilespmem:s2+$0x0];
	_ =	sdelay $0x2  }
0x9a: {  	v31 =	vld [tilespmem:s2+$0xFFFFFFF0];
	_ =	sdelay $0x1  }
0x9b: {  	s6 =	sshll.u32 s0, $0x8;
	v30 =	vshll.u32 v29, $0x6  }
0x9c: {  	s22 =	sand.u32 $0x3FFFFF00, s6;
	[dreg:$0x10] =	wrdreg s0;
	v32 =	vor.u32 v28, v30  }
0x9d: {  	v45 =	vld [tilespmem:s22+$0x6430];
	v51 =	vor.u32 v0, v30  }
0x9e: {  	v46 =	vld [tilespmem:s22+$0x6400];
	v50 =	vor.u32 v26, v30;
	v49 =	vor.u32 v27, v30;
	v30 =	vshll.u32 v31, $0x6  }
0x9f: {  	s5 =	simm.s32 $0x19910;
	v44 =	vld [tilespmem:s22+$0x6410];
	v54 =	vor.u32 v0, v30  }
0xa0: {  	v29 =	vld [tilespmem:s5+$0x0]  }
0xa1: {  	v33 =	vld.idx.msk [tilespmem:v32+s1+$0x0], $0xffff  }
0xa2: {  	v47 =	vld [tilespmem:s22+$0x6420];
	v53 =	vor.u32 v28, v30  }
0xa3: {  	v48 =	vld [tilespmem:s5+$0xFFFFFFF0]  }
0xa4: {  	v60 =	vld.idx.msk [tilespmem:v54+s1+$0x0], $0xffff  }
0xa5: {  	v55 =	vor.u32 v26, v30;
	v34 =	vld.idx.msk [tilespmem:v50+s1+$0x0], $0xffff  }
0xa6: {  	v52 =	vor.u32 v27, v30;
	v31 =	vld.idx.msk [tilespmem:v51+s1+$0x0], $0xffff;
	v33 =	vadd.f32 v33, v45  }
0xa7: {  	v38 =	vld.idx.msk [tilespmem:v53+s1+$0x0], $0xffff  }
0xa8: {  	s23 =	simm.s32 $0x9C00;
	v35 =	vld.idx.msk [tilespmem:v49+s1+$0x0], $0xffff;
	[tilespmem:v29+s7+$0x0] =	vst.idx.msk $0xffff, v33  }
0xa9: {  	v33 =	vadd.f32 v60, v46;
	v30 =	vld.idx.msk [tilespmem:v32+s23+$0x0], $0xffff  }
0xaa: {  	s2 =	simm.s32 $0x11800;
	v36 =	vld.idx.msk [tilespmem:v55+s1+$0x0], $0xffff;
	v34 =	vadd.f32 v34, v44  }
0xab: {  	s6 =	simm.s32 $0x9C00;
	v37 =	vld.idx.msk [tilespmem:v52+s1+$0x0], $0xffff;
	v31 =	vadd.f32 v31, v46;
	[tilespmem:v48+s2+$0x0] =	vst.idx.msk $0xffff, v33  }
0xac: {  	v40 =	vadd.f32 v38, v45;
	[tilespmem:v29+s3+$0x0] =	vst.idx.msk $0xffff, v34;
	v41 =	vld.idx.msk [tilespmem:v54+s6+$0x0], $0xffff  }
0xad: {  	[tilespmem:v29+s2+$0x0] =	vst.idx.msk $0xffff, v31;
	v31 =	vadd.f32 v35, v47;
	v34 =	vld.idx.msk [tilespmem:v50+s6+$0x0], $0xffff  }
0xae: {  	v61 =	vld.idx.msk [tilespmem:v51+s6+$0x0], $0xffff;
	[tilespmem:v48+s7+$0x0] =	vst.idx.msk $0xffff, v40;
	v30 =	vadd.f32 v30, v45  }
0xaf: {  	s26 =	simm.s32 $0x13010;
	[tilespmem:v29+s4+$0x0] =	vst.idx.msk $0xffff, v31;
	v31 =	vadd.f32 v36, v44  }
0xb0: {  	v62 =	vld.idx.msk [tilespmem:v49+s6+$0x0], $0xffff;
	[tilespmem:v29+s26+$0x0] =	vst.idx.msk $0xffff, v30;
	v30 =	vadd.f32 v37, v47  }
0xb1: {  	[tilespmem:v48+s3+$0x0] =	vst.idx.msk $0xffff, v31;
	v56 =	vadd.f32 v41, v46;
	v63 =	vld.idx.msk [tilespmem:v32+s21+$0x0], $0xffff  }
0xb2: {  	s30 =	simm.s32 $0x11810;
	v31 =	vld.idx.msk [tilespmem:v55+s6+$0x0], $0xffff;
	v34 =	vadd.f32 v34, v44;
	[tilespmem:v48+s4+$0x0] =	vst.idx.msk $0xffff, v30  }
0xb3: {  	s21 =	simm.s32 $0xA000;
	v30 =	vadd.f32 v61, v46;
	[tilespmem:v48+s30+$0x0] =	vst.idx.msk $0xffff, v56;
	v42 =	vld.idx.msk [tilespmem:v52+s6+$0x0], $0xffff  }
0xb4: {  	[tilespmem:v29+s31+$0x0] =	vst.idx.msk $0xffff, v34;
	v60 =	vld.idx.msk [tilespmem:v54+s21+$0x0], $0xffff  }
0xb5: {  	v37 =	vld.idx.msk [tilespmem:v53+s6+$0x0], $0xffff;
	[tilespmem:v29+s30+$0x0] =	vst.idx.msk $0xffff, v30;
	v30 =	vadd.f32 v62, v47  }
0xb6: {  	v57 =	vld.idx.msk [tilespmem:v50+s21+$0x0], $0xffff;
	v33 =	vadd.f32 v63, v45  }
0xb7: {  	v43 =	vld.idx.msk [tilespmem:v51+s21+$0x0], $0xffff;
	[tilespmem:v29+s20+$0x0] =	vst.idx.msk $0xffff, v30;
	v30 =	vadd.f32 v31, v44  }
0xb8: {  	v31 =	vld.idx.msk [tilespmem:v49+s21+$0x0], $0xffff;
	[tilespmem:v29+s29+$0x0] =	vst.idx.msk $0xffff, v33;
	v58 =	vadd.f32 v42, v47  }
0xb9: {  	[tilespmem:v48+s31+$0x0] =	vst.idx.msk $0xffff, v30;
	v41 =	vadd.f32 v60, v46;
	v59 =	vld.idx.msk [tilespmem:v32+s9+$0x0], $0xffff  }
0xba: {  	s24 =	simm.s32 $0x19830;
	s5 =	simm.s32 $0x11820;
	v30 =	vadd.f32 v37, v45;
	v61 =	vld.idx.msk [tilespmem:v55+s21+$0x0], $0xffff;
	[tilespmem:v48+s20+$0x0] =	vst.idx.msk $0xffff, v58  }
0xbb: {  	[tilespmem:v48+s5+$0x0] =	vst.idx.msk $0xffff, v41;
	v41 =	vld [tilespmem:s24+$0xFFFFFFF0]  }
0xbc: {  	v62 =	vadd.f32 v43, v46;
	[tilespmem:v48+s26+$0x0] =	vst.idx.msk $0xffff, v30;
	v63 =	vld.idx.msk [tilespmem:v52+s21+$0x0], $0xffff  }
0xbd: {  	s9 =	simm.s32 $0xA400;
	v30 =	vadd.f32 v57, v44;
	v40 =	vld.idx.msk [tilespmem:v53+s21+$0x0], $0xffff  }
0xbe: {  	v57 =	vld.idx.msk [tilespmem:v54+s9+$0x0], $0xffff;
	[tilespmem:v29+s5+$0x0] =	vst.idx.msk $0xffff, v62;
	v31 =	vadd.f32 v31, v47  }
0xbf: {  	[tilespmem:v29+s25+$0x0] =	vst.idx.msk $0xffff, v30;
	v33 =	vld.idx.msk [tilespmem:v51+s9+$0x0], $0xffff;
	v30 =	vadd.f32 v59, v45  }
0xc0: {  	v42 =	vld.idx.msk [tilespmem:v50+s9+$0x0], $0xffff;
	[tilespmem:v29+s28+$0x0] =	vst.idx.msk $0xffff, v31;
	v31 =	vadd.f32 v61, v44  }
0xc1: {  	v43 =	vld.idx.msk [tilespmem:v49+s9+$0x0], $0xffff;
	[tilespmem:v29+s15+$0x0] =	vst.idx.msk $0xffff, v30;
	v30 =	vadd.f32 v63, v47  }
0xc2: {  	[tilespmem:v48+s25+$0x0] =	vst.idx.msk $0xffff, v31;
	v31 =	vadd.f32 v40, v45;
	v56 =	vld.idx.msk [tilespmem:v32+s12+$0x0], $0xffff  }
0xc3: {  	v62 =	vadd.f32 v57, v46;
	v58 =	vld.idx.msk [tilespmem:v55+s9+$0x0], $0xffff;
	[tilespmem:v48+s28+$0x0] =	vst.idx.msk $0xffff, v30  }
0xc4: {  	s23 =	simm.s32 $0x11830;
	v30 =	vadd.f32 v33, v46;
	[tilespmem:v48+s29+$0x0] =	vst.idx.msk $0xffff, v31;
	v59 =	vld.idx.msk [tilespmem:v52+s9+$0x0], $0xffff  }
0xc5: {  	s12 =	simm.s32 $0xA800;
	v31 =	vadd.f32 v42, v44;
	[tilespmem:v48+s23+$0x0] =	vst.idx.msk $0xffff, v62;
	v60 =	vld.idx.msk [tilespmem:v53+s9+$0x0], $0xffff  }
0xc6: {  	v34 =	vld.idx.msk [tilespmem:v54+s12+$0x0], $0xffff;
	[tilespmem:v29+s23+$0x0] =	vst.idx.msk $0xffff, v30;
	v30 =	vadd.f32 v43, v47  }
0xc7: {  	[tilespmem:v29+s18+$0x0] =	vst.idx.msk $0xffff, v31;
	v61 =	vld.idx.msk [tilespmem:v51+s12+$0x0], $0xffff;
	v31 =	vadd.f32 v56, v45  }
0xc8: {  	s25 =	simm.s32 $0x13040;
	v63 =	vld.idx.msk [tilespmem:v50+s12+$0x0], $0xffff;
	[tilespmem:v29+s19+$0x0] =	vst.idx.msk $0xffff, v30;
	v30 =	vadd.f32 v58, v44  }
0xc9: {  	v42 =	vld.idx.msk [tilespmem:v49+s12+$0x0], $0xffff;
	[tilespmem:v29+s25+$0x0] =	vst.idx.msk $0xffff, v31;
	v31 =	vadd.f32 v59, v47  }
0xca: {  	[tilespmem:v48+s18+$0x0] =	vst.idx.msk $0xffff, v30;
	v30 =	vadd.f32 v60, v45;
	v43 =	vld.idx.msk [tilespmem:v32+s13+$0x0], $0xffff  }
0xcb: {  	v56 =	vld.idx.msk [tilespmem:v55+s12+$0x0], $0xffff;
	[tilespmem:v48+s19+$0x0] =	vst.idx.msk $0xffff, v31  }
0xcc: {  	v34 =	vadd.f32 v34, v46;
	[tilespmem:v48+s15+$0x0] =	vst.idx.msk $0xffff, v30;
	v30 =	vld [tilespmem:s22+$0x6400]  }
0xcd: {  	s0 =	simm.s32 $0x11840;
	v31 =	vld.idx.msk [tilespmem:v52+s12+$0x0], $0xffff  }
0xce: {  	s31 =	simm.s32 $0xAC00;
	v37 =	vadd.f32 v61, v46;
	v36 =	vadd.f32 v63, v44;
	[tilespmem:v48+s0+$0x0] =	vst.idx.msk $0xffff, v34;
	v63 =	vld [tilespmem:s24+$0x0]  }
0xcf: {  	v34 =	vld.idx.msk [tilespmem:v54+s31+$0x0], $0xffff  }
0xd0: {  	v39 =	vld.idx.msk [tilespmem:v53+s12+$0x0], $0xffff;
	[tilespmem:v29+s0+$0x0] =	vst.idx.msk $0xffff, v37;
	v33 =	vadd.f32 v43, v45  }
0xd1: {  	s13 =	simm.s32 $0x13050;
	[tilespmem:v29+s16+$0x0] =	vst.idx.msk $0xffff, v36;
	v58 =	vld.idx.msk [tilespmem:v51+s31+$0x0], $0xffff;
	v35 =	vadd.f32 v56, v44  }
0xd2: {  	v36 =	vld.idx.msk [tilespmem:v50+s31+$0x0], $0xffff;
	[tilespmem:v29+s13+$0x0] =	vst.idx.msk $0xffff, v33;
	v31 =	vadd.f32 v31, v47  }
0xd3: {  	v57 =	vadd.f32 v42, v47;
	[tilespmem:v48+s16+$0x0] =	vst.idx.msk $0xffff, v35;
	v33 =	vld.idx.msk [tilespmem:v32+s8+$0x0], $0xffff  }
0xd4: {  	v34 =	vadd.f32 v34, v46;
	v60 =	vld.idx.msk [tilespmem:v55+s31+$0x0], $0xffff;
	[tilespmem:v48+s17+$0x0] =	vst.idx.msk $0xffff, v31  }
0xd5: {  	[tilespmem:v29+s17+$0x0] =	vst.idx.msk $0xffff, v57;
	v59 =	vadd.f32 v39, v45;
	s16 =	simm.s32 $0x11850;
	v40 =	vld.idx.msk [tilespmem:v52+s31+$0x0], $0xffff  }
0xd6: {  	v37 =	vld.idx.msk [tilespmem:v49+s31+$0x0], $0xffff;
	[tilespmem:v48+s16+$0x0] =	vst.idx.msk $0xffff, v34;
	v34 =	vshll.u32 v41, $0x6  }
0xd7: {  	[tilespmem:v48+s25+$0x0] =	vst.idx.msk $0xffff, v59;
	v61 =	vadd.f32 v58, v46;
	v31 =	vld [tilespmem:s22+$0x6410];
	v41 =	vor.u32 v0, v34  }
0xd8: {  	s15 =	simm.s32 $0xB000;
	v62 =	vld.idx.msk [tilespmem:v53+s31+$0x0], $0xffff;
	v38 =	vor.u32 v26, v34  }
0xd9: {  	v57 =	vld.idx.msk [tilespmem:v54+s15+$0x0], $0xffff;
	[tilespmem:v29+s16+$0x0] =	vst.idx.msk $0xffff, v61;
	v39 =	vadd.f32 v60, v44  }
0xda: {  	v42 =	vld.idx.msk [tilespmem:v51+s15+$0x0], $0xffff;
	v33 =	vadd.f32 v33, v45;
	v60 =	vadd.f32 v40, v47  }
0xdb: {  	s1 =	simm.s32 $0x9800;
	[tilespmem:v48+s11+$0x0] =	vst.idx.msk $0xffff, v39;
	v39 =	vor.u32 v27, v34;
	v40 =	vor.u32 v28, v34;
	v34 =	vld [tilespmem:s22+$0x6430]  }
0xdc: {  	s17 =	simm.s32 $0x13060;
	v3 =	vld.idx.msk [tilespmem:v41+s1+$0x0], $0xffff  }
0xdd: {  	s18 =	simm.s32 $0xB400;
	[tilespmem:v29+s17+$0x0] =	vst.idx.msk $0xffff, v33;
	v4 =	vld.idx.msk [tilespmem:v38+s1+$0x0], $0xffff  }
0xde: {  	v56 =	vld.idx.msk [tilespmem:v32+s18+$0x0], $0xffff  }
0xdf: {  	s26 =	simm.s32 $0x19930;
	v33 =	vadd.f32 v37, v47;
	v58 =	vld.idx.msk [tilespmem:v55+s15+$0x0], $0xffff  }
0xe0: {  	v61 =	vadd.f32 v62, v45;
	v32 =	vld [tilespmem:s26+$0x0];
	[tilespmem:v48+s14+$0x0] =	vst.idx.msk $0xffff, v60  }
0xe1: {  	v62 =	vadd.f32 v36, v44;
	v36 =	vshll.u32 v63, $0x6;
	[tilespmem:v29+s14+$0x0] =	vst.idx.msk $0xffff, v33;
	v33 =	vld [tilespmem:s22+$0x6420]  }
0xe2: {  	v43 =	vor.u32 v28, v36;
	[tilespmem:v48+s13+$0x0] =	vst.idx.msk $0xffff, v61;
	v59 =	vld.idx.msk [tilespmem:v52+s15+$0x0], $0xffff  }
0xe3: {  	v57 =	vadd.f32 v57, v46;
	[tilespmem:v29+s11+$0x0] =	vst.idx.msk $0xffff, v62;
	v60 =	vld.idx.msk [tilespmem:v53+s15+$0x0], $0xffff  }
0xe4: {  	s19 =	simm.s32 $0x11860;
	v61 =	vld.idx.msk [tilespmem:v50+s15+$0x0], $0xffff  }
0xe5: {  	v37 =	vor.u32 v0, v36;
	s18 =	simm.s32 $0xB400;
	[tilespmem:v48+s19+$0x0] =	vst.idx.msk $0xffff, v57;
	v62 =	vld.idx.msk [tilespmem:v49+s15+$0x0], $0xffff  }
0xe6: {  	v35 =	vor.u32 v26, v36;
	v42 =	vadd.f32 v42, v46;
	v54 =	vld.idx.msk [tilespmem:v54+s18+$0x0], $0xffff  }
0xe7: {  	v63 =	vld.idx.msk [tilespmem:v43+s1+$0x0], $0xffff;
	v56 =	vadd.f32 v56, v45  }
0xe8: {  	s8 =	simm.s32 $0x13070;
	[tilespmem:v29+s19+$0x0] =	vst.idx.msk $0xffff, v42;
	v42 =	vld [tilespmem:s26+$0xFFFFFFF0];
	v58 =	vadd.f32 v58, v44  }
0xe9: {  	v36 =	vor.u32 v27, v36;
	s11 =	simm.s32 $0x12060;
	v5 =	vld.idx.msk [tilespmem:v39+s1+$0x0], $0xffff;
	[tilespmem:v29+s8+$0x0] =	vst.idx.msk $0xffff, v56;
	v59 =	vadd.f32 v59, v47  }
0xea: {  	v56 =	vld.idx.msk [tilespmem:v37+s1+$0x0], $0xffff;
	[tilespmem:v48+s11+$0x0] =	vst.idx.msk $0xffff, v58;
	v58 =	vadd.f32 v60, v45  }
0xeb: {  	v57 =	vld.idx.msk [tilespmem:v35+s1+$0x0], $0xffff;
	v61 =	vadd.f32 v61, v44;
	[tilespmem:v48+s10+$0x0] =	vst.idx.msk $0xffff, v59  }
0xec: {  	v6 =	vld.idx.msk [tilespmem:v40+s1+$0x0], $0xffff;
	[tilespmem:v48+s17+$0x0] =	vst.idx.msk $0xffff, v58;
	v63 =	vadd.f32 v63, v34  }
0xed: {  	v62 =	vadd.f32 v62, v47;
	v55 =	vld.idx.msk [tilespmem:v55+s18+$0x0], $0xffff;
	[tilespmem:v29+s11+$0x0] =	vst.idx.msk $0xffff, v61  }
0xee: {  	v3 =	vadd.f32 v3, v30;
	[tilespmem:v32+s7+$0x0] =	vst.idx.msk $0xffff, v63;
	v63 =	vld.idx.msk [tilespmem:v36+s1+$0x0], $0xffff  }
0xef: {  	[tilespmem:v29+s10+$0x0] =	vst.idx.msk $0xffff, v62;
	v56 =	vadd.f32 v56, v30;
	v60 =	vld.idx.msk [tilespmem:v43+s6+$0x0], $0xffff  }
0xf0: {  	v57 =	vadd.f32 v57, v31;
	v52 =	vld.idx.msk [tilespmem:v52+s18+$0x0], $0xffff;
	[tilespmem:v42+s2+$0x0] =	vst.idx.msk $0xffff, v3  }
0xf1: {  	v5 =	vadd.f32 v5, v33;
	v58 =	vld.idx.msk [tilespmem:v53+s18+$0x0], $0xffff;
	[tilespmem:v32+s2+$0x0] =	vst.idx.msk $0xffff, v56  }
0xf2: {  	v4 =	vadd.f32 v4, v31;
	[tilespmem:v32+s3+$0x0] =	vst.idx.msk $0xffff, v57;
	v53 =	vld.idx.msk [tilespmem:v37+s6+$0x0], $0xffff  }
0xf3: {  	[tilespmem:v42+s4+$0x0] =	vst.idx.msk $0xffff, v5;
	v61 =	vadd.f32 v63, v33;
	v63 =	vld.idx.msk [tilespmem:v35+s6+$0x0], $0xffff  }
0xf4: {  	[tilespmem:v42+s3+$0x0] =	vst.idx.msk $0xffff, v4;
	v5 =	vld.idx.msk [tilespmem:v39+s6+$0x0], $0xffff;
	v62 =	vadd.f32 v60, v34  }
0xf5: {  	s14 =	simm.s32 $0x13010;
	v6 =	vadd.f32 v6, v34;
	v60 =	vld.idx.msk [tilespmem:v41+s6+$0x0], $0xffff;
	[tilespmem:v32+s4+$0x0] =	vst.idx.msk $0xffff, v61  }
0xf6: {  	v56 =	vld.idx.msk [tilespmem:v36+s6+$0x0], $0xffff;
	[tilespmem:v32+s14+$0x0] =	vst.idx.msk $0xffff, v62  }
0xf7: {  	[tilespmem:v42+s7+$0x0] =	vst.idx.msk $0xffff, v6;
	v6 =	vadd.f32 v53, v30;
	v3 =	vld.idx.msk [tilespmem:v43+s21+$0x0], $0xffff  }
0xf8: {  	v61 =	vld.idx.msk [tilespmem:v38+s6+$0x0], $0xffff;
	v59 =	vadd.f32 v63, v31  }
0xf9: {  	s13 =	simm.s32 $0x12010;
	v4 =	vadd.f32 v54, v46;
	v62 =	vld.idx.msk [tilespmem:v40+s6+$0x0], $0xffff;
	[tilespmem:v32+s30+$0x0] =	vst.idx.msk $0xffff, v6  }
0xfa: {  	s3 =	simm.s32 $0x11870;
	v6 =	vld.idx.msk [tilespmem:v51+s18+$0x0], $0xffff;
	v63 =	vadd.f32 v60, v30;
	[tilespmem:v32+s13+$0x0] =	vst.idx.msk $0xffff, v59  }
0xfb: {  	[tilespmem:v48+s3+$0x0] =	vst.idx.msk $0xffff, v4;
	v4 =	vadd.f32 v56, v33;
	v57 =	vld.idx.msk [tilespmem:v35+s21+$0x0], $0xffff  }
0xfc: {  	v51 =	vld.idx.msk [tilespmem:v37+s21+$0x0], $0xffff;
	[tilespmem:v42+s30+$0x0] =	vst.idx.msk $0xffff, v63;
	v3 =	vadd.f32 v3, v34  }
0xfd: {  	v50 =	vld.idx.msk [tilespmem:v50+s18+$0x0], $0xffff;
	s4 =	simm.s32 $0x13020;
	[tilespmem:v32+s20+$0x0] =	vst.idx.msk $0xffff, v4;
	v4 =	vadd.f32 v61, v31  }
0xfe: {  	v60 =	vld.idx.msk [tilespmem:v36+s21+$0x0], $0xffff;
	[tilespmem:v32+s4+$0x0] =	vst.idx.msk $0xffff, v3;
	v3 =	vadd.f32 v5, v33  }
0xff: {  	v56 =	vld.idx.msk [tilespmem:v41+s21+$0x0], $0xffff;
	[tilespmem:v42+s13+$0x0] =	vst.idx.msk $0xffff, v4;
	v4 =	vadd.f32 v62, v34  }
0x100: {  	s16 =	simm.s32 $0x13010;
	v5 =	vld.idx.msk [tilespmem:v43+s9+$0x0], $0xffff;
	[tilespmem:v42+s20+$0x0] =	vst.idx.msk $0xffff, v3;
	v57 =	vadd.f32 v57, v31  }
0x101: {  	s14 =	simm.s32 $0x12020;
	v62 =	vld.idx.msk [tilespmem:v38+s21+$0x0], $0xffff;
	[tilespmem:v42+s16+$0x0] =	vst.idx.msk $0xffff, v4;
	v4 =	vadd.f32 v51, v30  }
0x102: {  	v61 =	vadd.f32 v55, v44;
	v3 =	vld.idx.msk [tilespmem:v39+s21+$0x0], $0xffff;
	[tilespmem:v32+s14+$0x0] =	vst.idx.msk $0xffff, v57  }
0x103: {  	s11 =	simm.s32 $0x12070;
	v63 =	vld.idx.msk [tilespmem:v40+s21+$0x0], $0xffff;
	[tilespmem:v32+s5+$0x0] =	vst.idx.msk $0xffff, v4;
	v4 =	vadd.f32 v60, v33  }
0x104: {  	[tilespmem:v48+s11+$0x0] =	vst.idx.msk $0xffff, v61;
	s20 =	simm.s32 $0x12820;
	v60 =	vadd.f32 v56, v30;
	v61 =	vld.idx.msk [tilespmem:v35+s9+$0x0], $0xffff  }
0x105: {  	v53 =	vld.idx.msk [tilespmem:v37+s9+$0x0], $0xffff;
	v5 =	vadd.f32 v5, v34;
	[tilespmem:v32+s20+$0x0] =	vst.idx.msk $0xffff, v4  }
0x106: {  	s29 =	simm.s32 $0x13030;
	v4 =	vadd.f32 v62, v31;
	[tilespmem:v42+s5+$0x0] =	vst.idx.msk $0xffff, v60;
	v62 =	vld.idx.msk [tilespmem:v36+s9+$0x0], $0xffff  }
0x107: {  	[tilespmem:v32+s29+$0x0] =	vst.idx.msk $0xffff, v5;
	v3 =	vadd.f32 v3, v33;
	v54 =	vld.idx.msk [tilespmem:v41+s9+$0x0], $0xffff  }
0x108: {  	v5 =	vld.idx.msk [tilespmem:v43+s12+$0x0], $0xffff;
	[tilespmem:v42+s14+$0x0] =	vst.idx.msk $0xffff, v4;
	v4 =	vadd.f32 v63, v34  }
0x109: {  	s7 =	simm.s32 $0x13020;
	v63 =	vadd.f32 v52, v47;
	v52 =	vld.idx.msk [tilespmem:v38+s9+$0x0], $0xffff;
	[tilespmem:v42+s20+$0x0] =	vst.idx.msk $0xffff, v3;
	v60 =	vadd.f32 v61, v31  }
0x10a: {  	s19 =	simm.s32 $0x12030;
	v61 =	vld.idx.msk [tilespmem:v49+s18+$0x0], $0xffff;
	[tilespmem:v42+s7+$0x0] =	vst.idx.msk $0xffff, v4;
	v4 =	vadd.f32 v53, v30  }
0x10b: {  	v3 =	vld.idx.msk [tilespmem:v39+s9+$0x0], $0xffff;
	[tilespmem:v32+s19+$0x0] =	vst.idx.msk $0xffff, v60  }
0x10c: {  	s16 =	simm.s32 $0x12870;
	v57 =	vld.idx.msk [tilespmem:v40+s9+$0x0], $0xffff;
	[tilespmem:v32+s23+$0x0] =	vst.idx.msk $0xffff, v4;
	v4 =	vadd.f32 v62, v33  }
0x10d: {  	s17 =	simm.s32 $0x12830;
	[tilespmem:v48+s16+$0x0] =	vst.idx.msk $0xffff, v63;
	v63 =	vadd.f32 v54, v30;
	v59 =	vld.idx.msk [tilespmem:v35+s12+$0x0], $0xffff  }
0x10e: {  	v62 =	vld.idx.msk [tilespmem:v37+s12+$0x0], $0xffff;
	v5 =	vadd.f32 v5, v34;
	[tilespmem:v32+s17+$0x0] =	vst.idx.msk $0xffff, v4  }
0x10f: {  	v4 =	vadd.f32 v52, v31;
	[tilespmem:v42+s23+$0x0] =	vst.idx.msk $0xffff, v63;
	v49 =	vld.idx.msk [tilespmem:v36+s12+$0x0], $0xffff  }
0x110: {  	[tilespmem:v32+s25+$0x0] =	vst.idx.msk $0xffff, v5;
	v3 =	vadd.f32 v3, v33;
	v52 =	vld.idx.msk [tilespmem:v41+s12+$0x0], $0xffff  }
0x111: {  	v53 =	vld.idx.msk [tilespmem:v43+s31+$0x0], $0xffff;
	[tilespmem:v42+s19+$0x0] =	vst.idx.msk $0xffff, v4;
	v4 =	vadd.f32 v57, v34  }
0x112: {  	v51 =	vadd.f32 v6, v46;
	v5 =	vadd.f32 v58, v45;
	v46 =	vld.idx.msk [tilespmem:v38+s12+$0x0], $0xffff;
	[tilespmem:v42+s17+$0x0] =	vst.idx.msk $0xffff, v3  }
0x113: {  	v44 =	vadd.f32 v50, v44;
	v45 =	vadd.f32 v61, v47;
	v55 =	vld.idx.msk [tilespmem:v39+s12+$0x0], $0xffff;
	[tilespmem:v42+s29+$0x0] =	vst.idx.msk $0xffff, v4  }
0x114: {  	s28 =	simm.s32 $0x12040;
	s2 =	simm.s32 $0x12810;
	s30 =	simm.s32 $0x8;
	v56 =	vadd.f32 v59, v31;
	[tilespmem:v48+s8+$0x0] =	vst.idx.msk $0xffff, v5;
	v57 =	vadd.f32 v62, v30;
	v54 =	vld.idx.msk [tilespmem:v40+s12+$0x0], $0xffff  }
.LBB2_5:
0x115: {  	s4 =	simm.s32 $0x11840  }
0x116: {  	v47 =	vld [tilespmem:s22+$0x6400];
	v3 =	vadd.f32 v49, v33;
	[tilespmem:v32+s4+$0x0] =	vst.idx.msk $0xffff, v57  }
0x117: {  	v5 =	vadd.f32 v53, v34;
	s0 =	simm.s32 $0x12840;
	v4 =	vld.idx.msk [tilespmem:v37+s31+$0x0], $0xffff;
	[tilespmem:v32+s28+$0x0] =	vst.idx.msk $0xffff, v56  }
0x118: {  	s3 =	simm.s32 $0x13050;
	v6 =	vadd.f32 v52, v30;
	v48 =	vld.idx.msk [tilespmem:v35+s31+$0x0], $0xffff;
	[tilespmem:v32+s0+$0x0] =	vst.idx.msk $0xffff, v3  }
0x119: {  	v3 =	vadd.f32 v46, v31;
	v49 =	vld.idx.msk [tilespmem:v36+s31+$0x0], $0xffff;
	[tilespmem:v32+s3+$0x0] =	vst.idx.msk $0xffff, v5  }
0x11a: {  	v5 =	vadd.f32 v55, v33;
	[tilespmem:v42+s4+$0x0] =	vst.idx.msk $0xffff, v6;
	v6 =	vld.idx.msk [tilespmem:v43+s15+$0x0], $0xffff  }
0x11b: {  	v50 =	vld.idx.msk [tilespmem:v41+s31+$0x0], $0xffff;
	[tilespmem:v42+s28+$0x0] =	vst.idx.msk $0xffff, v3;
	v3 =	vadd.f32 v54, v34  }
0x11c: {  	s4 =	simm.s32 $0x13040;
	v52 =	vld.idx.msk [tilespmem:v38+s31+$0x0], $0xffff;
	[tilespmem:v42+s0+$0x0] =	vst.idx.msk $0xffff, v5  }
0x11d: {  	s0 =	simm.s32 $0x11870;
	v5 =	vld.idx.msk [tilespmem:v39+s31+$0x0], $0xffff;
	[tilespmem:v42+s4+$0x0] =	vst.idx.msk $0xffff, v3;
	v3 =	vadd.f32 v4, v30  }
0x11e: {  	s8 =	simm.s32 $0x11850;
	v48 =	vadd.f32 v48, v31;
	v4 =	vld.idx.msk [tilespmem:v40+s31+$0x0], $0xffff;
	[tilespmem:v29+s0+$0x0] =	vst.idx.msk $0xffff, v51  }
0x11f: {  	s7 =	simm.s32 $0x12050;
	v46 =	vld [tilespmem:s22+$0x6410];
	[tilespmem:v32+s8+$0x0] =	vst.idx.msk $0xffff, v3;
	v3 =	vadd.f32 v49, v33  }
0x120: {  	s24 =	sadd.s32 $0x20, s24;
	s10 =	simm.s32 $0x12850;
	v6 =	vadd.f32 v6, v34;
	v49 =	vld.idx.msk [tilespmem:v37+s15+$0x0], $0xffff;
	[tilespmem:v32+s7+$0x0] =	vst.idx.msk $0xffff, v48  }
0x121: {  	s30 =	sadd.s32 $0x8, s30;
	s5 =	simm.s32 $0x13060;
	v50 =	vadd.f32 v50, v30;
	v48 =	vld [tilespmem:s24+$0x0];
	[tilespmem:v32+s10+$0x0] =	vst.idx.msk $0xffff, v3  }
0x122: {  	p0 =	slt.u32 s30, $0x38;
	v51 =	vadd.f32 v52, v31;
	v3 =	vld [tilespmem:s24+$0xFFFFFFF0];
	[tilespmem:v32+s5+$0x0] =	vst.idx.msk $0xffff, v6  }
0x123: {  	v5 =	vadd.f32 v5, v33;
	[tilespmem:v42+s8+$0x0] =	vst.idx.msk $0xffff, v50;
	v6 =	vld.idx.msk [tilespmem:v43+s18+$0x0], $0xffff  }
0x124: {  	v4 =	vadd.f32 v4, v34;
	v50 =	vld.idx.msk [tilespmem:v41+s15+$0x0], $0xffff;
	[tilespmem:v42+s7+$0x0] =	vst.idx.msk $0xffff, v51  }
0x125: {  	v51 =	vld.idx.msk [tilespmem:v38+s15+$0x0], $0xffff;
	[tilespmem:v42+s10+$0x0] =	vst.idx.msk $0xffff, v5  }
0x126: {  	v5 =	vshll.u32 v48, $0x6;
	v53 =	vld.idx.msk [tilespmem:v39+s15+$0x0], $0xffff;
	[tilespmem:v42+s3+$0x0] =	vst.idx.msk $0xffff, v4;
	v4 =	vadd.f32 v49, v30  }
0x127: {  	v3 =	vshll.u32 v3, $0x6;
	v54 =	vor.u32 v0, v5;
	v43 =	vor.u32 v28, v5;
	v55 =	vld.idx.msk [tilespmem:v40+s15+$0x0], $0xffff  }
0x128: {  	v56 =	vor.u32 v0, v3;
	v57 =	vor.u32 v26, v3;
	v58 =	vor.u32 v27, v3;
	v59 =	vld.idx.msk [tilespmem:v35+s15+$0x0], $0xffff  }
0x129: {  	s3 =	simm.s32 $0x11860;
	v52 =	vor.u32 v26, v5;
	v3 =	vor.u32 v28, v3;
	v6 =	vadd.f32 v6, v34;
	v60 =	vld.idx.msk [tilespmem:v36+s15+$0x0], $0xffff  }
0x12a: {  	s26 =	sadd.s32 $0x20, s26;
	s8 =	simm.s32 $0x13070;
	v49 =	vor.u32 v27, v5;
	v5 =	vadd.f32 v50, v30;
	v48 =	vld [tilespmem:s22+$0x6420];
	[tilespmem:v32+s3+$0x0] =	vst.idx.msk $0xffff, v4  }
0x12b: {  	v50 =	vadd.f32 v51, v31;
	v4 =	vld [tilespmem:s26+$0x0];
	[tilespmem:v32+s8+$0x0] =	vst.idx.msk $0xffff, v6  }
0x12c: {  	s7 =	simm.s32 $0x12060;
	v6 =	vld.idx.msk [tilespmem:v43+s1+$0x0], $0xffff;
	[tilespmem:v42+s3+$0x0] =	vst.idx.msk $0xffff, v5;
	v5 =	vadd.f32 v53, v33  }
0x12d: {  	s3 =	simm.s32 $0x12860;
	v51 =	vld [tilespmem:s22+$0x6430];
	[tilespmem:v42+s7+$0x0] =	vst.idx.msk $0xffff, v50;
	v50 =	vadd.f32 v55, v34  }
0x12e: {  	v53 =	vld.idx.msk [tilespmem:v56+s1+$0x0], $0xffff;
	[tilespmem:v42+s3+$0x0] =	vst.idx.msk $0xffff, v5;
	v5 =	vadd.f32 v59, v31  }
0x12f: {  	v55 =	vld.idx.msk [tilespmem:v57+s1+$0x0], $0xffff;
	[tilespmem:v42+s5+$0x0] =	vst.idx.msk $0xffff, v50;
	v50 =	vadd.f32 v60, v33  }
0x130: {  	v59 =	vld.idx.msk [tilespmem:v58+s1+$0x0], $0xffff;
	[tilespmem:v32+s7+$0x0] =	vst.idx.msk $0xffff, v5  }
0x131: {  	s25 =	simm.s32 $0x12070;
	v5 =	vld.idx.msk [tilespmem:v3+s1+$0x0], $0xffff;
	[tilespmem:v32+s3+$0x0] =	vst.idx.msk $0xffff, v50  }
0x132: {  	s16 =	simm.s32 $0x12870;
	v60 =	vld.idx.msk [tilespmem:v54+s1+$0x0], $0xffff;
	v6 =	vadd.f32 v6, v51;
	[tilespmem:v29+s25+$0x0] =	vst.idx.msk $0xffff, v44  }
0x133: {  	s7 =	simm.s32 $0x13000;
	v44 =	vld.idx.msk [tilespmem:v52+s1+$0x0], $0xffff;
	[tilespmem:v29+s16+$0x0] =	vst.idx.msk $0xffff, v45;
	v29 =	vmov v32;
	v32 =	vmov v4  }
0x134: {  	v45 =	vadd.f32 v53, v47;
	v53 =	vld.idx.msk [tilespmem:v49+s1+$0x0], $0xffff;
	[tilespmem:v4+s7+$0x0] =	vst.idx.msk $0xffff, v6  }
0x135: {  	v4 =	vadd.f32 v55, v46;
	v6 =	vld.idx.msk [tilespmem:v43+s6+$0x0], $0xffff  }
0x136: {  	v55 =	vadd.f32 v59, v48;
	v50 =	vld [tilespmem:s26+$0xFFFFFFF0]  }
0x137: {  	v5 =	vadd.f32 v5, v51;
	v59 =	vld.idx.msk [tilespmem:v41+s18+$0x0], $0xffff;
	v41 =	vmov v56  }
0x138: {  	v56 =	vadd.f32 v60, v47;
	v60 =	vld.idx.msk [tilespmem:v38+s18+$0x0], $0xffff;
	v38 =	vmov v57  }
0x139: {  	s23 =	simm.s32 $0x11800;
	v44 =	vadd.f32 v44, v46;
	v57 =	vld.idx.msk [tilespmem:v39+s18+$0x0], $0xffff;
	v39 =	vmov v58  }
0x13a: {  	s10 =	simm.s32 $0x12000;
	v53 =	vadd.f32 v53, v48;
	[tilespmem:v32+s23+$0x0] =	vst.idx.msk $0xffff, v56;
	v56 =	vld.idx.msk [tilespmem:v40+s18+$0x0], $0xffff;
	v40 =	vmov v3  }
0x13b: {  	s14 =	simm.s32 $0x12800;
	v6 =	vadd.f32 v6, v51;
	v3 =	vld.idx.msk [tilespmem:v54+s6+$0x0], $0xffff;
	[tilespmem:v32+s10+$0x0] =	vst.idx.msk $0xffff, v44  }
0x13c: {  	s3 =	simm.s32 $0x13010;
	v44 =	vld.idx.msk [tilespmem:v52+s6+$0x0], $0xffff;
	[tilespmem:v32+s14+$0x0] =	vst.idx.msk $0xffff, v53  }
0x13d: {  	v53 =	vld.idx.msk [tilespmem:v49+s6+$0x0], $0xffff;
	[tilespmem:v32+s3+$0x0] =	vst.idx.msk $0xffff, v6;
	v6 =	vadd.f32 v59, v30  }
0x13e: {  	s5 =	simm.s32 $0x11800;
	v58 =	vadd.f32 v60, v31;
	[tilespmem:v50+s23+$0x0] =	vst.idx.msk $0xffff, v45;
	v45 =	vld.idx.msk [tilespmem:v43+s21+$0x0], $0xffff  }
0x13f: {  	s11 =	simm.s32 $0x12000;
	v59 =	vld.idx.msk [tilespmem:v41+s6+$0x0], $0xffff;
	[tilespmem:v50+s10+$0x0] =	vst.idx.msk $0xffff, v4;
	v4 =	vadd.f32 v57, v33  }
0x140: {  	s10 =	simm.s32 $0x12800;
	v60 =	vadd.f32 v56, v34;
	v34 =	vmov v51;
	v57 =	vld.idx.msk [tilespmem:v38+s6+$0x0], $0xffff;
	[tilespmem:v50+s14+$0x0] =	vst.idx.msk $0xffff, v55  }
0x141: {  	s29 =	simm.s32 $0x13000;
	v3 =	vadd.f32 v3, v47;
	v51 =	vld.idx.msk [tilespmem:v39+s6+$0x0], $0xffff;
	[tilespmem:v50+s7+$0x0] =	vst.idx.msk $0xffff, v5  }
0x142: {  	s23 =	simm.s32 $0x11810;
	v44 =	vadd.f32 v44, v46;
	v5 =	vld.idx.msk [tilespmem:v40+s6+$0x0], $0xffff;
	[tilespmem:v42+s0+$0x0] =	vst.idx.msk $0xffff, v6  }
0x143: {  	[tilespmem:v32+s23+$0x0] =	vst.idx.msk $0xffff, v3;
	v3 =	vadd.f32 v53, v48;
	v6 =	vld.idx.msk [tilespmem:v37+s18+$0x0], $0xffff;
	v37 =	vmov v54  }
0x144: {  	v53 =	vld.idx.msk [tilespmem:v54+s21+$0x0], $0xffff;
	[tilespmem:v32+s13+$0x0] =	vst.idx.msk $0xffff, v44;
	v44 =	vadd.f32 v45, v34  }
0x145: {  	s14 =	simm.s32 $0x13020;
	v45 =	vadd.f32 v59, v47;
	v54 =	vld.idx.msk [tilespmem:v52+s21+$0x0], $0xffff;
	[tilespmem:v32+s2+$0x0] =	vst.idx.msk $0xffff, v3  }
0x146: {  	v3 =	vadd.f32 v57, v46;
	v55 =	vld.idx.msk [tilespmem:v49+s21+$0x0], $0xffff;
	[tilespmem:v32+s14+$0x0] =	vst.idx.msk $0xffff, v44  }
0x147: {  	v44 =	vadd.f32 v51, v48;
	[tilespmem:v50+s23+$0x0] =	vst.idx.msk $0xffff, v45;
	v45 =	vld.idx.msk [tilespmem:v43+s9+$0x0], $0xffff  }
0x148: {  	v56 =	vld.idx.msk [tilespmem:v41+s21+$0x0], $0xffff;
	[tilespmem:v50+s13+$0x0] =	vst.idx.msk $0xffff, v3;
	v3 =	vadd.f32 v5, v34  }
0x149: {  	v51 =	vadd.f32 v6, v30;
	v30 =	vmov v47;
	v5 =	vld.idx.msk [tilespmem:v38+s21+$0x0], $0xffff;
	[tilespmem:v50+s2+$0x0] =	vst.idx.msk $0xffff, v44  }
0x14a: {  	v6 =	vld.idx.msk [tilespmem:v39+s21+$0x0], $0xffff;
	[tilespmem:v50+s3+$0x0] =	vst.idx.msk $0xffff, v3;
	v3 =	vadd.f32 v53, v30  }
0x14b: {  	s23 =	simm.s32 $0x11820;
	v47 =	vadd.f32 v54, v46;
	v44 =	vld.idx.msk [tilespmem:v40+s21+$0x0], $0xffff;
	[tilespmem:v42+s25+$0x0] =	vst.idx.msk $0xffff, v58  }
0x14c: {  	s3 =	simm.s32 $0x12020;
	[tilespmem:v32+s23+$0x0] =	vst.idx.msk $0xffff, v3;
	v3 =	vadd.f32 v55, v48;
	v53 =	vld.idx.msk [tilespmem:v35+s18+$0x0], $0xffff;
	v35 =	vmov v52  }
0x14d: {  	v45 =	vadd.f32 v45, v34;
	v54 =	vld.idx.msk [tilespmem:v37+s9+$0x0], $0xffff;
	[tilespmem:v32+s3+$0x0] =	vst.idx.msk $0xffff, v47  }
0x14e: {  	s7 =	simm.s32 $0x13030;
	v47 =	vadd.f32 v56, v30;
	v52 =	vld.idx.msk [tilespmem:v52+s9+$0x0], $0xffff;
	[tilespmem:v32+s20+$0x0] =	vst.idx.msk $0xffff, v3  }
0x14f: {  	v3 =	vadd.f32 v5, v46;
	v5 =	vld.idx.msk [tilespmem:v49+s9+$0x0], $0xffff;
	[tilespmem:v32+s7+$0x0] =	vst.idx.msk $0xffff, v45  }
0x150: {  	v6 =	vadd.f32 v6, v48;
	[tilespmem:v50+s23+$0x0] =	vst.idx.msk $0xffff, v47;
	v45 =	vld.idx.msk [tilespmem:v43+s12+$0x0], $0xffff  }
0x151: {  	v47 =	vld.idx.msk [tilespmem:v41+s9+$0x0], $0xffff;
	[tilespmem:v50+s3+$0x0] =	vst.idx.msk $0xffff, v3;
	v3 =	vadd.f32 v44, v34  }
0x152: {  	v44 =	vadd.f32 v53, v31;
	v31 =	vmov v46;
	v55 =	vld.idx.msk [tilespmem:v38+s9+$0x0], $0xffff;
	[tilespmem:v50+s20+$0x0] =	vst.idx.msk $0xffff, v6  }
0x153: {  	v6 =	vld.idx.msk [tilespmem:v39+s9+$0x0], $0xffff;
	[tilespmem:v50+s14+$0x0] =	vst.idx.msk $0xffff, v3;
	v3 =	vadd.f32 v54, v30  }
0x154: {  	s23 =	simm.s32 $0x11830;
	v52 =	vadd.f32 v52, v31;
	v46 =	vld.idx.msk [tilespmem:v40+s9+$0x0], $0xffff;
	[tilespmem:v42+s16+$0x0] =	vst.idx.msk $0xffff, v4  }
0x155: {  	[tilespmem:v32+s23+$0x0] =	vst.idx.msk $0xffff, v3;
	v3 =	vadd.f32 v5, v48;
	v4 =	vld.idx.msk [tilespmem:v36+s18+$0x0], $0xffff;
	v36 =	vmov v49  }
0x156: {  	v45 =	vadd.f32 v45, v34;
	v5 =	vld.idx.msk [tilespmem:v37+s12+$0x0], $0xffff;
	[tilespmem:v32+s19+$0x0] =	vst.idx.msk $0xffff, v52  }
0x157: {  	v47 =	vadd.f32 v47, v30;
	v56 =	vld.idx.msk [tilespmem:v35+s12+$0x0], $0xffff;
	[tilespmem:v32+s17+$0x0] =	vst.idx.msk $0xffff, v3  }
0x158: {  	s3 =	simm.s32 $0x13040;
	v3 =	vadd.f32 v55, v31;
	v49 =	vld.idx.msk [tilespmem:v49+s12+$0x0], $0xffff;
	[tilespmem:v32+s4+$0x0] =	vst.idx.msk $0xffff, v45  }
.Ltmp1:
0x159: {  	v6 =	vadd.f32 v6, v48;
	[tilespmem:v50+s23+$0x0] =	vst.idx.msk $0xffff, v47;
	v53 =	vld.idx.msk [tilespmem:v43+s31+$0x0], $0xffff;
	(pc) =	sbr.rel @p0 .LBB2_5-.Ltmp1, $4  }
0x15a: {  	v52 =	vld.idx.msk [tilespmem:v41+s12+$0x0], $0xffff;
	[tilespmem:v50+s19+$0x0] =	vst.idx.msk $0xffff, v3;
	v3 =	vadd.f32 v46, v34  }
0x15b: {  	v45 =	vadd.f32 v4, v33;
	v33 =	vmov v48;
	v46 =	vld.idx.msk [tilespmem:v38+s12+$0x0], $0xffff;
	[tilespmem:v50+s17+$0x0] =	vst.idx.msk $0xffff, v6  }
0x15c: {  	v57 =	vadd.f32 v5, v30;
	v55 =	vld.idx.msk [tilespmem:v39+s12+$0x0], $0xffff;
	[tilespmem:v50+s7+$0x0] =	vst.idx.msk $0xffff, v3  }
0x15d: {  	v56 =	vadd.f32 v56, v31;
	v54 =	vld.idx.msk [tilespmem:v40+s12+$0x0], $0xffff;
	[tilespmem:v42+s8+$0x0] =	vst.idx.msk $0xffff, v60;
	v42 =	vmov v50  }
0x15e: {  	_ =	sdelay $0x2  }
0x15f: {  	s4 =	simm.s32 $0x11840  }
0x160: {  	v3 =	vadd.f32 v53, v34;
	[tilespmem:v32+s4+$0x0] =	vst.idx.msk $0xffff, v57  }
0x161: {  	s2 =	simm.s32 $0x13050;
	[tilespmem:v32+s28+$0x0] =	vst.idx.msk $0xffff, v56;
	v4 =	vadd.f32 v52, v30  }
0x162: {  	v5 =	vld.idx.msk [tilespmem:v37+s31+$0x0], $0xffff;
	v6 =	vadd.f32 v46, v31;
	[tilespmem:v32+s2+$0x0] =	vst.idx.msk $0xffff, v3  }
0x163: {  	[tilespmem:v42+s4+$0x0] =	vst.idx.msk $0xffff, v4;
	v3 =	vadd.f32 v55, v33;
	v4 =	vld.idx.msk [tilespmem:v43+s15+$0x0], $0xffff  }
0x164: {  	s0 =	simm.s32 $0x12840;
	v52 =	vld.idx.msk [tilespmem:v41+s31+$0x0], $0xffff;
	[tilespmem:v42+s28+$0x0] =	vst.idx.msk $0xffff, v6;
	v6 =	vadd.f32 v54, v34  }
0x165: {  	v48 =	vld.idx.msk [tilespmem:v38+s31+$0x0], $0xffff;
	[tilespmem:v42+s0+$0x0] =	vst.idx.msk $0xffff, v3  }
0x166: {  	v47 =	vadd.f32 v49, v33;
	s26 =	simm.s32 $0x11870;
	v3 =	vld.idx.msk [tilespmem:v39+s31+$0x0], $0xffff;
	[tilespmem:v42+s3+$0x0] =	vst.idx.msk $0xffff, v6  }
0x167: {  	[tilespmem:v29+s26+$0x0] =	vst.idx.msk $0xffff, v51;
	v5 =	vadd.f32 v5, v30;
	v6 =	vld.idx.msk [tilespmem:v40+s31+$0x0], $0xffff  }
0x168: {  	[tilespmem:v32+s0+$0x0] =	vst.idx.msk $0xffff, v47;
	v53 =	vld.idx.msk [tilespmem:v35+s31+$0x0], $0xffff;
	s28 =	simm.s32 $0x11850;
	v4 =	vadd.f32 v4, v34  }
0x169: {  	s30 =	simm.s32 $0x13060;
	v54 =	vld.idx.msk [tilespmem:v36+s31+$0x0], $0xffff;
	[tilespmem:v32+s28+$0x0] =	vst.idx.msk $0xffff, v5;
	v5 =	vadd.f32 v52, v30  }
0x16a: {  	v55 =	vld.idx.msk [tilespmem:v37+s15+$0x0], $0xffff;
	v48 =	vadd.f32 v48, v31;
	[tilespmem:v32+s30+$0x0] =	vst.idx.msk $0xffff, v4  }
0x16b: {  	s31 =	simm.s32 $0x12050;
	[tilespmem:v42+s28+$0x0] =	vst.idx.msk $0xffff, v5;
	v3 =	vadd.f32 v3, v33;
	v4 =	vld.idx.msk [tilespmem:v43+s18+$0x0], $0xffff  }
0x16c: {  	s6 =	simm.s32 $0x12850;
	v5 =	vld.idx.msk [tilespmem:v41+s15+$0x0], $0xffff;
	[tilespmem:v42+s31+$0x0] =	vst.idx.msk $0xffff, v48;
	v6 =	vadd.f32 v6, v34  }
0x16d: {  	v56 =	vadd.f32 v53, v31;
	v57 =	vld.idx.msk [tilespmem:v38+s15+$0x0], $0xffff;
	[tilespmem:v42+s6+$0x0] =	vst.idx.msk $0xffff, v3  }
0x16e: {  	v3 =	vadd.f32 v54, v33;
	v58 =	vld.idx.msk [tilespmem:v39+s15+$0x0], $0xffff;
	[tilespmem:v42+s2+$0x0] =	vst.idx.msk $0xffff, v6  }
0x16f: {  	[tilespmem:v32+s31+$0x0] =	vst.idx.msk $0xffff, v56;
	v6 =	vadd.f32 v55, v30;
	v59 =	vld.idx.msk [tilespmem:v40+s15+$0x0], $0xffff  }
0x170: {  	s7 =	simm.s32 $0x11860;
	[tilespmem:v32+s6+$0x0] =	vst.idx.msk $0xffff, v3;
	v3 =	vld.idx.msk [tilespmem:v35+s15+$0x0], $0xffff;
	v4 =	vadd.f32 v4, v34  }
0x171: {  	s8 =	simm.s32 $0x13070;
	v60 =	vld.idx.msk [tilespmem:v36+s15+$0x0], $0xffff;
	v5 =	vadd.f32 v5, v30;
	[tilespmem:v32+s7+$0x0] =	vst.idx.msk $0xffff, v6  }
0x172: {  	v6 =	vadd.f32 v57, v31;
	[tilespmem:v32+s8+$0x0] =	vst.idx.msk $0xffff, v4  }
0x173: {  	s9 =	simm.s32 $0x12060;
	[tilespmem:v42+s7+$0x0] =	vst.idx.msk $0xffff, v5;
	v4 =	vadd.f32 v58, v33  }
0x174: {  	s12 =	simm.s32 $0x12860;
	[tilespmem:v42+s9+$0x0] =	vst.idx.msk $0xffff, v6;
	v5 =	vadd.f32 v59, v34;
	v6 =	vld.idx.msk [tilespmem:v41+s18+$0x0], $0xffff  }
0x175: {  	v3 =	vadd.f32 v3, v31;
	[tilespmem:v42+s12+$0x0] =	vst.idx.msk $0xffff, v4;
	v4 =	vld.idx.msk [tilespmem:v38+s18+$0x0], $0xffff  }
0x176: {  	[tilespmem:v42+s30+$0x0] =	vst.idx.msk $0xffff, v5;
	v5 =	vadd.f32 v60, v33;
	v61 =	vld.idx.msk [tilespmem:v39+s18+$0x0], $0xffff  }
0x177: {  	[tilespmem:v32+s9+$0x0] =	vst.idx.msk $0xffff, v3;
	v3 =	vld.idx.msk [tilespmem:v40+s18+$0x0], $0xffff  }
0x178: {  	s13 =	simm.s32 $0x12070;
	[tilespmem:v32+s12+$0x0] =	vst.idx.msk $0xffff, v5;
	v5 =	vld.idx.msk [tilespmem:v37+s18+$0x0], $0xffff  }
0x179: {  	s14 =	simm.s32 $0x12870;
	[tilespmem:v29+s13+$0x0] =	vst.idx.msk $0xffff, v44;
	v6 =	vadd.f32 v6, v30  }
0x17a: {  	[tilespmem:v29+s14+$0x0] =	vst.idx.msk $0xffff, v45;
	v62 =	vld.idx.msk [tilespmem:v35+s18+$0x0], $0xffff;
	v4 =	vadd.f32 v4, v31  }
0x17b: {  	v29 =	vld.idx.msk [tilespmem:v36+s18+$0x0], $0xffff;
	v63 =	vadd.f32 v61, v33;
	[tilespmem:v42+s26+$0x0] =	vst.idx.msk $0xffff, v6  }
0x17c: {  	v3 =	vadd.f32 v3, v34;
	[tilespmem:v42+s13+$0x0] =	vst.idx.msk $0xffff, v4  }
0x17d: {  	v4 =	vadd.f32 v5, v30;
	[tilespmem:v42+s14+$0x0] =	vst.idx.msk $0xffff, v63  }
0x17e: {  	[tilespmem:v42+s8+$0x0] =	vst.idx.msk $0xffff, v3  }
0x17f: {  	v5 =	vadd.f32 v62, v31;
	s2 =	rddreg [dreg:$0x10];
	[tilespmem:v32+s26+$0x0] =	vst.idx.msk $0xffff, v4  }
0x180: {  	v3 =	vadd.f32 v29, v33;
	s22 =	sshll.u32 s2, $0x14;
	s24 =	rddreg [dreg:$0x6]  }
0x181: {  	[tilespmem:v32+s13+$0x0] =	vst.idx.msk $0xffff, v5;
	s22 =	sor.u32 s24, s22  }
0x182: {  	s15 =	rddreg [dreg:$0x1];
	[tilespmem:v32+s14+$0x0] =	vst.idx.msk $0xffff, v3;
	s22 =	sshrl.u32 s22, $0x3  }
0x183: {  	s26 =	simm.s32 $0x0;
	s16 =	rddreg [dreg:$0x7];
	s24 =	sadd.s32 s15, s22  }
0x184: {  	[hbm4b:s24+s26] =	stream.linear.scatter [tilespmem:s5], [sflag:$0x5], $0x400, $0x38;
	[tilespmem:$0x19A00] =	vst v63  }
0x185: {  	s17 =	simm.s32 $0x11C00;
	s18 =	rddreg [dreg:$0x8];
	s24 =	sadd.s32 s22, s16  }
0x186: {  	[hbm4b:s24+s26] =	stream.linear.scatter [tilespmem:s17], [sflag:$0x5], $0x400, $0x38;
	[tilespmem:$0x19A00] =	vst v63  }
0x187: {  	s19 =	rddreg [dreg:$0x9];
	s24 =	sadd.s32 s22, s18  }
0x188: {  	[hbm4b:s24+s26] =	stream.linear.scatter [tilespmem:s11], [sflag:$0x5], $0x400, $0x38;
	[tilespmem:$0x19A00] =	vst v63  }
0x189: {  	s20 =	simm.s32 $0x12400;
	s21 =	rddreg [dreg:$0xa];
	s24 =	sadd.s32 s22, s19  }
0x18a: {  	[hbm4b:s24+s26] =	stream.linear.scatter [tilespmem:s20], [sflag:$0x5], $0x400, $0x38;
	[tilespmem:$0x19A00] =	vst v63  }
0x18b: {  	s23 =	rddreg [dreg:$0xb];
	s24 =	sadd.s32 s22, s21  }
0x18c: {  	[hbm4b:s24+s26] =	stream.linear.scatter [tilespmem:s10], [sflag:$0x5], $0x400, $0x38;
	[tilespmem:$0x19A00] =	vst v63  }
0x18d: {  	s25 =	simm.s32 $0x12C00;
	s28 =	rddreg [dreg:$0xc];
	s24 =	sadd.s32 s22, s23  }
0x18e: {  	[hbm4b:s24+s26] =	stream.linear.scatter [tilespmem:s25], [sflag:$0x5], $0x400, $0x38;
	[tilespmem:$0x19A00] =	vst v63  }
0x18f: {  	s24 =	sadd.s32 s22, s28  }
0x190: {  	[hbm4b:s24+s26] =	stream.linear.scatter [tilespmem:s29], [sflag:$0x5], $0x400, $0x38;
	[tilespmem:$0x19A00] =	vst v63  }
0x191: {  	s29 =	rddreg [dreg:$0xd]  }
0x192: {  	s31 =	simm.s32 $0x5;
	s30 =	simm.s32 $0x13400;
	s22 =	sadd.s32 s22, s29  }
0x193: {  	[hbm4b:s22+s26] =	stream.linear.scatter [tilespmem:s30], [sflag:$0x5], $0x400, $0x38;
	[tilespmem:$0x19A00] =	vst v63  }
0x194: {  	_ =	swait.ge [sflag:s31], $0x400  }
0x195: {  	[sflag:s31] =	ssyncset.done $0x0  }
0x196: {  	[sflag:s31] =	ssyncadd.s32 $0xFFFFFC00  }
0x197: {  	_ =	swait.ge [sflag:s31], $0x400  }
0x198: {  	[sflag:s31] =	ssyncset.done $0x0  }
0x199: {  	[sflag:s31] =	ssyncadd.s32 $0xFFFFFC00  }
0x19a: {  	_ =	swait.ge [sflag:s31], $0x400  }
0x19b: {  	[sflag:s31] =	ssyncset.done $0x0  }
0x19c: {  	[sflag:s31] =	ssyncadd.s32 $0xFFFFFC00  }
0x19d: {  	_ =	swait.ge [sflag:s31], $0x400  }
0x19e: {  	[sflag:s31] =	ssyncset.done $0x0  }
0x19f: {  	[sflag:s31] =	ssyncadd.s32 $0xFFFFFC00  }
0x1a0: {  	_ =	swait.ge [sflag:s31], $0x400  }
0x1a1: {  	[sflag:s31] =	ssyncset.done $0x0  }
0x1a2: {  	[sflag:s31] =	ssyncadd.s32 $0xFFFFFC00  }
0x1a3: {  	_ =	swait.ge [sflag:s31], $0x400  }
0x1a4: {  	[sflag:s31] =	ssyncset.done $0x0  }
0x1a5: {  	[sflag:s31] =	ssyncadd.s32 $0xFFFFFC00  }
0x1a6: {  	p0 =	seq.s32 s2, $0x31;
	_ =	swait.ge [sflag:s31], $0x400  }
.Ltmp2:
0x1a7: {  	[sflag:s31] =	ssyncset.done $0x0;
	(pc) =	sbr.rel @p0 .LBB2_8-.Ltmp2, $4  }
0x1a8: {  	[sflag:s31] =	ssyncadd.s32 $0xFFFFFC00  }
0x1a9: {  	_ =	swait.ge [sflag:s31], $0x400  }
0x1aa: {  	[sflag:s31] =	ssyncset.done $0x0  }
0x1ab: {  	s1 =	simm.s32 $0x9800;
	[sflag:s31] =	ssyncadd.s32 $0xFFFFFC00  }
0x1ac: {  	s0 =	rddreg [dreg:$0x12]  }
0x1ad: {  	s22 =	sadd.s32 $0x4, s0  }
0x1ae: {  	v3 =	vmov s22;
	v4 =	vadd.s32 s22, v1  }
0x1af: {  	v4 =	vand.u32 $0x1FF8, v4;
	v3 =	vand.u32 $0x4, v3  }
0x1b0: {  	v3 =	vor.u32 v3, v4;
	_ =	sdelay $0x2  }
0x1b1: {  	s20 =	sadd.s32 $0xC84, s0  }
0x1b2: {  	v5 =	vadd.s32 s20, v1;
	v4 =	vmov s20  }
0x1b3: {  	v5 =	vand.u32 $0x1FF8, v5;
	v4 =	vand.u32 $0x4, v4;
	v3 =	vld.idx.msk [tilespmem:v3+s26+$0x0], $0xffff  }
0x1b4: {  	v4 =	vor.u32 v4, v5;
	_ =	sdelay $0x2  }
0x1b5: {  	s21 =	sadd.s32 $0x1904, s0  }
0x1b6: {  	v5 =	vadd.s32 s21, v1;
	[tilespmem:$0x9600] =	vst v3;
	v3 =	vmov s21  }
0x1b7: {  	v5 =	vand.u32 $0x3FF8, v5;
	v4 =	vld.idx.msk [tilespmem:v4+s26+$0x0], $0xffff;
	v3 =	vand.u32 $0x4, v3  }
0x1b8: {  	v3 =	vor.u32 v3, v5;
	_ =	sdelay $0x2  }
0x1b9: {  	s23 =	sadd.s32 $0x2584, s0  }
0x1ba: {  	v5 =	vadd.s32 s23, v1;
	[tilespmem:$0x9610] =	vst v4;
	v4 =	vmov s23  }
0x1bb: {  	v5 =	vand.u32 $0x3FF8, v5;
	v3 =	vld.idx.msk [tilespmem:v3+s26+$0x0], $0xffff;
	v4 =	vand.u32 $0x4, v4  }
0x1bc: {  	v4 =	vor.u32 v4, v5;
	_ =	sdelay $0x2  }
0x1bd: {  	s24 =	sadd.s32 $0x3204, s0  }
0x1be: {  	v5 =	vadd.s32 s24, v1;
	[tilespmem:$0x9620] =	vst v3;
	v3 =	vmov s24  }
0x1bf: {  	v5 =	vand.u32 $0x7FF8, v5;
	v4 =	vld.idx.msk [tilespmem:v4+s26+$0x0], $0xffff;
	v3 =	vand.u32 $0x4, v3  }
0x1c0: {  	v3 =	vor.u32 v3, v5;
	_ =	sdelay $0x2  }
0x1c1: {  	s25 =	sadd.s32 $0x3E84, s0  }
0x1c2: {  	v5 =	vadd.s32 s25, v1;
	[tilespmem:$0x9630] =	vst v4;
	v4 =	vmov s25  }
0x1c3: {  	v5 =	vand.u32 $0x7FF8, v5;
	v3 =	vld.idx.msk [tilespmem:v3+s26+$0x0], $0xffff;
	v4 =	vand.u32 $0x4, v4  }
0x1c4: {  	v4 =	vor.u32 v4, v5;
	_ =	sdelay $0x2  }
0x1c5: {  	s28 =	sadd.s32 $0x4B04, s0  }
0x1c6: {  	v5 =	vadd.s32 s28, v1;
	[tilespmem:$0x9640] =	vst v3;
	v3 =	vmov s28  }
0x1c7: {  	v5 =	vand.u32 $0x5FF8, v5;
	v4 =	vld.idx.msk [tilespmem:v4+s26+$0x0], $0xffff;
	v3 =	vand.u32 $0x4, v3  }
0x1c8: {  	v3 =	vor.u32 v3, v5;
	_ =	sdelay $0x2  }
0x1c9: {  	s29 =	sadd.s32 $0x5784, s0  }
0x1ca: {  	v5 =	vadd.s32 s29, v1;
	[tilespmem:$0x9650] =	vst v4;
	v4 =	vmov s29  }
0x1cb: {  	v5 =	vand.u32 $0x7FF8, v5;
	v3 =	vld.idx.msk [tilespmem:v3+s26+$0x0], $0xffff;
	v4 =	vand.u32 $0x4, v4  }
0x1cc: {  	v4 =	vor.u32 v4, v5;
	_ =	sdelay $0x3  }
0x1cd: {  	[tilespmem:$0x9660] =	vst v3  }
0x1ce: {  	v3 =	vld.idx.msk [tilespmem:v4+s26+$0x0], $0xffff;
	_ =	sdelay $0x4  }
0x1cf: {  	s30 =	rddreg [dreg:$0x3];
	s31 =	simm.s32 $0x9600;
	s24 =	simm.s32 $0x80;
	[tilespmem:$0x9670] =	vst v3  }
0x1d0: {  	[tilespmem:s1], [sflag:$0x1] =	stream.indirect.gather [hbm4b:s30+s24], $0x40, s31, s24, $0xb8;
	[tilespmem:$0x19A00] =	vst v63  }
.LBB2_8:
0x1d1: {  	s1 =	simm.s32 $0x2  }
0x1d2: {  	_ =	swait.ge [sflag:s1], $0x2000  }
0x1d3: {  	[sflag:s1] =	ssyncset.done $0x0  }
0x1d4: {  	s22 =	simm.s32 $0x19810;
	[sflag:s1] =	ssyncadd.s32 $0xFFFFE000  }
0x1d5: {  	v3 =	vld [tilespmem:s22+$0x0];
	_ =	sdelay $0x4  }
0x1d6: {  	v3 =	vshll.u32 v3, $0x6  }
0x1d7: {  	s0 =	rddreg [dreg:$0x12];
	v32 =	vor.u32 v28, v3  }
0x1d8: {  	s0 =	sor.u32 $0x1, s0  }
0x1d9: {  	s24 =	simm.s32 $0x19910;
	v4 =	vld [tilespmem:s22+$0xFFFFFFF0];
	[dreg:$0x13] =	wrdreg s0;
	s18 =	sshll.u32 s0, $0x6  }
0x1da: {  	v29 =	vld [tilespmem:s24+$0x0];
	s22 =	sand.u32 $0x3FFFFFC0, s18  }
0x1db: {  	s1 =	simm.s32 $0xB800;
	v45 =	vld [tilespmem:s22+$0x6430]  }
0x1dc: {  	v51 =	vor.u32 v0, v3;
	v5 =	vld.idx.msk [tilespmem:v32+s1+$0x0], $0xffff  }
0x1dd: {  	v48 =	vld [tilespmem:s24+$0xFFFFFFF0];
	v50 =	vor.u32 v26, v3  }
0x1de: {  	v46 =	vld [tilespmem:s22+$0x6400];
	v49 =	vor.u32 v27, v3  }
0x1df: {  	v44 =	vld [tilespmem:s22+$0x6410];
	v3 =	vshll.u32 v4, $0x6  }
0x1e0: {  	v47 =	vld [tilespmem:s22+$0x6420];
	v54 =	vor.u32 v0, v3  }
0x1e1: {  	v55 =	vor.u32 v26, v3;
	v4 =	vld.idx.msk [tilespmem:v51+s1+$0x0], $0xffff;
	v5 =	vadd.f32 v5, v45  }
0x1e2: {  	s18 =	simm.s32 $0x15000;
	v52 =	vor.u32 v27, v3;
	v6 =	vld.idx.msk [tilespmem:v50+s1+$0x0], $0xffff  }
0x1e3: {  	s21 =	simm.s32 $0xBC00;
	v53 =	vor.u32 v28, v3;
	v30 =	vld.idx.msk [tilespmem:v49+s1+$0x0], $0xffff;
	[tilespmem:v29+s18+$0x0] =	vst.idx.msk $0xffff, v5  }
0x1e4: {  	v3 =	vld.idx.msk [tilespmem:v32+s21+$0x0], $0xffff  }
0x1e5: {  	v5 =	vld.idx.msk [tilespmem:v54+s1+$0x0], $0xffff  }
0x1e6: {  	v31 =	vld.idx.msk [tilespmem:v55+s1+$0x0], $0xffff;
	v4 =	vadd.f32 v4, v46  }
0x1e7: {  	s2 =	simm.s32 $0x13800;
	v33 =	vld.idx.msk [tilespmem:v52+s1+$0x0], $0xffff;
	v6 =	vadd.f32 v6, v44  }
0x1e8: {  	s7 =	simm.s32 $0x14000;
	v34 =	vld.idx.msk [tilespmem:v53+s1+$0x0], $0xffff;
	[tilespmem:v29+s2+$0x0] =	vst.idx.msk $0xffff, v4;
	v4 =	vadd.f32 v30, v47  }
0x1e9: {  	s11 =	simm.s32 $0x14800;
	[tilespmem:v29+s7+$0x0] =	vst.idx.msk $0xffff, v6;
	v30 =	vld.idx.msk [tilespmem:v51+s21+$0x0], $0xffff;
	v3 =	vadd.f32 v3, v45  }
0x1ea: {  	s19 =	simm.s32 $0x15010;
	v6 =	vld.idx.msk [tilespmem:v50+s21+$0x0], $0xffff;
	[tilespmem:v29+s11+$0x0] =	vst.idx.msk $0xffff, v4;
	v5 =	vadd.f32 v5, v46  }
0x1eb: {  	s3 =	simm.s32 $0xC000;
	v4 =	vadd.f32 v31, v44;
	v31 =	vld.idx.msk [tilespmem:v49+s21+$0x0], $0xffff;
	[tilespmem:v29+s19+$0x0] =	vst.idx.msk $0xffff, v3  }
0x1ec: {  	[tilespmem:v48+s2+$0x0] =	vst.idx.msk $0xffff, v5;
	v3 =	vadd.f32 v33, v47;
	v5 =	vld.idx.msk [tilespmem:v32+s3+$0x0], $0xffff  }
0x1ed: {  	v36 =	vadd.f32 v34, v45;
	[tilespmem:v48+s7+$0x0] =	vst.idx.msk $0xffff, v4;
	v37 =	vld.idx.msk [tilespmem:v54+s21+$0x0], $0xffff  }
0x1ee: {  	v4 =	vld.idx.msk [tilespmem:v55+s21+$0x0], $0xffff;
	[tilespmem:v48+s11+$0x0] =	vst.idx.msk $0xffff, v3;
	v3 =	vadd.f32 v30, v46  }
0x1ef: {  	s5 =	simm.s32 $0x13810;
	[tilespmem:v48+s18+$0x0] =	vst.idx.msk $0xffff, v36;
	v6 =	vadd.f32 v6, v44;
	v30 =	vld.idx.msk [tilespmem:v52+s21+$0x0], $0xffff  }
0x1f0: {  	s12 =	simm.s32 $0x14010;
	v33 =	vld.idx.msk [tilespmem:v53+s21+$0x0], $0xffff;
	[tilespmem:v29+s5+$0x0] =	vst.idx.msk $0xffff, v3;
	v3 =	vadd.f32 v31, v47  }
0x1f1: {  	s16 =	simm.s32 $0x14810;
	[tilespmem:v29+s12+$0x0] =	vst.idx.msk $0xffff, v6;
	v31 =	vld.idx.msk [tilespmem:v51+s3+$0x0], $0xffff;
	v5 =	vadd.f32 v5, v45  }
0x1f2: {  	s4 =	simm.s32 $0x15020;
	v38 =	vld.idx.msk [tilespmem:v50+s3+$0x0], $0xffff;
	v6 =	vadd.f32 v37, v46;
	[tilespmem:v29+s16+$0x0] =	vst.idx.msk $0xffff, v3  }
0x1f3: {  	s25 =	simm.s32 $0xC400;
	v3 =	vadd.f32 v4, v44;
	v4 =	vld.idx.msk [tilespmem:v49+s3+$0x0], $0xffff;
	[tilespmem:v29+s4+$0x0] =	vst.idx.msk $0xffff, v5  }
0x1f4: {  	[tilespmem:v48+s5+$0x0] =	vst.idx.msk $0xffff, v6;
	v5 =	vadd.f32 v30, v47;
	v6 =	vld.idx.msk [tilespmem:v32+s25+$0x0], $0xffff  }
0x1f5: {  	v30 =	vld.idx.msk [tilespmem:v54+s3+$0x0], $0xffff;
	[tilespmem:v48+s12+$0x0] =	vst.idx.msk $0xffff, v3;
	v3 =	vadd.f32 v33, v45  }
0x1f6: {  	s6 =	simm.s32 $0x15010;
	v39 =	vld.idx.msk [tilespmem:v55+s3+$0x0], $0xffff;
	[tilespmem:v48+s16+$0x0] =	vst.idx.msk $0xffff, v5;
	v5 =	vadd.f32 v31, v46  }
0x1f7: {  	s29 =	simm.s32 $0x13820;
	[tilespmem:v48+s6+$0x0] =	vst.idx.msk $0xffff, v3;
	v3 =	vadd.f32 v38, v44;
	v31 =	vld.idx.msk [tilespmem:v52+s3+$0x0], $0xffff  }
0x1f8: {  	s30 =	simm.s32 $0x14020;
	v40 =	vld.idx.msk [tilespmem:v53+s3+$0x0], $0xffff;
	[tilespmem:v29+s29+$0x0] =	vst.idx.msk $0xffff, v5;
	v4 =	vadd.f32 v4, v47  }
0x1f9: {  	s31 =	simm.s32 $0x14820;
	[tilespmem:v29+s30+$0x0] =	vst.idx.msk $0xffff, v3;
	v5 =	vld.idx.msk [tilespmem:v51+s25+$0x0], $0xffff;
	v3 =	vadd.f32 v6, v45  }
0x1fa: {  	s20 =	simm.s32 $0x15030;
	v6 =	vadd.f32 v30, v46;
	v30 =	vld.idx.msk [tilespmem:v50+s25+$0x0], $0xffff;
	[tilespmem:v29+s31+$0x0] =	vst.idx.msk $0xffff, v4  }
0x1fb: {  	s17 =	simm.s32 $0xC800;
	v4 =	vadd.f32 v39, v44;
	v41 =	vld.idx.msk [tilespmem:v49+s25+$0x0], $0xffff;
	[tilespmem:v29+s20+$0x0] =	vst.idx.msk $0xffff, v3  }
0x1fc: {  	[tilespmem:v48+s29+$0x0] =	vst.idx.msk $0xffff, v6;
	v3 =	vadd.f32 v31, v47;
	v6 =	vld.idx.msk [tilespmem:v32+s17+$0x0], $0xffff  }
0x1fd: {  	[tilespmem:v48+s30+$0x0] =	vst.idx.msk $0xffff, v4;
	v4 =	vadd.f32 v40, v45;
	v31 =	vld.idx.msk [tilespmem:v54+s25+$0x0], $0xffff  }
0x1fe: {  	s8 =	simm.s32 $0x15020;
	v42 =	vld.idx.msk [tilespmem:v55+s25+$0x0], $0xffff;
	[tilespmem:v48+s31+$0x0] =	vst.idx.msk $0xffff, v3  }
0x1ff: {  	v34 =	vld [tilespmem:s22+$0x6430];
	v3 =	vadd.f32 v5, v46;
	[tilespmem:v48+s8+$0x0] =	vst.idx.msk $0xffff, v4  }
0x200: {  	s4 =	simm.s32 $0x13830;
	v4 =	vadd.f32 v30, v44;
	v30 =	vld.idx.msk [tilespmem:v53+s25+$0x0], $0xffff  }
0x201: {  	s10 =	simm.s32 $0x14030;
	v5 =	vld.idx.msk [tilespmem:v52+s25+$0x0], $0xffff;
	[tilespmem:v29+s4+$0x0] =	vst.idx.msk $0xffff, v3;
	v3 =	vadd.f32 v41, v47  }
0x202: {  	s14 =	simm.s32 $0x14830;
	v43 =	vld.idx.msk [tilespmem:v51+s17+$0x0], $0xffff;
	[tilespmem:v29+s10+$0x0] =	vst.idx.msk $0xffff, v4;
	v4 =	vadd.f32 v6, v45  }
0x203: {  	s24 =	simm.s32 $0x15040;
	v6 =	vadd.f32 v31, v46;
	v31 =	vld.idx.msk [tilespmem:v50+s17+$0x0], $0xffff;
	[tilespmem:v29+s14+$0x0] =	vst.idx.msk $0xffff, v3;
	v3 =	vadd.f32 v42, v44  }
0x204: {  	v56 =	vld.idx.msk [tilespmem:v49+s17+$0x0], $0xffff;
	[tilespmem:v29+s24+$0x0] =	vst.idx.msk $0xffff, v4  }
0x205: {  	s28 =	simm.s32 $0xCC00;
	[tilespmem:v48+s10+$0x0] =	vst.idx.msk $0xffff, v3;
	v3 =	vadd.f32 v30, v45;
	v30 =	vld [tilespmem:s22+$0x6400]  }
0x206: {  	[tilespmem:v48+s4+$0x0] =	vst.idx.msk $0xffff, v6;
	v4 =	vadd.f32 v5, v47;
	v5 =	vld.idx.msk [tilespmem:v32+s28+$0x0], $0xffff  }
0x207: {  	v6 =	vld.idx.msk [tilespmem:v54+s17+$0x0], $0xffff  }
0x208: {  	s23 =	simm.s32 $0x15030;
	s24 =	simm.s32 $0x19830;
	v35 =	vld.idx.msk [tilespmem:v55+s17+$0x0], $0xffff  }
0x209: {  	v37 =	vld [tilespmem:s24+$0x0];
	[tilespmem:v48+s23+$0x0] =	vst.idx.msk $0xffff, v3;
	v3 =	vadd.f32 v43, v46  }
0x20a: {  	s26 =	simm.s32 $0x13840;
	v38 =	vld [tilespmem:s24+$0xFFFFFFF0];
	[tilespmem:v48+s14+$0x0] =	vst.idx.msk $0xffff, v4;
	v31 =	vadd.f32 v31, v44  }
0x20b: {  	s13 =	simm.s32 $0x14040;
	v57 =	vld.idx.msk [tilespmem:v53+s17+$0x0], $0xffff;
	[tilespmem:v29+s26+$0x0] =	vst.idx.msk $0xffff, v3;
	v3 =	vadd.f32 v56, v47  }
0x20c: {  	s0 =	simm.s32 $0x14840;
	v4 =	vld.idx.msk [tilespmem:v52+s17+$0x0], $0xffff;
	[tilespmem:v29+s13+$0x0] =	vst.idx.msk $0xffff, v31;
	v5 =	vadd.f32 v5, v45  }
0x20d: {  	s9 =	simm.s32 $0x15050;
	v58 =	vld.idx.msk [tilespmem:v51+s28+$0x0], $0xffff;
	v6 =	vadd.f32 v6, v46;
	[tilespmem:v29+s0+$0x0] =	vst.idx.msk $0xffff, v3  }
0x20e: {  	s20 =	simm.s32 $0xD000;
	v36 =	vld.idx.msk [tilespmem:v50+s28+$0x0], $0xffff;
	v3 =	vadd.f32 v35, v44;
	[tilespmem:v29+s9+$0x0] =	vst.idx.msk $0xffff, v5  }
0x20f: {  	[tilespmem:v48+s26+$0x0] =	vst.idx.msk $0xffff, v6;
	v5 =	vld.idx.msk [tilespmem:v32+s20+$0x0], $0xffff  }
0x210: {  	[tilespmem:v48+s13+$0x0] =	vst.idx.msk $0xffff, v3;
	v3 =	vadd.f32 v57, v45;
	v6 =	vld.idx.msk [tilespmem:v54+s28+$0x0], $0xffff  }
0x211: {  	s15 =	simm.s32 $0x15040;
	v4 =	vadd.f32 v4, v47;
	v60 =	vld.idx.msk [tilespmem:v55+s28+$0x0], $0xffff  }
0x212: {  	v31 =	vld [tilespmem:s22+$0x6410];
	[tilespmem:v48+s15+$0x0] =	vst.idx.msk $0xffff, v3;
	v3 =	vadd.f32 v58, v46  }
0x213: {  	s19 =	simm.s32 $0x13850;
	v59 =	vld.idx.msk [tilespmem:v49+s28+$0x0], $0xffff;
	[tilespmem:v48+s0+$0x0] =	vst.idx.msk $0xffff, v4;
	v63 =	vadd.f32 v36, v44  }
0x214: {  	s8 =	simm.s32 $0x14050;
	v4 =	vld.idx.msk [tilespmem:v52+s28+$0x0], $0xffff;
	[tilespmem:v29+s19+$0x0] =	vst.idx.msk $0xffff, v3;
	v5 =	vadd.f32 v5, v45  }
0x215: {  	s13 =	simm.s32 $0x15060;
	v61 =	vld.idx.msk [tilespmem:v53+s28+$0x0], $0xffff;
	[tilespmem:v29+s8+$0x0] =	vst.idx.msk $0xffff, v63;
	v6 =	vadd.f32 v6, v46  }
0x216: {  	v3 =	vld.idx.msk [tilespmem:v51+s20+$0x0], $0xffff;
	v33 =	vadd.f32 v60, v44;
	[tilespmem:v29+s13+$0x0] =	vst.idx.msk $0xffff, v5  }
0x217: {  	v58 =	vld.idx.msk [tilespmem:v50+s20+$0x0], $0xffff;
	[tilespmem:v48+s19+$0x0] =	vst.idx.msk $0xffff, v6  }
0x218: {  	s19 =	simm.s32 $0xD400;
	[tilespmem:v48+s8+$0x0] =	vst.idx.msk $0xffff, v33;
	v33 =	vld [tilespmem:s22+$0x6420]  }
0x219: {  	v5 =	vld.idx.msk [tilespmem:v32+s19+$0x0], $0xffff  }
0x21a: {  	v36 =	vshll.u32 v37, $0x6;
	v4 =	vadd.f32 v4, v47;
	v6 =	vld.idx.msk [tilespmem:v54+s20+$0x0], $0xffff  }
0x21b: {  	s6 =	simm.s32 $0x14850;
	s26 =	simm.s32 $0x19930;
	v43 =	vor.u32 v28, v36;
	v62 =	vadd.f32 v61, v45;
	v42 =	vld.idx.msk [tilespmem:v55+s20+$0x0], $0xffff  }
0x21c: {  	v37 =	vor.u32 v0, v36;
	v32 =	vld [tilespmem:s26+$0x0];
	[tilespmem:v48+s6+$0x0] =	vst.idx.msk $0xffff, v4;
	v4 =	vadd.f32 v59, v47  }
0x21d: {  	v35 =	vor.u32 v26, v36;
	[tilespmem:v48+s9+$0x0] =	vst.idx.msk $0xffff, v62;
	v56 =	vld.idx.msk [tilespmem:v52+s20+$0x0], $0xffff  }
0x21e: {  	v57 =	vld.idx.msk [tilespmem:v53+s20+$0x0], $0xffff;
	[tilespmem:v29+s6+$0x0] =	vst.idx.msk $0xffff, v4;
	v4 =	vshll.u32 v38, $0x6  }
0x21f: {  	v41 =	vor.u32 v0, v4;
	v59 =	vld.idx.msk [tilespmem:v49+s20+$0x0], $0xffff;
	v38 =	vor.u32 v26, v4;
	v5 =	vadd.f32 v5, v45  }
0x220: {  	s23 =	simm.s32 $0x15070;
	v39 =	vor.u32 v27, v4;
	v40 =	vor.u32 v28, v4;
	v4 =	vld.idx.msk [tilespmem:v43+s1+$0x0], $0xffff;
	v6 =	vadd.f32 v6, v46  }
0x221: {  	s15 =	simm.s32 $0x13860;
	v42 =	vadd.f32 v42, v44;
	[tilespmem:v29+s23+$0x0] =	vst.idx.msk $0xffff, v5;
	v5 =	vld.idx.msk [tilespmem:v37+s1+$0x0], $0xffff  }
0x222: {  	s9 =	simm.s32 $0x14060;
	[tilespmem:v48+s15+$0x0] =	vst.idx.msk $0xffff, v6;
	v6 =	vld.idx.msk [tilespmem:v35+s1+$0x0], $0xffff  }
0x223: {  	[tilespmem:v48+s9+$0x0] =	vst.idx.msk $0xffff, v42;
	v42 =	vld [tilespmem:s26+$0xFFFFFFF0]  }
0x224: {  	v36 =	vor.u32 v27, v36;
	v54 =	vld.idx.msk [tilespmem:v54+s19+$0x0], $0xffff  }
0x225: {  	v3 =	vadd.f32 v3, v46;
	v55 =	vld.idx.msk [tilespmem:v55+s19+$0x0], $0xffff  }
0x226: {  	v56 =	vadd.f32 v56, v47;
	v60 =	vld.idx.msk [tilespmem:v41+s1+$0x0], $0xffff  }
0x227: {  	[tilespmem:v29+s15+$0x0] =	vst.idx.msk $0xffff, v3;
	s23 =	simm.s32 $0x14860;
	v61 =	vld.idx.msk [tilespmem:v38+s1+$0x0], $0xffff;
	v4 =	vadd.f32 v4, v34  }
0x228: {  	v57 =	vadd.f32 v57, v45;
	v62 =	vld.idx.msk [tilespmem:v39+s1+$0x0], $0xffff;
	[tilespmem:v48+s23+$0x0] =	vst.idx.msk $0xffff, v56  }
0x229: {  	v56 =	vadd.f32 v58, v44;
	[tilespmem:v32+s18+$0x0] =	vst.idx.msk $0xffff, v4;
	v4 =	vld.idx.msk [tilespmem:v36+s1+$0x0], $0xffff  }
0x22a: {  	[tilespmem:v48+s13+$0x0] =	vst.idx.msk $0xffff, v57;
	v57 =	vadd.f32 v59, v47;
	v63 =	vld.idx.msk [tilespmem:v43+s21+$0x0], $0xffff  }
0x22b: {  	v3 =	vld.idx.msk [tilespmem:v40+s1+$0x0], $0xffff;
	[tilespmem:v29+s9+$0x0] =	vst.idx.msk $0xffff, v56;
	v5 =	vadd.f32 v5, v30  }
0x22c: {  	v52 =	vld.idx.msk [tilespmem:v52+s19+$0x0], $0xffff;
	[tilespmem:v29+s23+$0x0] =	vst.idx.msk $0xffff, v57;
	v6 =	vadd.f32 v6, v31  }
0x22d: {  	v50 =	vld.idx.msk [tilespmem:v50+s19+$0x0], $0xffff;
	[tilespmem:v32+s2+$0x0] =	vst.idx.msk $0xffff, v5;
	v60 =	vadd.f32 v60, v30  }
0x22e: {  	v5 =	vld.idx.msk [tilespmem:v53+s19+$0x0], $0xffff;
	[tilespmem:v32+s7+$0x0] =	vst.idx.msk $0xffff, v6;
	v4 =	vadd.f32 v4, v33  }
0x22f: {  	v53 =	vld.idx.msk [tilespmem:v37+s21+$0x0], $0xffff;
	[tilespmem:v42+s2+$0x0] =	vst.idx.msk $0xffff, v60;
	v6 =	vadd.f32 v63, v34  }
0x230: {  	s0 =	simm.s32 $0x15010;
	v3 =	vadd.f32 v3, v34;
	v57 =	vld.idx.msk [tilespmem:v35+s21+$0x0], $0xffff;
	[tilespmem:v32+s11+$0x0] =	vst.idx.msk $0xffff, v4  }
0x231: {  	v4 =	vadd.f32 v61, v31;
	v58 =	vld.idx.msk [tilespmem:v36+s21+$0x0], $0xffff;
	[tilespmem:v32+s0+$0x0] =	vst.idx.msk $0xffff, v6  }
0x232: {  	[tilespmem:v42+s18+$0x0] =	vst.idx.msk $0xffff, v3;
	v6 =	vadd.f32 v62, v33;
	v61 =	vld.idx.msk [tilespmem:v43+s3+$0x0], $0xffff  }
0x233: {  	v62 =	vld.idx.msk [tilespmem:v41+s21+$0x0], $0xffff;
	[tilespmem:v42+s7+$0x0] =	vst.idx.msk $0xffff, v4;
	v4 =	vadd.f32 v54, v46  }
0x234: {  	s13 =	simm.s32 $0x13870;
	v3 =	vadd.f32 v53, v30;
	v63 =	vld.idx.msk [tilespmem:v38+s21+$0x0], $0xffff;
	[tilespmem:v42+s11+$0x0] =	vst.idx.msk $0xffff, v6  }
0x235: {  	v57 =	vadd.f32 v57, v31;
	v6 =	vld.idx.msk [tilespmem:v39+s21+$0x0], $0xffff;
	[tilespmem:v48+s13+$0x0] =	vst.idx.msk $0xffff, v4  }
0x236: {  	v60 =	vld.idx.msk [tilespmem:v40+s21+$0x0], $0xffff;
	[tilespmem:v32+s5+$0x0] =	vst.idx.msk $0xffff, v3;
	v3 =	vadd.f32 v58, v33  }
0x237: {  	v4 =	vld.idx.msk [tilespmem:v51+s19+$0x0], $0xffff;
	[tilespmem:v32+s12+$0x0] =	vst.idx.msk $0xffff, v57;
	v56 =	vadd.f32 v61, v34  }
0x238: {  	s7 =	simm.s32 $0x15020;
	v51 =	vld.idx.msk [tilespmem:v37+s3+$0x0], $0xffff;
	v61 =	vadd.f32 v62, v30;
	[tilespmem:v32+s16+$0x0] =	vst.idx.msk $0xffff, v3  }
0x239: {  	v62 =	vld.idx.msk [tilespmem:v35+s3+$0x0], $0xffff;
	v3 =	vadd.f32 v63, v31;
	[tilespmem:v32+s7+$0x0] =	vst.idx.msk $0xffff, v56  }
0x23a: {  	v63 =	vld.idx.msk [tilespmem:v36+s3+$0x0], $0xffff;
	[tilespmem:v42+s5+$0x0] =	vst.idx.msk $0xffff, v61;
	v6 =	vadd.f32 v6, v33  }
0x23b: {  	v56 =	vld.idx.msk [tilespmem:v43+s25+$0x0], $0xffff;
	[tilespmem:v42+s12+$0x0] =	vst.idx.msk $0xffff, v3;
	v3 =	vadd.f32 v60, v34  }
0x23c: {  	v57 =	vld.idx.msk [tilespmem:v41+s3+$0x0], $0xffff;
	v60 =	vadd.f32 v55, v44;
	[tilespmem:v42+s16+$0x0] =	vst.idx.msk $0xffff, v6  }
0x23d: {  	s7 =	simm.s32 $0x14070;
	v61 =	vld.idx.msk [tilespmem:v38+s3+$0x0], $0xffff;
	[tilespmem:v42+s0+$0x0] =	vst.idx.msk $0xffff, v3;
	v3 =	vadd.f32 v51, v30  }
0x23e: {  	v6 =	vld.idx.msk [tilespmem:v39+s3+$0x0], $0xffff;
	v58 =	vadd.f32 v62, v31;
	[tilespmem:v48+s7+$0x0] =	vst.idx.msk $0xffff, v60  }
0x23f: {  	v51 =	vld.idx.msk [tilespmem:v40+s3+$0x0], $0xffff;
	[tilespmem:v32+s29+$0x0] =	vst.idx.msk $0xffff, v3;
	v3 =	vadd.f32 v63, v33  }
0x240: {  	v55 =	vld.idx.msk [tilespmem:v49+s19+$0x0], $0xffff;
	[tilespmem:v32+s30+$0x0] =	vst.idx.msk $0xffff, v58;
	v62 =	vadd.f32 v56, v34  }
0x241: {  	s16 =	simm.s32 $0x15030;
	v53 =	vld.idx.msk [tilespmem:v37+s25+$0x0], $0xffff;
	v63 =	vadd.f32 v57, v30;
	[tilespmem:v32+s31+$0x0] =	vst.idx.msk $0xffff, v3  }
0x242: {  	v60 =	vld.idx.msk [tilespmem:v35+s25+$0x0], $0xffff;
	v3 =	vadd.f32 v61, v31;
	[tilespmem:v32+s16+$0x0] =	vst.idx.msk $0xffff, v62  }
0x243: {  	v61 =	vld.idx.msk [tilespmem:v36+s25+$0x0], $0xffff;
	[tilespmem:v42+s29+$0x0] =	vst.idx.msk $0xffff, v63;
	v6 =	vadd.f32 v6, v33  }
0x244: {  	v54 =	vld.idx.msk [tilespmem:v43+s17+$0x0], $0xffff;
	[tilespmem:v42+s30+$0x0] =	vst.idx.msk $0xffff, v3;
	v3 =	vadd.f32 v51, v34  }
0x245: {  	s11 =	simm.s32 $0x15020;
	v62 =	vadd.f32 v52, v47;
	v56 =	vld.idx.msk [tilespmem:v41+s25+$0x0], $0xffff;
	[tilespmem:v42+s31+$0x0] =	vst.idx.msk $0xffff, v6  }
0x246: {  	s5 =	simm.s32 $0x14870;
	v52 =	vld.idx.msk [tilespmem:v38+s25+$0x0], $0xffff;
	[tilespmem:v42+s11+$0x0] =	vst.idx.msk $0xffff, v3;
	v3 =	vadd.f32 v53, v30  }
0x247: {  	[tilespmem:v48+s5+$0x0] =	vst.idx.msk $0xffff, v62;
	v6 =	vld.idx.msk [tilespmem:v39+s25+$0x0], $0xffff;
	v63 =	vadd.f32 v60, v31  }
0x248: {  	v58 =	vld.idx.msk [tilespmem:v40+s25+$0x0], $0xffff;
	[tilespmem:v32+s4+$0x0] =	vst.idx.msk $0xffff, v3;
	v3 =	vadd.f32 v61, v33  }
0x249: {  	[tilespmem:v32+s10+$0x0] =	vst.idx.msk $0xffff, v63;
	v60 =	vld.idx.msk [tilespmem:v37+s17+$0x0], $0xffff;
	v61 =	vadd.f32 v54, v34  }
0x24a: {  	s29 =	simm.s32 $0x15040;
	v62 =	vadd.f32 v56, v30;
	v63 =	vld.idx.msk [tilespmem:v35+s17+$0x0], $0xffff;
	[tilespmem:v32+s14+$0x0] =	vst.idx.msk $0xffff, v3  }
0x24b: {  	v3 =	vadd.f32 v52, v31;
	v49 =	vld.idx.msk [tilespmem:v36+s17+$0x0], $0xffff;
	[tilespmem:v32+s29+$0x0] =	vst.idx.msk $0xffff, v61  }
0x24c: {  	[tilespmem:v42+s4+$0x0] =	vst.idx.msk $0xffff, v62;
	v6 =	vadd.f32 v6, v33;
	v53 =	vld.idx.msk [tilespmem:v43+s28+$0x0], $0xffff  }
0x24d: {  	v52 =	vld.idx.msk [tilespmem:v41+s17+$0x0], $0xffff;
	[tilespmem:v42+s10+$0x0] =	vst.idx.msk $0xffff, v3;
	v3 =	vadd.f32 v58, v34  }
0x24e: {  	s18 =	simm.s32 $0x15030;
	v5 =	vadd.f32 v5, v45;
	v51 =	vadd.f32 v4, v46;
	v46 =	vld.idx.msk [tilespmem:v38+s17+$0x0], $0xffff;
	[tilespmem:v42+s14+$0x0] =	vst.idx.msk $0xffff, v6  }
0x24f: {  	v44 =	vadd.f32 v50, v44;
	v45 =	vadd.f32 v55, v47;
	s31 =	simm.s32 $0x15070;
	v55 =	vld.idx.msk [tilespmem:v39+s17+$0x0], $0xffff;
	[tilespmem:v42+s18+$0x0] =	vst.idx.msk $0xffff, v3  }
0x250: {  	s30 =	simm.s32 $0x8;
	[tilespmem:v48+s31+$0x0] =	vst.idx.msk $0xffff, v5;
	v57 =	vadd.f32 v60, v30;
	v56 =	vadd.f32 v63, v31;
	v54 =	vld.idx.msk [tilespmem:v40+s17+$0x0], $0xffff  }
.LBB2_9:
0x251: {  	s4 =	simm.s32 $0x13840  }
0x252: {  	v47 =	vld [tilespmem:s22+$0x6400];
	v3 =	vadd.f32 v49, v33;
	s10 =	simm.s32 $0x14040;
	[tilespmem:v32+s4+$0x0] =	vst.idx.msk $0xffff, v57  }
0x253: {  	v5 =	vadd.f32 v53, v34;
	s2 =	simm.s32 $0x14840;
	v4 =	vld.idx.msk [tilespmem:v37+s28+$0x0], $0xffff;
	[tilespmem:v32+s10+$0x0] =	vst.idx.msk $0xffff, v56  }
0x254: {  	s0 =	simm.s32 $0x15050;
	v6 =	vadd.f32 v52, v30;
	v48 =	vld.idx.msk [tilespmem:v35+s28+$0x0], $0xffff;
	[tilespmem:v32+s2+$0x0] =	vst.idx.msk $0xffff, v3  }
0x255: {  	v3 =	vadd.f32 v46, v31;
	v49 =	vld.idx.msk [tilespmem:v36+s28+$0x0], $0xffff;
	[tilespmem:v32+s0+$0x0] =	vst.idx.msk $0xffff, v5  }
0x256: {  	v5 =	vadd.f32 v55, v33;
	[tilespmem:v42+s4+$0x0] =	vst.idx.msk $0xffff, v6;
	v6 =	vld.idx.msk [tilespmem:v43+s20+$0x0], $0xffff  }
0x257: {  	v50 =	vld.idx.msk [tilespmem:v41+s28+$0x0], $0xffff;
	[tilespmem:v42+s10+$0x0] =	vst.idx.msk $0xffff, v3;
	v3 =	vadd.f32 v54, v34  }
0x258: {  	s10 =	simm.s32 $0x15040;
	v52 =	vld.idx.msk [tilespmem:v38+s28+$0x0], $0xffff;
	[tilespmem:v42+s2+$0x0] =	vst.idx.msk $0xffff, v5  }
0x259: {  	v5 =	vld.idx.msk [tilespmem:v39+s28+$0x0], $0xffff;
	[tilespmem:v42+s10+$0x0] =	vst.idx.msk $0xffff, v3;
	v3 =	vadd.f32 v4, v30  }
0x25a: {  	s4 =	simm.s32 $0x13850;
	v48 =	vadd.f32 v48, v31;
	v4 =	vld.idx.msk [tilespmem:v40+s28+$0x0], $0xffff;
	[tilespmem:v29+s13+$0x0] =	vst.idx.msk $0xffff, v51  }
0x25b: {  	v46 =	vld [tilespmem:s22+$0x6410];
	[tilespmem:v32+s4+$0x0] =	vst.idx.msk $0xffff, v3;
	v3 =	vadd.f32 v49, v33  }
0x25c: {  	s24 =	sadd.s32 $0x20, s24;
	v6 =	vadd.f32 v6, v34;
	v49 =	vld.idx.msk [tilespmem:v37+s20+$0x0], $0xffff;
	[tilespmem:v32+s8+$0x0] =	vst.idx.msk $0xffff, v48  }
0x25d: {  	s30 =	sadd.s32 $0x8, s30;
	s2 =	simm.s32 $0x15060;
	v50 =	vadd.f32 v50, v30;
	v48 =	vld [tilespmem:s24+$0x0];
	[tilespmem:v32+s6+$0x0] =	vst.idx.msk $0xffff, v3  }
0x25e: {  	p1 =	slt.u32 s30, $0x38;
	v51 =	vadd.f32 v52, v31;
	v3 =	vld [tilespmem:s24+$0xFFFFFFF0];
	[tilespmem:v32+s2+$0x0] =	vst.idx.msk $0xffff, v6  }
0x25f: {  	v5 =	vadd.f32 v5, v33;
	[tilespmem:v42+s4+$0x0] =	vst.idx.msk $0xffff, v50;
	v6 =	vld.idx.msk [tilespmem:v43+s19+$0x0], $0xffff  }
0x260: {  	v4 =	vadd.f32 v4, v34;
	v50 =	vld.idx.msk [tilespmem:v41+s20+$0x0], $0xffff;
	[tilespmem:v42+s8+$0x0] =	vst.idx.msk $0xffff, v51  }
0x261: {  	v51 =	vld.idx.msk [tilespmem:v38+s20+$0x0], $0xffff;
	[tilespmem:v42+s6+$0x0] =	vst.idx.msk $0xffff, v5  }
0x262: {  	v5 =	vshll.u32 v48, $0x6;
	v53 =	vld.idx.msk [tilespmem:v39+s20+$0x0], $0xffff;
	[tilespmem:v42+s0+$0x0] =	vst.idx.msk $0xffff, v4;
	v4 =	vadd.f32 v49, v30  }
0x263: {  	v3 =	vshll.u32 v3, $0x6;
	v54 =	vor.u32 v0, v5;
	v43 =	vor.u32 v28, v5;
	v55 =	vld.idx.msk [tilespmem:v40+s20+$0x0], $0xffff  }
0x264: {  	v56 =	vor.u32 v0, v3;
	v57 =	vor.u32 v26, v3;
	v58 =	vor.u32 v27, v3;
	v59 =	vld.idx.msk [tilespmem:v35+s20+$0x0], $0xffff  }
0x265: {  	v52 =	vor.u32 v26, v5;
	v3 =	vor.u32 v28, v3;
	v6 =	vadd.f32 v6, v34;
	v60 =	vld.idx.msk [tilespmem:v36+s20+$0x0], $0xffff  }
0x266: {  	s26 =	sadd.s32 $0x20, s26;
	s18 =	simm.s32 $0x15070;
	v49 =	vor.u32 v27, v5;
	v5 =	vadd.f32 v50, v30;
	v48 =	vld [tilespmem:s22+$0x6420];
	[tilespmem:v32+s15+$0x0] =	vst.idx.msk $0xffff, v4  }
0x267: {  	v50 =	vadd.f32 v51, v31;
	v4 =	vld [tilespmem:s26+$0x0];
	[tilespmem:v32+s18+$0x0] =	vst.idx.msk $0xffff, v6  }
0x268: {  	v6 =	vld.idx.msk [tilespmem:v43+s1+$0x0], $0xffff;
	[tilespmem:v42+s15+$0x0] =	vst.idx.msk $0xffff, v5;
	v5 =	vadd.f32 v53, v33  }
0x269: {  	v51 =	vld [tilespmem:s22+$0x6430];
	[tilespmem:v42+s9+$0x0] =	vst.idx.msk $0xffff, v50;
	v50 =	vadd.f32 v55, v34  }
0x26a: {  	v53 =	vld.idx.msk [tilespmem:v56+s1+$0x0], $0xffff;
	[tilespmem:v42+s23+$0x0] =	vst.idx.msk $0xffff, v5;
	v5 =	vadd.f32 v59, v31  }
0x26b: {  	v55 =	vld.idx.msk [tilespmem:v57+s1+$0x0], $0xffff;
	[tilespmem:v42+s2+$0x0] =	vst.idx.msk $0xffff, v50;
	v50 =	vadd.f32 v60, v33  }
0x26c: {  	v59 =	vld.idx.msk [tilespmem:v58+s1+$0x0], $0xffff;
	[tilespmem:v32+s9+$0x0] =	vst.idx.msk $0xffff, v5  }
0x26d: {  	v5 =	vld.idx.msk [tilespmem:v3+s1+$0x0], $0xffff;
	[tilespmem:v32+s23+$0x0] =	vst.idx.msk $0xffff, v50  }
0x26e: {  	v60 =	vld.idx.msk [tilespmem:v54+s1+$0x0], $0xffff;
	v6 =	vadd.f32 v6, v51;
	[tilespmem:v29+s7+$0x0] =	vst.idx.msk $0xffff, v44  }
0x26f: {  	s12 =	simm.s32 $0x15000;
	v44 =	vld.idx.msk [tilespmem:v52+s1+$0x0], $0xffff;
	[tilespmem:v29+s5+$0x0] =	vst.idx.msk $0xffff, v45;
	v29 =	vmov v32;
	v32 =	vmov v4  }
0x270: {  	v45 =	vadd.f32 v53, v47;
	v53 =	vld.idx.msk [tilespmem:v49+s1+$0x0], $0xffff;
	[tilespmem:v4+s12+$0x0] =	vst.idx.msk $0xffff, v6  }
0x271: {  	v4 =	vadd.f32 v55, v46;
	v6 =	vld.idx.msk [tilespmem:v43+s21+$0x0], $0xffff  }
0x272: {  	v55 =	vadd.f32 v59, v48;
	v50 =	vld [tilespmem:s26+$0xFFFFFFF0]  }
0x273: {  	v5 =	vadd.f32 v5, v51;
	v59 =	vld.idx.msk [tilespmem:v41+s19+$0x0], $0xffff;
	v41 =	vmov v56  }
0x274: {  	v56 =	vadd.f32 v60, v47;
	v60 =	vld.idx.msk [tilespmem:v38+s19+$0x0], $0xffff;
	v38 =	vmov v57  }
0x275: {  	s16 =	simm.s32 $0x13800;
	v44 =	vadd.f32 v44, v46;
	v57 =	vld.idx.msk [tilespmem:v39+s19+$0x0], $0xffff;
	v39 =	vmov v58  }
0x276: {  	s11 =	simm.s32 $0x14000;
	v53 =	vadd.f32 v53, v48;
	[tilespmem:v32+s16+$0x0] =	vst.idx.msk $0xffff, v56;
	v56 =	vld.idx.msk [tilespmem:v40+s19+$0x0], $0xffff;
	v40 =	vmov v3  }
0x277: {  	s2 =	simm.s32 $0x14800;
	v6 =	vadd.f32 v6, v51;
	v3 =	vld.idx.msk [tilespmem:v54+s21+$0x0], $0xffff;
	[tilespmem:v32+s11+$0x0] =	vst.idx.msk $0xffff, v44  }
0x278: {  	s0 =	simm.s32 $0x15010;
	v44 =	vld.idx.msk [tilespmem:v52+s21+$0x0], $0xffff;
	[tilespmem:v32+s2+$0x0] =	vst.idx.msk $0xffff, v53  }
0x279: {  	v53 =	vld.idx.msk [tilespmem:v49+s21+$0x0], $0xffff;
	[tilespmem:v32+s0+$0x0] =	vst.idx.msk $0xffff, v6;
	v6 =	vadd.f32 v59, v30  }
0x27a: {  	s4 =	simm.s32 $0x13800;
	v58 =	vadd.f32 v60, v31;
	[tilespmem:v50+s16+$0x0] =	vst.idx.msk $0xffff, v45;
	v45 =	vld.idx.msk [tilespmem:v43+s3+$0x0], $0xffff  }
0x27b: {  	s29 =	simm.s32 $0x14000;
	v59 =	vld.idx.msk [tilespmem:v41+s21+$0x0], $0xffff;
	[tilespmem:v50+s11+$0x0] =	vst.idx.msk $0xffff, v4;
	v4 =	vadd.f32 v57, v33  }
0x27c: {  	s16 =	simm.s32 $0x14800;
	v60 =	vadd.f32 v56, v34;
	v34 =	vmov v51;
	v57 =	vld.idx.msk [tilespmem:v38+s21+$0x0], $0xffff;
	[tilespmem:v50+s2+$0x0] =	vst.idx.msk $0xffff, v55  }
0x27d: {  	s11 =	simm.s32 $0x15000;
	v3 =	vadd.f32 v3, v47;
	v51 =	vld.idx.msk [tilespmem:v39+s21+$0x0], $0xffff;
	[tilespmem:v50+s12+$0x0] =	vst.idx.msk $0xffff, v5  }
0x27e: {  	s2 =	simm.s32 $0x13810;
	v44 =	vadd.f32 v44, v46;
	v5 =	vld.idx.msk [tilespmem:v40+s21+$0x0], $0xffff;
	[tilespmem:v42+s13+$0x0] =	vst.idx.msk $0xffff, v6  }
0x27f: {  	s12 =	simm.s32 $0x14010;
	[tilespmem:v32+s2+$0x0] =	vst.idx.msk $0xffff, v3;
	v3 =	vadd.f32 v53, v48;
	v6 =	vld.idx.msk [tilespmem:v37+s19+$0x0], $0xffff;
	v37 =	vmov v54  }
0x280: {  	s14 =	simm.s32 $0x14810;
	v53 =	vld.idx.msk [tilespmem:v54+s3+$0x0], $0xffff;
	[tilespmem:v32+s12+$0x0] =	vst.idx.msk $0xffff, v44;
	v44 =	vadd.f32 v45, v34  }
0x281: {  	s31 =	simm.s32 $0x15020;
	v45 =	vadd.f32 v59, v47;
	v54 =	vld.idx.msk [tilespmem:v52+s3+$0x0], $0xffff;
	[tilespmem:v32+s14+$0x0] =	vst.idx.msk $0xffff, v3  }
0x282: {  	v3 =	vadd.f32 v57, v46;
	v55 =	vld.idx.msk [tilespmem:v49+s3+$0x0], $0xffff;
	[tilespmem:v32+s31+$0x0] =	vst.idx.msk $0xffff, v44  }
0x283: {  	v44 =	vadd.f32 v51, v48;
	[tilespmem:v50+s2+$0x0] =	vst.idx.msk $0xffff, v45;
	v45 =	vld.idx.msk [tilespmem:v43+s25+$0x0], $0xffff  }
0x284: {  	v56 =	vld.idx.msk [tilespmem:v41+s3+$0x0], $0xffff;
	[tilespmem:v50+s12+$0x0] =	vst.idx.msk $0xffff, v3;
	v3 =	vadd.f32 v5, v34  }
0x285: {  	v51 =	vadd.f32 v6, v30;
	v30 =	vmov v47;
	v5 =	vld.idx.msk [tilespmem:v38+s3+$0x0], $0xffff;
	[tilespmem:v50+s14+$0x0] =	vst.idx.msk $0xffff, v44  }
0x286: {  	v6 =	vld.idx.msk [tilespmem:v39+s3+$0x0], $0xffff;
	[tilespmem:v50+s0+$0x0] =	vst.idx.msk $0xffff, v3;
	v3 =	vadd.f32 v53, v30  }
0x287: {  	v47 =	vadd.f32 v54, v46;
	s0 =	simm.s32 $0x13820;
	v44 =	vld.idx.msk [tilespmem:v40+s3+$0x0], $0xffff;
	[tilespmem:v42+s7+$0x0] =	vst.idx.msk $0xffff, v58  }
0x288: {  	s2 =	simm.s32 $0x14020;
	[tilespmem:v32+s0+$0x0] =	vst.idx.msk $0xffff, v3;
	v3 =	vadd.f32 v55, v48;
	v53 =	vld.idx.msk [tilespmem:v35+s19+$0x0], $0xffff;
	v35 =	vmov v52  }
0x289: {  	s12 =	simm.s32 $0x14820;
	v45 =	vadd.f32 v45, v34;
	v54 =	vld.idx.msk [tilespmem:v37+s25+$0x0], $0xffff;
	[tilespmem:v32+s2+$0x0] =	vst.idx.msk $0xffff, v47  }
0x28a: {  	s14 =	simm.s32 $0x15030;
	v47 =	vadd.f32 v56, v30;
	v52 =	vld.idx.msk [tilespmem:v52+s25+$0x0], $0xffff;
	[tilespmem:v32+s12+$0x0] =	vst.idx.msk $0xffff, v3  }
0x28b: {  	v3 =	vadd.f32 v5, v46;
	v5 =	vld.idx.msk [tilespmem:v49+s25+$0x0], $0xffff;
	[tilespmem:v32+s14+$0x0] =	vst.idx.msk $0xffff, v45  }
0x28c: {  	v6 =	vadd.f32 v6, v48;
	[tilespmem:v50+s0+$0x0] =	vst.idx.msk $0xffff, v47;
	v45 =	vld.idx.msk [tilespmem:v43+s17+$0x0], $0xffff  }
0x28d: {  	v47 =	vld.idx.msk [tilespmem:v41+s25+$0x0], $0xffff;
	[tilespmem:v50+s2+$0x0] =	vst.idx.msk $0xffff, v3;
	v3 =	vadd.f32 v44, v34  }
0x28e: {  	v44 =	vadd.f32 v53, v31;
	v31 =	vmov v46;
	v55 =	vld.idx.msk [tilespmem:v38+s25+$0x0], $0xffff;
	[tilespmem:v50+s12+$0x0] =	vst.idx.msk $0xffff, v6  }
0x28f: {  	v6 =	vld.idx.msk [tilespmem:v39+s25+$0x0], $0xffff;
	[tilespmem:v50+s31+$0x0] =	vst.idx.msk $0xffff, v3;
	v3 =	vadd.f32 v54, v30  }
0x290: {  	s2 =	simm.s32 $0x13830;
	v52 =	vadd.f32 v52, v31;
	v46 =	vld.idx.msk [tilespmem:v40+s25+$0x0], $0xffff;
	[tilespmem:v42+s5+$0x0] =	vst.idx.msk $0xffff, v4  }
0x291: {  	s12 =	simm.s32 $0x14030;
	[tilespmem:v32+s2+$0x0] =	vst.idx.msk $0xffff, v3;
	v3 =	vadd.f32 v5, v48;
	v4 =	vld.idx.msk [tilespmem:v36+s19+$0x0], $0xffff;
	v36 =	vmov v49  }
0x292: {  	s31 =	simm.s32 $0x14830;
	v45 =	vadd.f32 v45, v34;
	v5 =	vld.idx.msk [tilespmem:v37+s17+$0x0], $0xffff;
	[tilespmem:v32+s12+$0x0] =	vst.idx.msk $0xffff, v52  }
0x293: {  	v47 =	vadd.f32 v47, v30;
	v56 =	vld.idx.msk [tilespmem:v35+s17+$0x0], $0xffff;
	[tilespmem:v32+s31+$0x0] =	vst.idx.msk $0xffff, v3  }
0x294: {  	s0 =	simm.s32 $0x15040;
	v3 =	vadd.f32 v55, v31;
	v49 =	vld.idx.msk [tilespmem:v49+s17+$0x0], $0xffff;
	[tilespmem:v32+s10+$0x0] =	vst.idx.msk $0xffff, v45  }
.Ltmp3:
0x295: {  	v6 =	vadd.f32 v6, v48;
	[tilespmem:v50+s2+$0x0] =	vst.idx.msk $0xffff, v47;
	v53 =	vld.idx.msk [tilespmem:v43+s28+$0x0], $0xffff;
	(pc) =	sbr.rel @p1 .LBB2_9-.Ltmp3, $4  }
0x296: {  	v52 =	vld.idx.msk [tilespmem:v41+s17+$0x0], $0xffff;
	[tilespmem:v50+s12+$0x0] =	vst.idx.msk $0xffff, v3;
	v3 =	vadd.f32 v46, v34  }
0x297: {  	v45 =	vadd.f32 v4, v33;
	v33 =	vmov v48;
	v46 =	vld.idx.msk [tilespmem:v38+s17+$0x0], $0xffff;
	[tilespmem:v50+s31+$0x0] =	vst.idx.msk $0xffff, v6  }
0x298: {  	v57 =	vadd.f32 v5, v30;
	v55 =	vld.idx.msk [tilespmem:v39+s17+$0x0], $0xffff;
	[tilespmem:v50+s14+$0x0] =	vst.idx.msk $0xffff, v3  }
0x299: {  	v56 =	vadd.f32 v56, v31;
	v54 =	vld.idx.msk [tilespmem:v40+s17+$0x0], $0xffff;
	[tilespmem:v42+s18+$0x0] =	vst.idx.msk $0xffff, v60;
	v42 =	vmov v50  }
0x29a: {  	_ =	sdelay $0x3  }
0x29b: {  	s2 =	simm.s32 $0x13840;
	v3 =	vadd.f32 v53, v34;
	[tilespmem:v29+s13+$0x0] =	vst.idx.msk $0xffff, v51  }
0x29c: {  	s1 =	simm.s32 $0x15050;
	[tilespmem:v32+s2+$0x0] =	vst.idx.msk $0xffff, v57;
	v4 =	vadd.f32 v52, v30  }
0x29d: {  	v5 =	vld.idx.msk [tilespmem:v37+s28+$0x0], $0xffff;
	v6 =	vadd.f32 v46, v31;
	[tilespmem:v32+s1+$0x0] =	vst.idx.msk $0xffff, v3  }
0x29e: {  	s3 =	simm.s32 $0x14040;
	[tilespmem:v42+s2+$0x0] =	vst.idx.msk $0xffff, v4;
	v3 =	vadd.f32 v55, v33;
	v4 =	vld.idx.msk [tilespmem:v43+s20+$0x0], $0xffff  }
0x29f: {  	s31 =	simm.s32 $0x14840;
	v52 =	vld.idx.msk [tilespmem:v41+s28+$0x0], $0xffff;
	[tilespmem:v42+s3+$0x0] =	vst.idx.msk $0xffff, v6;
	v6 =	vadd.f32 v54, v34  }
0x2a0: {  	v48 =	vld.idx.msk [tilespmem:v38+s28+$0x0], $0xffff;
	[tilespmem:v42+s31+$0x0] =	vst.idx.msk $0xffff, v3  }
0x2a1: {  	v47 =	vadd.f32 v49, v33;
	v3 =	vld.idx.msk [tilespmem:v39+s28+$0x0], $0xffff;
	[tilespmem:v42+s0+$0x0] =	vst.idx.msk $0xffff, v6  }
0x2a2: {  	[tilespmem:v32+s3+$0x0] =	vst.idx.msk $0xffff, v56;
	v5 =	vadd.f32 v5, v30;
	v6 =	vld.idx.msk [tilespmem:v40+s28+$0x0], $0xffff  }
0x2a3: {  	[tilespmem:v32+s31+$0x0] =	vst.idx.msk $0xffff, v47;
	v53 =	vld.idx.msk [tilespmem:v35+s28+$0x0], $0xffff;
	s3 =	simm.s32 $0x13850;
	v4 =	vadd.f32 v4, v34  }
0x2a4: {  	s10 =	simm.s32 $0x15060;
	v54 =	vld.idx.msk [tilespmem:v36+s28+$0x0], $0xffff;
	[tilespmem:v32+s3+$0x0] =	vst.idx.msk $0xffff, v5;
	v5 =	vadd.f32 v52, v30  }
0x2a5: {  	v55 =	vld.idx.msk [tilespmem:v37+s20+$0x0], $0xffff;
	v48 =	vadd.f32 v48, v31;
	[tilespmem:v32+s10+$0x0] =	vst.idx.msk $0xffff, v4  }
0x2a6: {  	[tilespmem:v42+s3+$0x0] =	vst.idx.msk $0xffff, v5;
	v3 =	vadd.f32 v3, v33;
	v4 =	vld.idx.msk [tilespmem:v43+s19+$0x0], $0xffff  }
0x2a7: {  	v5 =	vld.idx.msk [tilespmem:v41+s20+$0x0], $0xffff;
	[tilespmem:v42+s8+$0x0] =	vst.idx.msk $0xffff, v48;
	v6 =	vadd.f32 v6, v34  }
0x2a8: {  	v56 =	vadd.f32 v53, v31;
	v57 =	vld.idx.msk [tilespmem:v38+s20+$0x0], $0xffff;
	[tilespmem:v42+s6+$0x0] =	vst.idx.msk $0xffff, v3  }
0x2a9: {  	v3 =	vadd.f32 v54, v33;
	v58 =	vld.idx.msk [tilespmem:v39+s20+$0x0], $0xffff;
	[tilespmem:v42+s1+$0x0] =	vst.idx.msk $0xffff, v6  }
0x2aa: {  	[tilespmem:v32+s8+$0x0] =	vst.idx.msk $0xffff, v56;
	v6 =	vadd.f32 v55, v30;
	v59 =	vld.idx.msk [tilespmem:v40+s20+$0x0], $0xffff  }
0x2ab: {  	[tilespmem:v32+s6+$0x0] =	vst.idx.msk $0xffff, v3;
	v3 =	vld.idx.msk [tilespmem:v35+s20+$0x0], $0xffff;
	v4 =	vadd.f32 v4, v34  }
0x2ac: {  	s12 =	simm.s32 $0x15070;
	v60 =	vld.idx.msk [tilespmem:v36+s20+$0x0], $0xffff;
	v5 =	vadd.f32 v5, v30;
	[tilespmem:v32+s15+$0x0] =	vst.idx.msk $0xffff, v6  }
0x2ad: {  	v6 =	vadd.f32 v57, v31;
	[tilespmem:v32+s12+$0x0] =	vst.idx.msk $0xffff, v4  }
0x2ae: {  	[tilespmem:v42+s15+$0x0] =	vst.idx.msk $0xffff, v5;
	v4 =	vadd.f32 v58, v33  }
0x2af: {  	[tilespmem:v42+s9+$0x0] =	vst.idx.msk $0xffff, v6;
	v5 =	vadd.f32 v59, v34;
	v6 =	vld.idx.msk [tilespmem:v41+s19+$0x0], $0xffff  }
0x2b0: {  	v3 =	vadd.f32 v3, v31;
	[tilespmem:v42+s23+$0x0] =	vst.idx.msk $0xffff, v4;
	v4 =	vld.idx.msk [tilespmem:v38+s19+$0x0], $0xffff  }
0x2b1: {  	[tilespmem:v42+s10+$0x0] =	vst.idx.msk $0xffff, v5;
	v5 =	vadd.f32 v60, v33;
	v61 =	vld.idx.msk [tilespmem:v39+s19+$0x0], $0xffff  }
0x2b2: {  	[tilespmem:v32+s9+$0x0] =	vst.idx.msk $0xffff, v3;
	v3 =	vld.idx.msk [tilespmem:v40+s19+$0x0], $0xffff  }
0x2b3: {  	[tilespmem:v32+s23+$0x0] =	vst.idx.msk $0xffff, v5;
	v5 =	vld.idx.msk [tilespmem:v37+s19+$0x0], $0xffff  }
0x2b4: {  	[tilespmem:v29+s7+$0x0] =	vst.idx.msk $0xffff, v44;
	v6 =	vadd.f32 v6, v30  }
0x2b5: {  	[tilespmem:v29+s5+$0x0] =	vst.idx.msk $0xffff, v45;
	v62 =	vld.idx.msk [tilespmem:v35+s19+$0x0], $0xffff;
	v4 =	vadd.f32 v4, v31  }
0x2b6: {  	v29 =	vld.idx.msk [tilespmem:v36+s19+$0x0], $0xffff;
	v63 =	vadd.f32 v61, v33;
	[tilespmem:v42+s13+$0x0] =	vst.idx.msk $0xffff, v6  }
0x2b7: {  	v3 =	vadd.f32 v3, v34;
	[tilespmem:v42+s7+$0x0] =	vst.idx.msk $0xffff, v4  }
0x2b8: {  	v4 =	vadd.f32 v5, v30;
	[tilespmem:v42+s5+$0x0] =	vst.idx.msk $0xffff, v63  }
0x2b9: {  	[tilespmem:v42+s12+$0x0] =	vst.idx.msk $0xffff, v3  }
0x2ba: {  	v5 =	vadd.f32 v62, v31;
	s0 =	rddreg [dreg:$0x13];
	[tilespmem:v32+s13+$0x0] =	vst.idx.msk $0xffff, v4  }
0x2bb: {  	v3 =	vadd.f32 v29, v33;
	s22 =	sshll.u32 s0, $0x12;
	s24 =	rddreg [dreg:$0x6]  }
0x2bc: {  	[tilespmem:v32+s7+$0x0] =	vst.idx.msk $0xffff, v5;
	s22 =	sor.u32 s24, s22  }
0x2bd: {  	s14 =	rddreg [dreg:$0x1];
	[tilespmem:v32+s5+$0x0] =	vst.idx.msk $0xffff, v3;
	s22 =	sshrl.u32 s22, $0x3  }
0x2be: {  	s26 =	simm.s32 $0x0;
	s15 =	rddreg [dreg:$0x7];
	s24 =	sadd.s32 s14, s22  }
0x2bf: {  	[hbm4b:s24+s26] =	stream.linear.scatter [tilespmem:s4], [sflag:$0x6], $0x400, $0x38;
	[tilespmem:$0x19A00] =	vst v63  }
0x2c0: {  	s17 =	simm.s32 $0x13C00;
	s18 =	rddreg [dreg:$0x8];
	s24 =	sadd.s32 s22, s15  }
0x2c1: {  	[hbm4b:s24+s26] =	stream.linear.scatter [tilespmem:s17], [sflag:$0x6], $0x400, $0x38;
	[tilespmem:$0x19A00] =	vst v63  }
0x2c2: {  	s19 =	rddreg [dreg:$0x9];
	s24 =	sadd.s32 s22, s18  }
0x2c3: {  	[hbm4b:s24+s26] =	stream.linear.scatter [tilespmem:s29], [sflag:$0x6], $0x400, $0x38;
	[tilespmem:$0x19A00] =	vst v63  }
0x2c4: {  	s20 =	simm.s32 $0x14400;
	s21 =	rddreg [dreg:$0xa];
	s24 =	sadd.s32 s22, s19  }
0x2c5: {  	[hbm4b:s24+s26] =	stream.linear.scatter [tilespmem:s20], [sflag:$0x6], $0x400, $0x38;
	[tilespmem:$0x19A00] =	vst v63  }
0x2c6: {  	s23 =	rddreg [dreg:$0xb];
	s24 =	sadd.s32 s22, s21  }
0x2c7: {  	[hbm4b:s24+s26] =	stream.linear.scatter [tilespmem:s16], [sflag:$0x6], $0x400, $0x38;
	[tilespmem:$0x19A00] =	vst v63  }
0x2c8: {  	s25 =	simm.s32 $0x14C00;
	s28 =	rddreg [dreg:$0xc];
	s24 =	sadd.s32 s22, s23  }
0x2c9: {  	[hbm4b:s24+s26] =	stream.linear.scatter [tilespmem:s25], [sflag:$0x6], $0x400, $0x38;
	[tilespmem:$0x19A00] =	vst v63  }
0x2ca: {  	s29 =	rddreg [dreg:$0xd];
	s24 =	sadd.s32 s22, s28  }
0x2cb: {  	[hbm4b:s24+s26] =	stream.linear.scatter [tilespmem:s11], [sflag:$0x6], $0x400, $0x38;
	[tilespmem:$0x19A00] =	vst v63  }
0x2cc: {  	s30 =	simm.s32 $0x15400;
	s31 =	simm.s32 $0x6;
	s22 =	sadd.s32 s22, s29  }
0x2cd: {  	[hbm4b:s22+s26] =	stream.linear.scatter [tilespmem:s30], [sflag:$0x6], $0x400, $0x38;
	[tilespmem:$0x19A00] =	vst v63  }
0x2ce: {  	_ =	swait.ge [sflag:s31], $0x400  }
0x2cf: {  	[sflag:s31] =	ssyncset.done $0x0  }
0x2d0: {  	[sflag:s31] =	ssyncadd.s32 $0xFFFFFC00  }
0x2d1: {  	_ =	swait.ge [sflag:s31], $0x400  }
0x2d2: {  	[sflag:s31] =	ssyncset.done $0x0  }
0x2d3: {  	[sflag:s31] =	ssyncadd.s32 $0xFFFFFC00  }
0x2d4: {  	_ =	swait.ge [sflag:s31], $0x400  }
0x2d5: {  	[sflag:s31] =	ssyncset.done $0x0  }
0x2d6: {  	[sflag:s31] =	ssyncadd.s32 $0xFFFFFC00  }
0x2d7: {  	_ =	swait.ge [sflag:s31], $0x400  }
0x2d8: {  	[sflag:s31] =	ssyncset.done $0x0  }
0x2d9: {  	[sflag:s31] =	ssyncadd.s32 $0xFFFFFC00  }
0x2da: {  	_ =	swait.ge [sflag:s31], $0x400  }
0x2db: {  	[sflag:s31] =	ssyncset.done $0x0  }
0x2dc: {  	[sflag:s31] =	ssyncadd.s32 $0xFFFFFC00  }
0x2dd: {  	_ =	swait.ge [sflag:s31], $0x400  }
0x2de: {  	[sflag:s31] =	ssyncset.done $0x0  }
0x2df: {  	[sflag:s31] =	ssyncadd.s32 $0xFFFFFC00  }
0x2e0: {  	_ =	swait.ge [sflag:s31], $0x400  }
.Ltmp4:
0x2e1: {  	[sflag:s31] =	ssyncset.done $0x0;
	(pc) =	sbr.rel @p0 .LBB2_12-.Ltmp4, $4  }
0x2e2: {  	[sflag:s31] =	ssyncadd.s32 $0xFFFFFC00  }
0x2e3: {  	_ =	swait.ge [sflag:s31], $0x400  }
0x2e4: {  	[sflag:s31] =	ssyncset.done $0x0  }
0x2e5: {  	[sflag:s31] =	ssyncadd.s32 $0xFFFFFC00  }
0x2e6: {  	s0 =	rddreg [dreg:$0x12]  }
0x2e7: {  	s22 =	sadd.s32 $0x5, s0  }
0x2e8: {  	v3 =	vmov s22;
	v4 =	vadd.s32 s22, v1  }
0x2e9: {  	v4 =	vand.u32 $0x1FF8, v4;
	v3 =	vand.u32 $0x5, v3  }
0x2ea: {  	v3 =	vor.u32 v3, v4;
	_ =	sdelay $0x2  }
0x2eb: {  	s20 =	sadd.s32 $0xC85, s0  }
0x2ec: {  	v5 =	vadd.s32 s20, v1;
	v4 =	vmov s20  }
0x2ed: {  	v5 =	vand.u32 $0x1FF8, v5;
	v4 =	vand.u32 $0x5, v4;
	v3 =	vld.idx.msk [tilespmem:v3+s26+$0x0], $0xffff  }
0x2ee: {  	v4 =	vor.u32 v4, v5;
	_ =	sdelay $0x2  }
0x2ef: {  	s21 =	sadd.s32 $0x1905, s0  }
0x2f0: {  	v5 =	vadd.s32 s21, v1;
	[tilespmem:$0x9680] =	vst v3;
	v3 =	vmov s21  }
0x2f1: {  	v5 =	vand.u32 $0x3FF8, v5;
	v4 =	vld.idx.msk [tilespmem:v4+s26+$0x0], $0xffff;
	v3 =	vand.u32 $0x5, v3  }
0x2f2: {  	v3 =	vor.u32 v3, v5;
	_ =	sdelay $0x2  }
0x2f3: {  	s23 =	sadd.s32 $0x2585, s0  }
0x2f4: {  	v5 =	vadd.s32 s23, v1;
	[tilespmem:$0x9690] =	vst v4;
	v4 =	vmov s23  }
0x2f5: {  	v5 =	vand.u32 $0x3FF8, v5;
	v3 =	vld.idx.msk [tilespmem:v3+s26+$0x0], $0xffff;
	v4 =	vand.u32 $0x5, v4  }
0x2f6: {  	v4 =	vor.u32 v4, v5;
	_ =	sdelay $0x2  }
0x2f7: {  	s24 =	sadd.s32 $0x3205, s0  }
0x2f8: {  	v5 =	vadd.s32 s24, v1;
	[tilespmem:$0x96A0] =	vst v3;
	v3 =	vmov s24  }
0x2f9: {  	v5 =	vand.u32 $0x7FF8, v5;
	v4 =	vld.idx.msk [tilespmem:v4+s26+$0x0], $0xffff;
	v3 =	vand.u32 $0x5, v3  }
0x2fa: {  	v3 =	vor.u32 v3, v5;
	_ =	sdelay $0x2  }
0x2fb: {  	s25 =	sadd.s32 $0x3E85, s0  }
0x2fc: {  	v5 =	vadd.s32 s25, v1;
	[tilespmem:$0x96B0] =	vst v4;
	v4 =	vmov s25  }
0x2fd: {  	v5 =	vand.u32 $0x7FF8, v5;
	v3 =	vld.idx.msk [tilespmem:v3+s26+$0x0], $0xffff;
	v4 =	vand.u32 $0x5, v4  }
0x2fe: {  	v4 =	vor.u32 v4, v5;
	_ =	sdelay $0x2  }
0x2ff: {  	s28 =	sadd.s32 $0x4B05, s0  }
0x300: {  	v5 =	vadd.s32 s28, v1;
	[tilespmem:$0x96C0] =	vst v3;
	v3 =	vmov s28  }
0x301: {  	v5 =	vand.u32 $0x5FF8, v5;
	v4 =	vld.idx.msk [tilespmem:v4+s26+$0x0], $0xffff;
	v3 =	vand.u32 $0x5, v3  }
0x302: {  	v3 =	vor.u32 v3, v5;
	_ =	sdelay $0x2  }
0x303: {  	s29 =	sadd.s32 $0x5785, s0  }
0x304: {  	v5 =	vadd.s32 s29, v1;
	[tilespmem:$0x96D0] =	vst v4;
	v4 =	vmov s29  }
0x305: {  	v5 =	vand.u32 $0x7FF8, v5;
	v3 =	vld.idx.msk [tilespmem:v3+s26+$0x0], $0xffff;
	v4 =	vand.u32 $0x5, v4  }
0x306: {  	v4 =	vor.u32 v4, v5;
	_ =	sdelay $0x3  }
0x307: {  	[tilespmem:$0x96E0] =	vst v3  }
0x308: {  	v3 =	vld.idx.msk [tilespmem:v4+s26+$0x0], $0xffff;
	_ =	sdelay $0x3  }
0x309: {  	s30 =	rddreg [dreg:$0x3]  }
0x30a: {  	s31 =	simm.s32 $0xB800;
	s1 =	simm.s32 $0x9680;
	s24 =	simm.s32 $0x80;
	[tilespmem:$0x96F0] =	vst v3  }
0x30b: {  	[tilespmem:s31], [sflag:$0x2] =	stream.indirect.gather [hbm4b:s30+s24], $0x40, s1, s24, $0xb8;
	[tilespmem:$0x19A00] =	vst v63  }
.LBB2_12:
0x30c: {  	s0 =	simm.s32 $0x3  }
0x30d: {  	_ =	swait.ge [sflag:s0], $0x2000  }
0x30e: {  	[sflag:s0] =	ssyncset.done $0x0  }
0x30f: {  	s22 =	simm.s32 $0x19810;
	[sflag:s0] =	ssyncadd.s32 $0xFFFFE000  }
0x310: {  	v3 =	vld [tilespmem:s22+$0x0];
	_ =	sdelay $0x4  }
0x311: {  	v3 =	vshll.u32 v3, $0x6  }
0x312: {  	s9 =	rddreg [dreg:$0x12];
	v32 =	vor.u32 v28, v3  }
0x313: {  	s0 =	sor.u32 $0x2, s9  }
0x314: {  	s24 =	simm.s32 $0x19910;
	v4 =	vld [tilespmem:s22+$0xFFFFFFF0];
	[dreg:$0x14] =	wrdreg s0;
	s10 =	sshll.u32 s0, $0x6  }
0x315: {  	v29 =	vld [tilespmem:s24+$0x0];
	s22 =	sand.u32 $0x3FFFFFC0, s10  }
0x316: {  	s1 =	simm.s32 $0xD800;
	v45 =	vld [tilespmem:s22+$0x6430]  }
0x317: {  	v51 =	vor.u32 v0, v3;
	v5 =	vld.idx.msk [tilespmem:v32+s1+$0x0], $0xffff  }
0x318: {  	v48 =	vld [tilespmem:s24+$0xFFFFFFF0];
	v50 =	vor.u32 v26, v3  }
0x319: {  	v46 =	vld [tilespmem:s22+$0x6400];
	v49 =	vor.u32 v27, v3  }
0x31a: {  	v44 =	vld [tilespmem:s22+$0x6410];
	v3 =	vshll.u32 v4, $0x6  }
0x31b: {  	v47 =	vld [tilespmem:s22+$0x6420];
	v54 =	vor.u32 v0, v3  }
0x31c: {  	v55 =	vor.u32 v26, v3;
	v4 =	vld.idx.msk [tilespmem:v51+s1+$0x0], $0xffff;
	v5 =	vadd.f32 v5, v45  }
0x31d: {  	s17 =	simm.s32 $0x17000;
	v52 =	vor.u32 v27, v3;
	v6 =	vld.idx.msk [tilespmem:v50+s1+$0x0], $0xffff  }
0x31e: {  	s2 =	simm.s32 $0xDC00;
	v53 =	vor.u32 v28, v3;
	v30 =	vld.idx.msk [tilespmem:v49+s1+$0x0], $0xffff;
	[tilespmem:v29+s17+$0x0] =	vst.idx.msk $0xffff, v5  }
0x31f: {  	v3 =	vld.idx.msk [tilespmem:v32+s2+$0x0], $0xffff  }
0x320: {  	v5 =	vld.idx.msk [tilespmem:v54+s1+$0x0], $0xffff  }
0x321: {  	v31 =	vld.idx.msk [tilespmem:v55+s1+$0x0], $0xffff;
	v4 =	vadd.f32 v4, v46  }
0x322: {  	s16 =	simm.s32 $0x15800;
	v33 =	vld.idx.msk [tilespmem:v52+s1+$0x0], $0xffff;
	v6 =	vadd.f32 v6, v44  }
0x323: {  	s15 =	simm.s32 $0x16000;
	v34 =	vld.idx.msk [tilespmem:v53+s1+$0x0], $0xffff;
	[tilespmem:v29+s16+$0x0] =	vst.idx.msk $0xffff, v4;
	v4 =	vadd.f32 v30, v47  }
0x324: {  	s7 =	simm.s32 $0x16800;
	[tilespmem:v29+s15+$0x0] =	vst.idx.msk $0xffff, v6;
	v30 =	vld.idx.msk [tilespmem:v51+s2+$0x0], $0xffff;
	v3 =	vadd.f32 v3, v45  }
0x325: {  	s11 =	simm.s32 $0x17010;
	v6 =	vld.idx.msk [tilespmem:v50+s2+$0x0], $0xffff;
	[tilespmem:v29+s7+$0x0] =	vst.idx.msk $0xffff, v4;
	v5 =	vadd.f32 v5, v46  }
0x326: {  	s4 =	simm.s32 $0xE000;
	v4 =	vadd.f32 v31, v44;
	v31 =	vld.idx.msk [tilespmem:v49+s2+$0x0], $0xffff;
	[tilespmem:v29+s11+$0x0] =	vst.idx.msk $0xffff, v3  }
0x327: {  	[tilespmem:v48+s16+$0x0] =	vst.idx.msk $0xffff, v5;
	v3 =	vadd.f32 v33, v47;
	v5 =	vld.idx.msk [tilespmem:v32+s4+$0x0], $0xffff  }
0x328: {  	v36 =	vadd.f32 v34, v45;
	[tilespmem:v48+s15+$0x0] =	vst.idx.msk $0xffff, v4;
	v37 =	vld.idx.msk [tilespmem:v54+s2+$0x0], $0xffff  }
0x329: {  	v4 =	vld.idx.msk [tilespmem:v55+s2+$0x0], $0xffff;
	[tilespmem:v48+s7+$0x0] =	vst.idx.msk $0xffff, v3;
	v3 =	vadd.f32 v30, v46  }
0x32a: {  	s18 =	simm.s32 $0x15810;
	[tilespmem:v48+s17+$0x0] =	vst.idx.msk $0xffff, v36;
	v6 =	vadd.f32 v6, v44;
	v30 =	vld.idx.msk [tilespmem:v52+s2+$0x0], $0xffff  }
0x32b: {  	s19 =	simm.s32 $0x16010;
	v33 =	vld.idx.msk [tilespmem:v53+s2+$0x0], $0xffff;
	[tilespmem:v29+s18+$0x0] =	vst.idx.msk $0xffff, v3;
	v3 =	vadd.f32 v31, v47  }
0x32c: {  	s25 =	simm.s32 $0x16810;
	[tilespmem:v29+s19+$0x0] =	vst.idx.msk $0xffff, v6;
	v31 =	vld.idx.msk [tilespmem:v51+s4+$0x0], $0xffff;
	v5 =	vadd.f32 v5, v45  }
0x32d: {  	s12 =	simm.s32 $0x17020;
	v38 =	vld.idx.msk [tilespmem:v50+s4+$0x0], $0xffff;
	v6 =	vadd.f32 v37, v46;
	[tilespmem:v29+s25+$0x0] =	vst.idx.msk $0xffff, v3  }
0x32e: {  	s6 =	simm.s32 $0xE400;
	v3 =	vadd.f32 v4, v44;
	v4 =	vld.idx.msk [tilespmem:v49+s4+$0x0], $0xffff;
	[tilespmem:v29+s12+$0x0] =	vst.idx.msk $0xffff, v5  }
0x32f: {  	[tilespmem:v48+s18+$0x0] =	vst.idx.msk $0xffff, v6;
	v5 =	vadd.f32 v30, v47;
	v6 =	vld.idx.msk [tilespmem:v32+s6+$0x0], $0xffff  }
0x330: {  	v30 =	vld.idx.msk [tilespmem:v54+s4+$0x0], $0xffff;
	[tilespmem:v48+s19+$0x0] =	vst.idx.msk $0xffff, v3;
	v3 =	vadd.f32 v33, v45  }
0x331: {  	s5 =	simm.s32 $0x17010;
	v39 =	vld.idx.msk [tilespmem:v55+s4+$0x0], $0xffff;
	[tilespmem:v48+s25+$0x0] =	vst.idx.msk $0xffff, v5;
	v5 =	vadd.f32 v31, v46  }
0x332: {  	s28 =	simm.s32 $0x15820;
	[tilespmem:v48+s5+$0x0] =	vst.idx.msk $0xffff, v3;
	v3 =	vadd.f32 v38, v44;
	v31 =	vld.idx.msk [tilespmem:v52+s4+$0x0], $0xffff  }
0x333: {  	s29 =	simm.s32 $0x16020;
	v40 =	vld.idx.msk [tilespmem:v53+s4+$0x0], $0xffff;
	[tilespmem:v29+s28+$0x0] =	vst.idx.msk $0xffff, v5;
	v4 =	vadd.f32 v4, v47  }
0x334: {  	s30 =	simm.s32 $0x16820;
	[tilespmem:v29+s29+$0x0] =	vst.idx.msk $0xffff, v3;
	v5 =	vld.idx.msk [tilespmem:v51+s6+$0x0], $0xffff;
	v3 =	vadd.f32 v6, v45  }
0x335: {  	s13 =	simm.s32 $0x17030;
	v6 =	vadd.f32 v30, v46;
	v30 =	vld.idx.msk [tilespmem:v50+s6+$0x0], $0xffff;
	[tilespmem:v29+s30+$0x0] =	vst.idx.msk $0xffff, v4  }
0x336: {  	s8 =	simm.s32 $0xE800;
	v4 =	vadd.f32 v39, v44;
	v41 =	vld.idx.msk [tilespmem:v49+s6+$0x0], $0xffff;
	[tilespmem:v29+s13+$0x0] =	vst.idx.msk $0xffff, v3  }
0x337: {  	[tilespmem:v48+s28+$0x0] =	vst.idx.msk $0xffff, v6;
	v3 =	vadd.f32 v31, v47;
	v6 =	vld.idx.msk [tilespmem:v32+s8+$0x0], $0xffff  }
0x338: {  	[tilespmem:v48+s29+$0x0] =	vst.idx.msk $0xffff, v4;
	v4 =	vadd.f32 v40, v45;
	v31 =	vld.idx.msk [tilespmem:v54+s6+$0x0], $0xffff  }
0x339: {  	s3 =	simm.s32 $0x17020;
	v42 =	vld.idx.msk [tilespmem:v55+s6+$0x0], $0xffff;
	[tilespmem:v48+s30+$0x0] =	vst.idx.msk $0xffff, v3  }
0x33a: {  	v3 =	vadd.f32 v5, v46;
	[tilespmem:v48+s3+$0x0] =	vst.idx.msk $0xffff, v4;
	v5 =	vld.idx.msk [tilespmem:v52+s6+$0x0], $0xffff  }
0x33b: {  	s9 =	simm.s32 $0x15830;
	v4 =	vadd.f32 v30, v44;
	v30 =	vld.idx.msk [tilespmem:v53+s6+$0x0], $0xffff  }
0x33c: {  	s20 =	simm.s32 $0x16030;
	v34 =	vld [tilespmem:s22+$0x6430];
	[tilespmem:v29+s9+$0x0] =	vst.idx.msk $0xffff, v3;
	v3 =	vadd.f32 v41, v47  }
0x33d: {  	s31 =	simm.s32 $0x16830;
	v43 =	vld.idx.msk [tilespmem:v51+s8+$0x0], $0xffff;
	[tilespmem:v29+s20+$0x0] =	vst.idx.msk $0xffff, v4;
	v4 =	vadd.f32 v6, v45  }
0x33e: {  	s21 =	simm.s32 $0x17040;
	v6 =	vadd.f32 v31, v46;
	v31 =	vld.idx.msk [tilespmem:v50+s8+$0x0], $0xffff;
	[tilespmem:v29+s31+$0x0] =	vst.idx.msk $0xffff, v3;
	v3 =	vadd.f32 v42, v44  }
0x33f: {  	v56 =	vld.idx.msk [tilespmem:v49+s8+$0x0], $0xffff;
	[tilespmem:v29+s21+$0x0] =	vst.idx.msk $0xffff, v4  }
0x340: {  	s10 =	simm.s32 $0xEC00;
	v4 =	vadd.f32 v5, v47;
	[tilespmem:v48+s20+$0x0] =	vst.idx.msk $0xffff, v3;
	v3 =	vadd.f32 v30, v45;
	v30 =	vld [tilespmem:s22+$0x6400]  }
0x341: {  	[tilespmem:v48+s9+$0x0] =	vst.idx.msk $0xffff, v6;
	v5 =	vld.idx.msk [tilespmem:v32+s10+$0x0], $0xffff  }
0x342: {  	s14 =	simm.s32 $0x17030;
	v6 =	vld.idx.msk [tilespmem:v54+s8+$0x0], $0xffff;
	[tilespmem:v48+s31+$0x0] =	vst.idx.msk $0xffff, v4  }
0x343: {  	v35 =	vld.idx.msk [tilespmem:v55+s8+$0x0], $0xffff;
	[tilespmem:v48+s14+$0x0] =	vst.idx.msk $0xffff, v3;
	v3 =	vadd.f32 v43, v46  }
0x344: {  	s11 =	simm.s32 $0x15840;
	v4 =	vld.idx.msk [tilespmem:v52+s8+$0x0], $0xffff  }
0x345: {  	v57 =	vld.idx.msk [tilespmem:v53+s8+$0x0], $0xffff;
	v31 =	vadd.f32 v31, v44;
	[tilespmem:v29+s11+$0x0] =	vst.idx.msk $0xffff, v3  }
0x346: {  	s23 =	simm.s32 $0x16040;
	v3 =	vadd.f32 v56, v47;
	v58 =	vld.idx.msk [tilespmem:v51+s10+$0x0], $0xffff  }
0x347: {  	s24 =	simm.s32 $0x16840;
	[tilespmem:v29+s23+$0x0] =	vst.idx.msk $0xffff, v31;
	v31 =	vld [tilespmem:s22+$0x6410];
	v5 =	vadd.f32 v5, v45  }
0x348: {  	s26 =	simm.s32 $0x17050;
	v6 =	vadd.f32 v6, v46;
	v36 =	vld.idx.msk [tilespmem:v50+s10+$0x0], $0xffff;
	[tilespmem:v29+s24+$0x0] =	vst.idx.msk $0xffff, v3  }
0x349: {  	s12 =	simm.s32 $0xF000;
	v3 =	vadd.f32 v35, v44;
	v59 =	vld.idx.msk [tilespmem:v49+s10+$0x0], $0xffff;
	[tilespmem:v29+s26+$0x0] =	vst.idx.msk $0xffff, v5  }
0x34a: {  	[tilespmem:v48+s11+$0x0] =	vst.idx.msk $0xffff, v6;
	v4 =	vadd.f32 v4, v47;
	v5 =	vld.idx.msk [tilespmem:v32+s12+$0x0], $0xffff  }
0x34b: {  	[tilespmem:v48+s23+$0x0] =	vst.idx.msk $0xffff, v3;
	v3 =	vadd.f32 v57, v45;
	v6 =	vld.idx.msk [tilespmem:v54+s10+$0x0], $0xffff  }
0x34c: {  	s13 =	simm.s32 $0x17040;
	v60 =	vld.idx.msk [tilespmem:v55+s10+$0x0], $0xffff;
	[tilespmem:v48+s24+$0x0] =	vst.idx.msk $0xffff, v4  }
0x34d: {  	[tilespmem:v48+s13+$0x0] =	vst.idx.msk $0xffff, v3;
	v3 =	vadd.f32 v58, v46;
	v4 =	vld.idx.msk [tilespmem:v52+s10+$0x0], $0xffff  }
0x34e: {  	s14 =	simm.s32 $0x15850;
	s24 =	simm.s32 $0x19830;
	v61 =	vld.idx.msk [tilespmem:v53+s10+$0x0], $0xffff;
	v63 =	vadd.f32 v36, v44  }
0x34f: {  	s21 =	simm.s32 $0x16050;
	v37 =	vld [tilespmem:s24+$0x0];
	[tilespmem:v29+s14+$0x0] =	vst.idx.msk $0xffff, v3;
	v5 =	vadd.f32 v5, v45  }
0x350: {  	s5 =	simm.s32 $0x17060;
	v38 =	vld [tilespmem:s24+$0xFFFFFFF0];
	[tilespmem:v29+s21+$0x0] =	vst.idx.msk $0xffff, v63;
	v6 =	vadd.f32 v6, v46  }
0x351: {  	v3 =	vld.idx.msk [tilespmem:v51+s12+$0x0], $0xffff;
	v33 =	vadd.f32 v60, v44;
	[tilespmem:v29+s5+$0x0] =	vst.idx.msk $0xffff, v5  }
0x352: {  	v58 =	vld.idx.msk [tilespmem:v50+s12+$0x0], $0xffff;
	[tilespmem:v48+s14+$0x0] =	vst.idx.msk $0xffff, v6  }
0x353: {  	s14 =	simm.s32 $0xF400;
	[tilespmem:v48+s21+$0x0] =	vst.idx.msk $0xffff, v33;
	v33 =	vld [tilespmem:s22+$0x6420]  }
0x354: {  	v4 =	vadd.f32 v4, v47;
	v5 =	vld.idx.msk [tilespmem:v32+s14+$0x0], $0xffff  }
0x355: {  	s0 =	simm.s32 $0x16850;
	v62 =	vadd.f32 v61, v45;
	v36 =	vshll.u32 v37, $0x6;
	v6 =	vld.idx.msk [tilespmem:v54+s12+$0x0], $0xffff  }
0x356: {  	v42 =	vld.idx.msk [tilespmem:v55+s12+$0x0], $0xffff;
	v43 =	vor.u32 v28, v36;
	[tilespmem:v48+s0+$0x0] =	vst.idx.msk $0xffff, v4  }
0x357: {  	v37 =	vor.u32 v0, v36;
	v4 =	vadd.f32 v59, v47;
	[tilespmem:v48+s26+$0x0] =	vst.idx.msk $0xffff, v62;
	v56 =	vld.idx.msk [tilespmem:v52+s12+$0x0], $0xffff  }
0x358: {  	v35 =	vor.u32 v26, v36;
	s26 =	simm.s32 $0x19930;
	v57 =	vld.idx.msk [tilespmem:v53+s12+$0x0], $0xffff  }
0x359: {  	v32 =	vld [tilespmem:s26+$0x0];
	[tilespmem:v29+s0+$0x0] =	vst.idx.msk $0xffff, v4;
	v4 =	vshll.u32 v38, $0x6  }
0x35a: {  	v41 =	vor.u32 v0, v4;
	v59 =	vld.idx.msk [tilespmem:v49+s12+$0x0], $0xffff;
	v38 =	vor.u32 v26, v4;
	v5 =	vadd.f32 v5, v45  }
0x35b: {  	s11 =	simm.s32 $0x17070;
	v39 =	vor.u32 v27, v4;
	v40 =	vor.u32 v28, v4;
	v4 =	vld.idx.msk [tilespmem:v43+s1+$0x0], $0xffff;
	v6 =	vadd.f32 v6, v46  }
0x35c: {  	s13 =	simm.s32 $0x15860;
	v42 =	vadd.f32 v42, v44;
	[tilespmem:v29+s11+$0x0] =	vst.idx.msk $0xffff, v5;
	v5 =	vld.idx.msk [tilespmem:v37+s1+$0x0], $0xffff  }
0x35d: {  	s23 =	simm.s32 $0x16060;
	[tilespmem:v48+s13+$0x0] =	vst.idx.msk $0xffff, v6;
	v6 =	vld.idx.msk [tilespmem:v35+s1+$0x0], $0xffff  }
0x35e: {  	[tilespmem:v48+s23+$0x0] =	vst.idx.msk $0xffff, v42;
	v42 =	vld [tilespmem:s26+$0xFFFFFFF0]  }
0x35f: {  	v36 =	vor.u32 v27, v36;
	v54 =	vld.idx.msk [tilespmem:v54+s14+$0x0], $0xffff  }
0x360: {  	v3 =	vadd.f32 v3, v46;
	v55 =	vld.idx.msk [tilespmem:v55+s14+$0x0], $0xffff  }
0x361: {  	v56 =	vadd.f32 v56, v47;
	v60 =	vld.idx.msk [tilespmem:v41+s1+$0x0], $0xffff  }
0x362: {  	s3 =	simm.s32 $0x16860;
	[tilespmem:v29+s13+$0x0] =	vst.idx.msk $0xffff, v3;
	v61 =	vld.idx.msk [tilespmem:v38+s1+$0x0], $0xffff;
	v4 =	vadd.f32 v4, v34  }
0x363: {  	v57 =	vadd.f32 v57, v45;
	v62 =	vld.idx.msk [tilespmem:v39+s1+$0x0], $0xffff;
	[tilespmem:v48+s3+$0x0] =	vst.idx.msk $0xffff, v56  }
0x364: {  	v56 =	vadd.f32 v58, v44;
	[tilespmem:v32+s17+$0x0] =	vst.idx.msk $0xffff, v4;
	v4 =	vld.idx.msk [tilespmem:v36+s1+$0x0], $0xffff  }
0x365: {  	[tilespmem:v48+s5+$0x0] =	vst.idx.msk $0xffff, v57;
	v57 =	vadd.f32 v59, v47;
	v63 =	vld.idx.msk [tilespmem:v43+s2+$0x0], $0xffff  }
0x366: {  	v3 =	vld.idx.msk [tilespmem:v40+s1+$0x0], $0xffff;
	[tilespmem:v29+s23+$0x0] =	vst.idx.msk $0xffff, v56;
	v5 =	vadd.f32 v5, v30  }
0x367: {  	v52 =	vld.idx.msk [tilespmem:v52+s14+$0x0], $0xffff;
	[tilespmem:v29+s3+$0x0] =	vst.idx.msk $0xffff, v57;
	v6 =	vadd.f32 v6, v31  }
0x368: {  	[tilespmem:v32+s16+$0x0] =	vst.idx.msk $0xffff, v5;
	v5 =	vld.idx.msk [tilespmem:v53+s14+$0x0], $0xffff;
	v60 =	vadd.f32 v60, v30  }
0x369: {  	[tilespmem:v32+s15+$0x0] =	vst.idx.msk $0xffff, v6;
	v53 =	vld.idx.msk [tilespmem:v37+s2+$0x0], $0xffff;
	v4 =	vadd.f32 v4, v33  }
0x36a: {  	v57 =	vld.idx.msk [tilespmem:v35+s2+$0x0], $0xffff;
	[tilespmem:v42+s16+$0x0] =	vst.idx.msk $0xffff, v60;
	v6 =	vadd.f32 v63, v34  }
0x36b: {  	s5 =	simm.s32 $0x17010;
	v50 =	vld.idx.msk [tilespmem:v50+s14+$0x0], $0xffff;
	v3 =	vadd.f32 v3, v34;
	[tilespmem:v32+s7+$0x0] =	vst.idx.msk $0xffff, v4  }
0x36c: {  	v4 =	vadd.f32 v61, v31;
	v58 =	vld.idx.msk [tilespmem:v36+s2+$0x0], $0xffff;
	[tilespmem:v32+s5+$0x0] =	vst.idx.msk $0xffff, v6  }
0x36d: {  	[tilespmem:v42+s17+$0x0] =	vst.idx.msk $0xffff, v3;
	v6 =	vadd.f32 v62, v33;
	v61 =	vld.idx.msk [tilespmem:v43+s4+$0x0], $0xffff  }
0x36e: {  	v62 =	vld.idx.msk [tilespmem:v41+s2+$0x0], $0xffff;
	v3 =	vadd.f32 v53, v30;
	[tilespmem:v42+s15+$0x0] =	vst.idx.msk $0xffff, v4  }
0x36f: {  	v57 =	vadd.f32 v57, v31;
	v63 =	vld.idx.msk [tilespmem:v38+s2+$0x0], $0xffff;
	[tilespmem:v42+s7+$0x0] =	vst.idx.msk $0xffff, v6  }
0x370: {  	v4 =	vadd.f32 v54, v46;
	[tilespmem:v32+s18+$0x0] =	vst.idx.msk $0xffff, v3;
	v6 =	vld.idx.msk [tilespmem:v39+s2+$0x0], $0xffff  }
0x371: {  	v60 =	vld.idx.msk [tilespmem:v40+s2+$0x0], $0xffff;
	s15 =	simm.s32 $0x15870;
	[tilespmem:v32+s19+$0x0] =	vst.idx.msk $0xffff, v57;
	v3 =	vadd.f32 v58, v33  }
0x372: {  	[tilespmem:v48+s15+$0x0] =	vst.idx.msk $0xffff, v4;
	v4 =	vld.idx.msk [tilespmem:v51+s14+$0x0], $0xffff;
	v56 =	vadd.f32 v61, v34  }
0x373: {  	s17 =	simm.s32 $0x17020;
	v51 =	vld.idx.msk [tilespmem:v37+s4+$0x0], $0xffff;
	v61 =	vadd.f32 v62, v30;
	[tilespmem:v32+s25+$0x0] =	vst.idx.msk $0xffff, v3  }
0x374: {  	v62 =	vld.idx.msk [tilespmem:v35+s4+$0x0], $0xffff;
	v3 =	vadd.f32 v63, v31;
	[tilespmem:v32+s17+$0x0] =	vst.idx.msk $0xffff, v56  }
0x375: {  	v63 =	vld.idx.msk [tilespmem:v36+s4+$0x0], $0xffff;
	[tilespmem:v42+s18+$0x0] =	vst.idx.msk $0xffff, v61;
	v6 =	vadd.f32 v6, v33  }
0x376: {  	v56 =	vld.idx.msk [tilespmem:v43+s6+$0x0], $0xffff;
	[tilespmem:v42+s19+$0x0] =	vst.idx.msk $0xffff, v3;
	v3 =	vadd.f32 v60, v34  }
0x377: {  	v57 =	vld.idx.msk [tilespmem:v41+s4+$0x0], $0xffff;
	v60 =	vadd.f32 v55, v44;
	[tilespmem:v42+s25+$0x0] =	vst.idx.msk $0xffff, v6  }
0x378: {  	v61 =	vld.idx.msk [tilespmem:v38+s4+$0x0], $0xffff;
	s25 =	simm.s32 $0x16070;
	[tilespmem:v42+s5+$0x0] =	vst.idx.msk $0xffff, v3;
	v3 =	vadd.f32 v51, v30  }
0x379: {  	v6 =	vld.idx.msk [tilespmem:v39+s4+$0x0], $0xffff;
	v58 =	vadd.f32 v62, v31;
	[tilespmem:v48+s25+$0x0] =	vst.idx.msk $0xffff, v60  }
0x37a: {  	v51 =	vld.idx.msk [tilespmem:v40+s4+$0x0], $0xffff;
	[tilespmem:v32+s28+$0x0] =	vst.idx.msk $0xffff, v3;
	v3 =	vadd.f32 v63, v33  }
0x37b: {  	v55 =	vld.idx.msk [tilespmem:v49+s14+$0x0], $0xffff;
	[tilespmem:v32+s29+$0x0] =	vst.idx.msk $0xffff, v58;
	v62 =	vadd.f32 v56, v34  }
0x37c: {  	s19 =	simm.s32 $0x17030;
	v53 =	vld.idx.msk [tilespmem:v37+s6+$0x0], $0xffff;
	v63 =	vadd.f32 v57, v30;
	[tilespmem:v32+s30+$0x0] =	vst.idx.msk $0xffff, v3  }
0x37d: {  	v60 =	vld.idx.msk [tilespmem:v35+s6+$0x0], $0xffff;
	v3 =	vadd.f32 v61, v31;
	[tilespmem:v32+s19+$0x0] =	vst.idx.msk $0xffff, v62  }
0x37e: {  	v61 =	vld.idx.msk [tilespmem:v36+s6+$0x0], $0xffff;
	[tilespmem:v42+s28+$0x0] =	vst.idx.msk $0xffff, v63;
	v6 =	vadd.f32 v6, v33  }
0x37f: {  	v54 =	vld.idx.msk [tilespmem:v43+s8+$0x0], $0xffff;
	[tilespmem:v42+s29+$0x0] =	vst.idx.msk $0xffff, v3;
	v3 =	vadd.f32 v51, v34  }
0x380: {  	v62 =	vadd.f32 v52, v47;
	v56 =	vld.idx.msk [tilespmem:v41+s6+$0x0], $0xffff;
	[tilespmem:v42+s30+$0x0] =	vst.idx.msk $0xffff, v6  }
0x381: {  	v52 =	vld.idx.msk [tilespmem:v38+s6+$0x0], $0xffff;
	[tilespmem:v42+s17+$0x0] =	vst.idx.msk $0xffff, v3;
	v3 =	vadd.f32 v53, v30;
	s17 =	simm.s32 $0x16870  }
0x382: {  	v6 =	vld.idx.msk [tilespmem:v39+s6+$0x0], $0xffff;
	v63 =	vadd.f32 v60, v31;
	[tilespmem:v48+s17+$0x0] =	vst.idx.msk $0xffff, v62  }
0x383: {  	v58 =	vld.idx.msk [tilespmem:v40+s6+$0x0], $0xffff;
	[tilespmem:v32+s9+$0x0] =	vst.idx.msk $0xffff, v3;
	v3 =	vadd.f32 v61, v33  }
0x384: {  	[tilespmem:v32+s20+$0x0] =	vst.idx.msk $0xffff, v63;
	v60 =	vld.idx.msk [tilespmem:v37+s8+$0x0], $0xffff;
	v61 =	vadd.f32 v54, v34  }
0x385: {  	s29 =	simm.s32 $0x17040;
	v62 =	vadd.f32 v56, v30;
	v63 =	vld.idx.msk [tilespmem:v35+s8+$0x0], $0xffff;
	[tilespmem:v32+s31+$0x0] =	vst.idx.msk $0xffff, v3  }
0x386: {  	v3 =	vadd.f32 v52, v31;
	v49 =	vld.idx.msk [tilespmem:v36+s8+$0x0], $0xffff;
	[tilespmem:v32+s29+$0x0] =	vst.idx.msk $0xffff, v61  }
0x387: {  	[tilespmem:v42+s9+$0x0] =	vst.idx.msk $0xffff, v62;
	v6 =	vadd.f32 v6, v33;
	v53 =	vld.idx.msk [tilespmem:v43+s10+$0x0], $0xffff  }
0x388: {  	v52 =	vld.idx.msk [tilespmem:v41+s8+$0x0], $0xffff;
	[tilespmem:v42+s20+$0x0] =	vst.idx.msk $0xffff, v3;
	v3 =	vadd.f32 v58, v34  }
0x389: {  	v5 =	vadd.f32 v5, v45;
	v51 =	vadd.f32 v4, v46;
	v46 =	vld.idx.msk [tilespmem:v38+s8+$0x0], $0xffff;
	[tilespmem:v42+s31+$0x0] =	vst.idx.msk $0xffff, v6  }
0x38a: {  	v44 =	vadd.f32 v50, v44;
	v45 =	vadd.f32 v55, v47;
	v55 =	vld.idx.msk [tilespmem:v39+s8+$0x0], $0xffff;
	[tilespmem:v42+s19+$0x0] =	vst.idx.msk $0xffff, v3  }
0x38b: {  	[tilespmem:v48+s11+$0x0] =	vst.idx.msk $0xffff, v5;
	s30 =	simm.s32 $0x8;
	v57 =	vadd.f32 v60, v30;
	v56 =	vadd.f32 v63, v31;
	v54 =	vld.idx.msk [tilespmem:v40+s8+$0x0], $0xffff  }
.LBB2_13:
0x38c: {  	s11 =	simm.s32 $0x15840  }
0x38d: {  	v47 =	vld [tilespmem:s22+$0x6400];
	v3 =	vadd.f32 v49, v33;
	s9 =	simm.s32 $0x16040;
	[tilespmem:v32+s11+$0x0] =	vst.idx.msk $0xffff, v57  }
0x38e: {  	v5 =	vadd.f32 v53, v34;
	s7 =	simm.s32 $0x16840;
	v4 =	vld.idx.msk [tilespmem:v37+s10+$0x0], $0xffff;
	[tilespmem:v32+s9+$0x0] =	vst.idx.msk $0xffff, v56  }
0x38f: {  	s5 =	simm.s32 $0x17050;
	v6 =	vadd.f32 v52, v30;
	v48 =	vld.idx.msk [tilespmem:v35+s10+$0x0], $0xffff;
	[tilespmem:v32+s7+$0x0] =	vst.idx.msk $0xffff, v3  }
0x390: {  	v3 =	vadd.f32 v46, v31;
	v49 =	vld.idx.msk [tilespmem:v36+s10+$0x0], $0xffff;
	[tilespmem:v32+s5+$0x0] =	vst.idx.msk $0xffff, v5  }
0x391: {  	v5 =	vadd.f32 v55, v33;
	[tilespmem:v42+s11+$0x0] =	vst.idx.msk $0xffff, v6;
	v6 =	vld.idx.msk [tilespmem:v43+s12+$0x0], $0xffff  }
0x392: {  	v50 =	vld.idx.msk [tilespmem:v41+s10+$0x0], $0xffff;
	[tilespmem:v42+s9+$0x0] =	vst.idx.msk $0xffff, v3;
	v3 =	vadd.f32 v54, v34  }
0x393: {  	s9 =	simm.s32 $0x17040;
	v52 =	vld.idx.msk [tilespmem:v38+s10+$0x0], $0xffff;
	[tilespmem:v42+s7+$0x0] =	vst.idx.msk $0xffff, v5  }
0x394: {  	v5 =	vld.idx.msk [tilespmem:v39+s10+$0x0], $0xffff;
	[tilespmem:v42+s9+$0x0] =	vst.idx.msk $0xffff, v3;
	v3 =	vadd.f32 v4, v30  }
0x395: {  	s11 =	simm.s32 $0x15850;
	v48 =	vadd.f32 v48, v31;
	v4 =	vld.idx.msk [tilespmem:v40+s10+$0x0], $0xffff;
	[tilespmem:v29+s15+$0x0] =	vst.idx.msk $0xffff, v51  }
0x396: {  	v46 =	vld [tilespmem:s22+$0x6410];
	[tilespmem:v32+s11+$0x0] =	vst.idx.msk $0xffff, v3;
	v3 =	vadd.f32 v49, v33  }
0x397: {  	s24 =	sadd.s32 $0x20, s24;
	v6 =	vadd.f32 v6, v34;
	v49 =	vld.idx.msk [tilespmem:v37+s12+$0x0], $0xffff;
	[tilespmem:v32+s21+$0x0] =	vst.idx.msk $0xffff, v48  }
0x398: {  	s30 =	sadd.s32 $0x8, s30;
	s7 =	simm.s32 $0x17060;
	v50 =	vadd.f32 v50, v30;
	v48 =	vld [tilespmem:s24+$0x0];
	[tilespmem:v32+s0+$0x0] =	vst.idx.msk $0xffff, v3  }
0x399: {  	p1 =	slt.u32 s30, $0x38;
	v51 =	vadd.f32 v52, v31;
	v3 =	vld [tilespmem:s24+$0xFFFFFFF0];
	[tilespmem:v32+s7+$0x0] =	vst.idx.msk $0xffff, v6  }
0x39a: {  	v5 =	vadd.f32 v5, v33;
	[tilespmem:v42+s11+$0x0] =	vst.idx.msk $0xffff, v50;
	v6 =	vld.idx.msk [tilespmem:v43+s14+$0x0], $0xffff  }
0x39b: {  	v4 =	vadd.f32 v4, v34;
	v50 =	vld.idx.msk [tilespmem:v41+s12+$0x0], $0xffff;
	[tilespmem:v42+s21+$0x0] =	vst.idx.msk $0xffff, v51  }
0x39c: {  	v51 =	vld.idx.msk [tilespmem:v38+s12+$0x0], $0xffff;
	[tilespmem:v42+s0+$0x0] =	vst.idx.msk $0xffff, v5  }
0x39d: {  	v5 =	vshll.u32 v48, $0x6;
	v53 =	vld.idx.msk [tilespmem:v39+s12+$0x0], $0xffff;
	[tilespmem:v42+s5+$0x0] =	vst.idx.msk $0xffff, v4;
	v4 =	vadd.f32 v49, v30  }
0x39e: {  	v3 =	vshll.u32 v3, $0x6;
	v54 =	vor.u32 v0, v5;
	v43 =	vor.u32 v28, v5;
	v55 =	vld.idx.msk [tilespmem:v40+s12+$0x0], $0xffff  }
0x39f: {  	v56 =	vor.u32 v0, v3;
	v57 =	vor.u32 v26, v3;
	v58 =	vor.u32 v27, v3;
	v59 =	vld.idx.msk [tilespmem:v35+s12+$0x0], $0xffff  }
0x3a0: {  	v52 =	vor.u32 v26, v5;
	v3 =	vor.u32 v28, v3;
	v6 =	vadd.f32 v6, v34;
	v60 =	vld.idx.msk [tilespmem:v36+s12+$0x0], $0xffff  }
0x3a1: {  	s26 =	sadd.s32 $0x20, s26;
	s11 =	simm.s32 $0x17070;
	v49 =	vor.u32 v27, v5;
	v5 =	vadd.f32 v50, v30;
	v48 =	vld [tilespmem:s22+$0x6420];
	[tilespmem:v32+s13+$0x0] =	vst.idx.msk $0xffff, v4  }
0x3a2: {  	v50 =	vadd.f32 v51, v31;
	v4 =	vld [tilespmem:s26+$0x0];
	[tilespmem:v32+s11+$0x0] =	vst.idx.msk $0xffff, v6  }
0x3a3: {  	v6 =	vld.idx.msk [tilespmem:v43+s1+$0x0], $0xffff;
	[tilespmem:v42+s13+$0x0] =	vst.idx.msk $0xffff, v5;
	v5 =	vadd.f32 v53, v33  }
0x3a4: {  	v51 =	vld [tilespmem:s22+$0x6430];
	[tilespmem:v42+s23+$0x0] =	vst.idx.msk $0xffff, v50;
	v50 =	vadd.f32 v55, v34  }
0x3a5: {  	v53 =	vld.idx.msk [tilespmem:v56+s1+$0x0], $0xffff;
	[tilespmem:v42+s3+$0x0] =	vst.idx.msk $0xffff, v5;
	v5 =	vadd.f32 v59, v31  }
0x3a6: {  	v55 =	vld.idx.msk [tilespmem:v57+s1+$0x0], $0xffff;
	[tilespmem:v42+s7+$0x0] =	vst.idx.msk $0xffff, v50;
	v50 =	vadd.f32 v60, v33  }
0x3a7: {  	v59 =	vld.idx.msk [tilespmem:v58+s1+$0x0], $0xffff;
	[tilespmem:v32+s23+$0x0] =	vst.idx.msk $0xffff, v5  }
0x3a8: {  	v5 =	vld.idx.msk [tilespmem:v3+s1+$0x0], $0xffff;
	[tilespmem:v32+s3+$0x0] =	vst.idx.msk $0xffff, v50  }
0x3a9: {  	v60 =	vld.idx.msk [tilespmem:v54+s1+$0x0], $0xffff;
	v6 =	vadd.f32 v6, v51;
	[tilespmem:v29+s25+$0x0] =	vst.idx.msk $0xffff, v44  }
0x3aa: {  	s18 =	simm.s32 $0x17000;
	v44 =	vld.idx.msk [tilespmem:v52+s1+$0x0], $0xffff;
	[tilespmem:v29+s17+$0x0] =	vst.idx.msk $0xffff, v45;
	v29 =	vmov v32;
	v32 =	vmov v4  }
0x3ab: {  	v45 =	vadd.f32 v53, v47;
	v53 =	vld.idx.msk [tilespmem:v49+s1+$0x0], $0xffff;
	[tilespmem:v4+s18+$0x0] =	vst.idx.msk $0xffff, v6  }
0x3ac: {  	v4 =	vadd.f32 v55, v46;
	v6 =	vld.idx.msk [tilespmem:v43+s2+$0x0], $0xffff  }
0x3ad: {  	v55 =	vadd.f32 v59, v48;
	v50 =	vld [tilespmem:s26+$0xFFFFFFF0]  }
0x3ae: {  	v5 =	vadd.f32 v5, v51;
	v59 =	vld.idx.msk [tilespmem:v41+s14+$0x0], $0xffff;
	v41 =	vmov v56  }
0x3af: {  	v56 =	vadd.f32 v60, v47;
	v60 =	vld.idx.msk [tilespmem:v38+s14+$0x0], $0xffff;
	v38 =	vmov v57  }
0x3b0: {  	s7 =	simm.s32 $0x15800;
	v44 =	vadd.f32 v44, v46;
	v57 =	vld.idx.msk [tilespmem:v39+s14+$0x0], $0xffff;
	v39 =	vmov v58  }
0x3b1: {  	s5 =	simm.s32 $0x16000;
	v53 =	vadd.f32 v53, v48;
	[tilespmem:v32+s7+$0x0] =	vst.idx.msk $0xffff, v56;
	v56 =	vld.idx.msk [tilespmem:v40+s14+$0x0], $0xffff;
	v40 =	vmov v3  }
0x3b2: {  	s19 =	simm.s32 $0x16800;
	v6 =	vadd.f32 v6, v51;
	v3 =	vld.idx.msk [tilespmem:v54+s2+$0x0], $0xffff;
	[tilespmem:v32+s5+$0x0] =	vst.idx.msk $0xffff, v44  }
0x3b3: {  	s28 =	simm.s32 $0x17010;
	v44 =	vld.idx.msk [tilespmem:v52+s2+$0x0], $0xffff;
	[tilespmem:v32+s19+$0x0] =	vst.idx.msk $0xffff, v53  }
0x3b4: {  	v53 =	vld.idx.msk [tilespmem:v49+s2+$0x0], $0xffff;
	[tilespmem:v32+s28+$0x0] =	vst.idx.msk $0xffff, v6;
	v6 =	vadd.f32 v59, v30  }
0x3b5: {  	s16 =	simm.s32 $0x15800;
	v58 =	vadd.f32 v60, v31;
	[tilespmem:v50+s7+$0x0] =	vst.idx.msk $0xffff, v45;
	v45 =	vld.idx.msk [tilespmem:v43+s4+$0x0], $0xffff  }
0x3b6: {  	s31 =	simm.s32 $0x16000;
	v59 =	vld.idx.msk [tilespmem:v41+s2+$0x0], $0xffff;
	[tilespmem:v50+s5+$0x0] =	vst.idx.msk $0xffff, v4;
	v4 =	vadd.f32 v57, v33  }
0x3b7: {  	s7 =	simm.s32 $0x16800;
	v60 =	vadd.f32 v56, v34;
	v34 =	vmov v51;
	v57 =	vld.idx.msk [tilespmem:v38+s2+$0x0], $0xffff;
	[tilespmem:v50+s19+$0x0] =	vst.idx.msk $0xffff, v55  }
0x3b8: {  	s5 =	simm.s32 $0x17000;
	v3 =	vadd.f32 v3, v47;
	v51 =	vld.idx.msk [tilespmem:v39+s2+$0x0], $0xffff;
	[tilespmem:v50+s18+$0x0] =	vst.idx.msk $0xffff, v5  }
0x3b9: {  	v44 =	vadd.f32 v44, v46;
	s18 =	simm.s32 $0x15810;
	v5 =	vld.idx.msk [tilespmem:v40+s2+$0x0], $0xffff;
	[tilespmem:v42+s15+$0x0] =	vst.idx.msk $0xffff, v6  }
0x3ba: {  	s19 =	simm.s32 $0x16010;
	[tilespmem:v32+s18+$0x0] =	vst.idx.msk $0xffff, v3;
	v3 =	vadd.f32 v53, v48;
	v6 =	vld.idx.msk [tilespmem:v37+s14+$0x0], $0xffff;
	v37 =	vmov v54  }
0x3bb: {  	s20 =	simm.s32 $0x16810;
	v53 =	vld.idx.msk [tilespmem:v54+s4+$0x0], $0xffff;
	[tilespmem:v32+s19+$0x0] =	vst.idx.msk $0xffff, v44;
	v44 =	vadd.f32 v45, v34  }
0x3bc: {  	s29 =	simm.s32 $0x17020;
	v45 =	vadd.f32 v59, v47;
	v54 =	vld.idx.msk [tilespmem:v52+s4+$0x0], $0xffff;
	[tilespmem:v32+s20+$0x0] =	vst.idx.msk $0xffff, v3  }
0x3bd: {  	v3 =	vadd.f32 v57, v46;
	v55 =	vld.idx.msk [tilespmem:v49+s4+$0x0], $0xffff;
	[tilespmem:v32+s29+$0x0] =	vst.idx.msk $0xffff, v44  }
0x3be: {  	v44 =	vadd.f32 v51, v48;
	[tilespmem:v50+s18+$0x0] =	vst.idx.msk $0xffff, v45;
	v45 =	vld.idx.msk [tilespmem:v43+s6+$0x0], $0xffff  }
0x3bf: {  	v56 =	vld.idx.msk [tilespmem:v41+s4+$0x0], $0xffff;
	[tilespmem:v50+s19+$0x0] =	vst.idx.msk $0xffff, v3;
	v3 =	vadd.f32 v5, v34  }
0x3c0: {  	v51 =	vadd.f32 v6, v30;
	v30 =	vmov v47;
	v5 =	vld.idx.msk [tilespmem:v38+s4+$0x0], $0xffff;
	[tilespmem:v50+s20+$0x0] =	vst.idx.msk $0xffff, v44  }
0x3c1: {  	v6 =	vld.idx.msk [tilespmem:v39+s4+$0x0], $0xffff;
	[tilespmem:v50+s28+$0x0] =	vst.idx.msk $0xffff, v3;
	v3 =	vadd.f32 v53, v30  }
0x3c2: {  	s18 =	simm.s32 $0x15820;
	v47 =	vadd.f32 v54, v46;
	v44 =	vld.idx.msk [tilespmem:v40+s4+$0x0], $0xffff;
	[tilespmem:v42+s25+$0x0] =	vst.idx.msk $0xffff, v58  }
0x3c3: {  	s19 =	simm.s32 $0x16020;
	[tilespmem:v32+s18+$0x0] =	vst.idx.msk $0xffff, v3;
	v3 =	vadd.f32 v55, v48;
	v53 =	vld.idx.msk [tilespmem:v35+s14+$0x0], $0xffff;
	v35 =	vmov v52  }
0x3c4: {  	s20 =	simm.s32 $0x16820;
	v45 =	vadd.f32 v45, v34;
	v54 =	vld.idx.msk [tilespmem:v37+s6+$0x0], $0xffff;
	[tilespmem:v32+s19+$0x0] =	vst.idx.msk $0xffff, v47  }
0x3c5: {  	s28 =	simm.s32 $0x17030;
	v47 =	vadd.f32 v56, v30;
	v52 =	vld.idx.msk [tilespmem:v52+s6+$0x0], $0xffff;
	[tilespmem:v32+s20+$0x0] =	vst.idx.msk $0xffff, v3  }
0x3c6: {  	v3 =	vadd.f32 v5, v46;
	v5 =	vld.idx.msk [tilespmem:v49+s6+$0x0], $0xffff;
	[tilespmem:v32+s28+$0x0] =	vst.idx.msk $0xffff, v45  }
0x3c7: {  	v6 =	vadd.f32 v6, v48;
	[tilespmem:v50+s18+$0x0] =	vst.idx.msk $0xffff, v47;
	v45 =	vld.idx.msk [tilespmem:v43+s8+$0x0], $0xffff  }
0x3c8: {  	v47 =	vld.idx.msk [tilespmem:v41+s6+$0x0], $0xffff;
	[tilespmem:v50+s19+$0x0] =	vst.idx.msk $0xffff, v3;
	v3 =	vadd.f32 v44, v34  }
0x3c9: {  	v44 =	vadd.f32 v53, v31;
	v31 =	vmov v46;
	v55 =	vld.idx.msk [tilespmem:v38+s6+$0x0], $0xffff;
	[tilespmem:v50+s20+$0x0] =	vst.idx.msk $0xffff, v6  }
0x3ca: {  	v6 =	vld.idx.msk [tilespmem:v39+s6+$0x0], $0xffff;
	[tilespmem:v50+s29+$0x0] =	vst.idx.msk $0xffff, v3;
	v3 =	vadd.f32 v54, v30  }
0x3cb: {  	s19 =	simm.s32 $0x15830;
	v52 =	vadd.f32 v52, v31;
	v46 =	vld.idx.msk [tilespmem:v40+s6+$0x0], $0xffff;
	[tilespmem:v42+s17+$0x0] =	vst.idx.msk $0xffff, v4  }
0x3cc: {  	s20 =	simm.s32 $0x16030;
	[tilespmem:v32+s19+$0x0] =	vst.idx.msk $0xffff, v3;
	v3 =	vadd.f32 v5, v48;
	v4 =	vld.idx.msk [tilespmem:v36+s14+$0x0], $0xffff;
	v36 =	vmov v49  }
0x3cd: {  	s29 =	simm.s32 $0x16830;
	v45 =	vadd.f32 v45, v34;
	v5 =	vld.idx.msk [tilespmem:v37+s8+$0x0], $0xffff;
	[tilespmem:v32+s20+$0x0] =	vst.idx.msk $0xffff, v52  }
0x3ce: {  	v47 =	vadd.f32 v47, v30;
	v56 =	vld.idx.msk [tilespmem:v35+s8+$0x0], $0xffff;
	[tilespmem:v32+s29+$0x0] =	vst.idx.msk $0xffff, v3  }
0x3cf: {  	s18 =	simm.s32 $0x17040;
	v3 =	vadd.f32 v55, v31;
	v49 =	vld.idx.msk [tilespmem:v49+s8+$0x0], $0xffff;
	[tilespmem:v32+s9+$0x0] =	vst.idx.msk $0xffff, v45  }
.Ltmp5:
0x3d0: {  	v6 =	vadd.f32 v6, v48;
	[tilespmem:v50+s19+$0x0] =	vst.idx.msk $0xffff, v47;
	v53 =	vld.idx.msk [tilespmem:v43+s10+$0x0], $0xffff;
	(pc) =	sbr.rel @p1 .LBB2_13-.Ltmp5, $4  }
0x3d1: {  	v52 =	vld.idx.msk [tilespmem:v41+s8+$0x0], $0xffff;
	[tilespmem:v50+s20+$0x0] =	vst.idx.msk $0xffff, v3;
	v3 =	vadd.f32 v46, v34  }
0x3d2: {  	v45 =	vadd.f32 v4, v33;
	v33 =	vmov v48;
	v46 =	vld.idx.msk [tilespmem:v38+s8+$0x0], $0xffff;
	[tilespmem:v50+s29+$0x0] =	vst.idx.msk $0xffff, v6  }
0x3d3: {  	v57 =	vadd.f32 v5, v30;
	v55 =	vld.idx.msk [tilespmem:v39+s8+$0x0], $0xffff;
	[tilespmem:v50+s28+$0x0] =	vst.idx.msk $0xffff, v3  }
0x3d4: {  	v56 =	vadd.f32 v56, v31;
	v54 =	vld.idx.msk [tilespmem:v40+s8+$0x0], $0xffff;
	[tilespmem:v42+s11+$0x0] =	vst.idx.msk $0xffff, v60;
	v42 =	vmov v50  }
0x3d5: {  	_ =	sdelay $0x2  }
0x3d6: {  	s4 =	simm.s32 $0x15840  }
0x3d7: {  	v3 =	vadd.f32 v53, v34;
	s2 =	simm.s32 $0x16040;
	[tilespmem:v32+s4+$0x0] =	vst.idx.msk $0xffff, v57  }
0x3d8: {  	s1 =	simm.s32 $0x17050;
	[tilespmem:v32+s2+$0x0] =	vst.idx.msk $0xffff, v56;
	v4 =	vadd.f32 v52, v30;
	v5 =	vld.idx.msk [tilespmem:v37+s10+$0x0], $0xffff  }
0x3d9: {  	v6 =	vadd.f32 v46, v31;
	[tilespmem:v32+s1+$0x0] =	vst.idx.msk $0xffff, v3;
	v53 =	vld.idx.msk [tilespmem:v35+s10+$0x0], $0xffff  }
0x3da: {  	[tilespmem:v42+s4+$0x0] =	vst.idx.msk $0xffff, v4;
	v3 =	vadd.f32 v55, v33;
	v4 =	vld.idx.msk [tilespmem:v43+s12+$0x0], $0xffff  }
0x3db: {  	s9 =	simm.s32 $0x16840;
	v52 =	vld.idx.msk [tilespmem:v41+s10+$0x0], $0xffff;
	[tilespmem:v42+s2+$0x0] =	vst.idx.msk $0xffff, v6;
	v6 =	vadd.f32 v54, v34  }
0x3dc: {  	v47 =	vadd.f32 v49, v33;
	v48 =	vld.idx.msk [tilespmem:v38+s10+$0x0], $0xffff;
	[tilespmem:v42+s9+$0x0] =	vst.idx.msk $0xffff, v3  }
0x3dd: {  	v3 =	vld.idx.msk [tilespmem:v39+s10+$0x0], $0xffff;
	[tilespmem:v42+s18+$0x0] =	vst.idx.msk $0xffff, v6  }
0x3de: {  	[tilespmem:v32+s9+$0x0] =	vst.idx.msk $0xffff, v47;
	v5 =	vadd.f32 v5, v30;
	v6 =	vld.idx.msk [tilespmem:v40+s10+$0x0], $0xffff  }
0x3df: {  	[tilespmem:v29+s15+$0x0] =	vst.idx.msk $0xffff, v51;
	v54 =	vld.idx.msk [tilespmem:v36+s10+$0x0], $0xffff;
	s10 =	simm.s32 $0x15850;
	v4 =	vadd.f32 v4, v34  }
0x3e0: {  	s11 =	simm.s32 $0x17060;
	[tilespmem:v32+s10+$0x0] =	vst.idx.msk $0xffff, v5;
	v5 =	vadd.f32 v52, v30  }
0x3e1: {  	v55 =	vld.idx.msk [tilespmem:v37+s12+$0x0], $0xffff;
	v48 =	vadd.f32 v48, v31;
	[tilespmem:v32+s11+$0x0] =	vst.idx.msk $0xffff, v4  }
0x3e2: {  	[tilespmem:v42+s10+$0x0] =	vst.idx.msk $0xffff, v5;
	v3 =	vadd.f32 v3, v33;
	v4 =	vld.idx.msk [tilespmem:v43+s14+$0x0], $0xffff  }
0x3e3: {  	v5 =	vld.idx.msk [tilespmem:v41+s12+$0x0], $0xffff;
	[tilespmem:v42+s21+$0x0] =	vst.idx.msk $0xffff, v48;
	v6 =	vadd.f32 v6, v34  }
0x3e4: {  	v56 =	vadd.f32 v53, v31;
	v57 =	vld.idx.msk [tilespmem:v38+s12+$0x0], $0xffff;
	[tilespmem:v42+s0+$0x0] =	vst.idx.msk $0xffff, v3  }
0x3e5: {  	v3 =	vadd.f32 v54, v33;
	v58 =	vld.idx.msk [tilespmem:v39+s12+$0x0], $0xffff;
	[tilespmem:v42+s1+$0x0] =	vst.idx.msk $0xffff, v6  }
0x3e6: {  	[tilespmem:v32+s21+$0x0] =	vst.idx.msk $0xffff, v56;
	v6 =	vadd.f32 v55, v30;
	v59 =	vld.idx.msk [tilespmem:v40+s12+$0x0], $0xffff  }
0x3e7: {  	[tilespmem:v32+s0+$0x0] =	vst.idx.msk $0xffff, v3;
	v3 =	vld.idx.msk [tilespmem:v35+s12+$0x0], $0xffff;
	v4 =	vadd.f32 v4, v34  }
0x3e8: {  	v60 =	vld.idx.msk [tilespmem:v36+s12+$0x0], $0xffff;
	s12 =	simm.s32 $0x17070;
	v5 =	vadd.f32 v5, v30;
	[tilespmem:v32+s13+$0x0] =	vst.idx.msk $0xffff, v6  }
0x3e9: {  	v6 =	vadd.f32 v57, v31;
	[tilespmem:v32+s12+$0x0] =	vst.idx.msk $0xffff, v4  }
0x3ea: {  	[tilespmem:v42+s13+$0x0] =	vst.idx.msk $0xffff, v5;
	v4 =	vadd.f32 v58, v33  }
0x3eb: {  	[tilespmem:v42+s23+$0x0] =	vst.idx.msk $0xffff, v6;
	v5 =	vadd.f32 v59, v34;
	v6 =	vld.idx.msk [tilespmem:v41+s14+$0x0], $0xffff  }
0x3ec: {  	v3 =	vadd.f32 v3, v31;
	[tilespmem:v42+s3+$0x0] =	vst.idx.msk $0xffff, v4;
	v4 =	vld.idx.msk [tilespmem:v38+s14+$0x0], $0xffff  }
0x3ed: {  	[tilespmem:v42+s11+$0x0] =	vst.idx.msk $0xffff, v5;
	v5 =	vadd.f32 v60, v33;
	v61 =	vld.idx.msk [tilespmem:v39+s14+$0x0], $0xffff  }
0x3ee: {  	[tilespmem:v32+s23+$0x0] =	vst.idx.msk $0xffff, v3;
	v3 =	vld.idx.msk [tilespmem:v40+s14+$0x0], $0xffff  }
0x3ef: {  	[tilespmem:v32+s3+$0x0] =	vst.idx.msk $0xffff, v5;
	v5 =	vld.idx.msk [tilespmem:v37+s14+$0x0], $0xffff  }
0x3f0: {  	[tilespmem:v29+s25+$0x0] =	vst.idx.msk $0xffff, v44;
	v6 =	vadd.f32 v6, v30  }
0x3f1: {  	[tilespmem:v29+s17+$0x0] =	vst.idx.msk $0xffff, v45;
	v4 =	vadd.f32 v4, v31  }
0x3f2: {  	v62 =	vld.idx.msk [tilespmem:v35+s14+$0x0], $0xffff;
	v63 =	vadd.f32 v61, v33;
	[tilespmem:v42+s15+$0x0] =	vst.idx.msk $0xffff, v6  }
0x3f3: {  	v29 =	vld.idx.msk [tilespmem:v36+s14+$0x0], $0xffff;
	v3 =	vadd.f32 v3, v34;
	[tilespmem:v42+s25+$0x0] =	vst.idx.msk $0xffff, v4  }
0x3f4: {  	v4 =	vadd.f32 v5, v30;
	[tilespmem:v42+s17+$0x0] =	vst.idx.msk $0xffff, v63  }
0x3f5: {  	[tilespmem:v42+s12+$0x0] =	vst.idx.msk $0xffff, v3  }
0x3f6: {  	s0 =	rddreg [dreg:$0x14];
	[tilespmem:v32+s15+$0x0] =	vst.idx.msk $0xffff, v4  }
0x3f7: {  	v5 =	vadd.f32 v62, v31;
	s22 =	sshll.u32 s0, $0x12;
	s24 =	rddreg [dreg:$0x6]  }
0x3f8: {  	v3 =	vadd.f32 v29, v33;
	s22 =	sor.u32 s24, s22  }
0x3f9: {  	s15 =	rddreg [dreg:$0x1];
	[tilespmem:v32+s25+$0x0] =	vst.idx.msk $0xffff, v5;
	s22 =	sshrl.u32 s22, $0x3  }
0x3fa: {  	s26 =	simm.s32 $0x0;
	[tilespmem:v32+s17+$0x0] =	vst.idx.msk $0xffff, v3;
	s24 =	sadd.s32 s15, s22  }
0x3fb: {  	[hbm4b:s24+s26] =	stream.linear.scatter [tilespmem:s16], [sflag:$0x7], $0x400, $0x38;
	[tilespmem:$0x19A00] =	vst v63  }
0x3fc: {  	s16 =	rddreg [dreg:$0x7]  }
0x3fd: {  	s17 =	simm.s32 $0x15C00;
	s18 =	rddreg [dreg:$0x8];
	s24 =	sadd.s32 s22, s16  }
0x3fe: {  	[hbm4b:s24+s26] =	stream.linear.scatter [tilespmem:s17], [sflag:$0x7], $0x400, $0x38;
	[tilespmem:$0x19A00] =	vst v63  }
0x3ff: {  	s19 =	rddreg [dreg:$0x9];
	s24 =	sadd.s32 s22, s18  }
0x400: {  	[hbm4b:s24+s26] =	stream.linear.scatter [tilespmem:s31], [sflag:$0x7], $0x400, $0x38;
	[tilespmem:$0x19A00] =	vst v63  }
0x401: {  	s20 =	simm.s32 $0x16400;
	s21 =	rddreg [dreg:$0xa];
	s24 =	sadd.s32 s22, s19  }
0x402: {  	[hbm4b:s24+s26] =	stream.linear.scatter [tilespmem:s20], [sflag:$0x7], $0x400, $0x38;
	[tilespmem:$0x19A00] =	vst v63  }
0x403: {  	s23 =	rddreg [dreg:$0xb];
	s24 =	sadd.s32 s22, s21  }
0x404: {  	[hbm4b:s24+s26] =	stream.linear.scatter [tilespmem:s7], [sflag:$0x7], $0x400, $0x38;
	[tilespmem:$0x19A00] =	vst v63  }
0x405: {  	s25 =	simm.s32 $0x16C00;
	s28 =	rddreg [dreg:$0xc];
	s24 =	sadd.s32 s22, s23  }
0x406: {  	[hbm4b:s24+s26] =	stream.linear.scatter [tilespmem:s25], [sflag:$0x7], $0x400, $0x38;
	[tilespmem:$0x19A00] =	vst v63  }
0x407: {  	s29 =	rddreg [dreg:$0xd];
	s24 =	sadd.s32 s22, s28  }
0x408: {  	[hbm4b:s24+s26] =	stream.linear.scatter [tilespmem:s5], [sflag:$0x7], $0x400, $0x38;
	[tilespmem:$0x19A00] =	vst v63  }
0x409: {  	s30 =	simm.s32 $0x17400;
	s31 =	simm.s32 $0x7;
	s22 =	sadd.s32 s22, s29  }
0x40a: {  	[hbm4b:s22+s26] =	stream.linear.scatter [tilespmem:s30], [sflag:$0x7], $0x400, $0x38;
	[tilespmem:$0x19A00] =	vst v63  }
0x40b: {  	_ =	swait.ge [sflag:s31], $0x400  }
0x40c: {  	[sflag:s31] =	ssyncset.done $0x0  }
0x40d: {  	[sflag:s31] =	ssyncadd.s32 $0xFFFFFC00  }
0x40e: {  	_ =	swait.ge [sflag:s31], $0x400  }
0x40f: {  	[sflag:s31] =	ssyncset.done $0x0  }
0x410: {  	[sflag:s31] =	ssyncadd.s32 $0xFFFFFC00  }
0x411: {  	_ =	swait.ge [sflag:s31], $0x400  }
0x412: {  	[sflag:s31] =	ssyncset.done $0x0  }
0x413: {  	[sflag:s31] =	ssyncadd.s32 $0xFFFFFC00  }
0x414: {  	_ =	swait.ge [sflag:s31], $0x400  }
0x415: {  	[sflag:s31] =	ssyncset.done $0x0  }
0x416: {  	[sflag:s31] =	ssyncadd.s32 $0xFFFFFC00  }
0x417: {  	_ =	swait.ge [sflag:s31], $0x400  }
0x418: {  	[sflag:s31] =	ssyncset.done $0x0  }
0x419: {  	[sflag:s31] =	ssyncadd.s32 $0xFFFFFC00  }
0x41a: {  	_ =	swait.ge [sflag:s31], $0x400  }
0x41b: {  	[sflag:s31] =	ssyncset.done $0x0  }
0x41c: {  	[sflag:s31] =	ssyncadd.s32 $0xFFFFFC00  }
0x41d: {  	_ =	swait.ge [sflag:s31], $0x400  }
.Ltmp6:
0x41e: {  	[sflag:s31] =	ssyncset.done $0x0;
	(pc) =	sbr.rel @p0 .LBB2_16-.Ltmp6, $4  }
0x41f: {  	[sflag:s31] =	ssyncadd.s32 $0xFFFFFC00  }
0x420: {  	_ =	swait.ge [sflag:s31], $0x400  }
0x421: {  	[sflag:s31] =	ssyncset.done $0x0  }
0x422: {  	[sflag:s31] =	ssyncadd.s32 $0xFFFFFC00  }
0x423: {  	s0 =	rddreg [dreg:$0x12]  }
0x424: {  	s22 =	sadd.s32 $0x6, s0  }
0x425: {  	v3 =	vmov s22;
	v4 =	vadd.s32 s22, v1  }
0x426: {  	v4 =	vand.u32 $0x1FF8, v4;
	v3 =	vand.u32 $0x6, v3  }
0x427: {  	v3 =	vor.u32 v3, v4;
	_ =	sdelay $0x2  }
0x428: {  	s20 =	sadd.s32 $0xC86, s0  }
0x429: {  	v5 =	vadd.s32 s20, v1;
	v4 =	vmov s20  }
0x42a: {  	v5 =	vand.u32 $0x1FF8, v5;
	v4 =	vand.u32 $0x6, v4;
	v3 =	vld.idx.msk [tilespmem:v3+s26+$0x0], $0xffff  }
0x42b: {  	v4 =	vor.u32 v4, v5;
	_ =	sdelay $0x2  }
0x42c: {  	s21 =	sadd.s32 $0x1906, s0  }
0x42d: {  	v5 =	vadd.s32 s21, v1;
	[tilespmem:$0x9700] =	vst v3;
	v3 =	vmov s21  }
0x42e: {  	v5 =	vand.u32 $0x3FF8, v5;
	v4 =	vld.idx.msk [tilespmem:v4+s26+$0x0], $0xffff;
	v3 =	vand.u32 $0x6, v3  }
0x42f: {  	v3 =	vor.u32 v3, v5;
	_ =	sdelay $0x2  }
0x430: {  	s23 =	sadd.s32 $0x2586, s0  }
0x431: {  	v5 =	vadd.s32 s23, v1;
	[tilespmem:$0x9710] =	vst v4;
	v4 =	vmov s23  }
0x432: {  	v5 =	vand.u32 $0x3FF8, v5;
	v3 =	vld.idx.msk [tilespmem:v3+s26+$0x0], $0xffff;
	v4 =	vand.u32 $0x6, v4  }
0x433: {  	v4 =	vor.u32 v4, v5;
	_ =	sdelay $0x2  }
0x434: {  	s24 =	sadd.s32 $0x3206, s0  }
0x435: {  	v5 =	vadd.s32 s24, v1;
	[tilespmem:$0x9720] =	vst v3;
	v3 =	vmov s24  }
0x436: {  	v5 =	vand.u32 $0x7FF8, v5;
	v4 =	vld.idx.msk [tilespmem:v4+s26+$0x0], $0xffff;
	v3 =	vand.u32 $0x6, v3  }
0x437: {  	v3 =	vor.u32 v3, v5;
	_ =	sdelay $0x2  }
0x438: {  	s25 =	sadd.s32 $0x3E86, s0  }
0x439: {  	v5 =	vadd.s32 s25, v1;
	[tilespmem:$0x9730] =	vst v4;
	v4 =	vmov s25  }
0x43a: {  	v5 =	vand.u32 $0x7FF8, v5;
	v3 =	vld.idx.msk [tilespmem:v3+s26+$0x0], $0xffff;
	v4 =	vand.u32 $0x6, v4  }
0x43b: {  	v4 =	vor.u32 v4, v5;
	_ =	sdelay $0x2  }
0x43c: {  	s28 =	sadd.s32 $0x4B06, s0  }
0x43d: {  	v5 =	vadd.s32 s28, v1;
	[tilespmem:$0x9740] =	vst v3;
	v3 =	vmov s28  }
0x43e: {  	v5 =	vand.u32 $0x5FF8, v5;
	v4 =	vld.idx.msk [tilespmem:v4+s26+$0x0], $0xffff;
	v3 =	vand.u32 $0x6, v3  }
0x43f: {  	v3 =	vor.u32 v3, v5;
	_ =	sdelay $0x2  }
0x440: {  	s29 =	sadd.s32 $0x5786, s0  }
0x441: {  	v5 =	vadd.s32 s29, v1;
	[tilespmem:$0x9750] =	vst v4;
	v4 =	vmov s29  }
0x442: {  	v5 =	vand.u32 $0x7FF8, v5;
	v3 =	vld.idx.msk [tilespmem:v3+s26+$0x0], $0xffff;
	v4 =	vand.u32 $0x6, v4  }
0x443: {  	v4 =	vor.u32 v4, v5;
	_ =	sdelay $0x3  }
0x444: {  	[tilespmem:$0x9760] =	vst v3  }
0x445: {  	v3 =	vld.idx.msk [tilespmem:v4+s26+$0x0], $0xffff;
	_ =	sdelay $0x3  }
0x446: {  	s30 =	rddreg [dreg:$0x3]  }
0x447: {  	s31 =	simm.s32 $0xD800;
	s1 =	simm.s32 $0x9700;
	s24 =	simm.s32 $0x80;
	[tilespmem:$0x9770] =	vst v3  }
0x448: {  	[tilespmem:s31], [sflag:$0x3] =	stream.indirect.gather [hbm4b:s30+s24], $0x40, s1, s24, $0xb8;
	[tilespmem:$0x19A00] =	vst v63  }
.LBB2_16:
0x449: {  	s0 =	simm.s32 $0x4  }
0x44a: {  	_ =	swait.ge [sflag:s0], $0x2000  }
0x44b: {  	[sflag:s0] =	ssyncset.done $0x0  }
0x44c: {  	s22 =	simm.s32 $0x19810;
	[sflag:s0] =	ssyncadd.s32 $0xFFFFE000  }
0x44d: {  	v3 =	vld [tilespmem:s22+$0x0];
	_ =	sdelay $0x4  }
0x44e: {  	v3 =	vshll.u32 v3, $0x6  }
0x44f: {  	v32 =	vor.u32 v28, v3  }
0x450: {  	s9 =	rddreg [dreg:$0x11]  }
0x451: {  	s24 =	simm.s32 $0x19910;
	s10 =	sshll.u32 s9, $0x6;
	v4 =	vld [tilespmem:s22+$0xFFFFFFF0]  }
0x452: {  	v29 =	vld [tilespmem:s24+$0x0];
	s22 =	sand.u32 $0x3FFFFFC0, s10  }
0x453: {  	s1 =	simm.s32 $0xF800;
	v45 =	vld [tilespmem:s22+$0x6430]  }
0x454: {  	v51 =	vor.u32 v0, v3;
	v5 =	vld.idx.msk [tilespmem:v32+s1+$0x0], $0xffff  }
0x455: {  	v48 =	vld [tilespmem:s24+$0xFFFFFFF0];
	v50 =	vor.u32 v26, v3  }
0x456: {  	v46 =	vld [tilespmem:s22+$0x6400];
	v49 =	vor.u32 v27, v3  }
0x457: {  	v44 =	vld [tilespmem:s22+$0x6410];
	v3 =	vshll.u32 v4, $0x6  }
0x458: {  	v47 =	vld [tilespmem:s22+$0x6420];
	v54 =	vor.u32 v0, v3  }
0x459: {  	v55 =	vor.u32 v26, v3;
	v4 =	vld.idx.msk [tilespmem:v51+s1+$0x0], $0xffff;
	v5 =	vadd.f32 v5, v45  }
0x45a: {  	s17 =	simm.s32 $0x19000;
	v52 =	vor.u32 v27, v3;
	v6 =	vld.idx.msk [tilespmem:v50+s1+$0x0], $0xffff  }
0x45b: {  	s2 =	simm.s32 $0xFC00;
	v53 =	vor.u32 v28, v3;
	v30 =	vld.idx.msk [tilespmem:v49+s1+$0x0], $0xffff;
	[tilespmem:v29+s17+$0x0] =	vst.idx.msk $0xffff, v5  }
0x45c: {  	v3 =	vld.idx.msk [tilespmem:v32+s2+$0x0], $0xffff  }
0x45d: {  	v5 =	vld.idx.msk [tilespmem:v54+s1+$0x0], $0xffff  }
0x45e: {  	v31 =	vld.idx.msk [tilespmem:v55+s1+$0x0], $0xffff;
	v4 =	vadd.f32 v4, v46  }
0x45f: {  	s16 =	simm.s32 $0x17800;
	v33 =	vld.idx.msk [tilespmem:v52+s1+$0x0], $0xffff;
	v6 =	vadd.f32 v6, v44  }
0x460: {  	s15 =	simm.s32 $0x18000;
	v34 =	vld.idx.msk [tilespmem:v53+s1+$0x0], $0xffff;
	[tilespmem:v29+s16+$0x0] =	vst.idx.msk $0xffff, v4;
	v4 =	vadd.f32 v30, v47  }
0x461: {  	s7 =	simm.s32 $0x18800;
	[tilespmem:v29+s15+$0x0] =	vst.idx.msk $0xffff, v6;
	v30 =	vld.idx.msk [tilespmem:v51+s2+$0x0], $0xffff;
	v3 =	vadd.f32 v3, v45  }
0x462: {  	s11 =	simm.s32 $0x19010;
	v6 =	vld.idx.msk [tilespmem:v50+s2+$0x0], $0xffff;
	[tilespmem:v29+s7+$0x0] =	vst.idx.msk $0xffff, v4;
	v5 =	vadd.f32 v5, v46  }
0x463: {  	s4 =	simm.s32 $0x10000;
	v4 =	vadd.f32 v31, v44;
	v31 =	vld.idx.msk [tilespmem:v49+s2+$0x0], $0xffff;
	[tilespmem:v29+s11+$0x0] =	vst.idx.msk $0xffff, v3  }
0x464: {  	[tilespmem:v48+s16+$0x0] =	vst.idx.msk $0xffff, v5;
	v3 =	vadd.f32 v33, v47;
	v5 =	vld.idx.msk [tilespmem:v32+s4+$0x0], $0xffff  }
0x465: {  	v36 =	vadd.f32 v34, v45;
	[tilespmem:v48+s15+$0x0] =	vst.idx.msk $0xffff, v4;
	v37 =	vld.idx.msk [tilespmem:v54+s2+$0x0], $0xffff  }
0x466: {  	v4 =	vld.idx.msk [tilespmem:v55+s2+$0x0], $0xffff;
	[tilespmem:v48+s7+$0x0] =	vst.idx.msk $0xffff, v3;
	v3 =	vadd.f32 v30, v46  }
0x467: {  	s18 =	simm.s32 $0x17810;
	[tilespmem:v48+s17+$0x0] =	vst.idx.msk $0xffff, v36;
	v6 =	vadd.f32 v6, v44;
	v30 =	vld.idx.msk [tilespmem:v52+s2+$0x0], $0xffff  }
0x468: {  	s19 =	simm.s32 $0x18010;
	v33 =	vld.idx.msk [tilespmem:v53+s2+$0x0], $0xffff;
	[tilespmem:v29+s18+$0x0] =	vst.idx.msk $0xffff, v3;
	v3 =	vadd.f32 v31, v47  }
0x469: {  	s25 =	simm.s32 $0x18810;
	[tilespmem:v29+s19+$0x0] =	vst.idx.msk $0xffff, v6;
	v31 =	vld.idx.msk [tilespmem:v51+s4+$0x0], $0xffff;
	v5 =	vadd.f32 v5, v45  }
0x46a: {  	s12 =	simm.s32 $0x19020;
	v38 =	vld.idx.msk [tilespmem:v50+s4+$0x0], $0xffff;
	v6 =	vadd.f32 v37, v46;
	[tilespmem:v29+s25+$0x0] =	vst.idx.msk $0xffff, v3  }
0x46b: {  	s6 =	simm.s32 $0x10400;
	v3 =	vadd.f32 v4, v44;
	v4 =	vld.idx.msk [tilespmem:v49+s4+$0x0], $0xffff;
	[tilespmem:v29+s12+$0x0] =	vst.idx.msk $0xffff, v5  }
0x46c: {  	[tilespmem:v48+s18+$0x0] =	vst.idx.msk $0xffff, v6;
	v5 =	vadd.f32 v30, v47;
	v6 =	vld.idx.msk [tilespmem:v32+s6+$0x0], $0xffff  }
0x46d: {  	v30 =	vld.idx.msk [tilespmem:v54+s4+$0x0], $0xffff;
	[tilespmem:v48+s19+$0x0] =	vst.idx.msk $0xffff, v3;
	v3 =	vadd.f32 v33, v45  }
0x46e: {  	s5 =	simm.s32 $0x19010;
	v39 =	vld.idx.msk [tilespmem:v55+s4+$0x0], $0xffff;
	[tilespmem:v48+s25+$0x0] =	vst.idx.msk $0xffff, v5;
	v5 =	vadd.f32 v31, v46  }
0x46f: {  	s28 =	simm.s32 $0x17820;
	[tilespmem:v48+s5+$0x0] =	vst.idx.msk $0xffff, v3;
	v3 =	vadd.f32 v38, v44;
	v31 =	vld.idx.msk [tilespmem:v52+s4+$0x0], $0xffff  }
0x470: {  	s29 =	simm.s32 $0x18020;
	v40 =	vld.idx.msk [tilespmem:v53+s4+$0x0], $0xffff;
	[tilespmem:v29+s28+$0x0] =	vst.idx.msk $0xffff, v5;
	v4 =	vadd.f32 v4, v47  }
0x471: {  	s30 =	simm.s32 $0x18820;
	[tilespmem:v29+s29+$0x0] =	vst.idx.msk $0xffff, v3;
	v5 =	vld.idx.msk [tilespmem:v51+s6+$0x0], $0xffff;
	v3 =	vadd.f32 v6, v45  }
0x472: {  	s13 =	simm.s32 $0x19030;
	v6 =	vadd.f32 v30, v46;
	v30 =	vld.idx.msk [tilespmem:v50+s6+$0x0], $0xffff;
	[tilespmem:v29+s30+$0x0] =	vst.idx.msk $0xffff, v4  }
0x473: {  	s8 =	simm.s32 $0x10800;
	v4 =	vadd.f32 v39, v44;
	v41 =	vld.idx.msk [tilespmem:v49+s6+$0x0], $0xffff;
	[tilespmem:v29+s13+$0x0] =	vst.idx.msk $0xffff, v3  }
0x474: {  	[tilespmem:v48+s28+$0x0] =	vst.idx.msk $0xffff, v6;
	v3 =	vadd.f32 v31, v47;
	v6 =	vld.idx.msk [tilespmem:v32+s8+$0x0], $0xffff  }
0x475: {  	[tilespmem:v48+s29+$0x0] =	vst.idx.msk $0xffff, v4;
	v4 =	vadd.f32 v40, v45;
	v31 =	vld.idx.msk [tilespmem:v54+s6+$0x0], $0xffff  }
0x476: {  	s3 =	simm.s32 $0x19020;
	v42 =	vld.idx.msk [tilespmem:v55+s6+$0x0], $0xffff;
	[tilespmem:v48+s30+$0x0] =	vst.idx.msk $0xffff, v3  }
0x477: {  	v3 =	vadd.f32 v5, v46;
	[tilespmem:v48+s3+$0x0] =	vst.idx.msk $0xffff, v4;
	v5 =	vld.idx.msk [tilespmem:v52+s6+$0x0], $0xffff  }
0x478: {  	s9 =	simm.s32 $0x17830;
	v4 =	vadd.f32 v30, v44;
	v30 =	vld.idx.msk [tilespmem:v53+s6+$0x0], $0xffff  }
0x479: {  	s20 =	simm.s32 $0x18030;
	v34 =	vld [tilespmem:s22+$0x6430];
	[tilespmem:v29+s9+$0x0] =	vst.idx.msk $0xffff, v3;
	v3 =	vadd.f32 v41, v47  }
0x47a: {  	s31 =	simm.s32 $0x18830;
	v43 =	vld.idx.msk [tilespmem:v51+s8+$0x0], $0xffff;
	[tilespmem:v29+s20+$0x0] =	vst.idx.msk $0xffff, v4;
	v4 =	vadd.f32 v6, v45  }
0x47b: {  	s21 =	simm.s32 $0x19040;
	v6 =	vadd.f32 v31, v46;
	v31 =	vld.idx.msk [tilespmem:v50+s8+$0x0], $0xffff;
	[tilespmem:v29+s31+$0x0] =	vst.idx.msk $0xffff, v3;
	v3 =	vadd.f32 v42, v44  }
0x47c: {  	v56 =	vld.idx.msk [tilespmem:v49+s8+$0x0], $0xffff;
	[tilespmem:v29+s21+$0x0] =	vst.idx.msk $0xffff, v4  }
0x47d: {  	s10 =	simm.s32 $0x10C00;
	v4 =	vadd.f32 v5, v47;
	[tilespmem:v48+s20+$0x0] =	vst.idx.msk $0xffff, v3;
	v3 =	vadd.f32 v30, v45;
	v30 =	vld [tilespmem:s22+$0x6400]  }
0x47e: {  	[tilespmem:v48+s9+$0x0] =	vst.idx.msk $0xffff, v6;
	v5 =	vld.idx.msk [tilespmem:v32+s10+$0x0], $0xffff  }
0x47f: {  	s14 =	simm.s32 $0x19030;
	v6 =	vld.idx.msk [tilespmem:v54+s8+$0x0], $0xffff;
	[tilespmem:v48+s31+$0x0] =	vst.idx.msk $0xffff, v4  }
0x480: {  	v35 =	vld.idx.msk [tilespmem:v55+s8+$0x0], $0xffff;
	[tilespmem:v48+s14+$0x0] =	vst.idx.msk $0xffff, v3;
	v3 =	vadd.f32 v43, v46  }
0x481: {  	s11 =	simm.s32 $0x17840;
	v4 =	vld.idx.msk [tilespmem:v52+s8+$0x0], $0xffff  }
0x482: {  	v57 =	vld.idx.msk [tilespmem:v53+s8+$0x0], $0xffff;
	v31 =	vadd.f32 v31, v44;
	[tilespmem:v29+s11+$0x0] =	vst.idx.msk $0xffff, v3  }
0x483: {  	s23 =	simm.s32 $0x18040;
	v3 =	vadd.f32 v56, v47;
	v58 =	vld.idx.msk [tilespmem:v51+s10+$0x0], $0xffff  }
0x484: {  	s24 =	simm.s32 $0x18840;
	[tilespmem:v29+s23+$0x0] =	vst.idx.msk $0xffff, v31;
	v31 =	vld [tilespmem:s22+$0x6410];
	v5 =	vadd.f32 v5, v45  }
0x485: {  	s26 =	simm.s32 $0x19050;
	v6 =	vadd.f32 v6, v46;
	v36 =	vld.idx.msk [tilespmem:v50+s10+$0x0], $0xffff;
	[tilespmem:v29+s24+$0x0] =	vst.idx.msk $0xffff, v3  }
0x486: {  	s12 =	simm.s32 $0x11000;
	v3 =	vadd.f32 v35, v44;
	v59 =	vld.idx.msk [tilespmem:v49+s10+$0x0], $0xffff;
	[tilespmem:v29+s26+$0x0] =	vst.idx.msk $0xffff, v5  }
0x487: {  	[tilespmem:v48+s11+$0x0] =	vst.idx.msk $0xffff, v6;
	v4 =	vadd.f32 v4, v47;
	v5 =	vld.idx.msk [tilespmem:v32+s12+$0x0], $0xffff  }
0x488: {  	[tilespmem:v48+s23+$0x0] =	vst.idx.msk $0xffff, v3;
	v3 =	vadd.f32 v57, v45;
	v6 =	vld.idx.msk [tilespmem:v54+s10+$0x0], $0xffff  }
0x489: {  	s13 =	simm.s32 $0x19040;
	v60 =	vld.idx.msk [tilespmem:v55+s10+$0x0], $0xffff;
	[tilespmem:v48+s24+$0x0] =	vst.idx.msk $0xffff, v4  }
0x48a: {  	[tilespmem:v48+s13+$0x0] =	vst.idx.msk $0xffff, v3;
	v3 =	vadd.f32 v58, v46;
	v4 =	vld.idx.msk [tilespmem:v52+s10+$0x0], $0xffff  }
0x48b: {  	s14 =	simm.s32 $0x17850;
	s24 =	simm.s32 $0x19830;
	v61 =	vld.idx.msk [tilespmem:v53+s10+$0x0], $0xffff;
	v63 =	vadd.f32 v36, v44  }
0x48c: {  	s21 =	simm.s32 $0x18050;
	v37 =	vld [tilespmem:s24+$0x0];
	[tilespmem:v29+s14+$0x0] =	vst.idx.msk $0xffff, v3;
	v5 =	vadd.f32 v5, v45  }
0x48d: {  	s5 =	simm.s32 $0x19060;
	v38 =	vld [tilespmem:s24+$0xFFFFFFF0];
	[tilespmem:v29+s21+$0x0] =	vst.idx.msk $0xffff, v63;
	v6 =	vadd.f32 v6, v46  }
0x48e: {  	v3 =	vld.idx.msk [tilespmem:v51+s12+$0x0], $0xffff;
	v33 =	vadd.f32 v60, v44;
	[tilespmem:v29+s5+$0x0] =	vst.idx.msk $0xffff, v5  }
0x48f: {  	v58 =	vld.idx.msk [tilespmem:v50+s12+$0x0], $0xffff;
	[tilespmem:v48+s14+$0x0] =	vst.idx.msk $0xffff, v6  }
0x490: {  	s14 =	simm.s32 $0x11400;
	[tilespmem:v48+s21+$0x0] =	vst.idx.msk $0xffff, v33;
	v33 =	vld [tilespmem:s22+$0x6420]  }
0x491: {  	v4 =	vadd.f32 v4, v47;
	v5 =	vld.idx.msk [tilespmem:v32+s14+$0x0], $0xffff  }
0x492: {  	s0 =	simm.s32 $0x18850;
	v62 =	vadd.f32 v61, v45;
	v36 =	vshll.u32 v37, $0x6;
	v6 =	vld.idx.msk [tilespmem:v54+s12+$0x0], $0xffff  }
0x493: {  	v42 =	vld.idx.msk [tilespmem:v55+s12+$0x0], $0xffff;
	v43 =	vor.u32 v28, v36;
	[tilespmem:v48+s0+$0x0] =	vst.idx.msk $0xffff, v4  }
0x494: {  	v37 =	vor.u32 v0, v36;
	v4 =	vadd.f32 v59, v47;
	[tilespmem:v48+s26+$0x0] =	vst.idx.msk $0xffff, v62;
	v56 =	vld.idx.msk [tilespmem:v52+s12+$0x0], $0xffff  }
0x495: {  	v35 =	vor.u32 v26, v36;
	s26 =	simm.s32 $0x19930;
	v57 =	vld.idx.msk [tilespmem:v53+s12+$0x0], $0xffff  }
0x496: {  	v32 =	vld [tilespmem:s26+$0x0];
	[tilespmem:v29+s0+$0x0] =	vst.idx.msk $0xffff, v4;
	v4 =	vshll.u32 v38, $0x6  }
0x497: {  	v41 =	vor.u32 v0, v4;
	v59 =	vld.idx.msk [tilespmem:v49+s12+$0x0], $0xffff;
	v38 =	vor.u32 v26, v4;
	v5 =	vadd.f32 v5, v45  }
0x498: {  	s11 =	simm.s32 $0x19070;
	v39 =	vor.u32 v27, v4;
	v40 =	vor.u32 v28, v4;
	v4 =	vld.idx.msk [tilespmem:v43+s1+$0x0], $0xffff;
	v6 =	vadd.f32 v6, v46  }
0x499: {  	s13 =	simm.s32 $0x17860;
	v42 =	vadd.f32 v42, v44;
	[tilespmem:v29+s11+$0x0] =	vst.idx.msk $0xffff, v5;
	v5 =	vld.idx.msk [tilespmem:v37+s1+$0x0], $0xffff  }
0x49a: {  	s23 =	simm.s32 $0x18060;
	[tilespmem:v48+s13+$0x0] =	vst.idx.msk $0xffff, v6;
	v6 =	vld.idx.msk [tilespmem:v35+s1+$0x0], $0xffff  }
0x49b: {  	[tilespmem:v48+s23+$0x0] =	vst.idx.msk $0xffff, v42;
	v42 =	vld [tilespmem:s26+$0xFFFFFFF0]  }
0x49c: {  	v36 =	vor.u32 v27, v36;
	v54 =	vld.idx.msk [tilespmem:v54+s14+$0x0], $0xffff  }
0x49d: {  	v3 =	vadd.f32 v3, v46;
	v55 =	vld.idx.msk [tilespmem:v55+s14+$0x0], $0xffff  }
0x49e: {  	v56 =	vadd.f32 v56, v47;
	v60 =	vld.idx.msk [tilespmem:v41+s1+$0x0], $0xffff  }
0x49f: {  	s3 =	simm.s32 $0x18860;
	[tilespmem:v29+s13+$0x0] =	vst.idx.msk $0xffff, v3;
	v61 =	vld.idx.msk [tilespmem:v38+s1+$0x0], $0xffff;
	v4 =	vadd.f32 v4, v34  }
0x4a0: {  	v57 =	vadd.f32 v57, v45;
	v62 =	vld.idx.msk [tilespmem:v39+s1+$0x0], $0xffff;
	[tilespmem:v48+s3+$0x0] =	vst.idx.msk $0xffff, v56  }
0x4a1: {  	v56 =	vadd.f32 v58, v44;
	[tilespmem:v32+s17+$0x0] =	vst.idx.msk $0xffff, v4;
	v4 =	vld.idx.msk [tilespmem:v36+s1+$0x0], $0xffff  }
0x4a2: {  	[tilespmem:v48+s5+$0x0] =	vst.idx.msk $0xffff, v57;
	v57 =	vadd.f32 v59, v47;
	v63 =	vld.idx.msk [tilespmem:v43+s2+$0x0], $0xffff  }
0x4a3: {  	v3 =	vld.idx.msk [tilespmem:v40+s1+$0x0], $0xffff;
	[tilespmem:v29+s23+$0x0] =	vst.idx.msk $0xffff, v56;
	v5 =	vadd.f32 v5, v30  }
0x4a4: {  	v52 =	vld.idx.msk [tilespmem:v52+s14+$0x0], $0xffff;
	[tilespmem:v29+s3+$0x0] =	vst.idx.msk $0xffff, v57;
	v6 =	vadd.f32 v6, v31  }
0x4a5: {  	[tilespmem:v32+s16+$0x0] =	vst.idx.msk $0xffff, v5;
	v5 =	vld.idx.msk [tilespmem:v53+s14+$0x0], $0xffff;
	v60 =	vadd.f32 v60, v30  }
0x4a6: {  	[tilespmem:v32+s15+$0x0] =	vst.idx.msk $0xffff, v6;
	v53 =	vld.idx.msk [tilespmem:v37+s2+$0x0], $0xffff;
	v4 =	vadd.f32 v4, v33  }
0x4a7: {  	v57 =	vld.idx.msk [tilespmem:v35+s2+$0x0], $0xffff;
	[tilespmem:v42+s16+$0x0] =	vst.idx.msk $0xffff, v60;
	v6 =	vadd.f32 v63, v34  }
0x4a8: {  	s5 =	simm.s32 $0x19010;
	v50 =	vld.idx.msk [tilespmem:v50+s14+$0x0], $0xffff;
	v3 =	vadd.f32 v3, v34;
	[tilespmem:v32+s7+$0x0] =	vst.idx.msk $0xffff, v4  }
0x4a9: {  	v4 =	vadd.f32 v61, v31;
	v58 =	vld.idx.msk [tilespmem:v36+s2+$0x0], $0xffff;
	[tilespmem:v32+s5+$0x0] =	vst.idx.msk $0xffff, v6  }
0x4aa: {  	[tilespmem:v42+s17+$0x0] =	vst.idx.msk $0xffff, v3;
	v6 =	vadd.f32 v62, v33;
	v61 =	vld.idx.msk [tilespmem:v43+s4+$0x0], $0xffff  }
0x4ab: {  	v62 =	vld.idx.msk [tilespmem:v41+s2+$0x0], $0xffff;
	v3 =	vadd.f32 v53, v30;
	[tilespmem:v42+s15+$0x0] =	vst.idx.msk $0xffff, v4  }
0x4ac: {  	v57 =	vadd.f32 v57, v31;
	v63 =	vld.idx.msk [tilespmem:v38+s2+$0x0], $0xffff;
	[tilespmem:v42+s7+$0x0] =	vst.idx.msk $0xffff, v6  }
0x4ad: {  	v4 =	vadd.f32 v54, v46;
	[tilespmem:v32+s18+$0x0] =	vst.idx.msk $0xffff, v3;
	v6 =	vld.idx.msk [tilespmem:v39+s2+$0x0], $0xffff  }
0x4ae: {  	v60 =	vld.idx.msk [tilespmem:v40+s2+$0x0], $0xffff;
	s15 =	simm.s32 $0x17870;
	[tilespmem:v32+s19+$0x0] =	vst.idx.msk $0xffff, v57;
	v3 =	vadd.f32 v58, v33  }
0x4af: {  	[tilespmem:v48+s15+$0x0] =	vst.idx.msk $0xffff, v4;
	v4 =	vld.idx.msk [tilespmem:v51+s14+$0x0], $0xffff;
	v56 =	vadd.f32 v61, v34  }
0x4b0: {  	s17 =	simm.s32 $0x19020;
	v51 =	vld.idx.msk [tilespmem:v37+s4+$0x0], $0xffff;
	v61 =	vadd.f32 v62, v30;
	[tilespmem:v32+s25+$0x0] =	vst.idx.msk $0xffff, v3  }
0x4b1: {  	v62 =	vld.idx.msk [tilespmem:v35+s4+$0x0], $0xffff;
	v3 =	vadd.f32 v63, v31;
	[tilespmem:v32+s17+$0x0] =	vst.idx.msk $0xffff, v56  }
0x4b2: {  	v63 =	vld.idx.msk [tilespmem:v36+s4+$0x0], $0xffff;
	[tilespmem:v42+s18+$0x0] =	vst.idx.msk $0xffff, v61;
	v6 =	vadd.f32 v6, v33  }
0x4b3: {  	v56 =	vld.idx.msk [tilespmem:v43+s6+$0x0], $0xffff;
	[tilespmem:v42+s19+$0x0] =	vst.idx.msk $0xffff, v3;
	v3 =	vadd.f32 v60, v34  }
0x4b4: {  	v57 =	vld.idx.msk [tilespmem:v41+s4+$0x0], $0xffff;
	v60 =	vadd.f32 v55, v44;
	[tilespmem:v42+s25+$0x0] =	vst.idx.msk $0xffff, v6  }
0x4b5: {  	v61 =	vld.idx.msk [tilespmem:v38+s4+$0x0], $0xffff;
	s25 =	simm.s32 $0x18070;
	[tilespmem:v42+s5+$0x0] =	vst.idx.msk $0xffff, v3;
	v3 =	vadd.f32 v51, v30  }
0x4b6: {  	v6 =	vld.idx.msk [tilespmem:v39+s4+$0x0], $0xffff;
	v58 =	vadd.f32 v62, v31;
	[tilespmem:v48+s25+$0x0] =	vst.idx.msk $0xffff, v60  }
0x4b7: {  	v51 =	vld.idx.msk [tilespmem:v40+s4+$0x0], $0xffff;
	[tilespmem:v32+s28+$0x0] =	vst.idx.msk $0xffff, v3;
	v3 =	vadd.f32 v63, v33  }
0x4b8: {  	v55 =	vld.idx.msk [tilespmem:v49+s14+$0x0], $0xffff;
	[tilespmem:v32+s29+$0x0] =	vst.idx.msk $0xffff, v58;
	v62 =	vadd.f32 v56, v34  }
0x4b9: {  	s19 =	simm.s32 $0x19030;
	v53 =	vld.idx.msk [tilespmem:v37+s6+$0x0], $0xffff;
	v63 =	vadd.f32 v57, v30;
	[tilespmem:v32+s30+$0x0] =	vst.idx.msk $0xffff, v3  }
0x4ba: {  	v60 =	vld.idx.msk [tilespmem:v35+s6+$0x0], $0xffff;
	v3 =	vadd.f32 v61, v31;
	[tilespmem:v32+s19+$0x0] =	vst.idx.msk $0xffff, v62  }
0x4bb: {  	v61 =	vld.idx.msk [tilespmem:v36+s6+$0x0], $0xffff;
	[tilespmem:v42+s28+$0x0] =	vst.idx.msk $0xffff, v63;
	v6 =	vadd.f32 v6, v33  }
0x4bc: {  	v54 =	vld.idx.msk [tilespmem:v43+s8+$0x0], $0xffff;
	[tilespmem:v42+s29+$0x0] =	vst.idx.msk $0xffff, v3;
	v3 =	vadd.f32 v51, v34  }
0x4bd: {  	v62 =	vadd.f32 v52, v47;
	v56 =	vld.idx.msk [tilespmem:v41+s6+$0x0], $0xffff;
	[tilespmem:v42+s30+$0x0] =	vst.idx.msk $0xffff, v6  }
0x4be: {  	v52 =	vld.idx.msk [tilespmem:v38+s6+$0x0], $0xffff;
	[tilespmem:v42+s17+$0x0] =	vst.idx.msk $0xffff, v3;
	v3 =	vadd.f32 v53, v30;
	s17 =	simm.s32 $0x18870  }
0x4bf: {  	v6 =	vld.idx.msk [tilespmem:v39+s6+$0x0], $0xffff;
	v63 =	vadd.f32 v60, v31;
	[tilespmem:v48+s17+$0x0] =	vst.idx.msk $0xffff, v62  }
0x4c0: {  	v58 =	vld.idx.msk [tilespmem:v40+s6+$0x0], $0xffff;
	[tilespmem:v32+s9+$0x0] =	vst.idx.msk $0xffff, v3;
	v3 =	vadd.f32 v61, v33  }
0x4c1: {  	[tilespmem:v32+s20+$0x0] =	vst.idx.msk $0xffff, v63;
	v60 =	vld.idx.msk [tilespmem:v37+s8+$0x0], $0xffff;
	v61 =	vadd.f32 v54, v34  }
0x4c2: {  	s29 =	simm.s32 $0x19040;
	v62 =	vadd.f32 v56, v30;
	v63 =	vld.idx.msk [tilespmem:v35+s8+$0x0], $0xffff;
	[tilespmem:v32+s31+$0x0] =	vst.idx.msk $0xffff, v3  }
0x4c3: {  	v3 =	vadd.f32 v52, v31;
	v49 =	vld.idx.msk [tilespmem:v36+s8+$0x0], $0xffff;
	[tilespmem:v32+s29+$0x0] =	vst.idx.msk $0xffff, v61  }
0x4c4: {  	[tilespmem:v42+s9+$0x0] =	vst.idx.msk $0xffff, v62;
	v6 =	vadd.f32 v6, v33;
	v53 =	vld.idx.msk [tilespmem:v43+s10+$0x0], $0xffff  }
0x4c5: {  	v52 =	vld.idx.msk [tilespmem:v41+s8+$0x0], $0xffff;
	[tilespmem:v42+s20+$0x0] =	vst.idx.msk $0xffff, v3;
	v3 =	vadd.f32 v58, v34  }
0x4c6: {  	v5 =	vadd.f32 v5, v45;
	v51 =	vadd.f32 v4, v46;
	v46 =	vld.idx.msk [tilespmem:v38+s8+$0x0], $0xffff;
	[tilespmem:v42+s31+$0x0] =	vst.idx.msk $0xffff, v6  }
0x4c7: {  	v44 =	vadd.f32 v50, v44;
	v45 =	vadd.f32 v55, v47;
	v55 =	vld.idx.msk [tilespmem:v39+s8+$0x0], $0xffff;
	[tilespmem:v42+s19+$0x0] =	vst.idx.msk $0xffff, v3  }
0x4c8: {  	[tilespmem:v48+s11+$0x0] =	vst.idx.msk $0xffff, v5;
	s30 =	simm.s32 $0x8;
	v57 =	vadd.f32 v60, v30;
	v56 =	vadd.f32 v63, v31;
	v54 =	vld.idx.msk [tilespmem:v40+s8+$0x0], $0xffff  }
.LBB2_17:
0x4c9: {  	s11 =	simm.s32 $0x17840  }
0x4ca: {  	v47 =	vld [tilespmem:s22+$0x6400];
	v3 =	vadd.f32 v49, v33;
	s9 =	simm.s32 $0x18040;
	[tilespmem:v32+s11+$0x0] =	vst.idx.msk $0xffff, v57  }
0x4cb: {  	v5 =	vadd.f32 v53, v34;
	s7 =	simm.s32 $0x18840;
	v4 =	vld.idx.msk [tilespmem:v37+s10+$0x0], $0xffff;
	[tilespmem:v32+s9+$0x0] =	vst.idx.msk $0xffff, v56  }
0x4cc: {  	s5 =	simm.s32 $0x19050;
	v6 =	vadd.f32 v52, v30;
	v48 =	vld.idx.msk [tilespmem:v35+s10+$0x0], $0xffff;
	[tilespmem:v32+s7+$0x0] =	vst.idx.msk $0xffff, v3  }
0x4cd: {  	v3 =	vadd.f32 v46, v31;
	v49 =	vld.idx.msk [tilespmem:v36+s10+$0x0], $0xffff;
	[tilespmem:v32+s5+$0x0] =	vst.idx.msk $0xffff, v5  }
0x4ce: {  	v5 =	vadd.f32 v55, v33;
	[tilespmem:v42+s11+$0x0] =	vst.idx.msk $0xffff, v6;
	v6 =	vld.idx.msk [tilespmem:v43+s12+$0x0], $0xffff  }
0x4cf: {  	v50 =	vld.idx.msk [tilespmem:v41+s10+$0x0], $0xffff;
	[tilespmem:v42+s9+$0x0] =	vst.idx.msk $0xffff, v3;
	v3 =	vadd.f32 v54, v34  }
0x4d0: {  	s9 =	simm.s32 $0x19040;
	v52 =	vld.idx.msk [tilespmem:v38+s10+$0x0], $0xffff;
	[tilespmem:v42+s7+$0x0] =	vst.idx.msk $0xffff, v5  }
0x4d1: {  	v5 =	vld.idx.msk [tilespmem:v39+s10+$0x0], $0xffff;
	[tilespmem:v42+s9+$0x0] =	vst.idx.msk $0xffff, v3;
	v3 =	vadd.f32 v4, v30  }
0x4d2: {  	s11 =	simm.s32 $0x17850;
	v48 =	vadd.f32 v48, v31;
	v4 =	vld.idx.msk [tilespmem:v40+s10+$0x0], $0xffff;
	[tilespmem:v29+s15+$0x0] =	vst.idx.msk $0xffff, v51  }
0x4d3: {  	v46 =	vld [tilespmem:s22+$0x6410];
	[tilespmem:v32+s11+$0x0] =	vst.idx.msk $0xffff, v3;
	v3 =	vadd.f32 v49, v33  }
0x4d4: {  	s24 =	sadd.s32 $0x20, s24;
	v6 =	vadd.f32 v6, v34;
	v49 =	vld.idx.msk [tilespmem:v37+s12+$0x0], $0xffff;
	[tilespmem:v32+s21+$0x0] =	vst.idx.msk $0xffff, v48  }
0x4d5: {  	s30 =	sadd.s32 $0x8, s30;
	s7 =	simm.s32 $0x19060;
	v50 =	vadd.f32 v50, v30;
	v48 =	vld [tilespmem:s24+$0x0];
	[tilespmem:v32+s0+$0x0] =	vst.idx.msk $0xffff, v3  }
0x4d6: {  	p0 =	slt.u32 s30, $0x38;
	v51 =	vadd.f32 v52, v31;
	v3 =	vld [tilespmem:s24+$0xFFFFFFF0];
	[tilespmem:v32+s7+$0x0] =	vst.idx.msk $0xffff, v6  }
0x4d7: {  	v5 =	vadd.f32 v5, v33;
	[tilespmem:v42+s11+$0x0] =	vst.idx.msk $0xffff, v50;
	v6 =	vld.idx.msk [tilespmem:v43+s14+$0x0], $0xffff  }
0x4d8: {  	v4 =	vadd.f32 v4, v34;
	v50 =	vld.idx.msk [tilespmem:v41+s12+$0x0], $0xffff;
	[tilespmem:v42+s21+$0x0] =	vst.idx.msk $0xffff, v51  }
0x4d9: {  	v51 =	vld.idx.msk [tilespmem:v38+s12+$0x0], $0xffff;
	[tilespmem:v42+s0+$0x0] =	vst.idx.msk $0xffff, v5  }
0x4da: {  	v5 =	vshll.u32 v48, $0x6;
	v53 =	vld.idx.msk [tilespmem:v39+s12+$0x0], $0xffff;
	[tilespmem:v42+s5+$0x0] =	vst.idx.msk $0xffff, v4;
	v4 =	vadd.f32 v49, v30  }
0x4db: {  	v3 =	vshll.u32 v3, $0x6;
	v54 =	vor.u32 v0, v5;
	v43 =	vor.u32 v28, v5;
	v55 =	vld.idx.msk [tilespmem:v40+s12+$0x0], $0xffff  }
0x4dc: {  	v56 =	vor.u32 v0, v3;
	v57 =	vor.u32 v26, v3;
	v58 =	vor.u32 v27, v3;
	v59 =	vld.idx.msk [tilespmem:v35+s12+$0x0], $0xffff  }
0x4dd: {  	v52 =	vor.u32 v26, v5;
	v3 =	vor.u32 v28, v3;
	v6 =	vadd.f32 v6, v34;
	v60 =	vld.idx.msk [tilespmem:v36+s12+$0x0], $0xffff  }
0x4de: {  	s26 =	sadd.s32 $0x20, s26;
	s11 =	simm.s32 $0x19070;
	v49 =	vor.u32 v27, v5;
	v5 =	vadd.f32 v50, v30;
	v48 =	vld [tilespmem:s22+$0x6420];
	[tilespmem:v32+s13+$0x0] =	vst.idx.msk $0xffff, v4  }
0x4df: {  	v50 =	vadd.f32 v51, v31;
	v4 =	vld [tilespmem:s26+$0x0];
	[tilespmem:v32+s11+$0x0] =	vst.idx.msk $0xffff, v6  }
0x4e0: {  	v6 =	vld.idx.msk [tilespmem:v43+s1+$0x0], $0xffff;
	[tilespmem:v42+s13+$0x0] =	vst.idx.msk $0xffff, v5;
	v5 =	vadd.f32 v53, v33  }
0x4e1: {  	v51 =	vld [tilespmem:s22+$0x6430];
	[tilespmem:v42+s23+$0x0] =	vst.idx.msk $0xffff, v50;
	v50 =	vadd.f32 v55, v34  }
0x4e2: {  	v53 =	vld.idx.msk [tilespmem:v56+s1+$0x0], $0xffff;
	[tilespmem:v42+s3+$0x0] =	vst.idx.msk $0xffff, v5;
	v5 =	vadd.f32 v59, v31  }
0x4e3: {  	v55 =	vld.idx.msk [tilespmem:v57+s1+$0x0], $0xffff;
	[tilespmem:v42+s7+$0x0] =	vst.idx.msk $0xffff, v50;
	v50 =	vadd.f32 v60, v33  }
0x4e4: {  	v59 =	vld.idx.msk [tilespmem:v58+s1+$0x0], $0xffff;
	[tilespmem:v32+s23+$0x0] =	vst.idx.msk $0xffff, v5  }
0x4e5: {  	v5 =	vld.idx.msk [tilespmem:v3+s1+$0x0], $0xffff;
	[tilespmem:v32+s3+$0x0] =	vst.idx.msk $0xffff, v50  }
0x4e6: {  	v60 =	vld.idx.msk [tilespmem:v54+s1+$0x0], $0xffff;
	v6 =	vadd.f32 v6, v51;
	[tilespmem:v29+s25+$0x0] =	vst.idx.msk $0xffff, v44  }
0x4e7: {  	s18 =	simm.s32 $0x19000;
	v44 =	vld.idx.msk [tilespmem:v52+s1+$0x0], $0xffff;
	[tilespmem:v29+s17+$0x0] =	vst.idx.msk $0xffff, v45;
	v29 =	vmov v32;
	v32 =	vmov v4  }
0x4e8: {  	v45 =	vadd.f32 v53, v47;
	v53 =	vld.idx.msk [tilespmem:v49+s1+$0x0], $0xffff;
	[tilespmem:v4+s18+$0x0] =	vst.idx.msk $0xffff, v6  }
0x4e9: {  	v4 =	vadd.f32 v55, v46;
	v6 =	vld.idx.msk [tilespmem:v43+s2+$0x0], $0xffff  }
0x4ea: {  	v55 =	vadd.f32 v59, v48;
	v50 =	vld [tilespmem:s26+$0xFFFFFFF0]  }
0x4eb: {  	v5 =	vadd.f32 v5, v51;
	v59 =	vld.idx.msk [tilespmem:v41+s14+$0x0], $0xffff;
	v41 =	vmov v56  }
0x4ec: {  	v56 =	vadd.f32 v60, v47;
	v60 =	vld.idx.msk [tilespmem:v38+s14+$0x0], $0xffff;
	v38 =	vmov v57  }
0x4ed: {  	s7 =	simm.s32 $0x17800;
	v44 =	vadd.f32 v44, v46;
	v57 =	vld.idx.msk [tilespmem:v39+s14+$0x0], $0xffff;
	v39 =	vmov v58  }
0x4ee: {  	s5 =	simm.s32 $0x18000;
	v53 =	vadd.f32 v53, v48;
	[tilespmem:v32+s7+$0x0] =	vst.idx.msk $0xffff, v56;
	v56 =	vld.idx.msk [tilespmem:v40+s14+$0x0], $0xffff;
	v40 =	vmov v3  }
0x4ef: {  	s19 =	simm.s32 $0x18800;
	v6 =	vadd.f32 v6, v51;
	v3 =	vld.idx.msk [tilespmem:v54+s2+$0x0], $0xffff;
	[tilespmem:v32+s5+$0x0] =	vst.idx.msk $0xffff, v44  }
0x4f0: {  	s28 =	simm.s32 $0x19010;
	v44 =	vld.idx.msk [tilespmem:v52+s2+$0x0], $0xffff;
	[tilespmem:v32+s19+$0x0] =	vst.idx.msk $0xffff, v53  }
0x4f1: {  	v53 =	vld.idx.msk [tilespmem:v49+s2+$0x0], $0xffff;
	[tilespmem:v32+s28+$0x0] =	vst.idx.msk $0xffff, v6;
	v6 =	vadd.f32 v59, v30  }
0x4f2: {  	s16 =	simm.s32 $0x17800;
	v58 =	vadd.f32 v60, v31;
	[tilespmem:v50+s7+$0x0] =	vst.idx.msk $0xffff, v45;
	v45 =	vld.idx.msk [tilespmem:v43+s4+$0x0], $0xffff  }
0x4f3: {  	s31 =	simm.s32 $0x18000;
	v59 =	vld.idx.msk [tilespmem:v41+s2+$0x0], $0xffff;
	[tilespmem:v50+s5+$0x0] =	vst.idx.msk $0xffff, v4;
	v4 =	vadd.f32 v57, v33  }
0x4f4: {  	s7 =	simm.s32 $0x18800;
	v60 =	vadd.f32 v56, v34;
	v34 =	vmov v51;
	v57 =	vld.idx.msk [tilespmem:v38+s2+$0x0], $0xffff;
	[tilespmem:v50+s19+$0x0] =	vst.idx.msk $0xffff, v55  }
0x4f5: {  	s5 =	simm.s32 $0x19000;
	v3 =	vadd.f32 v3, v47;
	v51 =	vld.idx.msk [tilespmem:v39+s2+$0x0], $0xffff;
	[tilespmem:v50+s18+$0x0] =	vst.idx.msk $0xffff, v5  }
0x4f6: {  	v44 =	vadd.f32 v44, v46;
	s18 =	simm.s32 $0x17810;
	v5 =	vld.idx.msk [tilespmem:v40+s2+$0x0], $0xffff;
	[tilespmem:v42+s15+$0x0] =	vst.idx.msk $0xffff, v6  }
0x4f7: {  	s19 =	simm.s32 $0x18010;
	[tilespmem:v32+s18+$0x0] =	vst.idx.msk $0xffff, v3;
	v3 =	vadd.f32 v53, v48;
	v6 =	vld.idx.msk [tilespmem:v37+s14+$0x0], $0xffff;
	v37 =	vmov v54  }
0x4f8: {  	s20 =	simm.s32 $0x18810;
	v53 =	vld.idx.msk [tilespmem:v54+s4+$0x0], $0xffff;
	[tilespmem:v32+s19+$0x0] =	vst.idx.msk $0xffff, v44;
	v44 =	vadd.f32 v45, v34  }
0x4f9: {  	s29 =	simm.s32 $0x19020;
	v45 =	vadd.f32 v59, v47;
	v54 =	vld.idx.msk [tilespmem:v52+s4+$0x0], $0xffff;
	[tilespmem:v32+s20+$0x0] =	vst.idx.msk $0xffff, v3  }
0x4fa: {  	v3 =	vadd.f32 v57, v46;
	v55 =	vld.idx.msk [tilespmem:v49+s4+$0x0], $0xffff;
	[tilespmem:v32+s29+$0x0] =	vst.idx.msk $0xffff, v44  }
0x4fb: {  	v44 =	vadd.f32 v51, v48;
	[tilespmem:v50+s18+$0x0] =	vst.idx.msk $0xffff, v45;
	v45 =	vld.idx.msk [tilespmem:v43+s6+$0x0], $0xffff  }
0x4fc: {  	v56 =	vld.idx.msk [tilespmem:v41+s4+$0x0], $0xffff;
	[tilespmem:v50+s19+$0x0] =	vst.idx.msk $0xffff, v3;
	v3 =	vadd.f32 v5, v34  }
0x4fd: {  	v51 =	vadd.f32 v6, v30;
	v30 =	vmov v47;
	v5 =	vld.idx.msk [tilespmem:v38+s4+$0x0], $0xffff;
	[tilespmem:v50+s20+$0x0] =	vst.idx.msk $0xffff, v44  }
0x4fe: {  	v6 =	vld.idx.msk [tilespmem:v39+s4+$0x0], $0xffff;
	[tilespmem:v50+s28+$0x0] =	vst.idx.msk $0xffff, v3;
	v3 =	vadd.f32 v53, v30  }
0x4ff: {  	s18 =	simm.s32 $0x17820;
	v47 =	vadd.f32 v54, v46;
	v44 =	vld.idx.msk [tilespmem:v40+s4+$0x0], $0xffff;
	[tilespmem:v42+s25+$0x0] =	vst.idx.msk $0xffff, v58  }
0x500: {  	s19 =	simm.s32 $0x18020;
	[tilespmem:v32+s18+$0x0] =	vst.idx.msk $0xffff, v3;
	v3 =	vadd.f32 v55, v48;
	v53 =	vld.idx.msk [tilespmem:v35+s14+$0x0], $0xffff;
	v35 =	vmov v52  }
0x501: {  	s20 =	simm.s32 $0x18820;
	v45 =	vadd.f32 v45, v34;
	v54 =	vld.idx.msk [tilespmem:v37+s6+$0x0], $0xffff;
	[tilespmem:v32+s19+$0x0] =	vst.idx.msk $0xffff, v47  }
0x502: {  	s28 =	simm.s32 $0x19030;
	v47 =	vadd.f32 v56, v30;
	v52 =	vld.idx.msk [tilespmem:v52+s6+$0x0], $0xffff;
	[tilespmem:v32+s20+$0x0] =	vst.idx.msk $0xffff, v3  }
0x503: {  	v3 =	vadd.f32 v5, v46;
	v5 =	vld.idx.msk [tilespmem:v49+s6+$0x0], $0xffff;
	[tilespmem:v32+s28+$0x0] =	vst.idx.msk $0xffff, v45  }
0x504: {  	v6 =	vadd.f32 v6, v48;
	[tilespmem:v50+s18+$0x0] =	vst.idx.msk $0xffff, v47;
	v45 =	vld.idx.msk [tilespmem:v43+s8+$0x0], $0xffff  }
0x505: {  	v47 =	vld.idx.msk [tilespmem:v41+s6+$0x0], $0xffff;
	[tilespmem:v50+s19+$0x0] =	vst.idx.msk $0xffff, v3;
	v3 =	vadd.f32 v44, v34  }
0x506: {  	v44 =	vadd.f32 v53, v31;
	v31 =	vmov v46;
	v55 =	vld.idx.msk [tilespmem:v38+s6+$0x0], $0xffff;
	[tilespmem:v50+s20+$0x0] =	vst.idx.msk $0xffff, v6  }
0x507: {  	v6 =	vld.idx.msk [tilespmem:v39+s6+$0x0], $0xffff;
	[tilespmem:v50+s29+$0x0] =	vst.idx.msk $0xffff, v3;
	v3 =	vadd.f32 v54, v30  }
0x508: {  	s19 =	simm.s32 $0x17830;
	v52 =	vadd.f32 v52, v31;
	v46 =	vld.idx.msk [tilespmem:v40+s6+$0x0], $0xffff;
	[tilespmem:v42+s17+$0x0] =	vst.idx.msk $0xffff, v4  }
0x509: {  	s20 =	simm.s32 $0x18030;
	[tilespmem:v32+s19+$0x0] =	vst.idx.msk $0xffff, v3;
	v3 =	vadd.f32 v5, v48;
	v4 =	vld.idx.msk [tilespmem:v36+s14+$0x0], $0xffff;
	v36 =	vmov v49  }
0x50a: {  	s29 =	simm.s32 $0x18830;
	v45 =	vadd.f32 v45, v34;
	v5 =	vld.idx.msk [tilespmem:v37+s8+$0x0], $0xffff;
	[tilespmem:v32+s20+$0x0] =	vst.idx.msk $0xffff, v52  }
0x50b: {  	v47 =	vadd.f32 v47, v30;
	v56 =	vld.idx.msk [tilespmem:v35+s8+$0x0], $0xffff;
	[tilespmem:v32+s29+$0x0] =	vst.idx.msk $0xffff, v3  }
0x50c: {  	s18 =	simm.s32 $0x19040;
	v3 =	vadd.f32 v55, v31;
	v49 =	vld.idx.msk [tilespmem:v49+s8+$0x0], $0xffff;
	[tilespmem:v32+s9+$0x0] =	vst.idx.msk $0xffff, v45  }
.Ltmp7:
0x50d: {  	v6 =	vadd.f32 v6, v48;
	[tilespmem:v50+s19+$0x0] =	vst.idx.msk $0xffff, v47;
	v53 =	vld.idx.msk [tilespmem:v43+s10+$0x0], $0xffff;
	(pc) =	sbr.rel @p0 .LBB2_17-.Ltmp7, $4  }
0x50e: {  	v52 =	vld.idx.msk [tilespmem:v41+s8+$0x0], $0xffff;
	[tilespmem:v50+s20+$0x0] =	vst.idx.msk $0xffff, v3;
	v3 =	vadd.f32 v46, v34  }
0x50f: {  	v45 =	vadd.f32 v4, v33;
	v33 =	vmov v48;
	v46 =	vld.idx.msk [tilespmem:v38+s8+$0x0], $0xffff;
	[tilespmem:v50+s29+$0x0] =	vst.idx.msk $0xffff, v6  }
0x510: {  	v57 =	vadd.f32 v5, v30;
	v55 =	vld.idx.msk [tilespmem:v39+s8+$0x0], $0xffff;
	[tilespmem:v50+s28+$0x0] =	vst.idx.msk $0xffff, v3  }
0x511: {  	v56 =	vadd.f32 v56, v31;
	v54 =	vld.idx.msk [tilespmem:v40+s8+$0x0], $0xffff;
	[tilespmem:v42+s11+$0x0] =	vst.idx.msk $0xffff, v60;
	v42 =	vmov v50  }
0x512: {  	_ =	sdelay $0x3  }
0x513: {  	s4 =	simm.s32 $0x17840;
	v3 =	vadd.f32 v53, v34;
	[tilespmem:v29+s15+$0x0] =	vst.idx.msk $0xffff, v51  }
0x514: {  	s1 =	simm.s32 $0x19050;
	[tilespmem:v32+s4+$0x0] =	vst.idx.msk $0xffff, v57;
	v4 =	vadd.f32 v52, v30  }
0x515: {  	v5 =	vld.idx.msk [tilespmem:v37+s10+$0x0], $0xffff;
	v6 =	vadd.f32 v46, v31;
	[tilespmem:v32+s1+$0x0] =	vst.idx.msk $0xffff, v3  }
0x516: {  	s2 =	simm.s32 $0x18040;
	[tilespmem:v42+s4+$0x0] =	vst.idx.msk $0xffff, v4;
	v3 =	vadd.f32 v55, v33;
	v4 =	vld.idx.msk [tilespmem:v43+s12+$0x0], $0xffff  }
0x517: {  	s8 =	simm.s32 $0x18840;
	v52 =	vld.idx.msk [tilespmem:v41+s10+$0x0], $0xffff;
	[tilespmem:v42+s2+$0x0] =	vst.idx.msk $0xffff, v6;
	v6 =	vadd.f32 v54, v34  }
0x518: {  	v48 =	vld.idx.msk [tilespmem:v38+s10+$0x0], $0xffff;
	[tilespmem:v42+s8+$0x0] =	vst.idx.msk $0xffff, v3  }
0x519: {  	v47 =	vadd.f32 v49, v33;
	v3 =	vld.idx.msk [tilespmem:v39+s10+$0x0], $0xffff;
	[tilespmem:v42+s18+$0x0] =	vst.idx.msk $0xffff, v6  }
0x51a: {  	[tilespmem:v32+s2+$0x0] =	vst.idx.msk $0xffff, v56;
	v5 =	vadd.f32 v5, v30;
	v6 =	vld.idx.msk [tilespmem:v40+s10+$0x0], $0xffff  }
0x51b: {  	s9 =	simm.s32 $0x17850;
	[tilespmem:v32+s8+$0x0] =	vst.idx.msk $0xffff, v47;
	v53 =	vld.idx.msk [tilespmem:v35+s10+$0x0], $0xffff;
	v4 =	vadd.f32 v4, v34  }
0x51c: {  	v54 =	vld.idx.msk [tilespmem:v36+s10+$0x0], $0xffff;
	s10 =	simm.s32 $0x19060;
	[tilespmem:v32+s9+$0x0] =	vst.idx.msk $0xffff, v5;
	v5 =	vadd.f32 v52, v30  }
0x51d: {  	v55 =	vld.idx.msk [tilespmem:v37+s12+$0x0], $0xffff;
	v48 =	vadd.f32 v48, v31;
	[tilespmem:v32+s10+$0x0] =	vst.idx.msk $0xffff, v4  }
0x51e: {  	[tilespmem:v42+s9+$0x0] =	vst.idx.msk $0xffff, v5;
	v3 =	vadd.f32 v3, v33;
	v4 =	vld.idx.msk [tilespmem:v43+s14+$0x0], $0xffff  }
0x51f: {  	v5 =	vld.idx.msk [tilespmem:v41+s12+$0x0], $0xffff;
	[tilespmem:v42+s21+$0x0] =	vst.idx.msk $0xffff, v48;
	v6 =	vadd.f32 v6, v34  }
0x520: {  	v56 =	vadd.f32 v53, v31;
	v57 =	vld.idx.msk [tilespmem:v38+s12+$0x0], $0xffff;
	[tilespmem:v42+s0+$0x0] =	vst.idx.msk $0xffff, v3  }
0x521: {  	v3 =	vadd.f32 v54, v33;
	v58 =	vld.idx.msk [tilespmem:v39+s12+$0x0], $0xffff;
	[tilespmem:v42+s1+$0x0] =	vst.idx.msk $0xffff, v6  }
0x522: {  	[tilespmem:v32+s21+$0x0] =	vst.idx.msk $0xffff, v56;
	v6 =	vadd.f32 v55, v30;
	v59 =	vld.idx.msk [tilespmem:v40+s12+$0x0], $0xffff  }
0x523: {  	[tilespmem:v32+s0+$0x0] =	vst.idx.msk $0xffff, v3;
	v3 =	vld.idx.msk [tilespmem:v35+s12+$0x0], $0xffff;
	v4 =	vadd.f32 v4, v34  }
0x524: {  	s11 =	simm.s32 $0x19070;
	v60 =	vld.idx.msk [tilespmem:v36+s12+$0x0], $0xffff;
	v5 =	vadd.f32 v5, v30;
	[tilespmem:v32+s13+$0x0] =	vst.idx.msk $0xffff, v6  }
0x525: {  	v6 =	vadd.f32 v57, v31;
	[tilespmem:v32+s11+$0x0] =	vst.idx.msk $0xffff, v4  }
0x526: {  	[tilespmem:v42+s13+$0x0] =	vst.idx.msk $0xffff, v5;
	v4 =	vadd.f32 v58, v33  }
0x527: {  	[tilespmem:v42+s23+$0x0] =	vst.idx.msk $0xffff, v6;
	v5 =	vadd.f32 v59, v34;
	v6 =	vld.idx.msk [tilespmem:v41+s14+$0x0], $0xffff  }
0x528: {  	v3 =	vadd.f32 v3, v31;
	[tilespmem:v42+s3+$0x0] =	vst.idx.msk $0xffff, v4;
	v4 =	vld.idx.msk [tilespmem:v38+s14+$0x0], $0xffff  }
0x529: {  	[tilespmem:v42+s10+$0x0] =	vst.idx.msk $0xffff, v5;
	v5 =	vadd.f32 v60, v33;
	v61 =	vld.idx.msk [tilespmem:v39+s14+$0x0], $0xffff  }
0x52a: {  	[tilespmem:v32+s23+$0x0] =	vst.idx.msk $0xffff, v3;
	v3 =	vld.idx.msk [tilespmem:v40+s14+$0x0], $0xffff  }
0x52b: {  	[tilespmem:v32+s3+$0x0] =	vst.idx.msk $0xffff, v5;
	v5 =	vld.idx.msk [tilespmem:v37+s14+$0x0], $0xffff  }
0x52c: {  	[tilespmem:v29+s25+$0x0] =	vst.idx.msk $0xffff, v44;
	v62 =	vld.idx.msk [tilespmem:v35+s14+$0x0], $0xffff;
	v6 =	vadd.f32 v6, v30  }
0x52d: {  	[tilespmem:v29+s17+$0x0] =	vst.idx.msk $0xffff, v45;
	v29 =	vld.idx.msk [tilespmem:v36+s14+$0x0], $0xffff;
	v4 =	vadd.f32 v4, v31  }
0x52e: {  	v63 =	vadd.f32 v61, v33;
	[tilespmem:v42+s15+$0x0] =	vst.idx.msk $0xffff, v6  }
0x52f: {  	v3 =	vadd.f32 v3, v34;
	[tilespmem:v42+s25+$0x0] =	vst.idx.msk $0xffff, v4  }
0x530: {  	v4 =	vadd.f32 v5, v30;
	[tilespmem:v42+s17+$0x0] =	vst.idx.msk $0xffff, v63  }
0x531: {  	s30 =	simm.s32 $0x0;
	v5 =	vadd.f32 v62, v31;
	[tilespmem:v42+s11+$0x0] =	vst.idx.msk $0xffff, v3  }
0x532: {  	s20 =	simm.s32 $0x18C00;
	s28 =	simm.s32 $0x12820;
	v3 =	vadd.f32 v29, v33;
	s0 =	rddreg [dreg:$0x11];
	[tilespmem:v32+s15+$0x0] =	vst.idx.msk $0xffff, v4  }
0x533: {  	s29 =	simm.s32 $0x13020;
	s4 =	simm.s32 $0x12800;
	s24 =	rddreg [dreg:$0x6];
	[tilespmem:v32+s25+$0x0] =	vst.idx.msk $0xffff, v5  }
0x534: {  	s8 =	simm.s32 $0xB000;
	s9 =	simm.s32 $0xA400;
	s12 =	rddreg [dreg:$0x1];
	[tilespmem:v32+s17+$0x0] =	vst.idx.msk $0xffff, v3  }
0x535: {  	s1 =	simm.s32 $0x9800;
	s10 =	simm.s32 $0x12860;
	s13 =	rddreg [dreg:$0x7]  }
0x536: {  	s3 =	simm.s32 $0x12000;
	s14 =	simm.s32 $0x17C00;
	s15 =	rddreg [dreg:$0x8]  }
0x537: {  	s11 =	simm.s32 $0x12050;
	s22 =	sshll.u32 s0, $0x12;
	s18 =	rddreg [dreg:$0xa]  }
0x538: {  	s17 =	simm.s32 $0x18400;
	s22 =	sor.u32 s24, s22;
	s19 =	rddreg [dreg:$0xb]  }
0x539: {  	s25 =	simm.s32 $0x19400;
	s26 =	rddreg [dreg:$0x10];
	s22 =	sshrl.u32 s22, $0x3  }
0x53a: {  	s21 =	rddreg [dreg:$0xc];
	s0 =	sadd.s32 $0x1, s26;
	s24 =	sadd.s32 s12, s22  }
0x53b: {  	[hbm4b:s24+s30] =	stream.linear.scatter [tilespmem:s16], [sflag:$0x8], $0x400, $0x38;
	[tilespmem:$0x19A00] =	vst v63  }
0x53c: {  	s23 =	rddreg [dreg:$0xd];
	p0 =	sne.s32 s0, $0x32;
	s24 =	sadd.s32 s22, s13  }
0x53d: {  	[hbm4b:s24+s30] =	stream.linear.scatter [tilespmem:s14], [sflag:$0x8], $0x400, $0x38;
	[tilespmem:$0x19A00] =	vst v63  }
0x53e: {  	s12 =	simm.s32 $0xA800;
	s16 =	rddreg [dreg:$0x9];
	s24 =	sadd.s32 s22, s15  }
0x53f: {  	[hbm4b:s24+s30] =	stream.linear.scatter [tilespmem:s31], [sflag:$0x8], $0x400, $0x38;
	[tilespmem:$0x19A00] =	vst v63  }
0x540: {  	s13 =	simm.s32 $0xAC00;
	s14 =	simm.s32 $0x12850;
	s24 =	sadd.s32 s22, s16  }
0x541: {  	[hbm4b:s24+s30] =	stream.linear.scatter [tilespmem:s17], [sflag:$0x8], $0x400, $0x38;
	[tilespmem:$0x19A00] =	vst v63  }
0x542: {  	s15 =	simm.s32 $0x13030;
	s16 =	simm.s32 $0x12040;
	s24 =	sadd.s32 s22, s18  }
0x543: {  	[hbm4b:s24+s30] =	stream.linear.scatter [tilespmem:s7], [sflag:$0x8], $0x400, $0x38;
	[tilespmem:$0x19A00] =	vst v63  }
0x544: {  	s31 =	simm.s32 $0x12010;
	s17 =	simm.s32 $0x12840;
	s24 =	sadd.s32 s22, s19  }
0x545: {  	[hbm4b:s24+s30] =	stream.linear.scatter [tilespmem:s20], [sflag:$0x8], $0x400, $0x38;
	[tilespmem:$0x19A00] =	vst v63  }
.Ltmp8:
0x546: {  	s18 =	simm.s32 $0x12030;
	s24 =	sadd.s32 s22, s21;
	(pc) =	sbr.rel @p0 .LBB2_4-.Ltmp8, $4  }
0x547: {  	[hbm4b:s24+s30] =	stream.linear.scatter [tilespmem:s5], [sflag:$0x8], $0x400, $0x38;
	[tilespmem:$0x19A00] =	vst v63  }
0x548: {  	s7 =	simm.s32 $0x13000;
	s19 =	simm.s32 $0x12830;
	s22 =	sadd.s32 s22, s23  }
0x549: {  	[hbm4b:s22+s30] =	stream.linear.scatter [tilespmem:s25], [sflag:$0x8], $0x400, $0x38;
	[tilespmem:$0x19A00] =	vst v63  }
0x54a: {  	s20 =	simm.s32 $0x12810;
	s21 =	simm.s32 $0xA000;
	s25 =	simm.s32 $0x12020  }
0x54b: {  	s0 =	simm.s32 $0x8  }
0x54c: {  	_ =	swait.ge [sflag:s0], $0x400  }
0x54d: {  	[sflag:s0] =	ssyncset.done $0x0  }
0x54e: {  	[sflag:s0] =	ssyncadd.s32 $0xFFFFFC00  }
0x54f: {  	_ =	swait.ge [sflag:s0], $0x400  }
0x550: {  	[sflag:s0] =	ssyncset.done $0x0  }
0x551: {  	[sflag:s0] =	ssyncadd.s32 $0xFFFFFC00  }
0x552: {  	_ =	swait.ge [sflag:s0], $0x400  }
0x553: {  	[sflag:s0] =	ssyncset.done $0x0  }
0x554: {  	[sflag:s0] =	ssyncadd.s32 $0xFFFFFC00  }
0x555: {  	_ =	swait.ge [sflag:s0], $0x400  }
0x556: {  	[sflag:s0] =	ssyncset.done $0x0  }
0x557: {  	[sflag:s0] =	ssyncadd.s32 $0xFFFFFC00  }
0x558: {  	_ =	swait.ge [sflag:s0], $0x400  }
0x559: {  	[sflag:s0] =	ssyncset.done $0x0  }
0x55a: {  	[sflag:s0] =	ssyncadd.s32 $0xFFFFFC00  }
0x55b: {  	_ =	swait.ge [sflag:s0], $0x400  }
0x55c: {  	[sflag:s0] =	ssyncset.done $0x0  }
0x55d: {  	[sflag:s0] =	ssyncadd.s32 $0xFFFFFC00  }
0x55e: {  	_ =	swait.ge [sflag:s0], $0x400  }
0x55f: {  	[sflag:s0] =	ssyncset.done $0x0  }
0x560: {  	[sflag:s0] =	ssyncadd.s32 $0xFFFFFC00  }
0x561: {  	_ =	swait.ge [sflag:s0], $0x400  }
0x562: {  	s1 =	rddreg [dreg:$0xf]  }
0x563: {  	s22 =	rddreg [dreg:$0xe];
	s1 =	sadd.s32 $0x1, s1  }
0x564: {  	p0 =	sne.s32 s1, s22  }
.Ltmp9:
0x565: {  	_ = 	snop;
	(pc) =	sbr.rel @p0 .LBB2_1-.Ltmp9, $3  }
0x566: {  	_ =	sdelay $0x1  }
0x567: {  	[sflag:s0] =	ssyncset.done $0x0  }
0x568: {  	[sflag:s0] =	ssyncadd.s32 $0xFFFFFC00  }
0x569: {  	_ =	sfence.sel $0x180000  }
0x56a: {  	[bflag:$0x0] =	sbarrier.arrive $0xFFFF  }
0x56b: {  	_ =	strace $0x90000047  }
0x56c: {  	s0 =	stileid.u32;
	[bflag:$0x2] =	sbarrier.arrive $0xFFFF  }
0x56d: {  	p0 =	sne.s32 s0, $0x0;
	s0 =	rddreg [dreg:$0x2]  }
0x56e: {  	s0 =	sadd.s32 @!p0 $0x100000, s0  }
0x56f: {  	[sflag:s0] =	ssyncadd.tile.s32 @!p0 $0x1;
	_ =	shalt  }
.Lfunc_end2:
_tile_overlayer_lowered:
.L_overlay_start_2:
0x570: {  	(tag) =	ssettag $0x2  }
0x571: {  	s0 =	rddreg [dreg:$0x0];
	s2 =	stileid.u32  }
0x572: {  	s1 =	rddreg [dreg:$0x1];
	p0 =	sne.s32 s2, $0x0  }
0x573: {  	s3 =	rddreg [dreg:$0x2];
	[bflag:$0x3] =	sbarrier.arrive $0xFFFF;
	s2 =	simm.s32 @!p0 $0x1C09  }
0x574: {  	[timem:s3], [sflag:s2] =	dma.local @!p0 [hbm:s0], s1  }
0x575: {  	s0 =	simm.s32 @!p0 $0x9  }
0x576: {  	_ =	swait.ge @!p0 [sflag:s0], s1  }
0x577: {  	s1 =	ssub.s32 @!p0 $0x0, s1;
	[sflag:s0] =	ssyncset.done @!p0 $0x0  }
0x578: {  	[sflag:s0] =	ssyncadd.s32 @!p0 s1  }
0x579: {  	[bflag:$0x3] =	sbarrier.arrive $0xFFFF  }
0x57a: {  	_ =	shalt  }

</sc_bundles>
